<compile_context>
chip_gen: v7x
topology: tpu7x:2x2x1
jax: 0.10.2.dev20260603
libtpu: 0.0.44.dev20260713+nightly
codegen_flags: <defaults>
</compile_context>

<pallas_src>
import functools

import jax
import jax.numpy as jnp
from jax import lax
from jax.experimental import pallas as pl
from jax.experimental.pallas import tpu as pltpu
from jax.experimental.pallas import tpu_sc as plsc

B = 16384
D = 32
L = 16
W = 128
NC, NS = 2, 16
NW = NC * NS
BPW = B // NW
NG = BPW // L
NBUF = 8
AHEAD = NBUF - 1


def _body(uid_hbm, iid_hbm, uembt_hbm, iembt_hbm, bias_hbm, out_hbm,
          idv_u, idv_i, buf_u, buf_i, bias_v, acc_v, sem_u, sem_i):
    c = lax.axis_index("c")
    s = lax.axis_index("s")
    wid = s * NC + c
    base = wid * BPW

    pltpu.sync_copy(uid_hbm.at[pl.ds(base, BPW)], idv_u)
    pltpu.sync_copy(iid_hbm.at[pl.ds(base, BPW)], idv_i)
    pltpu.sync_copy(bias_hbm, bias_v)

    def fire(ku, ki, slot):
        offu = pl.multiple_of((ku // W) * W, W)
        offi = pl.multiple_of((ki // W) * W, W)
        pltpu.async_copy(
            uembt_hbm.at[pl.ds(0, D), pl.ds(offu, W)], buf_u.at[slot], sem_u)
        pltpu.async_copy(
            iembt_hbm.at[pl.ds(0, D), pl.ds(offi, W)], buf_i.at[slot], sem_i)

    def drain(slot):
        pltpu.make_async_copy(
            uembt_hbm.at[pl.ds(0, D), pl.ds(0, W)], buf_u.at[slot],
            sem_u).wait()
        pltpu.make_async_copy(
            iembt_hbm.at[pl.ds(0, D), pl.ds(0, W)], buf_i.at[slot],
            sem_i).wait()

    bias = bias_v[...]
    rows_lo = jnp.arange(L, dtype=jnp.int32)
    rows_hi = rows_lo + L

    iu0 = idv_u[pl.ds(0, L)]
    ii0 = idv_i[pl.ds(0, L)]
    for j in range(AHEAD):
        fire(iu0[j], ii0[j], j)

    def group(g, carry):
        iu = idv_u[pl.ds(g * L, L)]
        ii = idv_i[pl.ds(g * L, L)]
        y_vec = jnp.zeros((L,), jnp.float32)
        for j in range(L):
            slot = j % NBUF
            nslot = (j + AHEAD) % NBUF
            nj = j + AHEAD
            if nj < L:
                fire(iu[nj], ii[nj], nslot)
            else:
                @pl.when(g + 1 < NG)
                def _():
                    iun = idv_u[pl.ds((g + 1) * L, L)]
                    iin = idv_i[pl.ds((g + 1) * L, L)]
                    fire(iun[nj - L], iin[nj - L], nslot)
            drain(slot)
            cu = jnp.full((L,), lax.rem(iu[j], W), dtype=jnp.int32)
            ci = jnp.full((L,), lax.rem(ii[j], W), dtype=jnp.int32)
            au = plsc.load_gather(buf_u.at[slot], [rows_lo, cu])
            bu = plsc.load_gather(buf_u.at[slot], [rows_hi, cu])
            av = plsc.load_gather(buf_i.at[slot], [rows_lo, ci])
            bv = plsc.load_gather(buf_i.at[slot], [rows_hi, ci])
            dot = lax.reduce_sum(au * av + bu * bv, axes=(0,))
            y_vec = jnp.where(rows_lo == j, dot, y_vec)
        acc_v[pl.ds(g * L, L)] = 1.0 / (1.0 + jnp.exp(-(y_vec + bias)))
        return carry

    lax.fori_loop(0, NG, group, 0)

    pltpu.sync_copy(acc_v, out_hbm.at[pl.ds(base, BPW)])


def kernel(user_id, item_id, user_emb, item_emb, bias):
    uid = user_id.astype(jnp.int32)
    iid = item_id.astype(jnp.int32)
    uembt = user_emb.T
    iembt = item_emb.T
    bias_vec = jnp.full((L,), bias, jnp.float32)
    mesh = plsc.VectorSubcoreMesh(core_axis_name="c", subcore_axis_name="s")
    k = functools.partial(
        pl.kernel,
        mesh=mesh,
        compiler_params=pltpu.CompilerParams(
            needs_layout_passes=False, disable_bounds_checks=True),
        out_type=jax.ShapeDtypeStruct((B,), jnp.float32),
        scratch_types=[
            pltpu.VMEM((BPW,), jnp.int32),
            pltpu.VMEM((BPW,), jnp.int32),
            pltpu.VMEM((NBUF, D, W), jnp.float32),
            pltpu.VMEM((NBUF, D, W), jnp.float32),
            pltpu.VMEM((L,), jnp.float32),
            pltpu.VMEM((BPW,), jnp.float32),
            pltpu.SemaphoreType.DMA,
            pltpu.SemaphoreType.DMA,
        ],
    )(_body)
    out = k(uid, iid, uembt, iembt, bias_vec)
    return jnp.reshape(out, (B, 1))

# --- scband reference (transcript-rebuilt; emitter-appended) ---
"""Pipeline reference for scband-my-model-11879879542333 (READ-ONLY COPY).

The authoritative reference and input builder live on the scoring server;
editing this copy changes nothing except your own understanding.
"""

import jax, jax.numpy as jnp
import numpy as np

BUCKET = 10000000
EMB_DIM = 32
BATCH = 16384


def setup_inputs(seed: int = 0) -> dict:
    key = jax.random.key(seed)
    k1, k2, k3, k4 = jax.random.split(key, 4)
    # Keras TruncatedNormal default: stddev=0.05, truncated at 2 stddev
    user_emb = jax.random.truncated_normal(k1, -2.0, 2.0, (BUCKET + 1, EMB_DIM), dtype=jnp.float32) * 0.05
    item_emb = jax.random.truncated_normal(k2, -2.0, 2.0, (BUCKET + 1, EMB_DIM), dtype=jnp.float32) * 0.05
    user_id = jax.random.randint(k3, (BATCH,), 0, BUCKET + 1, dtype=jnp.int64 if jax.config.read('jax_enable_x64') else jnp.int32)
    item_id = jax.random.randint(k4, (BATCH,), 0, BUCKET + 1, dtype=jnp.int64 if jax.config.read('jax_enable_x64') else jnp.int32)
    bias = jnp.float32(0.0)
    return {"user_id": user_id, "item_id": item_id, "user_emb": user_emb, "item_emb": item_emb, "bias": bias}


def reference(user_id, item_id, user_emb, item_emb, bias):
    user_id = jnp.reshape(user_id, (-1,))
    item_id = jnp.reshape(item_id, (-1,))
    out = jnp.take(user_emb, user_id, axis=0) * jnp.take(item_emb, item_id, axis=0)
    out = jnp.sum(out, axis=1, keepdims=True) + bias
    out = jax.nn.sigmoid(out)
    return out

if __name__ == "__main__":
    import jax
    _d = setup_inputs()
    print(jax.jit(kernel)(*tuple(_d.values())))

</pallas_src>

<mosaic_0001>
#map = affine_map<(d0, d1) -> (0)>
#map1 = affine_map<(d0, d1) -> (0, 0)>
module attributes {stable_mosaic.version = 14 : i64} {
  func.func @_body(%arg0: i32, %arg1: i32, %arg2: memref<16384xi32, #tpu.memory_space<hbm>>, %arg3: memref<16384xi32, #tpu.memory_space<hbm>>, %arg4: memref<32x10000001xf32, #tpu.memory_space<hbm>>, %arg5: memref<32x10000001xf32, #tpu.memory_space<hbm>>, %arg6: memref<16xf32, #tpu.memory_space<hbm>>, %arg7: memref<16384xf32, #tpu.memory_space<hbm>>, %arg8: memref<512xi32, #tpu.memory_space<vmem>>, %arg9: memref<512xi32, #tpu.memory_space<vmem>>, %arg10: memref<8x32x128xf32, #tpu.memory_space<vmem>>, %arg11: memref<8x32x128xf32, #tpu.memory_space<vmem>>, %arg12: memref<16xf32, #tpu.memory_space<vmem>>, %arg13: memref<512xf32, #tpu.memory_space<vmem>>, %arg14: memref<!tpu.dma_semaphore, #tpu.memory_space<semaphore_mem>>, %arg15: memref<!tpu.dma_semaphore, #tpu.memory_space<semaphore_mem>>) attributes {dimension_semantics = [#tpu.dimension_semantics<core_parallel>, #tpu.dimension_semantics<subcore_parallel>], iteration_bounds = array<i64: 2, 16>, scalar_prefetch = 0 : i64, scratch_operands = 8 : i64, tpu.core_type = #tpu.core_type<sc_vector_subcore>, window_params = [{transform_indices = #map}, {transform_indices = #map}, {transform_indices = #map1}, {transform_indices = #map1}, {transform_indices = #map}, {transform_indices = #map}]} {
    %mul3A = arith.constant 2 : i32
    %mul3A_0 = arith.muli %arg1, %mul3A : i32
    %add3A = arith.addi %mul3A_0, %arg0 : i32
    %mul3A_1 = arith.constant 512 : i32
    %mul3A_2 = arith.muli %add3A, %mul3A_1 : i32
    "tpu.region"() ({
      %run_scoped3A = tpu.sem_alloc : memref<!tpu.dma_semaphore, #tpu.memory_space<semaphore_mem>>
      %dma_start3A_592 = tpu.memref_slice %arg2[%mul3A_2] : memref<16384xi32, #tpu.memory_space<hbm>> -> memref<512xi32, #tpu.memory_space<hbm>>
      %dma_start3A_593 = tpu.memref_slice %arg2[%mul3A_2] : memref<16384xi32, #tpu.memory_space<hbm>> -> memref<512xi32, #tpu.memory_space<hbm>>
      tpu.enqueue_dma source(%dma_start3A_593 : memref<512xi32, #tpu.memory_space<hbm>>) target(%arg8 : memref<512xi32, #tpu.memory_space<vmem>>) target_semaphore(%run_scoped3A : memref<!tpu.dma_semaphore, #tpu.memory_space<semaphore_mem>>)
      %dma_wait3A = tpu.memref_slice %arg2[%mul3A_2] : memref<16384xi32, #tpu.memory_space<hbm>> -> memref<512xi32, #tpu.memory_space<hbm>>
      %dma_wait3A_594 = tpu.memref_slice %arg2[%mul3A_2] : memref<16384xi32, #tpu.memory_space<hbm>> -> memref<512xi32, #tpu.memory_space<hbm>>
      tpu.wait_dma2 semaphore(%run_scoped3A : memref<!tpu.dma_semaphore, #tpu.memory_space<semaphore_mem>>) src(%dma_wait3A_594 : memref<512xi32, #tpu.memory_space<hbm>>) dst(%arg8 : memref<512xi32, #tpu.memory_space<vmem>>)
      tpu.yield
    }) : () -> ()
    "tpu.region"() ({
      %run_scoped3A = tpu.sem_alloc : memref<!tpu.dma_semaphore, #tpu.memory_space<semaphore_mem>>
      %dma_start3A_592 = tpu.memref_slice %arg3[%mul3A_2] : memref<16384xi32, #tpu.memory_space<hbm>> -> memref<512xi32, #tpu.memory_space<hbm>>
      %dma_start3A_593 = tpu.memref_slice %arg3[%mul3A_2] : memref<16384xi32, #tpu.memory_space<hbm>> -> memref<512xi32, #tpu.memory_space<hbm>>
      tpu.enqueue_dma source(%dma_start3A_593 : memref<512xi32, #tpu.memory_space<hbm>>) target(%arg9 : memref<512xi32, #tpu.memory_space<vmem>>) target_semaphore(%run_scoped3A : memref<!tpu.dma_semaphore, #tpu.memory_space<semaphore_mem>>)
      %dma_wait3A = tpu.memref_slice %arg3[%mul3A_2] : memref<16384xi32, #tpu.memory_space<hbm>> -> memref<512xi32, #tpu.memory_space<hbm>>
      %dma_wait3A_594 = tpu.memref_slice %arg3[%mul3A_2] : memref<16384xi32, #tpu.memory_space<hbm>> -> memref<512xi32, #tpu.memory_space<hbm>>
      tpu.wait_dma2 semaphore(%run_scoped3A : memref<!tpu.dma_semaphore, #tpu.memory_space<semaphore_mem>>) src(%dma_wait3A_594 : memref<512xi32, #tpu.memory_space<hbm>>) dst(%arg9 : memref<512xi32, #tpu.memory_space<vmem>>)
      tpu.yield
    }) : () -> ()
    "tpu.region"() ({
      %run_scoped3A = tpu.sem_alloc : memref<!tpu.dma_semaphore, #tpu.memory_space<semaphore_mem>>
      tpu.enqueue_dma source(%arg6 : memref<16xf32, #tpu.memory_space<hbm>>) target(%arg12 : memref<16xf32, #tpu.memory_space<vmem>>) target_semaphore(%run_scoped3A : memref<!tpu.dma_semaphore, #tpu.memory_space<semaphore_mem>>)
      tpu.wait_dma2 semaphore(%run_scoped3A : memref<!tpu.dma_semaphore, #tpu.memory_space<semaphore_mem>>) src(%arg6 : memref<16xf32, #tpu.memory_space<hbm>>) dst(%arg12 : memref<16xf32, #tpu.memory_space<vmem>>)
      tpu.yield
    }) : () -> ()
    %get3A = arith.constant 0 : index
    %get3A_3 = tpu.vector_load %arg12[%get3A] {strides = array<i32>} : memref<16xf32, #tpu.memory_space<vmem>>, vector<16xf32>,
    %iota3A = tpu.iota {dimensions = array<i32: 0>} : vector<16xi32>
    %add3A_4 = arith.constant 16 : i32
    %add3A_5 = vector.broadcast %add3A_4 : i32 to vector<16xi32>
    %add3A_6 = arith.addi %iota3A, %add3A_5 : vector<16xi32>
    %get3A_7 = arith.constant 0 : index
    %get3A_8 = tpu.vector_load %arg8[%get3A_7] {strides = array<i32>} : memref<512xi32, #tpu.memory_space<vmem>>, vector<16xi32>,
    %get3A_9 = arith.constant 0 : index
    %get3A_10 = tpu.vector_load %arg9[%get3A_9] {strides = array<i32>} : memref<512xi32, #tpu.memory_space<vmem>>, vector<16xi32>,
    %slice3A = vector.extract_strided_slice %get3A_8 {offsets = [0], sizes = [1], strides = [1]} : vector<16xi32> to vector<1xi32>
    %squeeze3A = vector.extract %slice3A[0] : i32 from vector<1xi32>
    %slice3A_11 = vector.extract_strided_slice %get3A_10 {offsets = [0], sizes = [1], strides = [1]} : vector<16xi32> to vector<1xi32>
    %squeeze3A_12 = vector.extract %slice3A_11[0] : i32 from vector<1xi32>
    %jit3A = arith.constant 128 : i32
    %div3A = arith.divsi %squeeze3A, %jit3A : i32
    %sign3A = arith.constant 0 : i32
    %sign3A_13 = arith.cmpi sgt, %squeeze3A, %sign3A : i32
    %sign3A_14 = arith.extui %sign3A_13 : i1 to i32
    %sign3A_15 = arith.constant 0 : i32
    %sign3A_16 = arith.cmpi slt, %squeeze3A, %sign3A_15 : i32
    %sign3A_17 = arith.extui %sign3A_16 : i1 to i32
    %sign3A_18 = arith.subi %sign3A_14, %sign3A_17 : i32
    %sign3A_19 = arith.constant 0 : i32
    %sign3A_20 = arith.cmpi sgt, %jit3A, %sign3A_19 : i32
    %sign3A_21 = arith.extui %sign3A_20 : i1 to i32
    %sign3A_22 = arith.constant 0 : i32
    %sign3A_23 = arith.cmpi slt, %jit3A, %sign3A_22 : i32
    %sign3A_24 = arith.extui %sign3A_23 : i1 to i32
    %sign3A_25 = arith.subi %sign3A_21, %sign3A_24 : i32
    %ne3A = arith.cmpi ne, %sign3A_18, %sign3A_25 : i32
    %rem3A = arith.remsi %squeeze3A, %jit3A : i32
    %ne3A_26 = arith.constant 0 : i32
    %ne3A_27 = arith.cmpi ne, %rem3A, %ne3A_26 : i32
    %and3A = arith.andi %ne3A, %ne3A_27 : i1
    %sub3A = arith.constant 1 : i32
    %sub3A_28 = arith.subi %div3A, %sub3A : i32
    %select_n3A = arith.select %and3A, %sub3A_28, %div3A : i32
    %mul3A_29 = arith.constant 128 : i32
    %mul3A_30 = arith.muli %select_n3A, %mul3A_29 : i32
    %multiple_of3A = tpu.assume_multiple %mul3A_30, 128 : i32
    %jit3A_31 = arith.constant 128 : i32
    %div3A_32 = arith.divsi %squeeze3A_12, %jit3A_31 : i32
    %sign3A_33 = arith.constant 0 : i32
    %sign3A_34 = arith.cmpi sgt, %squeeze3A_12, %sign3A_33 : i32
    %sign3A_35 = arith.extui %sign3A_34 : i1 to i32
    %sign3A_36 = arith.constant 0 : i32
    %sign3A_37 = arith.cmpi slt, %squeeze3A_12, %sign3A_36 : i32
    %sign3A_38 = arith.extui %sign3A_37 : i1 to i32
    %sign3A_39 = arith.subi %sign3A_35, %sign3A_38 : i32
    %sign3A_40 = arith.constant 0 : i32
    %sign3A_41 = arith.cmpi sgt, %jit3A_31, %sign3A_40 : i32
    %sign3A_42 = arith.extui %sign3A_41 : i1 to i32
    %sign3A_43 = arith.constant 0 : i32
    %sign3A_44 = arith.cmpi slt, %jit3A_31, %sign3A_43 : i32
    %sign3A_45 = arith.extui %sign3A_44 : i1 to i32
    %sign3A_46 = arith.subi %sign3A_42, %sign3A_45 : i32
    %ne3A_47 = arith.cmpi ne, %sign3A_39, %sign3A_46 : i32
    %rem3A_48 = arith.remsi %squeeze3A_12, %jit3A_31 : i32
    %ne3A_49 = arith.constant 0 : i32
    %ne3A_50 = arith.cmpi ne, %rem3A_48, %ne3A_49 : i32
    %and3A_51 = arith.andi %ne3A_47, %ne3A_50 : i1
    %sub3A_52 = arith.constant 1 : i32
    %sub3A_53 = arith.subi %div3A_32, %sub3A_52 : i32
    %select_n3A_54 = arith.select %and3A_51, %sub3A_53, %div3A_32 : i32
    %mul3A_55 = arith.constant 128 : i32
    %mul3A_56 = arith.muli %select_n3A_54, %mul3A_55 : i32
    %multiple_of3A_57 = tpu.assume_multiple %mul3A_56, 128 : i32
    %dma_start3A = arith.constant 0 : i32
    %dma_start3A_58 = arith.constant 0 : i32
    %dma_start3A_59 = arith.constant 0 : i32
    %dma_start3A_60 = tpu.memref_slice %arg10[%dma_start3A, %dma_start3A_58, %dma_start3A_59] : memref<8x32x128xf32, #tpu.memory_space<vmem>> -> memref<1x32x128xf32, #tpu.memory_space<vmem>>
    %dma_start3A_61 = tpu.memref_squeeze %dma_start3A_60 : memref<1x32x128xf32, #tpu.memory_space<vmem>> -> memref<32x128xf32, #tpu.memory_space<vmem>>
    %dma_start3A_62 = arith.constant 0 : i32
    %dma_start3A_63 = tpu.memref_slice %arg4[%dma_start3A_62, %multiple_of3A] : memref<32x10000001xf32, #tpu.memory_space<hbm>> -> memref<32x128xf32, #tpu.memory_space<hbm>>
    %dma_start3A_64 = arith.constant 0 : i32
    %dma_start3A_65 = arith.constant 0 : i32
    %dma_start3A_66 = tpu.memref_slice %arg10[%dma_start3A, %dma_start3A_64, %dma_start3A_65] : memref<8x32x128xf32, #tpu.memory_space<vmem>> -> memref<1x32x128xf32, #tpu.memory_space<vmem>>
    %dma_start3A_67 = tpu.memref_squeeze %dma_start3A_66 : memref<1x32x128xf32, #tpu.memory_space<vmem>> -> memref<32x128xf32, #tpu.memory_space<vmem>>
    %dma_start3A_68 = arith.constant 0 : i32
    %dma_start3A_69 = tpu.memref_slice %arg4[%dma_start3A_68, %multiple_of3A] : memref<32x10000001xf32, #tpu.memory_space<hbm>> -> memref<32x128xf32, #tpu.memory_space<hbm>>
    tpu.enqueue_dma source(%dma_start3A_69 : memref<32x128xf32, #tpu.memory_space<hbm>>) target(%dma_start3A_67 : memref<32x128xf32, #tpu.memory_space<vmem>>) target_semaphore(%arg14 : memref<!tpu.dma_semaphore, #tpu.memory_space<semaphore_mem>>)
    %dma_start3A_70 = arith.constant 0 : i32
    %dma_start3A_71 = arith.constant 0 : i32
    %dma_start3A_72 = arith.constant 0 : i32
    %dma_start3A_73 = tpu.memref_slice %arg11[%dma_start3A_70, %dma_start3A_71, %dma_start3A_72] : memref<8x32x128xf32, #tpu.memory_space<vmem>> -> memref<1x32x128xf32, #tpu.memory_space<vmem>>
    %dma_start3A_74 = tpu.memref_squeeze %dma_start3A_73 : memref<1x32x128xf32, #tpu.memory_space<vmem>> -> memref<32x128xf32, #tpu.memory_space<vmem>>
    %dma_start3A_75 = arith.constant 0 : i32
    %dma_start3A_76 = tpu.memref_slice %arg5[%dma_start3A_75, %multiple_of3A_57] : memref<32x10000001xf32, #tpu.memory_space<hbm>> -> memref<32x128xf32, #tpu.memory_space<hbm>>
    %dma_start3A_77 = arith.constant 0 : i32
    %dma_start3A_78 = arith.constant 0 : i32
    %dma_start3A_79 = tpu.memref_slice %arg11[%dma_start3A_70, %dma_start3A_77, %dma_start3A_78] : memref<8x32x128xf32, #tpu.memory_space<vmem>> -> memref<1x32x128xf32, #tpu.memory_space<vmem>>
    %dma_start3A_80 = tpu.memref_squeeze %dma_start3A_79 : memref<1x32x128xf32, #tpu.memory_space<vmem>> -> memref<32x128xf32, #tpu.memory_space<vmem>>
    %dma_start3A_81 = arith.constant 0 : i32
    %dma_start3A_82 = tpu.memref_slice %arg5[%dma_start3A_81, %multiple_of3A_57] : memref<32x10000001xf32, #tpu.memory_space<hbm>> -> memref<32x128xf32, #tpu.memory_space<hbm>>
    tpu.enqueue_dma source(%dma_start3A_82 : memref<32x128xf32, #tpu.memory_space<hbm>>) target(%dma_start3A_80 : memref<32x128xf32, #tpu.memory_space<vmem>>) target_semaphore(%arg15 : memref<!tpu.dma_semaphore, #tpu.memory_space<semaphore_mem>>)
    %slice3A_83 = vector.extract_strided_slice %get3A_8 {offsets = [1], sizes = [1], strides = [1]} : vector<16xi32> to vector<1xi32>
    %squeeze3A_84 = vector.extract %slice3A_83[0] : i32 from vector<1xi32>
    %slice3A_85 = vector.extract_strided_slice %get3A_10 {offsets = [1], sizes = [1], strides = [1]} : vector<16xi32> to vector<1xi32>
    %squeeze3A_86 = vector.extract %slice3A_85[0] : i32 from vector<1xi32>
    %jit3A_87 = arith.constant 128 : i32
    %div3A_88 = arith.divsi %squeeze3A_84, %jit3A_87 : i32
    %sign3A_89 = arith.constant 0 : i32
    %sign3A_90 = arith.cmpi sgt, %squeeze3A_84, %sign3A_89 : i32
    %sign3A_91 = arith.extui %sign3A_90 : i1 to i32
    %sign3A_92 = arith.constant 0 : i32
    %sign3A_93 = arith.cmpi slt, %squeeze3A_84, %sign3A_92 : i32
    %sign3A_94 = arith.extui %sign3A_93 : i1 to i32
    %sign3A_95 = arith.subi %sign3A_91, %sign3A_94 : i32
    %sign3A_96 = arith.constant 0 : i32
    %sign3A_97 = arith.cmpi sgt, %jit3A_87, %sign3A_96 : i32
    %sign3A_98 = arith.extui %sign3A_97 : i1 to i32
    %sign3A_99 = arith.constant 0 : i32
    %sign3A_100 = arith.cmpi slt, %jit3A_87, %sign3A_99 : i32
    %sign3A_101 = arith.extui %sign3A_100 : i1 to i32
    %sign3A_102 = arith.subi %sign3A_98, %sign3A_101 : i32
    %ne3A_103 = arith.cmpi ne, %sign3A_95, %sign3A_102 : i32
    %rem3A_104 = arith.remsi %squeeze3A_84, %jit3A_87 : i32
    %ne3A_105 = arith.constant 0 : i32
    %ne3A_106 = arith.cmpi ne, %rem3A_104, %ne3A_105 : i32
    %and3A_107 = arith.andi %ne3A_103, %ne3A_106 : i1
    %sub3A_108 = arith.constant 1 : i32
    %sub3A_109 = arith.subi %div3A_88, %sub3A_108 : i32
    %select_n3A_110 = arith.select %and3A_107, %sub3A_109, %div3A_88 : i32
    %mul3A_111 = arith.constant 128 : i32
    %mul3A_112 = arith.muli %select_n3A_110, %mul3A_111 : i32
    %multiple_of3A_113 = tpu.assume_multiple %mul3A_112, 128 : i32
    %jit3A_114 = arith.constant 128 : i32
    %div3A_115 = arith.divsi %squeeze3A_86, %jit3A_114 : i32
    %sign3A_116 = arith.constant 0 : i32
    %sign3A_117 = arith.cmpi sgt, %squeeze3A_86, %sign3A_116 : i32
    %sign3A_118 = arith.extui %sign3A_117 : i1 to i32
    %sign3A_119 = arith.constant 0 : i32
    %sign3A_120 = arith.cmpi slt, %squeeze3A_86, %sign3A_119 : i32
    %sign3A_121 = arith.extui %sign3A_120 : i1 to i32
    %sign3A_122 = arith.subi %sign3A_118, %sign3A_121 : i32
    %sign3A_123 = arith.constant 0 : i32
    %sign3A_124 = arith.cmpi sgt, %jit3A_114, %sign3A_123 : i32
    %sign3A_125 = arith.extui %sign3A_124 : i1 to i32
    %sign3A_126 = arith.constant 0 : i32
    %sign3A_127 = arith.cmpi slt, %jit3A_114, %sign3A_126 : i32
    %sign3A_128 = arith.extui %sign3A_127 : i1 to i32
    %sign3A_129 = arith.subi %sign3A_125, %sign3A_128 : i32
    %ne3A_130 = arith.cmpi ne, %sign3A_122, %sign3A_129 : i32
    %rem3A_131 = arith.remsi %squeeze3A_86, %jit3A_114 : i32
    %ne3A_132 = arith.constant 0 : i32
    %ne3A_133 = arith.cmpi ne, %rem3A_131, %ne3A_132 : i32
    %and3A_134 = arith.andi %ne3A_130, %ne3A_133 : i1
    %sub3A_135 = arith.constant 1 : i32
    %sub3A_136 = arith.subi %div3A_115, %sub3A_135 : i32
    %select_n3A_137 = arith.select %and3A_134, %sub3A_136, %div3A_115 : i32
    %mul3A_138 = arith.constant 128 : i32
    %mul3A_139 = arith.muli %select_n3A_137, %mul3A_138 : i32
    %multiple_of3A_140 = tpu.assume_multiple %mul3A_139, 128 : i32
    %dma_start3A_141 = arith.constant 1 : i32
    %dma_start3A_142 = arith.constant 0 : i32
    %dma_start3A_143 = arith.constant 0 : i32
    %dma_start3A_144 = tpu.memref_slice %arg10[%dma_start3A_141, %dma_start3A_142, %dma_start3A_143] : memref<8x32x128xf32, #tpu.memory_space<vmem>> -> memref<1x32x128xf32, #tpu.memory_space<vmem>>
    %dma_start3A_145 = tpu.memref_squeeze %dma_start3A_144 : memref<1x32x128xf32, #tpu.memory_space<vmem>> -> memref<32x128xf32, #tpu.memory_space<vmem>>
    %dma_start3A_146 = arith.constant 0 : i32
    %dma_start3A_147 = tpu.memref_slice %arg4[%dma_start3A_146, %multiple_of3A_113] : memref<32x10000001xf32, #tpu.memory_space<hbm>> -> memref<32x128xf32, #tpu.memory_space<hbm>>
    %dma_start3A_148 = arith.constant 0 : i32
    %dma_start3A_149 = arith.constant 0 : i32
    %dma_start3A_150 = tpu.memref_slice %arg10[%dma_start3A_141, %dma_start3A_148, %dma_start3A_149] : memref<8x32x128xf32, #tpu.memory_space<vmem>> -> memref<1x32x128xf32, #tpu.memory_space<vmem>>
    %dma_start3A_151 = tpu.memref_squeeze %dma_start3A_150 : memref<1x32x128xf32, #tpu.memory_space<vmem>> -> memref<32x128xf32, #tpu.memory_space<vmem>>
    %dma_start3A_152 = arith.constant 0 : i32
    %dma_start3A_153 = tpu.memref_slice %arg4[%dma_start3A_152, %multiple_of3A_113] : memref<32x10000001xf32, #tpu.memory_space<hbm>> -> memref<32x128xf32, #tpu.memory_space<hbm>>
    tpu.enqueue_dma source(%dma_start3A_153 : memref<32x128xf32, #tpu.memory_space<hbm>>) target(%dma_start3A_151 : memref<32x128xf32, #tpu.memory_space<vmem>>) target_semaphore(%arg14 : memref<!tpu.dma_semaphore, #tpu.memory_space<semaphore_mem>>)
    %dma_start3A_154 = arith.constant 1 : i32
    %dma_start3A_155 = arith.constant 0 : i32
    %dma_start3A_156 = arith.constant 0 : i32
    %dma_start3A_157 = tpu.memref_slice %arg11[%dma_start3A_154, %dma_start3A_155, %dma_start3A_156] : memref<8x32x128xf32, #tpu.memory_space<vmem>> -> memref<1x32x128xf32, #tpu.memory_space<vmem>>
    %dma_start3A_158 = tpu.memref_squeeze %dma_start3A_157 : memref<1x32x128xf32, #tpu.memory_space<vmem>> -> memref<32x128xf32, #tpu.memory_space<vmem>>
    %dma_start3A_159 = arith.constant 0 : i32
    %dma_start3A_160 = tpu.memref_slice %arg5[%dma_start3A_159, %multiple_of3A_140] : memref<32x10000001xf32, #tpu.memory_space<hbm>> -> memref<32x128xf32, #tpu.memory_space<hbm>>
    %dma_start3A_161 = arith.constant 0 : i32
    %dma_start3A_162 = arith.constant 0 : i32
    %dma_start3A_163 = tpu.memref_slice %arg11[%dma_start3A_154, %dma_start3A_161, %dma_start3A_162] : memref<8x32x128xf32, #tpu.memory_space<vmem>> -> memref<1x32x128xf32, #tpu.memory_space<vmem>>
    %dma_start3A_164 = tpu.memref_squeeze %dma_start3A_163 : memref<1x32x128xf32, #tpu.memory_space<vmem>> -> memref<32x128xf32, #tpu.memory_space<vmem>>
    %dma_start3A_165 = arith.constant 0 : i32
    %dma_start3A_166 = tpu.memref_slice %arg5[%dma_start3A_165, %multiple_of3A_140] : memref<32x10000001xf32, #tpu.memory_space<hbm>> -> memref<32x128xf32, #tpu.memory_space<hbm>>
    tpu.enqueue_dma source(%dma_start3A_166 : memref<32x128xf32, #tpu.memory_space<hbm>>) target(%dma_start3A_164 : memref<32x128xf32, #tpu.memory_space<vmem>>) target_semaphore(%arg15 : memref<!tpu.dma_semaphore, #tpu.memory_space<semaphore_mem>>)
    %slice3A_167 = vector.extract_strided_slice %get3A_8 {offsets = [2], sizes = [1], strides = [1]} : vector<16xi32> to vector<1xi32>
    %squeeze3A_168 = vector.extract %slice3A_167[0] : i32 from vector<1xi32>
    %slice3A_169 = vector.extract_strided_slice %get3A_10 {offsets = [2], sizes = [1], strides = [1]} : vector<16xi32> to vector<1xi32>
    %squeeze3A_170 = vector.extract %slice3A_169[0] : i32 from vector<1xi32>
    %jit3A_171 = arith.constant 128 : i32
    %div3A_172 = arith.divsi %squeeze3A_168, %jit3A_171 : i32
    %sign3A_173 = arith.constant 0 : i32
    %sign3A_174 = arith.cmpi sgt, %squeeze3A_168, %sign3A_173 : i32
    %sign3A_175 = arith.extui %sign3A_174 : i1 to i32
    %sign3A_176 = arith.constant 0 : i32
    %sign3A_177 = arith.cmpi slt, %squeeze3A_168, %sign3A_176 : i32
    %sign3A_178 = arith.extui %sign3A_177 : i1 to i32
    %sign3A_179 = arith.subi %sign3A_175, %sign3A_178 : i32
    %sign3A_180 = arith.constant 0 : i32
    %sign3A_181 = arith.cmpi sgt, %jit3A_171, %sign3A_180 : i32
    %sign3A_182 = arith.extui %sign3A_181 : i1 to i32
    %sign3A_183 = arith.constant 0 : i32
    %sign3A_184 = arith.cmpi slt, %jit3A_171, %sign3A_183 : i32
    %sign3A_185 = arith.extui %sign3A_184 : i1 to i32
    %sign3A_186 = arith.subi %sign3A_182, %sign3A_185 : i32
    %ne3A_187 = arith.cmpi ne, %sign3A_179, %sign3A_186 : i32
    %rem3A_188 = arith.remsi %squeeze3A_168, %jit3A_171 : i32
    %ne3A_189 = arith.constant 0 : i32
    %ne3A_190 = arith.cmpi ne, %rem3A_188, %ne3A_189 : i32
    %and3A_191 = arith.andi %ne3A_187, %ne3A_190 : i1
    %sub3A_192 = arith.constant 1 : i32
    %sub3A_193 = arith.subi %div3A_172, %sub3A_192 : i32
    %select_n3A_194 = arith.select %and3A_191, %sub3A_193, %div3A_172 : i32
    %mul3A_195 = arith.constant 128 : i32
    %mul3A_196 = arith.muli %select_n3A_194, %mul3A_195 : i32
    %multiple_of3A_197 = tpu.assume_multiple %mul3A_196, 128 : i32
    %jit3A_198 = arith.constant 128 : i32
    %div3A_199 = arith.divsi %squeeze3A_170, %jit3A_198 : i32
    %sign3A_200 = arith.constant 0 : i32
    %sign3A_201 = arith.cmpi sgt, %squeeze3A_170, %sign3A_200 : i32
    %sign3A_202 = arith.extui %sign3A_201 : i1 to i32
    %sign3A_203 = arith.constant 0 : i32
    %sign3A_204 = arith.cmpi slt, %squeeze3A_170, %sign3A_203 : i32
    %sign3A_205 = arith.extui %sign3A_204 : i1 to i32
    %sign3A_206 = arith.subi %sign3A_202, %sign3A_205 : i32
    %sign3A_207 = arith.constant 0 : i32
    %sign3A_208 = arith.cmpi sgt, %jit3A_198, %sign3A_207 : i32
    %sign3A_209 = arith.extui %sign3A_208 : i1 to i32
    %sign3A_210 = arith.constant 0 : i32
    %sign3A_211 = arith.cmpi slt, %jit3A_198, %sign3A_210 : i32
    %sign3A_212 = arith.extui %sign3A_211 : i1 to i32
    %sign3A_213 = arith.subi %sign3A_209, %sign3A_212 : i32
    %ne3A_214 = arith.cmpi ne, %sign3A_206, %sign3A_213 : i32
    %rem3A_215 = arith.remsi %squeeze3A_170, %jit3A_198 : i32
    %ne3A_216 = arith.constant 0 : i32
    %ne3A_217 = arith.cmpi ne, %rem3A_215, %ne3A_216 : i32
    %and3A_218 = arith.andi %ne3A_214, %ne3A_217 : i1
    %sub3A_219 = arith.constant 1 : i32
    %sub3A_220 = arith.subi %div3A_199, %sub3A_219 : i32
    %select_n3A_221 = arith.select %and3A_218, %sub3A_220, %div3A_199 : i32
    %mul3A_222 = arith.constant 128 : i32
    %mul3A_223 = arith.muli %select_n3A_221, %mul3A_222 : i32
    %multiple_of3A_224 = tpu.assume_multiple %mul3A_223, 128 : i32
    %dma_start3A_225 = arith.constant 2 : i32
    %dma_start3A_226 = arith.constant 0 : i32
    %dma_start3A_227 = arith.constant 0 : i32
    %dma_start3A_228 = tpu.memref_slice %arg10[%dma_start3A_225, %dma_start3A_226, %dma_start3A_227] : memref<8x32x128xf32, #tpu.memory_space<vmem>> -> memref<1x32x128xf32, #tpu.memory_space<vmem>>
    %dma_start3A_229 = tpu.memref_squeeze %dma_start3A_228 : memref<1x32x128xf32, #tpu.memory_space<vmem>> -> memref<32x128xf32, #tpu.memory_space<vmem>>
    %dma_start3A_230 = arith.constant 0 : i32
    %dma_start3A_231 = tpu.memref_slice %arg4[%dma_start3A_230, %multiple_of3A_197] : memref<32x10000001xf32, #tpu.memory_space<hbm>> -> memref<32x128xf32, #tpu.memory_space<hbm>>
    %dma_start3A_232 = arith.constant 0 : i32
    %dma_start3A_233 = arith.constant 0 : i32
    %dma_start3A_234 = tpu.memref_slice %arg10[%dma_start3A_225, %dma_start3A_232, %dma_start3A_233] : memref<8x32x128xf32, #tpu.memory_space<vmem>> -> memref<1x32x128xf32, #tpu.memory_space<vmem>>
    %dma_start3A_235 = tpu.memref_squeeze %dma_start3A_234 : memref<1x32x128xf32, #tpu.memory_space<vmem>> -> memref<32x128xf32, #tpu.memory_space<vmem>>
    %dma_start3A_236 = arith.constant 0 : i32
    %dma_start3A_237 = tpu.memref_slice %arg4[%dma_start3A_236, %multiple_of3A_197] : memref<32x10000001xf32, #tpu.memory_space<hbm>> -> memref<32x128xf32, #tpu.memory_space<hbm>>
    tpu.enqueue_dma source(%dma_start3A_237 : memref<32x128xf32, #tpu.memory_space<hbm>>) target(%dma_start3A_235 : memref<32x128xf32, #tpu.memory_space<vmem>>) target_semaphore(%arg14 : memref<!tpu.dma_semaphore, #tpu.memory_space<semaphore_mem>>)
    %dma_start3A_238 = arith.constant 2 : i32
    %dma_start3A_239 = arith.constant 0 : i32
    %dma_start3A_240 = arith.constant 0 : i32
    %dma_start3A_241 = tpu.memref_slice %arg11[%dma_start3A_238, %dma_start3A_239, %dma_start3A_240] : memref<8x32x128xf32, #tpu.memory_space<vmem>> -> memref<1x32x128xf32, #tpu.memory_space<vmem>>
    %dma_start3A_242 = tpu.memref_squeeze %dma_start3A_241 : memref<1x32x128xf32, #tpu.memory_space<vmem>> -> memref<32x128xf32, #tpu.memory_space<vmem>>
    %dma_start3A_243 = arith.constant 0 : i32
    %dma_start3A_244 = tpu.memref_slice %arg5[%dma_start3A_243, %multiple_of3A_224] : memref<32x10000001xf32, #tpu.memory_space<hbm>> -> memref<32x128xf32, #tpu.memory_space<hbm>>
    %dma_start3A_245 = arith.constant 0 : i32
    %dma_start3A_246 = arith.constant 0 : i32
    %dma_start3A_247 = tpu.memref_slice %arg11[%dma_start3A_238, %dma_start3A_245, %dma_start3A_246] : memref<8x32x128xf32, #tpu.memory_space<vmem>> -> memref<1x32x128xf32, #tpu.memory_space<vmem>>
    %dma_start3A_248 = tpu.memref_squeeze %dma_start3A_247 : memref<1x32x128xf32, #tpu.memory_space<vmem>> -> memref<32x128xf32, #tpu.memory_space<vmem>>
    %dma_start3A_249 = arith.constant 0 : i32
    %dma_start3A_250 = tpu.memref_slice %arg5[%dma_start3A_249, %multiple_of3A_224] : memref<32x10000001xf32, #tpu.memory_space<hbm>> -> memref<32x128xf32, #tpu.memory_space<hbm>>
    tpu.enqueue_dma source(%dma_start3A_250 : memref<32x128xf32, #tpu.memory_space<hbm>>) target(%dma_start3A_248 : memref<32x128xf32, #tpu.memory_space<vmem>>) target_semaphore(%arg15 : memref<!tpu.dma_semaphore, #tpu.memory_space<semaphore_mem>>)
    %slice3A_251 = vector.extract_strided_slice %get3A_8 {offsets = [3], sizes = [1], strides = [1]} : vector<16xi32> to vector<1xi32>
    %squeeze3A_252 = vector.extract %slice3A_251[0] : i32 from vector<1xi32>
    %slice3A_253 = vector.extract_strided_slice %get3A_10 {offsets = [3], sizes = [1], strides = [1]} : vector<16xi32> to vector<1xi32>
    %squeeze3A_254 = vector.extract %slice3A_253[0] : i32 from vector<1xi32>
    %jit3A_255 = arith.constant 128 : i32
    %div3A_256 = arith.divsi %squeeze3A_252, %jit3A_255 : i32
    %sign3A_257 = arith.constant 0 : i32
    %sign3A_258 = arith.cmpi sgt, %squeeze3A_252, %sign3A_257 : i32
    %sign3A_259 = arith.extui %sign3A_258 : i1 to i32
    %sign3A_260 = arith.constant 0 : i32
    %sign3A_261 = arith.cmpi slt, %squeeze3A_252, %sign3A_260 : i32
    %sign3A_262 = arith.extui %sign3A_261 : i1 to i32
    %sign3A_263 = arith.subi %sign3A_259, %sign3A_262 : i32
    %sign3A_264 = arith.constant 0 : i32
    %sign3A_265 = arith.cmpi sgt, %jit3A_255, %sign3A_264 : i32
    %sign3A_266 = arith.extui %sign3A_265 : i1 to i32
    %sign3A_267 = arith.constant 0 : i32
    %sign3A_268 = arith.cmpi slt, %jit3A_255, %sign3A_267 : i32
    %sign3A_269 = arith.extui %sign3A_268 : i1 to i32
    %sign3A_270 = arith.subi %sign3A_266, %sign3A_269 : i32
    %ne3A_271 = arith.cmpi ne, %sign3A_263, %sign3A_270 : i32
    %rem3A_272 = arith.remsi %squeeze3A_252, %jit3A_255 : i32
    %ne3A_273 = arith.constant 0 : i32
    %ne3A_274 = arith.cmpi ne, %rem3A_272, %ne3A_273 : i32
    %and3A_275 = arith.andi %ne3A_271, %ne3A_274 : i1
    %sub3A_276 = arith.constant 1 : i32
    %sub3A_277 = arith.subi %div3A_256, %sub3A_276 : i32
    %select_n3A_278 = arith.select %and3A_275, %sub3A_277, %div3A_256 : i32
    %mul3A_279 = arith.constant 128 : i32
    %mul3A_280 = arith.muli %select_n3A_278, %mul3A_279 : i32
    %multiple_of3A_281 = tpu.assume_multiple %mul3A_280, 128 : i32
    %jit3A_282 = arith.constant 128 : i32
    %div3A_283 = arith.divsi %squeeze3A_254, %jit3A_282 : i32
    %sign3A_284 = arith.constant 0 : i32
    %sign3A_285 = arith.cmpi sgt, %squeeze3A_254, %sign3A_284 : i32
    %sign3A_286 = arith.extui %sign3A_285 : i1 to i32
    %sign3A_287 = arith.constant 0 : i32
    %sign3A_288 = arith.cmpi slt, %squeeze3A_254, %sign3A_287 : i32
    %sign3A_289 = arith.extui %sign3A_288 : i1 to i32
    %sign3A_290 = arith.subi %sign3A_286, %sign3A_289 : i32
    %sign3A_291 = arith.constant 0 : i32
    %sign3A_292 = arith.cmpi sgt, %jit3A_282, %sign3A_291 : i32
    %sign3A_293 = arith.extui %sign3A_292 : i1 to i32
    %sign3A_294 = arith.constant 0 : i32
    %sign3A_295 = arith.cmpi slt, %jit3A_282, %sign3A_294 : i32
    %sign3A_296 = arith.extui %sign3A_295 : i1 to i32
    %sign3A_297 = arith.subi %sign3A_293, %sign3A_296 : i32
    %ne3A_298 = arith.cmpi ne, %sign3A_290, %sign3A_297 : i32
    %rem3A_299 = arith.remsi %squeeze3A_254, %jit3A_282 : i32
    %ne3A_300 = arith.constant 0 : i32
    %ne3A_301 = arith.cmpi ne, %rem3A_299, %ne3A_300 : i32
    %and3A_302 = arith.andi %ne3A_298, %ne3A_301 : i1
    %sub3A_303 = arith.constant 1 : i32
    %sub3A_304 = arith.subi %div3A_283, %sub3A_303 : i32
    %select_n3A_305 = arith.select %and3A_302, %sub3A_304, %div3A_283 : i32
    %mul3A_306 = arith.constant 128 : i32
    %mul3A_307 = arith.muli %select_n3A_305, %mul3A_306 : i32
    %multiple_of3A_308 = tpu.assume_multiple %mul3A_307, 128 : i32
    %dma_start3A_309 = arith.constant 3 : i32
    %dma_start3A_310 = arith.constant 0 : i32
    %dma_start3A_311 = arith.constant 0 : i32
    %dma_start3A_312 = tpu.memref_slice %arg10[%dma_start3A_309, %dma_start3A_310, %dma_start3A_311] : memref<8x32x128xf32, #tpu.memory_space<vmem>> -> memref<1x32x128xf32, #tpu.memory_space<vmem>>
    %dma_start3A_313 = tpu.memref_squeeze %dma_start3A_312 : memref<1x32x128xf32, #tpu.memory_space<vmem>> -> memref<32x128xf32, #tpu.memory_space<vmem>>
    %dma_start3A_314 = arith.constant 0 : i32
    %dma_start3A_315 = tpu.memref_slice %arg4[%dma_start3A_314, %multiple_of3A_281] : memref<32x10000001xf32, #tpu.memory_space<hbm>> -> memref<32x128xf32, #tpu.memory_space<hbm>>
    %dma_start3A_316 = arith.constant 0 : i32
    %dma_start3A_317 = arith.constant 0 : i32
    %dma_start3A_318 = tpu.memref_slice %arg10[%dma_start3A_309, %dma_start3A_316, %dma_start3A_317] : memref<8x32x128xf32, #tpu.memory_space<vmem>> -> memref<1x32x128xf32, #tpu.memory_space<vmem>>
    %dma_start3A_319 = tpu.memref_squeeze %dma_start3A_318 : memref<1x32x128xf32, #tpu.memory_space<vmem>> -> memref<32x128xf32, #tpu.memory_space<vmem>>
    %dma_start3A_320 = arith.constant 0 : i32
    %dma_start3A_321 = tpu.memref_slice %arg4[%dma_start3A_320, %multiple_of3A_281] : memref<32x10000001xf32, #tpu.memory_space<hbm>> -> memref<32x128xf32, #tpu.memory_space<hbm>>
    tpu.enqueue_dma source(%dma_start3A_321 : memref<32x128xf32, #tpu.memory_space<hbm>>) target(%dma_start3A_319 : memref<32x128xf32, #tpu.memory_space<vmem>>) target_semaphore(%arg14 : memref<!tpu.dma_semaphore, #tpu.memory_space<semaphore_mem>>)
    %dma_start3A_322 = arith.constant 3 : i32
    %dma_start3A_323 = arith.constant 0 : i32
    %dma_start3A_324 = arith.constant 0 : i32
    %dma_start3A_325 = tpu.memref_slice %arg11[%dma_start3A_322, %dma_start3A_323, %dma_start3A_324] : memref<8x32x128xf32, #tpu.memory_space<vmem>> -> memref<1x32x128xf32, #tpu.memory_space<vmem>>
    %dma_start3A_326 = tpu.memref_squeeze %dma_start3A_325 : memref<1x32x128xf32, #tpu.memory_space<vmem>> -> memref<32x128xf32, #tpu.memory_space<vmem>>
    %dma_start3A_327 = arith.constant 0 : i32
    %dma_start3A_328 = tpu.memref_slice %arg5[%dma_start3A_327, %multiple_of3A_308] : memref<32x10000001xf32, #tpu.memory_space<hbm>> -> memref<32x128xf32, #tpu.memory_space<hbm>>
    %dma_start3A_329 = arith.constant 0 : i32
    %dma_start3A_330 = arith.constant 0 : i32
    %dma_start3A_331 = tpu.memref_slice %arg11[%dma_start3A_322, %dma_start3A_329, %dma_start3A_330] : memref<8x32x128xf32, #tpu.memory_space<vmem>> -> memref<1x32x128xf32, #tpu.memory_space<vmem>>
    %dma_start3A_332 = tpu.memref_squeeze %dma_start3A_331 : memref<1x32x128xf32, #tpu.memory_space<vmem>> -> memref<32x128xf32, #tpu.memory_space<vmem>>
    %dma_start3A_333 = arith.constant 0 : i32
    %dma_start3A_334 = tpu.memref_slice %arg5[%dma_start3A_333, %multiple_of3A_308] : memref<32x10000001xf32, #tpu.memory_space<hbm>> -> memref<32x128xf32, #tpu.memory_space<hbm>>
    tpu.enqueue_dma source(%dma_start3A_334 : memref<32x128xf32, #tpu.memory_space<hbm>>) target(%dma_start3A_332 : memref<32x128xf32, #tpu.memory_space<vmem>>) target_semaphore(%arg15 : memref<!tpu.dma_semaphore, #tpu.memory_space<semaphore_mem>>)
    %slice3A_335 = vector.extract_strided_slice %get3A_8 {offsets = [4], sizes = [1], strides = [1]} : vector<16xi32> to vector<1xi32>
    %squeeze3A_336 = vector.extract %slice3A_335[0] : i32 from vector<1xi32>
    %slice3A_337 = vector.extract_strided_slice %get3A_10 {offsets = [4], sizes = [1], strides = [1]} : vector<16xi32> to vector<1xi32>
    %squeeze3A_338 = vector.extract %slice3A_337[0] : i32 from vector<1xi32>
    %jit3A_339 = arith.constant 128 : i32
    %div3A_340 = arith.divsi %squeeze3A_336, %jit3A_339 : i32
    %sign3A_341 = arith.constant 0 : i32
    %sign3A_342 = arith.cmpi sgt, %squeeze3A_336, %sign3A_341 : i32
    %sign3A_343 = arith.extui %sign3A_342 : i1 to i32
    %sign3A_344 = arith.constant 0 : i32
    %sign3A_345 = arith.cmpi slt, %squeeze3A_336, %sign3A_344 : i32
    %sign3A_346 = arith.extui %sign3A_345 : i1 to i32
    %sign3A_347 = arith.subi %sign3A_343, %sign3A_346 : i32
    %sign3A_348 = arith.constant 0 : i32
    %sign3A_349 = arith.cmpi sgt, %jit3A_339, %sign3A_348 : i32
    %sign3A_350 = arith.extui %sign3A_349 : i1 to i32
    %sign3A_351 = arith.constant 0 : i32
    %sign3A_352 = arith.cmpi slt, %jit3A_339, %sign3A_351 : i32
    %sign3A_353 = arith.extui %sign3A_352 : i1 to i32
    %sign3A_354 = arith.subi %sign3A_350, %sign3A_353 : i32
    %ne3A_355 = arith.cmpi ne, %sign3A_347, %sign3A_354 : i32
    %rem3A_356 = arith.remsi %squeeze3A_336, %jit3A_339 : i32
    %ne3A_357 = arith.constant 0 : i32
    %ne3A_358 = arith.cmpi ne, %rem3A_356, %ne3A_357 : i32
    %and3A_359 = arith.andi %ne3A_355, %ne3A_358 : i1
    %sub3A_360 = arith.constant 1 : i32
    %sub3A_361 = arith.subi %div3A_340, %sub3A_360 : i32
    %select_n3A_362 = arith.select %and3A_359, %sub3A_361, %div3A_340 : i32
    %mul3A_363 = arith.constant 128 : i32
    %mul3A_364 = arith.muli %select_n3A_362, %mul3A_363 : i32
    %multiple_of3A_365 = tpu.assume_multiple %mul3A_364, 128 : i32
    %jit3A_366 = arith.constant 128 : i32
    %div3A_367 = arith.divsi %squeeze3A_338, %jit3A_366 : i32
    %sign3A_368 = arith.constant 0 : i32
    %sign3A_369 = arith.cmpi sgt, %squeeze3A_338, %sign3A_368 : i32
    %sign3A_370 = arith.extui %sign3A_369 : i1 to i32
    %sign3A_371 = arith.constant 0 : i32
    %sign3A_372 = arith.cmpi slt, %squeeze3A_338, %sign3A_371 : i32
    %sign3A_373 = arith.extui %sign3A_372 : i1 to i32
    %sign3A_374 = arith.subi %sign3A_370, %sign3A_373 : i32
    %sign3A_375 = arith.constant 0 : i32
    %sign3A_376 = arith.cmpi sgt, %jit3A_366, %sign3A_375 : i32
    %sign3A_377 = arith.extui %sign3A_376 : i1 to i32
    %sign3A_378 = arith.constant 0 : i32
    %sign3A_379 = arith.cmpi slt, %jit3A_366, %sign3A_378 : i32
    %sign3A_380 = arith.extui %sign3A_379 : i1 to i32
    %sign3A_381 = arith.subi %sign3A_377, %sign3A_380 : i32
    %ne3A_382 = arith.cmpi ne, %sign3A_374, %sign3A_381 : i32
    %rem3A_383 = arith.remsi %squeeze3A_338, %jit3A_366 : i32
    %ne3A_384 = arith.constant 0 : i32
    %ne3A_385 = arith.cmpi ne, %rem3A_383, %ne3A_384 : i32
    %and3A_386 = arith.andi %ne3A_382, %ne3A_385 : i1
    %sub3A_387 = arith.constant 1 : i32
    %sub3A_388 = arith.subi %div3A_367, %sub3A_387 : i32
    %select_n3A_389 = arith.select %and3A_386, %sub3A_388, %div3A_367 : i32
    %mul3A_390 = arith.constant 128 : i32
    %mul3A_391 = arith.muli %select_n3A_389, %mul3A_390 : i32
    %multiple_of3A_392 = tpu.assume_multiple %mul3A_391, 128 : i32
    %dma_start3A_393 = arith.constant 4 : i32
    %dma_start3A_394 = arith.constant 0 : i32
    %dma_start3A_395 = arith.constant 0 : i32
    %dma_start3A_396 = tpu.memref_slice %arg10[%dma_start3A_393, %dma_start3A_394, %dma_start3A_395] : memref<8x32x128xf32, #tpu.memory_space<vmem>> -> memref<1x32x128xf32, #tpu.memory_space<vmem>>
    %dma_start3A_397 = tpu.memref_squeeze %dma_start3A_396 : memref<1x32x128xf32, #tpu.memory_space<vmem>> -> memref<32x128xf32, #tpu.memory_space<vmem>>
    %dma_start3A_398 = arith.constant 0 : i32
    %dma_start3A_399 = tpu.memref_slice %arg4[%dma_start3A_398, %multiple_of3A_365] : memref<32x10000001xf32, #tpu.memory_space<hbm>> -> memref<32x128xf32, #tpu.memory_space<hbm>>
    %dma_start3A_400 = arith.constant 0 : i32
    %dma_start3A_401 = arith.constant 0 : i32
    %dma_start3A_402 = tpu.memref_slice %arg10[%dma_start3A_393, %dma_start3A_400, %dma_start3A_401] : memref<8x32x128xf32, #tpu.memory_space<vmem>> -> memref<1x32x128xf32, #tpu.memory_space<vmem>>
    %dma_start3A_403 = tpu.memref_squeeze %dma_start3A_402 : memref<1x32x128xf32, #tpu.memory_space<vmem>> -> memref<32x128xf32, #tpu.memory_space<vmem>>
    %dma_start3A_404 = arith.constant 0 : i32
    %dma_start3A_405 = tpu.memref_slice %arg4[%dma_start3A_404, %multiple_of3A_365] : memref<32x10000001xf32, #tpu.memory_space<hbm>> -> memref<32x128xf32, #tpu.memory_space<hbm>>
    tpu.enqueue_dma source(%dma_start3A_405 : memref<32x128xf32, #tpu.memory_space<hbm>>) target(%dma_start3A_403 : memref<32x128xf32, #tpu.memory_space<vmem>>) target_semaphore(%arg14 : memref<!tpu.dma_semaphore, #tpu.memory_space<semaphore_mem>>)
    %dma_start3A_406 = arith.constant 4 : i32
    %dma_start3A_407 = arith.constant 0 : i32
    %dma_start3A_408 = arith.constant 0 : i32
    %dma_start3A_409 = tpu.memref_slice %arg11[%dma_start3A_406, %dma_start3A_407, %dma_start3A_408] : memref<8x32x128xf32, #tpu.memory_space<vmem>> -> memref<1x32x128xf32, #tpu.memory_space<vmem>>
    %dma_start3A_410 = tpu.memref_squeeze %dma_start3A_409 : memref<1x32x128xf32, #tpu.memory_space<vmem>> -> memref<32x128xf32, #tpu.memory_space<vmem>>
    %dma_start3A_411 = arith.constant 0 : i32
    %dma_start3A_412 = tpu.memref_slice %arg5[%dma_start3A_411, %multiple_of3A_392] : memref<32x10000001xf32, #tpu.memory_space<hbm>> -> memref<32x128xf32, #tpu.memory_space<hbm>>
    %dma_start3A_413 = arith.constant 0 : i32
    %dma_start3A_414 = arith.constant 0 : i32
    %dma_start3A_415 = tpu.memref_slice %arg11[%dma_start3A_406, %dma_start3A_413, %dma_start3A_414] : memref<8x32x128xf32, #tpu.memory_space<vmem>> -> memref<1x32x128xf32, #tpu.memory_space<vmem>>
    %dma_start3A_416 = tpu.memref_squeeze %dma_start3A_415 : memref<1x32x128xf32, #tpu.memory_space<vmem>> -> memref<32x128xf32, #tpu.memory_space<vmem>>
    %dma_start3A_417 = arith.constant 0 : i32
    %dma_start3A_418 = tpu.memref_slice %arg5[%dma_start3A_417, %multiple_of3A_392] : memref<32x10000001xf32, #tpu.memory_space<hbm>> -> memref<32x128xf32, #tpu.memory_space<hbm>>
    tpu.enqueue_dma source(%dma_start3A_418 : memref<32x128xf32, #tpu.memory_space<hbm>>) target(%dma_start3A_416 : memref<32x128xf32, #tpu.memory_space<vmem>>) target_semaphore(%arg15 : memref<!tpu.dma_semaphore, #tpu.memory_space<semaphore_mem>>)
    %slice3A_419 = vector.extract_strided_slice %get3A_8 {offsets = [5], sizes = [1], strides = [1]} : vector<16xi32> to vector<1xi32>
    %squeeze3A_420 = vector.extract %slice3A_419[0] : i32 from vector<1xi32>
    %slice3A_421 = vector.extract_strided_slice %get3A_10 {offsets = [5], sizes = [1], strides = [1]} : vector<16xi32> to vector<1xi32>
    %squeeze3A_422 = vector.extract %slice3A_421[0] : i32 from vector<1xi32>
    %jit3A_423 = arith.constant 128 : i32
    %div3A_424 = arith.divsi %squeeze3A_420, %jit3A_423 : i32
    %sign3A_425 = arith.constant 0 : i32
    %sign3A_426 = arith.cmpi sgt, %squeeze3A_420, %sign3A_425 : i32
    %sign3A_427 = arith.extui %sign3A_426 : i1 to i32
    %sign3A_428 = arith.constant 0 : i32
    %sign3A_429 = arith.cmpi slt, %squeeze3A_420, %sign3A_428 : i32
    %sign3A_430 = arith.extui %sign3A_429 : i1 to i32
    %sign3A_431 = arith.subi %sign3A_427, %sign3A_430 : i32
    %sign3A_432 = arith.constant 0 : i32
    %sign3A_433 = arith.cmpi sgt, %jit3A_423, %sign3A_432 : i32
    %sign3A_434 = arith.extui %sign3A_433 : i1 to i32
    %sign3A_435 = arith.constant 0 : i32
    %sign3A_436 = arith.cmpi slt, %jit3A_423, %sign3A_435 : i32
    %sign3A_437 = arith.extui %sign3A_436 : i1 to i32
    %sign3A_438 = arith.subi %sign3A_434, %sign3A_437 : i32
    %ne3A_439 = arith.cmpi ne, %sign3A_431, %sign3A_438 : i32
    %rem3A_440 = arith.remsi %squeeze3A_420, %jit3A_423 : i32
    %ne3A_441 = arith.constant 0 : i32
    %ne3A_442 = arith.cmpi ne, %rem3A_440, %ne3A_441 : i32
    %and3A_443 = arith.andi %ne3A_439, %ne3A_442 : i1
    %sub3A_444 = arith.constant 1 : i32
    %sub3A_445 = arith.subi %div3A_424, %sub3A_444 : i32
    %select_n3A_446 = arith.select %and3A_443, %sub3A_445, %div3A_424 : i32
    %mul3A_447 = arith.constant 128 : i32
    %mul3A_448 = arith.muli %select_n3A_446, %mul3A_447 : i32
    %multiple_of3A_449 = tpu.assume_multiple %mul3A_448, 128 : i32
    %jit3A_450 = arith.constant 128 : i32
    %div3A_451 = arith.divsi %squeeze3A_422, %jit3A_450 : i32
    %sign3A_452 = arith.constant 0 : i32
    %sign3A_453 = arith.cmpi sgt, %squeeze3A_422, %sign3A_452 : i32
    %sign3A_454 = arith.extui %sign3A_453 : i1 to i32
    %sign3A_455 = arith.constant 0 : i32
    %sign3A_456 = arith.cmpi slt, %squeeze3A_422, %sign3A_455 : i32
    %sign3A_457 = arith.extui %sign3A_456 : i1 to i32
    %sign3A_458 = arith.subi %sign3A_454, %sign3A_457 : i32
    %sign3A_459 = arith.constant 0 : i32
    %sign3A_460 = arith.cmpi sgt, %jit3A_450, %sign3A_459 : i32
    %sign3A_461 = arith.extui %sign3A_460 : i1 to i32
    %sign3A_462 = arith.constant 0 : i32
    %sign3A_463 = arith.cmpi slt, %jit3A_450, %sign3A_462 : i32
    %sign3A_464 = arith.extui %sign3A_463 : i1 to i32
    %sign3A_465 = arith.subi %sign3A_461, %sign3A_464 : i32
    %ne3A_466 = arith.cmpi ne, %sign3A_458, %sign3A_465 : i32
    %rem3A_467 = arith.remsi %squeeze3A_422, %jit3A_450 : i32
    %ne3A_468 = arith.constant 0 : i32
    %ne3A_469 = arith.cmpi ne, %rem3A_467, %ne3A_468 : i32
    %and3A_470 = arith.andi %ne3A_466, %ne3A_469 : i1
    %sub3A_471 = arith.constant 1 : i32
    %sub3A_472 = arith.subi %div3A_451, %sub3A_471 : i32
    %select_n3A_473 = arith.select %and3A_470, %sub3A_472, %div3A_451 : i32
    %mul3A_474 = arith.constant 128 : i32
    %mul3A_475 = arith.muli %select_n3A_473, %mul3A_474 : i32
    %multiple_of3A_476 = tpu.assume_multiple %mul3A_475, 128 : i32
    %dma_start3A_477 = arith.constant 5 : i32
    %dma_start3A_478 = arith.constant 0 : i32
    %dma_start3A_479 = arith.constant 0 : i32
    %dma_start3A_480 = tpu.memref_slice %arg10[%dma_start3A_477, %dma_start3A_478, %dma_start3A_479] : memref<8x32x128xf32, #tpu.memory_space<vmem>> -> memref<1x32x128xf32, #tpu.memory_space<vmem>>
    %dma_start3A_481 = tpu.memref_squeeze %dma_start3A_480 : memref<1x32x128xf32, #tpu.memory_space<vmem>> -> memref<32x128xf32, #tpu.memory_space<vmem>>
    %dma_start3A_482 = arith.constant 0 : i32
    %dma_start3A_483 = tpu.memref_slice %arg4[%dma_start3A_482, %multiple_of3A_449] : memref<32x10000001xf32, #tpu.memory_space<hbm>> -> memref<32x128xf32, #tpu.memory_space<hbm>>
    %dma_start3A_484 = arith.constant 0 : i32
    %dma_start3A_485 = arith.constant 0 : i32
    %dma_start3A_486 = tpu.memref_slice %arg10[%dma_start3A_477, %dma_start3A_484, %dma_start3A_485] : memref<8x32x128xf32, #tpu.memory_space<vmem>> -> memref<1x32x128xf32, #tpu.memory_space<vmem>>
    %dma_start3A_487 = tpu.memref_squeeze %dma_start3A_486 : memref<1x32x128xf32, #tpu.memory_space<vmem>> -> memref<32x128xf32, #tpu.memory_space<vmem>>
    %dma_start3A_488 = arith.constant 0 : i32
    %dma_start3A_489 = tpu.memref_slice %arg4[%dma_start3A_488, %multiple_of3A_449] : memref<32x10000001xf32, #tpu.memory_space<hbm>> -> memref<32x128xf32, #tpu.memory_space<hbm>>
    tpu.enqueue_dma source(%dma_start3A_489 : memref<32x128xf32, #tpu.memory_space<hbm>>) target(%dma_start3A_487 : memref<32x128xf32, #tpu.memory_space<vmem>>) target_semaphore(%arg14 : memref<!tpu.dma_semaphore, #tpu.memory_space<semaphore_mem>>)
    %dma_start3A_490 = arith.constant 5 : i32
    %dma_start3A_491 = arith.constant 0 : i32
    %dma_start3A_492 = arith.constant 0 : i32
    %dma_start3A_493 = tpu.memref_slice %arg11[%dma_start3A_490, %dma_start3A_491, %dma_start3A_492] : memref<8x32x128xf32, #tpu.memory_space<vmem>> -> memref<1x32x128xf32, #tpu.memory_space<vmem>>
    %dma_start3A_494 = tpu.memref_squeeze %dma_start3A_493 : memref<1x32x128xf32, #tpu.memory_space<vmem>> -> memref<32x128xf32, #tpu.memory_space<vmem>>
    %dma_start3A_495 = arith.constant 0 : i32
    %dma_start3A_496 = tpu.memref_slice %arg5[%dma_start3A_495, %multiple_of3A_476] : memref<32x10000001xf32, #tpu.memory_space<hbm>> -> memref<32x128xf32, #tpu.memory_space<hbm>>
    %dma_start3A_497 = arith.constant 0 : i32
    %dma_start3A_498 = arith.constant 0 : i32
    %dma_start3A_499 = tpu.memref_slice %arg11[%dma_start3A_490, %dma_start3A_497, %dma_start3A_498] : memref<8x32x128xf32, #tpu.memory_space<vmem>> -> memref<1x32x128xf32, #tpu.memory_space<vmem>>
    %dma_start3A_500 = tpu.memref_squeeze %dma_start3A_499 : memref<1x32x128xf32, #tpu.memory_space<vmem>> -> memref<32x128xf32, #tpu.memory_space<vmem>>
    %dma_start3A_501 = arith.constant 0 : i32
    %dma_start3A_502 = tpu.memref_slice %arg5[%dma_start3A_501, %multiple_of3A_476] : memref<32x10000001xf32, #tpu.memory_space<hbm>> -> memref<32x128xf32, #tpu.memory_space<hbm>>
    tpu.enqueue_dma source(%dma_start3A_502 : memref<32x128xf32, #tpu.memory_space<hbm>>) target(%dma_start3A_500 : memref<32x128xf32, #tpu.memory_space<vmem>>) target_semaphore(%arg15 : memref<!tpu.dma_semaphore, #tpu.memory_space<semaphore_mem>>)
    %slice3A_503 = vector.extract_strided_slice %get3A_8 {offsets = [6], sizes = [1], strides = [1]} : vector<16xi32> to vector<1xi32>
    %squeeze3A_504 = vector.extract %slice3A_503[0] : i32 from vector<1xi32>
    %slice3A_505 = vector.extract_strided_slice %get3A_10 {offsets = [6], sizes = [1], strides = [1]} : vector<16xi32> to vector<1xi32>
    %squeeze3A_506 = vector.extract %slice3A_505[0] : i32 from vector<1xi32>
    %jit3A_507 = arith.constant 128 : i32
    %div3A_508 = arith.divsi %squeeze3A_504, %jit3A_507 : i32
    %sign3A_509 = arith.constant 0 : i32
    %sign3A_510 = arith.cmpi sgt, %squeeze3A_504, %sign3A_509 : i32
    %sign3A_511 = arith.extui %sign3A_510 : i1 to i32
    %sign3A_512 = arith.constant 0 : i32
    %sign3A_513 = arith.cmpi slt, %squeeze3A_504, %sign3A_512 : i32
    %sign3A_514 = arith.extui %sign3A_513 : i1 to i32
    %sign3A_515 = arith.subi %sign3A_511, %sign3A_514 : i32
    %sign3A_516 = arith.constant 0 : i32
    %sign3A_517 = arith.cmpi sgt, %jit3A_507, %sign3A_516 : i32
    %sign3A_518 = arith.extui %sign3A_517 : i1 to i32
    %sign3A_519 = arith.constant 0 : i32
    %sign3A_520 = arith.cmpi slt, %jit3A_507, %sign3A_519 : i32
    %sign3A_521 = arith.extui %sign3A_520 : i1 to i32
    %sign3A_522 = arith.subi %sign3A_518, %sign3A_521 : i32
    %ne3A_523 = arith.cmpi ne, %sign3A_515, %sign3A_522 : i32
    %rem3A_524 = arith.remsi %squeeze3A_504, %jit3A_507 : i32
    %ne3A_525 = arith.constant 0 : i32
    %ne3A_526 = arith.cmpi ne, %rem3A_524, %ne3A_525 : i32
    %and3A_527 = arith.andi %ne3A_523, %ne3A_526 : i1
    %sub3A_528 = arith.constant 1 : i32
    %sub3A_529 = arith.subi %div3A_508, %sub3A_528 : i32
    %select_n3A_530 = arith.select %and3A_527, %sub3A_529, %div3A_508 : i32
    %mul3A_531 = arith.constant 128 : i32
    %mul3A_532 = arith.muli %select_n3A_530, %mul3A_531 : i32
    %multiple_of3A_533 = tpu.assume_multiple %mul3A_532, 128 : i32
    %jit3A_534 = arith.constant 128 : i32
    %div3A_535 = arith.divsi %squeeze3A_506, %jit3A_534 : i32
    %sign3A_536 = arith.constant 0 : i32
    %sign3A_537 = arith.cmpi sgt, %squeeze3A_506, %sign3A_536 : i32
    %sign3A_538 = arith.extui %sign3A_537 : i1 to i32
    %sign3A_539 = arith.constant 0 : i32
    %sign3A_540 = arith.cmpi slt, %squeeze3A_506, %sign3A_539 : i32
    %sign3A_541 = arith.extui %sign3A_540 : i1 to i32
    %sign3A_542 = arith.subi %sign3A_538, %sign3A_541 : i32
    %sign3A_543 = arith.constant 0 : i32
    %sign3A_544 = arith.cmpi sgt, %jit3A_534, %sign3A_543 : i32
    %sign3A_545 = arith.extui %sign3A_544 : i1 to i32
    %sign3A_546 = arith.constant 0 : i32
    %sign3A_547 = arith.cmpi slt, %jit3A_534, %sign3A_546 : i32
    %sign3A_548 = arith.extui %sign3A_547 : i1 to i32
    %sign3A_549 = arith.subi %sign3A_545, %sign3A_548 : i32
    %ne3A_550 = arith.cmpi ne, %sign3A_542, %sign3A_549 : i32
    %rem3A_551 = arith.remsi %squeeze3A_506, %jit3A_534 : i32
    %ne3A_552 = arith.constant 0 : i32
    %ne3A_553 = arith.cmpi ne, %rem3A_551, %ne3A_552 : i32
    %and3A_554 = arith.andi %ne3A_550, %ne3A_553 : i1
    %sub3A_555 = arith.constant 1 : i32
    %sub3A_556 = arith.subi %div3A_535, %sub3A_555 : i32
    %select_n3A_557 = arith.select %and3A_554, %sub3A_556, %div3A_535 : i32
    %mul3A_558 = arith.constant 128 : i32
    %mul3A_559 = arith.muli %select_n3A_557, %mul3A_558 : i32
    %multiple_of3A_560 = tpu.assume_multiple %mul3A_559, 128 : i32
    %dma_start3A_561 = arith.constant 6 : i32
    %dma_start3A_562 = arith.constant 0 : i32
    %dma_start3A_563 = arith.constant 0 : i32
    %dma_start3A_564 = tpu.memref_slice %arg10[%dma_start3A_561, %dma_start3A_562, %dma_start3A_563] : memref<8x32x128xf32, #tpu.memory_space<vmem>> -> memref<1x32x128xf32, #tpu.memory_space<vmem>>
    %dma_start3A_565 = tpu.memref_squeeze %dma_start3A_564 : memref<1x32x128xf32, #tpu.memory_space<vmem>> -> memref<32x128xf32, #tpu.memory_space<vmem>>
    %dma_start3A_566 = arith.constant 0 : i32
    %dma_start3A_567 = tpu.memref_slice %arg4[%dma_start3A_566, %multiple_of3A_533] : memref<32x10000001xf32, #tpu.memory_space<hbm>> -> memref<32x128xf32, #tpu.memory_space<hbm>>
    %dma_start3A_568 = arith.constant 0 : i32
    %dma_start3A_569 = arith.constant 0 : i32
    %dma_start3A_570 = tpu.memref_slice %arg10[%dma_start3A_561, %dma_start3A_568, %dma_start3A_569] : memref<8x32x128xf32, #tpu.memory_space<vmem>> -> memref<1x32x128xf32, #tpu.memory_space<vmem>>
    %dma_start3A_571 = tpu.memref_squeeze %dma_start3A_570 : memref<1x32x128xf32, #tpu.memory_space<vmem>> -> memref<32x128xf32, #tpu.memory_space<vmem>>
    %dma_start3A_572 = arith.constant 0 : i32
    %dma_start3A_573 = tpu.memref_slice %arg4[%dma_start3A_572, %multiple_of3A_533] : memref<32x10000001xf32, #tpu.memory_space<hbm>> -> memref<32x128xf32, #tpu.memory_space<hbm>>
    tpu.enqueue_dma source(%dma_start3A_573 : memref<32x128xf32, #tpu.memory_space<hbm>>) target(%dma_start3A_571 : memref<32x128xf32, #tpu.memory_space<vmem>>) target_semaphore(%arg14 : memref<!tpu.dma_semaphore, #tpu.memory_space<semaphore_mem>>)
    %dma_start3A_574 = arith.constant 6 : i32
    %dma_start3A_575 = arith.constant 0 : i32
    %dma_start3A_576 = arith.constant 0 : i32
    %dma_start3A_577 = tpu.memref_slice %arg11[%dma_start3A_574, %dma_start3A_575, %dma_start3A_576] : memref<8x32x128xf32, #tpu.memory_space<vmem>> -> memref<1x32x128xf32, #tpu.memory_space<vmem>>
    %dma_start3A_578 = tpu.memref_squeeze %dma_start3A_577 : memref<1x32x128xf32, #tpu.memory_space<vmem>> -> memref<32x128xf32, #tpu.memory_space<vmem>>
    %dma_start3A_579 = arith.constant 0 : i32
    %dma_start3A_580 = tpu.memref_slice %arg5[%dma_start3A_579, %multiple_of3A_560] : memref<32x10000001xf32, #tpu.memory_space<hbm>> -> memref<32x128xf32, #tpu.memory_space<hbm>>
    %dma_start3A_581 = arith.constant 0 : i32
    %dma_start3A_582 = arith.constant 0 : i32
    %dma_start3A_583 = tpu.memref_slice %arg11[%dma_start3A_574, %dma_start3A_581, %dma_start3A_582] : memref<8x32x128xf32, #tpu.memory_space<vmem>> -> memref<1x32x128xf32, #tpu.memory_space<vmem>>
    %dma_start3A_584 = tpu.memref_squeeze %dma_start3A_583 : memref<1x32x128xf32, #tpu.memory_space<vmem>> -> memref<32x128xf32, #tpu.memory_space<vmem>>
    %dma_start3A_585 = arith.constant 0 : i32
    %dma_start3A_586 = tpu.memref_slice %arg5[%dma_start3A_585, %multiple_of3A_560] : memref<32x10000001xf32, #tpu.memory_space<hbm>> -> memref<32x128xf32, #tpu.memory_space<hbm>>
    tpu.enqueue_dma source(%dma_start3A_586 : memref<32x128xf32, #tpu.memory_space<hbm>>) target(%dma_start3A_584 : memref<32x128xf32, #tpu.memory_space<vmem>>) target_semaphore(%arg15 : memref<!tpu.dma_semaphore, #tpu.memory_space<semaphore_mem>>)
    %scan3A = arith.constant 0 : i32
    %scan3A_587 = arith.constant 0 : i32
    %scan3A_588 = arith.constant 32 : i32
    %scan3A_589 = arith.addi %scan3A_587, %scan3A_588 : i32
    %scan3A_590 = arith.constant 1 : i32
    scf.for %scan3A_592 = %scan3A_587 to %scan3A_589 step %scan3A_590  : i32 {
      %mul3A_593 = arith.constant 16 : i32
      %mul3A_594 = arith.muli %scan3A_592, %mul3A_593 : i32
      %get3A_595 = arith.index_cast %mul3A_594 : i32 to index
      %get3A_596 = tpu.vector_load %arg8[%get3A_595] {strides = array<i32>} : memref<512xi32, #tpu.memory_space<vmem>>, vector<16xi32>,
      %mul3A_597 = arith.constant 16 : i32
      %mul3A_598 = arith.muli %scan3A_592, %mul3A_597 : i32
      %get3A_599 = arith.index_cast %mul3A_598 : i32 to index
      %get3A_600 = tpu.vector_load %arg9[%get3A_599] {strides = array<i32>} : memref<512xi32, #tpu.memory_space<vmem>>, vector<16xi32>,
      %broadcast_in_dim3A = arith.constant 0.000000e+00 : f32
      %broadcast_in_dim3A_601 = vector.broadcast %broadcast_in_dim3A : f32 to vector<16xf32>
      %slice3A_602 = vector.extract_strided_slice %get3A_596 {offsets = [7], sizes = [1], strides = [1]} : vector<16xi32> to vector<1xi32>
      %squeeze3A_603 = vector.extract %slice3A_602[0] : i32 from vector<1xi32>
      %slice3A_604 = vector.extract_strided_slice %get3A_600 {offsets = [7], sizes = [1], strides = [1]} : vector<16xi32> to vector<1xi32>
      %squeeze3A_605 = vector.extract %slice3A_604[0] : i32 from vector<1xi32>
      %jit3A_606 = arith.constant 128 : i32
      %div3A_607 = arith.divsi %squeeze3A_603, %jit3A_606 : i32
      %sign3A_608 = arith.constant 0 : i32
      %sign3A_609 = arith.cmpi sgt, %squeeze3A_603, %sign3A_608 : i32
      %sign3A_610 = arith.extui %sign3A_609 : i1 to i32
      %sign3A_611 = arith.constant 0 : i32
      %sign3A_612 = arith.cmpi slt, %squeeze3A_603, %sign3A_611 : i32
      %sign3A_613 = arith.extui %sign3A_612 : i1 to i32
      %sign3A_614 = arith.subi %sign3A_610, %sign3A_613 : i32
      %sign3A_615 = arith.constant 0 : i32
      %sign3A_616 = arith.cmpi sgt, %jit3A_606, %sign3A_615 : i32
      %sign3A_617 = arith.extui %sign3A_616 : i1 to i32
      %sign3A_618 = arith.constant 0 : i32
      %sign3A_619 = arith.cmpi slt, %jit3A_606, %sign3A_618 : i32
      %sign3A_620 = arith.extui %sign3A_619 : i1 to i32
      %sign3A_621 = arith.subi %sign3A_617, %sign3A_620 : i32
      %ne3A_622 = arith.cmpi ne, %sign3A_614, %sign3A_621 : i32
      %rem3A_623 = arith.remsi %squeeze3A_603, %jit3A_606 : i32
      %ne3A_624 = arith.constant 0 : i32
      %ne3A_625 = arith.cmpi ne, %rem3A_623, %ne3A_624 : i32
      %and3A_626 = arith.andi %ne3A_622, %ne3A_625 : i1
      %sub3A_627 = arith.constant 1 : i32
      %sub3A_628 = arith.subi %div3A_607, %sub3A_627 : i32
      %select_n3A_629 = arith.select %and3A_626, %sub3A_628, %div3A_607 : i32
      %mul3A_630 = arith.constant 128 : i32
      %mul3A_631 = arith.muli %select_n3A_629, %mul3A_630 : i32
      %multiple_of3A_632 = tpu.assume_multiple %mul3A_631, 128 : i32
      %jit3A_633 = arith.constant 128 : i32
      %div3A_634 = arith.divsi %squeeze3A_605, %jit3A_633 : i32
      %sign3A_635 = arith.constant 0 : i32
      %sign3A_636 = arith.cmpi sgt, %squeeze3A_605, %sign3A_635 : i32
      %sign3A_637 = arith.extui %sign3A_636 : i1 to i32
      %sign3A_638 = arith.constant 0 : i32
      %sign3A_639 = arith.cmpi slt, %squeeze3A_605, %sign3A_638 : i32
      %sign3A_640 = arith.extui %sign3A_639 : i1 to i32
      %sign3A_641 = arith.subi %sign3A_637, %sign3A_640 : i32
      %sign3A_642 = arith.constant 0 : i32
      %sign3A_643 = arith.cmpi sgt, %jit3A_633, %sign3A_642 : i32
      %sign3A_644 = arith.extui %sign3A_643 : i1 to i32
      %sign3A_645 = arith.constant 0 : i32
      %sign3A_646 = arith.cmpi slt, %jit3A_633, %sign3A_645 : i32
      %sign3A_647 = arith.extui %sign3A_646 : i1 to i32
      %sign3A_648 = arith.subi %sign3A_644, %sign3A_647 : i32
      %ne3A_649 = arith.cmpi ne, %sign3A_641, %sign3A_648 : i32
      %rem3A_650 = arith.remsi %squeeze3A_605, %jit3A_633 : i32
      %ne3A_651 = arith.constant 0 : i32
      %ne3A_652 = arith.cmpi ne, %rem3A_650, %ne3A_651 : i32
      %and3A_653 = arith.andi %ne3A_649, %ne3A_652 : i1
      %sub3A_654 = arith.constant 1 : i32
      %sub3A_655 = arith.subi %div3A_634, %sub3A_654 : i32
      %select_n3A_656 = arith.select %and3A_653, %sub3A_655, %div3A_634 : i32
      %mul3A_657 = arith.constant 128 : i32
      %mul3A_658 = arith.muli %select_n3A_656, %mul3A_657 : i32
      %multiple_of3A_659 = tpu.assume_multiple %mul3A_658, 128 : i32
      %dma_start3A_660 = arith.constant 7 : i32
      %dma_start3A_661 = arith.constant 0 : i32
      %dma_start3A_662 = arith.constant 0 : i32
      %dma_start3A_663 = tpu.memref_slice %arg10[%dma_start3A_660, %dma_start3A_661, %dma_start3A_662] : memref<8x32x128xf32, #tpu.memory_space<vmem>> -> memref<1x32x128xf32, #tpu.memory_space<vmem>>
      %dma_start3A_664 = tpu.memref_squeeze %dma_start3A_663 : memref<1x32x128xf32, #tpu.memory_space<vmem>> -> memref<32x128xf32, #tpu.memory_space<vmem>>
      %dma_start3A_665 = arith.constant 0 : i32
      %dma_start3A_666 = tpu.memref_slice %arg4[%dma_start3A_665, %multiple_of3A_632] : memref<32x10000001xf32, #tpu.memory_space<hbm>> -> memref<32x128xf32, #tpu.memory_space<hbm>>
      %dma_start3A_667 = arith.constant 0 : i32
      %dma_start3A_668 = arith.constant 0 : i32
      %dma_start3A_669 = tpu.memref_slice %arg10[%dma_start3A_660, %dma_start3A_667, %dma_start3A_668] : memref<8x32x128xf32, #tpu.memory_space<vmem>> -> memref<1x32x128xf32, #tpu.memory_space<vmem>>
      %dma_start3A_670 = tpu.memref_squeeze %dma_start3A_669 : memref<1x32x128xf32, #tpu.memory_space<vmem>> -> memref<32x128xf32, #tpu.memory_space<vmem>>
      %dma_start3A_671 = arith.constant 0 : i32
      %dma_start3A_672 = tpu.memref_slice %arg4[%dma_start3A_671, %multiple_of3A_632] : memref<32x10000001xf32, #tpu.memory_space<hbm>> -> memref<32x128xf32, #tpu.memory_space<hbm>>
      tpu.enqueue_dma source(%dma_start3A_672 : memref<32x128xf32, #tpu.memory_space<hbm>>) target(%dma_start3A_670 : memref<32x128xf32, #tpu.memory_space<vmem>>) target_semaphore(%arg14 : memref<!tpu.dma_semaphore, #tpu.memory_space<semaphore_mem>>)
      %dma_start3A_673 = arith.constant 7 : i32
      %dma_start3A_674 = arith.constant 0 : i32
      %dma_start3A_675 = arith.constant 0 : i32
      %dma_start3A_676 = tpu.memref_slice %arg11[%dma_start3A_673, %dma_start3A_674, %dma_start3A_675] : memref<8x32x128xf32, #tpu.memory_space<vmem>> -> memref<1x32x128xf32, #tpu.memory_space<vmem>>
      %dma_start3A_677 = tpu.memref_squeeze %dma_start3A_676 : memref<1x32x128xf32, #tpu.memory_space<vmem>> -> memref<32x128xf32, #tpu.memory_space<vmem>>
      %dma_start3A_678 = arith.constant 0 : i32
      %dma_start3A_679 = tpu.memref_slice %arg5[%dma_start3A_678, %multiple_of3A_659] : memref<32x10000001xf32, #tpu.memory_space<hbm>> -> memref<32x128xf32, #tpu.memory_space<hbm>>
      %dma_start3A_680 = arith.constant 0 : i32
      %dma_start3A_681 = arith.constant 0 : i32
      %dma_start3A_682 = tpu.memref_slice %arg11[%dma_start3A_673, %dma_start3A_680, %dma_start3A_681] : memref<8x32x128xf32, #tpu.memory_space<vmem>> -> memref<1x32x128xf32, #tpu.memory_space<vmem>>
      %dma_start3A_683 = tpu.memref_squeeze %dma_start3A_682 : memref<1x32x128xf32, #tpu.memory_space<vmem>> -> memref<32x128xf32, #tpu.memory_space<vmem>>
      %dma_start3A_684 = arith.constant 0 : i32
      %dma_start3A_685 = tpu.memref_slice %arg5[%dma_start3A_684, %multiple_of3A_659] : memref<32x10000001xf32, #tpu.memory_space<hbm>> -> memref<32x128xf32, #tpu.memory_space<hbm>>
      tpu.enqueue_dma source(%dma_start3A_685 : memref<32x128xf32, #tpu.memory_space<hbm>>) target(%dma_start3A_683 : memref<32x128xf32, #tpu.memory_space<vmem>>) target_semaphore(%arg15 : memref<!tpu.dma_semaphore, #tpu.memory_space<semaphore_mem>>)
      %dma_wait3A = arith.constant 0 : i32
      %dma_wait3A_686 = arith.constant 0 : i32
      %dma_wait3A_687 = arith.constant 0 : i32
      %dma_wait3A_688 = tpu.memref_slice %arg10[%dma_wait3A, %dma_wait3A_686, %dma_wait3A_687] : memref<8x32x128xf32, #tpu.memory_space<vmem>> -> memref<1x32x128xf32, #tpu.memory_space<vmem>>
      %dma_wait3A_689 = tpu.memref_squeeze %dma_wait3A_688 : memref<1x32x128xf32, #tpu.memory_space<vmem>> -> memref<32x128xf32, #tpu.memory_space<vmem>>
      %dma_wait3A_690 = arith.constant 0 : i32
      %dma_wait3A_691 = arith.constant 0 : i32
      %dma_wait3A_692 = tpu.memref_slice %arg4[%dma_wait3A_690, %dma_wait3A_691] : memref<32x10000001xf32, #tpu.memory_space<hbm>> -> memref<32x128xf32, #tpu.memory_space<hbm>>
      %dma_wait3A_693 = arith.constant 0 : i32
      %dma_wait3A_694 = arith.constant 0 : i32
      %dma_wait3A_695 = tpu.memref_slice %arg10[%dma_wait3A, %dma_wait3A_693, %dma_wait3A_694] : memref<8x32x128xf32, #tpu.memory_space<vmem>> -> memref<1x32x128xf32, #tpu.memory_space<vmem>>
      %dma_wait3A_696 = tpu.memref_squeeze %dma_wait3A_695 : memref<1x32x128xf32, #tpu.memory_space<vmem>> -> memref<32x128xf32, #tpu.memory_space<vmem>>
      %dma_wait3A_697 = arith.constant 0 : i32
      %dma_wait3A_698 = arith.constant 0 : i32
      %dma_wait3A_699 = tpu.memref_slice %arg4[%dma_wait3A_697, %dma_wait3A_698] : memref<32x10000001xf32, #tpu.memory_space<hbm>> -> memref<32x128xf32, #tpu.memory_space<hbm>>
      tpu.wait_dma2 semaphore(%arg14 : memref<!tpu.dma_semaphore, #tpu.memory_space<semaphore_mem>>) src(%dma_wait3A_699 : memref<32x128xf32, #tpu.memory_space<hbm>>) dst(%dma_wait3A_696 : memref<32x128xf32, #tpu.memory_space<vmem>>)
      %dma_wait3A_700 = arith.constant 0 : i32
      %dma_wait3A_701 = arith.constant 0 : i32
      %dma_wait3A_702 = arith.constant 0 : i32
      %dma_wait3A_703 = tpu.memref_slice %arg11[%dma_wait3A_700, %dma_wait3A_701, %dma_wait3A_702] : memref<8x32x128xf32, #tpu.memory_space<vmem>> -> memref<1x32x128xf32, #tpu.memory_space<vmem>>
      %dma_wait3A_704 = tpu.memref_squeeze %dma_wait3A_703 : memref<1x32x128xf32, #tpu.memory_space<vmem>> -> memref<32x128xf32, #tpu.memory_space<vmem>>
      %dma_wait3A_705 = arith.constant 0 : i32
      %dma_wait3A_706 = arith.constant 0 : i32
      %dma_wait3A_707 = tpu.memref_slice %arg5[%dma_wait3A_705, %dma_wait3A_706] : memref<32x10000001xf32, #tpu.memory_space<hbm>> -> memref<32x128xf32, #tpu.memory_space<hbm>>
      %dma_wait3A_708 = arith.constant 0 : i32
      %dma_wait3A_709 = arith.constant 0 : i32
      %dma_wait3A_710 = tpu.memref_slice %arg11[%dma_wait3A_700, %dma_wait3A_708, %dma_wait3A_709] : memref<8x32x128xf32, #tpu.memory_space<vmem>> -> memref<1x32x128xf32, #tpu.memory_space<vmem>>
      %dma_wait3A_711 = tpu.memref_squeeze %dma_wait3A_710 : memref<1x32x128xf32, #tpu.memory_space<vmem>> -> memref<32x128xf32, #tpu.memory_space<vmem>>
      %dma_wait3A_712 = arith.constant 0 : i32
      %dma_wait3A_713 = arith.constant 0 : i32
      %dma_wait3A_714 = tpu.memref_slice %arg5[%dma_wait3A_712, %dma_wait3A_713] : memref<32x10000001xf32, #tpu.memory_space<hbm>> -> memref<32x128xf32, #tpu.memory_space<hbm>>
      tpu.wait_dma2 semaphore(%arg15 : memref<!tpu.dma_semaphore, #tpu.memory_space<semaphore_mem>>) src(%dma_wait3A_714 : memref<32x128xf32, #tpu.memory_space<hbm>>) dst(%dma_wait3A_711 : memref<32x128xf32, #tpu.memory_space<vmem>>)
      %slice3A_715 = vector.extract_strided_slice %get3A_596 {offsets = [0], sizes = [1], strides = [1]} : vector<16xi32> to vector<1xi32>
      %squeeze3A_716 = vector.extract %slice3A_715[0] : i32 from vector<1xi32>
      %rem3A_717 = arith.constant 128 : i32
      %rem3A_718 = arith.remsi %squeeze3A_716, %rem3A_717 : i32
      %broadcast_in_dim3A_719 = vector.broadcast %rem3A_718 : i32 to vector<16xi32>
      %slice3A_720 = vector.extract_strided_slice %get3A_600 {offsets = [0], sizes = [1], strides = [1]} : vector<16xi32> to vector<1xi32>
      %squeeze3A_721 = vector.extract %slice3A_720[0] : i32 from vector<1xi32>
      %rem3A_722 = arith.constant 128 : i32
      %rem3A_723 = arith.remsi %squeeze3A_721, %rem3A_722 : i32
      %broadcast_in_dim3A_724 = vector.broadcast %rem3A_723 : i32 to vector<16xi32>
      %gather3A = arith.constant 0 : i32
      %gather3A_725 = arith.constant 0 : i32
      %gather3A_726 = arith.constant 0 : i32
      %gather3A_727 = tpu.memref_slice %arg10[%gather3A, %gather3A_725, %gather3A_726] : memref<8x32x128xf32, #tpu.memory_space<vmem>> -> memref<1x32x128xf32, #tpu.memory_space<vmem>>
      %gather3A_728 = tpu.memref_squeeze %gather3A_727 : memref<1x32x128xf32, #tpu.memory_space<vmem>> -> memref<32x128xf32, #tpu.memory_space<vmem>>
      %gather3A_729 = tpu.vector_load_idx %gather3A_728[%iota3A, %broadcast_in_dim3A_719] : memref<32x128xf32, #tpu.memory_space<vmem>>[vector<16xi32>, vector<16xi32>], vector<16xf32>,
      %gather3A_730 = arith.constant 0 : i32
      %gather3A_731 = arith.constant 0 : i32
      %gather3A_732 = arith.constant 0 : i32
      %gather3A_733 = tpu.memref_slice %arg10[%gather3A_730, %gather3A_731, %gather3A_732] : memref<8x32x128xf32, #tpu.memory_space<vmem>> -> memref<1x32x128xf32, #tpu.memory_space<vmem>>
      %gather3A_734 = tpu.memref_squeeze %gather3A_733 : memref<1x32x128xf32, #tpu.memory_space<vmem>> -> memref<32x128xf32, #tpu.memory_space<vmem>>
      %gather3A_735 = tpu.vector_load_idx %gather3A_734[%add3A_6, %broadcast_in_dim3A_719] : memref<32x128xf32, #tpu.memory_space<vmem>>[vector<16xi32>, vector<16xi32>], vector<16xf32>,
      %gather3A_736 = arith.constant 0 : i32
      %gather3A_737 = arith.constant 0 : i32
      %gather3A_738 = arith.constant 0 : i32
      %gather3A_739 = tpu.memref_slice %arg11[%gather3A_736, %gather3A_737, %gather3A_738] : memref<8x32x128xf32, #tpu.memory_space<vmem>> -> memref<1x32x128xf32, #tpu.memory_space<vmem>>
      %gather3A_740 = tpu.memref_squeeze %gather3A_739 : memref<1x32x128xf32, #tpu.memory_space<vmem>> -> memref<32x128xf32, #tpu.memory_space<vmem>>
      %gather3A_741 = tpu.vector_load_idx %gather3A_740[%iota3A, %broadcast_in_dim3A_724] : memref<32x128xf32, #tpu.memory_space<vmem>>[vector<16xi32>, vector<16xi32>], vector<16xf32>,
      %gather3A_742 = arith.constant 0 : i32
      %gather3A_743 = arith.constant 0 : i32
      %gather3A_744 = arith.constant 0 : i32
      %gather3A_745 = tpu.memref_slice %arg11[%gather3A_742, %gather3A_743, %gather3A_744] : memref<8x32x128xf32, #tpu.memory_space<vmem>> -> memref<1x32x128xf32, #tpu.memory_space<vmem>>
      %gather3A_746 = tpu.memref_squeeze %gather3A_745 : memref<1x32x128xf32, #tpu.memory_space<vmem>> -> memref<32x128xf32, #tpu.memory_space<vmem>>
      %gather3A_747 = tpu.vector_load_idx %gather3A_746[%add3A_6, %broadcast_in_dim3A_724] : memref<32x128xf32, #tpu.memory_space<vmem>>[vector<16xi32>, vector<16xi32>], vector<16xf32>,
      %mul3A_748 = arith.mulf %gather3A_729, %gather3A_741 : vector<16xf32>
      %mul3A_749 = arith.mulf %gather3A_735, %gather3A_747 : vector<16xf32>
      %add3A_750 = arith.addf %mul3A_748, %mul3A_749 : vector<16xf32>
      %reduce_sum3A = arith.constant true
      %reduce_sum3A_751 = vector.broadcast %reduce_sum3A : i1 to vector<16xi1>
      %reduce_sum3A_752 = tpu.scan <sum>, %add3A_750 masked %reduce_sum3A_751 : vector<16xf32>, vector<16xi1> -> vector<16xf32>
      %reduce_sum3A_753 = vector.extract %reduce_sum3A_752[15] : f32 from vector<16xf32>
      %eq3A = arith.constant 0 : i32
      %eq3A_754 = vector.broadcast %eq3A : i32 to vector<16xi32>
      %eq3A_755 = arith.cmpi eq, %iota3A, %eq3A_754 : vector<16xi32>
      %broadcast_in_dim3A_756 = vector.broadcast %reduce_sum3A_753 : f32 to vector<16xf32>
      %select_n3A_757 = arith.select %eq3A_755, %broadcast_in_dim3A_756, %broadcast_in_dim3A_601 : vector<16xi1>, vector<16xf32>
      %slice3A_758 = vector.extract_strided_slice %get3A_596 {offsets = [8], sizes = [1], strides = [1]} : vector<16xi32> to vector<1xi32>
      %squeeze3A_759 = vector.extract %slice3A_758[0] : i32 from vector<1xi32>
      %slice3A_760 = vector.extract_strided_slice %get3A_600 {offsets = [8], sizes = [1], strides = [1]} : vector<16xi32> to vector<1xi32>
      %squeeze3A_761 = vector.extract %slice3A_760[0] : i32 from vector<1xi32>
      %jit3A_762 = arith.constant 128 : i32
      %div3A_763 = arith.divsi %squeeze3A_759, %jit3A_762 : i32
      %sign3A_764 = arith.constant 0 : i32
      %sign3A_765 = arith.cmpi sgt, %squeeze3A_759, %sign3A_764 : i32
      %sign3A_766 = arith.extui %sign3A_765 : i1 to i32
      %sign3A_767 = arith.constant 0 : i32
      %sign3A_768 = arith.cmpi slt, %squeeze3A_759, %sign3A_767 : i32
      %sign3A_769 = arith.extui %sign3A_768 : i1 to i32
      %sign3A_770 = arith.subi %sign3A_766, %sign3A_769 : i32
      %sign3A_771 = arith.constant 0 : i32
      %sign3A_772 = arith.cmpi sgt, %jit3A_762, %sign3A_771 : i32
      %sign3A_773 = arith.extui %sign3A_772 : i1 to i32
      %sign3A_774 = arith.constant 0 : i32
      %sign3A_775 = arith.cmpi slt, %jit3A_762, %sign3A_774 : i32
      %sign3A_776 = arith.extui %sign3A_775 : i1 to i32
      %sign3A_777 = arith.subi %sign3A_773, %sign3A_776 : i32
      %ne3A_778 = arith.cmpi ne, %sign3A_770, %sign3A_777 : i32
      %rem3A_779 = arith.remsi %squeeze3A_759, %jit3A_762 : i32
      %ne3A_780 = arith.constant 0 : i32
      %ne3A_781 = arith.cmpi ne, %rem3A_779, %ne3A_780 : i32
      %and3A_782 = arith.andi %ne3A_778, %ne3A_781 : i1
      %sub3A_783 = arith.constant 1 : i32
      %sub3A_784 = arith.subi %div3A_763, %sub3A_783 : i32
      %select_n3A_785 = arith.select %and3A_782, %sub3A_784, %div3A_763 : i32
      %mul3A_786 = arith.constant 128 : i32
      %mul3A_787 = arith.muli %select_n3A_785, %mul3A_786 : i32
      %multiple_of3A_788 = tpu.assume_multiple %mul3A_787, 128 : i32
      %jit3A_789 = arith.constant 128 : i32
      %div3A_790 = arith.divsi %squeeze3A_761, %jit3A_789 : i32
      %sign3A_791 = arith.constant 0 : i32
      %sign3A_792 = arith.cmpi sgt, %squeeze3A_761, %sign3A_791 : i32
      %sign3A_793 = arith.extui %sign3A_792 : i1 to i32
      %sign3A_794 = arith.constant 0 : i32
      %sign3A_795 = arith.cmpi slt, %squeeze3A_761, %sign3A_794 : i32
      %sign3A_796 = arith.extui %sign3A_795 : i1 to i32
      %sign3A_797 = arith.subi %sign3A_793, %sign3A_796 : i32
      %sign3A_798 = arith.constant 0 : i32
      %sign3A_799 = arith.cmpi sgt, %jit3A_789, %sign3A_798 : i32
      %sign3A_800 = arith.extui %sign3A_799 : i1 to i32
      %sign3A_801 = arith.constant 0 : i32
      %sign3A_802 = arith.cmpi slt, %jit3A_789, %sign3A_801 : i32
      %sign3A_803 = arith.extui %sign3A_802 : i1 to i32
      %sign3A_804 = arith.subi %sign3A_800, %sign3A_803 : i32
      %ne3A_805 = arith.cmpi ne, %sign3A_797, %sign3A_804 : i32
      %rem3A_806 = arith.remsi %squeeze3A_761, %jit3A_789 : i32
      %ne3A_807 = arith.constant 0 : i32
      %ne3A_808 = arith.cmpi ne, %rem3A_806, %ne3A_807 : i32
      %and3A_809 = arith.andi %ne3A_805, %ne3A_808 : i1
      %sub3A_810 = arith.constant 1 : i32
      %sub3A_811 = arith.subi %div3A_790, %sub3A_810 : i32
      %select_n3A_812 = arith.select %and3A_809, %sub3A_811, %div3A_790 : i32
      %mul3A_813 = arith.constant 128 : i32
      %mul3A_814 = arith.muli %select_n3A_812, %mul3A_813 : i32
      %multiple_of3A_815 = tpu.assume_multiple %mul3A_814, 128 : i32
      %dma_start3A_816 = arith.constant 0 : i32
      %dma_start3A_817 = arith.constant 0 : i32
      %dma_start3A_818 = arith.constant 0 : i32
      %dma_start3A_819 = tpu.memref_slice %arg10[%dma_start3A_816, %dma_start3A_817, %dma_start3A_818] : memref<8x32x128xf32, #tpu.memory_space<vmem>> -> memref<1x32x128xf32, #tpu.memory_space<vmem>>
      %dma_start3A_820 = tpu.memref_squeeze %dma_start3A_819 : memref<1x32x128xf32, #tpu.memory_space<vmem>> -> memref<32x128xf32, #tpu.memory_space<vmem>>
      %dma_start3A_821 = arith.constant 0 : i32
      %dma_start3A_822 = tpu.memref_slice %arg4[%dma_start3A_821, %multiple_of3A_788] : memref<32x10000001xf32, #tpu.memory_space<hbm>> -> memref<32x128xf32, #tpu.memory_space<hbm>>
      %dma_start3A_823 = arith.constant 0 : i32
      %dma_start3A_824 = arith.constant 0 : i32
      %dma_start3A_825 = tpu.memref_slice %arg10[%dma_start3A_816, %dma_start3A_823, %dma_start3A_824] : memref<8x32x128xf32, #tpu.memory_space<vmem>> -> memref<1x32x128xf32, #tpu.memory_space<vmem>>
      %dma_start3A_826 = tpu.memref_squeeze %dma_start3A_825 : memref<1x32x128xf32, #tpu.memory_space<vmem>> -> memref<32x128xf32, #tpu.memory_space<vmem>>
      %dma_start3A_827 = arith.constant 0 : i32
      %dma_start3A_828 = tpu.memref_slice %arg4[%dma_start3A_827, %multiple_of3A_788] : memref<32x10000001xf32, #tpu.memory_space<hbm>> -> memref<32x128xf32, #tpu.memory_space<hbm>>
      tpu.enqueue_dma source(%dma_start3A_828 : memref<32x128xf32, #tpu.memory_space<hbm>>) target(%dma_start3A_826 : memref<32x128xf32, #tpu.memory_space<vmem>>) target_semaphore(%arg14 : memref<!tpu.dma_semaphore, #tpu.memory_space<semaphore_mem>>)
      %dma_start3A_829 = arith.constant 0 : i32
      %dma_start3A_830 = arith.constant 0 : i32
      %dma_start3A_831 = arith.constant 0 : i32
      %dma_start3A_832 = tpu.memref_slice %arg11[%dma_start3A_829, %dma_start3A_830, %dma_start3A_831] : memref<8x32x128xf32, #tpu.memory_space<vmem>> -> memref<1x32x128xf32, #tpu.memory_space<vmem>>
      %dma_start3A_833 = tpu.memref_squeeze %dma_start3A_832 : memref<1x32x128xf32, #tpu.memory_space<vmem>> -> memref<32x128xf32, #tpu.memory_space<vmem>>
      %dma_start3A_834 = arith.constant 0 : i32
      %dma_start3A_835 = tpu.memref_slice %arg5[%dma_start3A_834, %multiple_of3A_815] : memref<32x10000001xf32, #tpu.memory_space<hbm>> -> memref<32x128xf32, #tpu.memory_space<hbm>>
      %dma_start3A_836 = arith.constant 0 : i32
      %dma_start3A_837 = arith.constant 0 : i32
      %dma_start3A_838 = tpu.memref_slice %arg11[%dma_start3A_829, %dma_start3A_836, %dma_start3A_837] : memref<8x32x128xf32, #tpu.memory_space<vmem>> -> memref<1x32x128xf32, #tpu.memory_space<vmem>>
      %dma_start3A_839 = tpu.memref_squeeze %dma_start3A_838 : memref<1x32x128xf32, #tpu.memory_space<vmem>> -> memref<32x128xf32, #tpu.memory_space<vmem>>
      %dma_start3A_840 = arith.constant 0 : i32
      %dma_start3A_841 = tpu.memref_slice %arg5[%dma_start3A_840, %multiple_of3A_815] : memref<32x10000001xf32, #tpu.memory_space<hbm>> -> memref<32x128xf32, #tpu.memory_space<hbm>>
      tpu.enqueue_dma source(%dma_start3A_841 : memref<32x128xf32, #tpu.memory_space<hbm>>) target(%dma_start3A_839 : memref<32x128xf32, #tpu.memory_space<vmem>>) target_semaphore(%arg15 : memref<!tpu.dma_semaphore, #tpu.memory_space<semaphore_mem>>)
      %dma_wait3A_842 = arith.constant 1 : i32
      %dma_wait3A_843 = arith.constant 0 : i32
      %dma_wait3A_844 = arith.constant 0 : i32
      %dma_wait3A_845 = tpu.memref_slice %arg10[%dma_wait3A_842, %dma_wait3A_843, %dma_wait3A_844] : memref<8x32x128xf32, #tpu.memory_space<vmem>> -> memref<1x32x128xf32, #tpu.memory_space<vmem>>
      %dma_wait3A_846 = tpu.memref_squeeze %dma_wait3A_845 : memref<1x32x128xf32, #tpu.memory_space<vmem>> -> memref<32x128xf32, #tpu.memory_space<vmem>>
      %dma_wait3A_847 = arith.constant 0 : i32
      %dma_wait3A_848 = arith.constant 0 : i32
      %dma_wait3A_849 = tpu.memref_slice %arg4[%dma_wait3A_847, %dma_wait3A_848] : memref<32x10000001xf32, #tpu.memory_space<hbm>> -> memref<32x128xf32, #tpu.memory_space<hbm>>
      %dma_wait3A_850 = arith.constant 0 : i32
      %dma_wait3A_851 = arith.constant 0 : i32
      %dma_wait3A_852 = tpu.memref_slice %arg10[%dma_wait3A_842, %dma_wait3A_850, %dma_wait3A_851] : memref<8x32x128xf32, #tpu.memory_space<vmem>> -> memref<1x32x128xf32, #tpu.memory_space<vmem>>
      %dma_wait3A_853 = tpu.memref_squeeze %dma_wait3A_852 : memref<1x32x128xf32, #tpu.memory_space<vmem>> -> memref<32x128xf32, #tpu.memory_space<vmem>>
      %dma_wait3A_854 = arith.constant 0 : i32
      %dma_wait3A_855 = arith.constant 0 : i32
      %dma_wait3A_856 = tpu.memref_slice %arg4[%dma_wait3A_854, %dma_wait3A_855] : memref<32x10000001xf32, #tpu.memory_space<hbm>> -> memref<32x128xf32, #tpu.memory_space<hbm>>
      tpu.wait_dma2 semaphore(%arg14 : memref<!tpu.dma_semaphore, #tpu.memory_space<semaphore_mem>>) src(%dma_wait3A_856 : memref<32x128xf32, #tpu.memory_space<hbm>>) dst(%dma_wait3A_853 : memref<32x128xf32, #tpu.memory_space<vmem>>)
      %dma_wait3A_857 = arith.constant 1 : i32
      %dma_wait3A_858 = arith.constant 0 : i32
      %dma_wait3A_859 = arith.constant 0 : i32
      %dma_wait3A_860 = tpu.memref_slice %arg11[%dma_wait3A_857, %dma_wait3A_858, %dma_wait3A_859] : memref<8x32x128xf32, #tpu.memory_space<vmem>> -> memref<1x32x128xf32, #tpu.memory_space<vmem>>
      %dma_wait3A_861 = tpu.memref_squeeze %dma_wait3A_860 : memref<1x32x128xf32, #tpu.memory_space<vmem>> -> memref<32x128xf32, #tpu.memory_space<vmem>>
      %dma_wait3A_862 = arith.constant 0 : i32
      %dma_wait3A_863 = arith.constant 0 : i32
      %dma_wait3A_864 = tpu.memref_slice %arg5[%dma_wait3A_862, %dma_wait3A_863] : memref<32x10000001xf32, #tpu.memory_space<hbm>> -> memref<32x128xf32, #tpu.memory_space<hbm>>
      %dma_wait3A_865 = arith.constant 0 : i32
      %dma_wait3A_866 = arith.constant 0 : i32
      %dma_wait3A_867 = tpu.memref_slice %arg11[%dma_wait3A_857, %dma_wait3A_865, %dma_wait3A_866] : memref<8x32x128xf32, #tpu.memory_space<vmem>> -> memref<1x32x128xf32, #tpu.memory_space<vmem>>
      %dma_wait3A_868 = tpu.memref_squeeze %dma_wait3A_867 : memref<1x32x128xf32, #tpu.memory_space<vmem>> -> memref<32x128xf32, #tpu.memory_space<vmem>>
      %dma_wait3A_869 = arith.constant 0 : i32
      %dma_wait3A_870 = arith.constant 0 : i32
      %dma_wait3A_871 = tpu.memref_slice %arg5[%dma_wait3A_869, %dma_wait3A_870] : memref<32x10000001xf32, #tpu.memory_space<hbm>> -> memref<32x128xf32, #tpu.memory_space<hbm>>
      tpu.wait_dma2 semaphore(%arg15 : memref<!tpu.dma_semaphore, #tpu.memory_space<semaphore_mem>>) src(%dma_wait3A_871 : memref<32x128xf32, #tpu.memory_space<hbm>>) dst(%dma_wait3A_868 : memref<32x128xf32, #tpu.memory_space<vmem>>)
      %slice3A_872 = vector.extract_strided_slice %get3A_596 {offsets = [1], sizes = [1], strides = [1]} : vector<16xi32> to vector<1xi32>
      %squeeze3A_873 = vector.extract %slice3A_872[0] : i32 from vector<1xi32>
      %rem3A_874 = arith.constant 128 : i32
      %rem3A_875 = arith.remsi %squeeze3A_873, %rem3A_874 : i32
      %broadcast_in_dim3A_876 = vector.broadcast %rem3A_875 : i32 to vector<16xi32>
      %slice3A_877 = vector.extract_strided_slice %get3A_600 {offsets = [1], sizes = [1], strides = [1]} : vector<16xi32> to vector<1xi32>
      %squeeze3A_878 = vector.extract %slice3A_877[0] : i32 from vector<1xi32>
      %rem3A_879 = arith.constant 128 : i32
      %rem3A_880 = arith.remsi %squeeze3A_878, %rem3A_879 : i32
      %broadcast_in_dim3A_881 = vector.broadcast %rem3A_880 : i32 to vector<16xi32>
      %gather3A_882 = arith.constant 1 : i32
      %gather3A_883 = arith.constant 0 : i32
      %gather3A_884 = arith.constant 0 : i32
      %gather3A_885 = tpu.memref_slice %arg10[%gather3A_882, %gather3A_883, %gather3A_884] : memref<8x32x128xf32, #tpu.memory_space<vmem>> -> memref<1x32x128xf32, #tpu.memory_space<vmem>>
      %gather3A_886 = tpu.memref_squeeze %gather3A_885 : memref<1x32x128xf32, #tpu.memory_space<vmem>> -> memref<32x128xf32, #tpu.memory_space<vmem>>
      %gather3A_887 = tpu.vector_load_idx %gather3A_886[%iota3A, %broadcast_in_dim3A_876] : memref<32x128xf32, #tpu.memory_space<vmem>>[vector<16xi32>, vector<16xi32>], vector<16xf32>,
      %gather3A_888 = arith.constant 1 : i32
      %gather3A_889 = arith.constant 0 : i32
      %gather3A_890 = arith.constant 0 : i32
      %gather3A_891 = tpu.memref_slice %arg10[%gather3A_888, %gather3A_889, %gather3A_890] : memref<8x32x128xf32, #tpu.memory_space<vmem>> -> memref<1x32x128xf32, #tpu.memory_space<vmem>>
      %gather3A_892 = tpu.memref_squeeze %gather3A_891 : memref<1x32x128xf32, #tpu.memory_space<vmem>> -> memref<32x128xf32, #tpu.memory_space<vmem>>
      %gather3A_893 = tpu.vector_load_idx %gather3A_892[%add3A_6, %broadcast_in_dim3A_876] : memref<32x128xf32, #tpu.memory_space<vmem>>[vector<16xi32>, vector<16xi32>], vector<16xf32>,
      %gather3A_894 = arith.constant 1 : i32
      %gather3A_895 = arith.constant 0 : i32
      %gather3A_896 = arith.constant 0 : i32
      %gather3A_897 = tpu.memref_slice %arg11[%gather3A_894, %gather3A_895, %gather3A_896] : memref<8x32x128xf32, #tpu.memory_space<vmem>> -> memref<1x32x128xf32, #tpu.memory_space<vmem>>
      %gather3A_898 = tpu.memref_squeeze %gather3A_897 : memref<1x32x128xf32, #tpu.memory_space<vmem>> -> memref<32x128xf32, #tpu.memory_space<vmem>>
      %gather3A_899 = tpu.vector_load_idx %gather3A_898[%iota3A, %broadcast_in_dim3A_881] : memref<32x128xf32, #tpu.memory_space<vmem>>[vector<16xi32>, vector<16xi32>], vector<16xf32>,
      %gather3A_900 = arith.constant 1 : i32
      %gather3A_901 = arith.constant 0 : i32
      %gather3A_902 = arith.constant 0 : i32
      %gather3A_903 = tpu.memref_slice %arg11[%gather3A_900, %gather3A_901, %gather3A_902] : memref<8x32x128xf32, #tpu.memory_space<vmem>> -> memref<1x32x128xf32, #tpu.memory_space<vmem>>
      %gather3A_904 = tpu.memref_squeeze %gather3A_903 : memref<1x32x128xf32, #tpu.memory_space<vmem>> -> memref<32x128xf32, #tpu.memory_space<vmem>>
      %gather3A_905 = tpu.vector_load_idx %gather3A_904[%add3A_6, %broadcast_in_dim3A_881] : memref<32x128xf32, #tpu.memory_space<vmem>>[vector<16xi32>, vector<16xi32>], vector<16xf32>,
      %mul3A_906 = arith.mulf %gather3A_887, %gather3A_899 : vector<16xf32>
      %mul3A_907 = arith.mulf %gather3A_893, %gather3A_905 : vector<16xf32>
      %add3A_908 = arith.addf %mul3A_906, %mul3A_907 : vector<16xf32>
      %reduce_sum3A_909 = arith.constant true
      %reduce_sum3A_910 = vector.broadcast %reduce_sum3A_909 : i1 to vector<16xi1>
      %reduce_sum3A_911 = tpu.scan <sum>, %add3A_908 masked %reduce_sum3A_910 : vector<16xf32>, vector<16xi1> -> vector<16xf32>
      %reduce_sum3A_912 = vector.extract %reduce_sum3A_911[15] : f32 from vector<16xf32>
      %eq3A_913 = arith.constant 1 : i32
      %eq3A_914 = vector.broadcast %eq3A_913 : i32 to vector<16xi32>
      %eq3A_915 = arith.cmpi eq, %iota3A, %eq3A_914 : vector<16xi32>
      %broadcast_in_dim3A_916 = vector.broadcast %reduce_sum3A_912 : f32 to vector<16xf32>
      %select_n3A_917 = arith.select %eq3A_915, %broadcast_in_dim3A_916, %select_n3A_757 : vector<16xi1>, vector<16xf32>
      %slice3A_918 = vector.extract_strided_slice %get3A_596 {offsets = [9], sizes = [1], strides = [1]} : vector<16xi32> to vector<1xi32>
      %squeeze3A_919 = vector.extract %slice3A_918[0] : i32 from vector<1xi32>
      %slice3A_920 = vector.extract_strided_slice %get3A_600 {offsets = [9], sizes = [1], strides = [1]} : vector<16xi32> to vector<1xi32>
      %squeeze3A_921 = vector.extract %slice3A_920[0] : i32 from vector<1xi32>
      %jit3A_922 = arith.constant 128 : i32
      %div3A_923 = arith.divsi %squeeze3A_919, %jit3A_922 : i32
      %sign3A_924 = arith.constant 0 : i32
      %sign3A_925 = arith.cmpi sgt, %squeeze3A_919, %sign3A_924 : i32
      %sign3A_926 = arith.extui %sign3A_925 : i1 to i32
      %sign3A_927 = arith.constant 0 : i32
      %sign3A_928 = arith.cmpi slt, %squeeze3A_919, %sign3A_927 : i32
      %sign3A_929 = arith.extui %sign3A_928 : i1 to i32
      %sign3A_930 = arith.subi %sign3A_926, %sign3A_929 : i32
      %sign3A_931 = arith.constant 0 : i32
      %sign3A_932 = arith.cmpi sgt, %jit3A_922, %sign3A_931 : i32
      %sign3A_933 = arith.extui %sign3A_932 : i1 to i32
      %sign3A_934 = arith.constant 0 : i32
      %sign3A_935 = arith.cmpi slt, %jit3A_922, %sign3A_934 : i32
      %sign3A_936 = arith.extui %sign3A_935 : i1 to i32
      %sign3A_937 = arith.subi %sign3A_933, %sign3A_936 : i32
      %ne3A_938 = arith.cmpi ne, %sign3A_930, %sign3A_937 : i32
      %rem3A_939 = arith.remsi %squeeze3A_919, %jit3A_922 : i32
      %ne3A_940 = arith.constant 0 : i32
      %ne3A_941 = arith.cmpi ne, %rem3A_939, %ne3A_940 : i32
      %and3A_942 = arith.andi %ne3A_938, %ne3A_941 : i1
      %sub3A_943 = arith.constant 1 : i32
      %sub3A_944 = arith.subi %div3A_923, %sub3A_943 : i32
      %select_n3A_945 = arith.select %and3A_942, %sub3A_944, %div3A_923 : i32
      %mul3A_946 = arith.constant 128 : i32
      %mul3A_947 = arith.muli %select_n3A_945, %mul3A_946 : i32
      %multiple_of3A_948 = tpu.assume_multiple %mul3A_947, 128 : i32
      %jit3A_949 = arith.constant 128 : i32
      %div3A_950 = arith.divsi %squeeze3A_921, %jit3A_949 : i32
      %sign3A_951 = arith.constant 0 : i32
      %sign3A_952 = arith.cmpi sgt, %squeeze3A_921, %sign3A_951 : i32
      %sign3A_953 = arith.extui %sign3A_952 : i1 to i32
      %sign3A_954 = arith.constant 0 : i32
      %sign3A_955 = arith.cmpi slt, %squeeze3A_921, %sign3A_954 : i32
      %sign3A_956 = arith.extui %sign3A_955 : i1 to i32
      %sign3A_957 = arith.subi %sign3A_953, %sign3A_956 : i32
      %sign3A_958 = arith.constant 0 : i32
      %sign3A_959 = arith.cmpi sgt, %jit3A_949, %sign3A_958 : i32
      %sign3A_960 = arith.extui %sign3A_959 : i1 to i32
      %sign3A_961 = arith.constant 0 : i32
      %sign3A_962 = arith.cmpi slt, %jit3A_949, %sign3A_961 : i32
      %sign3A_963 = arith.extui %sign3A_962 : i1 to i32
      %sign3A_964 = arith.subi %sign3A_960, %sign3A_963 : i32
      %ne3A_965 = arith.cmpi ne, %sign3A_957, %sign3A_964 : i32
      %rem3A_966 = arith.remsi %squeeze3A_921, %jit3A_949 : i32
      %ne3A_967 = arith.constant 0 : i32
      %ne3A_968 = arith.cmpi ne, %rem3A_966, %ne3A_967 : i32
      %and3A_969 = arith.andi %ne3A_965, %ne3A_968 : i1
      %sub3A_970 = arith.constant 1 : i32
      %sub3A_971 = arith.subi %div3A_950, %sub3A_970 : i32
      %select_n3A_972 = arith.select %and3A_969, %sub3A_971, %div3A_950 : i32
      %mul3A_973 = arith.constant 128 : i32
      %mul3A_974 = arith.muli %select_n3A_972, %mul3A_973 : i32
      %multiple_of3A_975 = tpu.assume_multiple %mul3A_974, 128 : i32
      %dma_start3A_976 = arith.constant 1 : i32
      %dma_start3A_977 = arith.constant 0 : i32
      %dma_start3A_978 = arith.constant 0 : i32
      %dma_start3A_979 = tpu.memref_slice %arg10[%dma_start3A_976, %dma_start3A_977, %dma_start3A_978] : memref<8x32x128xf32, #tpu.memory_space<vmem>> -> memref<1x32x128xf32, #tpu.memory_space<vmem>>
      %dma_start3A_980 = tpu.memref_squeeze %dma_start3A_979 : memref<1x32x128xf32, #tpu.memory_space<vmem>> -> memref<32x128xf32, #tpu.memory_space<vmem>>
      %dma_start3A_981 = arith.constant 0 : i32
      %dma_start3A_982 = tpu.memref_slice %arg4[%dma_start3A_981, %multiple_of3A_948] : memref<32x10000001xf32, #tpu.memory_space<hbm>> -> memref<32x128xf32, #tpu.memory_space<hbm>>
      %dma_start3A_983 = arith.constant 0 : i32
      %dma_start3A_984 = arith.constant 0 : i32
      %dma_start3A_985 = tpu.memref_slice %arg10[%dma_start3A_976, %dma_start3A_983, %dma_start3A_984] : memref<8x32x128xf32, #tpu.memory_space<vmem>> -> memref<1x32x128xf32, #tpu.memory_space<vmem>>
      %dma_start3A_986 = tpu.memref_squeeze %dma_start3A_985 : memref<1x32x128xf32, #tpu.memory_space<vmem>> -> memref<32x128xf32, #tpu.memory_space<vmem>>
      %dma_start3A_987 = arith.constant 0 : i32
      %dma_start3A_988 = tpu.memref_slice %arg4[%dma_start3A_987, %multiple_of3A_948] : memref<32x10000001xf32, #tpu.memory_space<hbm>> -> memref<32x128xf32, #tpu.memory_space<hbm>>
      tpu.enqueue_dma source(%dma_start3A_988 : memref<32x128xf32, #tpu.memory_space<hbm>>) target(%dma_start3A_986 : memref<32x128xf32, #tpu.memory_space<vmem>>) target_semaphore(%arg14 : memref<!tpu.dma_semaphore, #tpu.memory_space<semaphore_mem>>)
      %dma_start3A_989 = arith.constant 1 : i32
      %dma_start3A_990 = arith.constant 0 : i32
      %dma_start3A_991 = arith.constant 0 : i32
      %dma_start3A_992 = tpu.memref_slice %arg11[%dma_start3A_989, %dma_start3A_990, %dma_start3A_991] : memref<8x32x128xf32, #tpu.memory_space<vmem>> -> memref<1x32x128xf32, #tpu.memory_space<vmem>>
      %dma_start3A_993 = tpu.memref_squeeze %dma_start3A_992 : memref<1x32x128xf32, #tpu.memory_space<vmem>> -> memref<32x128xf32, #tpu.memory_space<vmem>>
      %dma_start3A_994 = arith.constant 0 : i32
      %dma_start3A_995 = tpu.memref_slice %arg5[%dma_start3A_994, %multiple_of3A_975] : memref<32x10000001xf32, #tpu.memory_space<hbm>> -> memref<32x128xf32, #tpu.memory_space<hbm>>
      %dma_start3A_996 = arith.constant 0 : i32
      %dma_start3A_997 = arith.constant 0 : i32
      %dma_start3A_998 = tpu.memref_slice %arg11[%dma_start3A_989, %dma_start3A_996, %dma_start3A_997] : memref<8x32x128xf32, #tpu.memory_space<vmem>> -> memref<1x32x128xf32, #tpu.memory_space<vmem>>
      %dma_start3A_999 = tpu.memref_squeeze %dma_start3A_998 : memref<1x32x128xf32, #tpu.memory_space<vmem>> -> memref<32x128xf32, #tpu.memory_space<vmem>>
      %dma_start3A_1000 = arith.constant 0 : i32
      %dma_start3A_1001 = tpu.memref_slice %arg5[%dma_start3A_1000, %multiple_of3A_975] : memref<32x10000001xf32, #tpu.memory_space<hbm>> -> memref<32x128xf32, #tpu.memory_space<hbm>>
      tpu.enqueue_dma source(%dma_start3A_1001 : memref<32x128xf32, #tpu.memory_space<hbm>>) target(%dma_start3A_999 : memref<32x128xf32, #tpu.memory_space<vmem>>) target_semaphore(%arg15 : memref<!tpu.dma_semaphore, #tpu.memory_space<semaphore_mem>>)
      %dma_wait3A_1002 = arith.constant 2 : i32
      %dma_wait3A_1003 = arith.constant 0 : i32
      %dma_wait3A_1004 = arith.constant 0 : i32
      %dma_wait3A_1005 = tpu.memref_slice %arg10[%dma_wait3A_1002, %dma_wait3A_1003, %dma_wait3A_1004] : memref<8x32x128xf32, #tpu.memory_space<vmem>> -> memref<1x32x128xf32, #tpu.memory_space<vmem>>
      %dma_wait3A_1006 = tpu.memref_squeeze %dma_wait3A_1005 : memref<1x32x128xf32, #tpu.memory_space<vmem>> -> memref<32x128xf32, #tpu.memory_space<vmem>>
      %dma_wait3A_1007 = arith.constant 0 : i32
      %dma_wait3A_1008 = arith.constant 0 : i32
      %dma_wait3A_1009 = tpu.memref_slice %arg4[%dma_wait3A_1007, %dma_wait3A_1008] : memref<32x10000001xf32, #tpu.memory_space<hbm>> -> memref<32x128xf32, #tpu.memory_space<hbm>>
      %dma_wait3A_1010 = arith.constant 0 : i32
      %dma_wait3A_1011 = arith.constant 0 : i32
      %dma_wait3A_1012 = tpu.memref_slice %arg10[%dma_wait3A_1002, %dma_wait3A_1010, %dma_wait3A_1011] : memref<8x32x128xf32, #tpu.memory_space<vmem>> -> memref<1x32x128xf32, #tpu.memory_space<vmem>>
      %dma_wait3A_1013 = tpu.memref_squeeze %dma_wait3A_1012 : memref<1x32x128xf32, #tpu.memory_space<vmem>> -> memref<32x128xf32, #tpu.memory_space<vmem>>
      %dma_wait3A_1014 = arith.constant 0 : i32
      %dma_wait3A_1015 = arith.constant 0 : i32
      %dma_wait3A_1016 = tpu.memref_slice %arg4[%dma_wait3A_1014, %dma_wait3A_1015] : memref<32x10000001xf32, #tpu.memory_space<hbm>> -> memref<32x128xf32, #tpu.memory_space<hbm>>
      tpu.wait_dma2 semaphore(%arg14 : memref<!tpu.dma_semaphore, #tpu.memory_space<semaphore_mem>>) src(%dma_wait3A_1016 : memref<32x128xf32, #tpu.memory_space<hbm>>) dst(%dma_wait3A_1013 : memref<32x128xf32, #tpu.memory_space<vmem>>)
      %dma_wait3A_1017 = arith.constant 2 : i32
      %dma_wait3A_1018 = arith.constant 0 : i32
      %dma_wait3A_1019 = arith.constant 0 : i32
      %dma_wait3A_1020 = tpu.memref_slice %arg11[%dma_wait3A_1017, %dma_wait3A_1018, %dma_wait3A_1019] : memref<8x32x128xf32, #tpu.memory_space<vmem>> -> memref<1x32x128xf32, #tpu.memory_space<vmem>>
      %dma_wait3A_1021 = tpu.memref_squeeze %dma_wait3A_1020 : memref<1x32x128xf32, #tpu.memory_space<vmem>> -> memref<32x128xf32, #tpu.memory_space<vmem>>
      %dma_wait3A_1022 = arith.constant 0 : i32
      %dma_wait3A_1023 = arith.constant 0 : i32
      %dma_wait3A_1024 = tpu.memref_slice %arg5[%dma_wait3A_1022, %dma_wait3A_1023] : memref<32x10000001xf32, #tpu.memory_space<hbm>> -> memref<32x128xf32, #tpu.memory_space<hbm>>
      %dma_wait3A_1025 = arith.constant 0 : i32
      %dma_wait3A_1026 = arith.constant 0 : i32
      %dma_wait3A_1027 = tpu.memref_slice %arg11[%dma_wait3A_1017, %dma_wait3A_1025, %dma_wait3A_1026] : memref<8x32x128xf32, #tpu.memory_space<vmem>> -> memref<1x32x128xf32, #tpu.memory_space<vmem>>
      %dma_wait3A_1028 = tpu.memref_squeeze %dma_wait3A_1027 : memref<1x32x128xf32, #tpu.memory_space<vmem>> -> memref<32x128xf32, #tpu.memory_space<vmem>>
      %dma_wait3A_1029 = arith.constant 0 : i32
      %dma_wait3A_1030 = arith.constant 0 : i32
      %dma_wait3A_1031 = tpu.memref_slice %arg5[%dma_wait3A_1029, %dma_wait3A_1030] : memref<32x10000001xf32, #tpu.memory_space<hbm>> -> memref<32x128xf32, #tpu.memory_space<hbm>>
      tpu.wait_dma2 semaphore(%arg15 : memref<!tpu.dma_semaphore, #tpu.memory_space<semaphore_mem>>) src(%dma_wait3A_1031 : memref<32x128xf32, #tpu.memory_space<hbm>>) dst(%dma_wait3A_1028 : memref<32x128xf32, #tpu.memory_space<vmem>>)
      %slice3A_1032 = vector.extract_strided_slice %get3A_596 {offsets = [2], sizes = [1], strides = [1]} : vector<16xi32> to vector<1xi32>
      %squeeze3A_1033 = vector.extract %slice3A_1032[0] : i32 from vector<1xi32>
      %rem3A_1034 = arith.constant 128 : i32
      %rem3A_1035 = arith.remsi %squeeze3A_1033, %rem3A_1034 : i32
      %broadcast_in_dim3A_1036 = vector.broadcast %rem3A_1035 : i32 to vector<16xi32>
      %slice3A_1037 = vector.extract_strided_slice %get3A_600 {offsets = [2], sizes = [1], strides = [1]} : vector<16xi32> to vector<1xi32>
      %squeeze3A_1038 = vector.extract %slice3A_1037[0] : i32 from vector<1xi32>
      %rem3A_1039 = arith.constant 128 : i32
      %rem3A_1040 = arith.remsi %squeeze3A_1038, %rem3A_1039 : i32
      %broadcast_in_dim3A_1041 = vector.broadcast %rem3A_1040 : i32 to vector<16xi32>
      %gather3A_1042 = arith.constant 2 : i32
      %gather3A_1043 = arith.constant 0 : i32
      %gather3A_1044 = arith.constant 0 : i32
      %gather3A_1045 = tpu.memref_slice %arg10[%gather3A_1042, %gather3A_1043, %gather3A_1044] : memref<8x32x128xf32, #tpu.memory_space<vmem>> -> memref<1x32x128xf32, #tpu.memory_space<vmem>>
      %gather3A_1046 = tpu.memref_squeeze %gather3A_1045 : memref<1x32x128xf32, #tpu.memory_space<vmem>> -> memref<32x128xf32, #tpu.memory_space<vmem>>
      %gather3A_1047 = tpu.vector_load_idx %gather3A_1046[%iota3A, %broadcast_in_dim3A_1036] : memref<32x128xf32, #tpu.memory_space<vmem>>[vector<16xi32>, vector<16xi32>], vector<16xf32>,
      %gather3A_1048 = arith.constant 2 : i32
      %gather3A_1049 = arith.constant 0 : i32
      %gather3A_1050 = arith.constant 0 : i32
      %gather3A_1051 = tpu.memref_slice %arg10[%gather3A_1048, %gather3A_1049, %gather3A_1050] : memref<8x32x128xf32, #tpu.memory_space<vmem>> -> memref<1x32x128xf32, #tpu.memory_space<vmem>>
      %gather3A_1052 = tpu.memref_squeeze %gather3A_1051 : memref<1x32x128xf32, #tpu.memory_space<vmem>> -> memref<32x128xf32, #tpu.memory_space<vmem>>
      %gather3A_1053 = tpu.vector_load_idx %gather3A_1052[%add3A_6, %broadcast_in_dim3A_1036] : memref<32x128xf32, #tpu.memory_space<vmem>>[vector<16xi32>, vector<16xi32>], vector<16xf32>,
      %gather3A_1054 = arith.constant 2 : i32
      %gather3A_1055 = arith.constant 0 : i32
      %gather3A_1056 = arith.constant 0 : i32
      %gather3A_1057 = tpu.memref_slice %arg11[%gather3A_1054, %gather3A_1055, %gather3A_1056] : memref<8x32x128xf32, #tpu.memory_space<vmem>> -> memref<1x32x128xf32, #tpu.memory_space<vmem>>
      %gather3A_1058 = tpu.memref_squeeze %gather3A_1057 : memref<1x32x128xf32, #tpu.memory_space<vmem>> -> memref<32x128xf32, #tpu.memory_space<vmem>>
      %gather3A_1059 = tpu.vector_load_idx %gather3A_1058[%iota3A, %broadcast_in_dim3A_1041] : memref<32x128xf32, #tpu.memory_space<vmem>>[vector<16xi32>, vector<16xi32>], vector<16xf32>,
      %gather3A_1060 = arith.constant 2 : i32
      %gather3A_1061 = arith.constant 0 : i32
      %gather3A_1062 = arith.constant 0 : i32
      %gather3A_1063 = tpu.memref_slice %arg11[%gather3A_1060, %gather3A_1061, %gather3A_1062] : memref<8x32x128xf32, #tpu.memory_space<vmem>> -> memref<1x32x128xf32, #tpu.memory_space<vmem>>
      %gather3A_1064 = tpu.memref_squeeze %gather3A_1063 : memref<1x32x128xf32, #tpu.memory_space<vmem>> -> memref<32x128xf32, #tpu.memory_space<vmem>>
      %gather3A_1065 = tpu.vector_load_idx %gather3A_1064[%add3A_6, %broadcast_in_dim3A_1041] : memref<32x128xf32, #tpu.memory_space<vmem>>[vector<16xi32>, vector<16xi32>], vector<16xf32>,
      %mul3A_1066 = arith.mulf %gather3A_1047, %gather3A_1059 : vector<16xf32>
      %mul3A_1067 = arith.mulf %gather3A_1053, %gather3A_1065 : vector<16xf32>
      %add3A_1068 = arith.addf %mul3A_1066, %mul3A_1067 : vector<16xf32>
      %reduce_sum3A_1069 = arith.constant true
      %reduce_sum3A_1070 = vector.broadcast %reduce_sum3A_1069 : i1 to vector<16xi1>
      %reduce_sum3A_1071 = tpu.scan <sum>, %add3A_1068 masked %reduce_sum3A_1070 : vector<16xf32>, vector<16xi1> -> vector<16xf32>
      %reduce_sum3A_1072 = vector.extract %reduce_sum3A_1071[15] : f32 from vector<16xf32>
      %eq3A_1073 = arith.constant 2 : i32
      %eq3A_1074 = vector.broadcast %eq3A_1073 : i32 to vector<16xi32>
      %eq3A_1075 = arith.cmpi eq, %iota3A, %eq3A_1074 : vector<16xi32>
      %broadcast_in_dim3A_1076 = vector.broadcast %reduce_sum3A_1072 : f32 to vector<16xf32>
      %select_n3A_1077 = arith.select %eq3A_1075, %broadcast_in_dim3A_1076, %select_n3A_917 : vector<16xi1>, vector<16xf32>
      %slice3A_1078 = vector.extract_strided_slice %get3A_596 {offsets = [10], sizes = [1], strides = [1]} : vector<16xi32> to vector<1xi32>
      %squeeze3A_1079 = vector.extract %slice3A_1078[0] : i32 from vector<1xi32>
      %slice3A_1080 = vector.extract_strided_slice %get3A_600 {offsets = [10], sizes = [1], strides = [1]} : vector<16xi32> to vector<1xi32>
      %squeeze3A_1081 = vector.extract %slice3A_1080[0] : i32 from vector<1xi32>
      %jit3A_1082 = arith.constant 128 : i32
      %div3A_1083 = arith.divsi %squeeze3A_1079, %jit3A_1082 : i32
      %sign3A_1084 = arith.constant 0 : i32
      %sign3A_1085 = arith.cmpi sgt, %squeeze3A_1079, %sign3A_1084 : i32
      %sign3A_1086 = arith.extui %sign3A_1085 : i1 to i32
      %sign3A_1087 = arith.constant 0 : i32
      %sign3A_1088 = arith.cmpi slt, %squeeze3A_1079, %sign3A_1087 : i32
      %sign3A_1089 = arith.extui %sign3A_1088 : i1 to i32
      %sign3A_1090 = arith.subi %sign3A_1086, %sign3A_1089 : i32
      %sign3A_1091 = arith.constant 0 : i32
      %sign3A_1092 = arith.cmpi sgt, %jit3A_1082, %sign3A_1091 : i32
      %sign3A_1093 = arith.extui %sign3A_1092 : i1 to i32
      %sign3A_1094 = arith.constant 0 : i32
      %sign3A_1095 = arith.cmpi slt, %jit3A_1082, %sign3A_1094 : i32
      %sign3A_1096 = arith.extui %sign3A_1095 : i1 to i32
      %sign3A_1097 = arith.subi %sign3A_1093, %sign3A_1096 : i32
      %ne3A_1098 = arith.cmpi ne, %sign3A_1090, %sign3A_1097 : i32
      %rem3A_1099 = arith.remsi %squeeze3A_1079, %jit3A_1082 : i32
      %ne3A_1100 = arith.constant 0 : i32
      %ne3A_1101 = arith.cmpi ne, %rem3A_1099, %ne3A_1100 : i32
      %and3A_1102 = arith.andi %ne3A_1098, %ne3A_1101 : i1
      %sub3A_1103 = arith.constant 1 : i32
      %sub3A_1104 = arith.subi %div3A_1083, %sub3A_1103 : i32
      %select_n3A_1105 = arith.select %and3A_1102, %sub3A_1104, %div3A_1083 : i32
      %mul3A_1106 = arith.constant 128 : i32
      %mul3A_1107 = arith.muli %select_n3A_1105, %mul3A_1106 : i32
      %multiple_of3A_1108 = tpu.assume_multiple %mul3A_1107, 128 : i32
      %jit3A_1109 = arith.constant 128 : i32
      %div3A_1110 = arith.divsi %squeeze3A_1081, %jit3A_1109 : i32
      %sign3A_1111 = arith.constant 0 : i32
      %sign3A_1112 = arith.cmpi sgt, %squeeze3A_1081, %sign3A_1111 : i32
      %sign3A_1113 = arith.extui %sign3A_1112 : i1 to i32
      %sign3A_1114 = arith.constant 0 : i32
      %sign3A_1115 = arith.cmpi slt, %squeeze3A_1081, %sign3A_1114 : i32
      %sign3A_1116 = arith.extui %sign3A_1115 : i1 to i32
      %sign3A_1117 = arith.subi %sign3A_1113, %sign3A_1116 : i32
      %sign3A_1118 = arith.constant 0 : i32
      %sign3A_1119 = arith.cmpi sgt, %jit3A_1109, %sign3A_1118 : i32
      %sign3A_1120 = arith.extui %sign3A_1119 : i1 to i32
      %sign3A_1121 = arith.constant 0 : i32
      %sign3A_1122 = arith.cmpi slt, %jit3A_1109, %sign3A_1121 : i32
      %sign3A_1123 = arith.extui %sign3A_1122 : i1 to i32
      %sign3A_1124 = arith.subi %sign3A_1120, %sign3A_1123 : i32
      %ne3A_1125 = arith.cmpi ne, %sign3A_1117, %sign3A_1124 : i32
      %rem3A_1126 = arith.remsi %squeeze3A_1081, %jit3A_1109 : i32
      %ne3A_1127 = arith.constant 0 : i32
      %ne3A_1128 = arith.cmpi ne, %rem3A_1126, %ne3A_1127 : i32
      %and3A_1129 = arith.andi %ne3A_1125, %ne3A_1128 : i1
      %sub3A_1130 = arith.constant 1 : i32
      %sub3A_1131 = arith.subi %div3A_1110, %sub3A_1130 : i32
      %select_n3A_1132 = arith.select %and3A_1129, %sub3A_1131, %div3A_1110 : i32
      %mul3A_1133 = arith.constant 128 : i32
      %mul3A_1134 = arith.muli %select_n3A_1132, %mul3A_1133 : i32
      %multiple_of3A_1135 = tpu.assume_multiple %mul3A_1134, 128 : i32
      %dma_start3A_1136 = arith.constant 2 : i32
      %dma_start3A_1137 = arith.constant 0 : i32
      %dma_start3A_1138 = arith.constant 0 : i32
      %dma_start3A_1139 = tpu.memref_slice %arg10[%dma_start3A_1136, %dma_start3A_1137, %dma_start3A_1138] : memref<8x32x128xf32, #tpu.memory_space<vmem>> -> memref<1x32x128xf32, #tpu.memory_space<vmem>>
      %dma_start3A_1140 = tpu.memref_squeeze %dma_start3A_1139 : memref<1x32x128xf32, #tpu.memory_space<vmem>> -> memref<32x128xf32, #tpu.memory_space<vmem>>
      %dma_start3A_1141 = arith.constant 0 : i32
      %dma_start3A_1142 = tpu.memref_slice %arg4[%dma_start3A_1141, %multiple_of3A_1108] : memref<32x10000001xf32, #tpu.memory_space<hbm>> -> memref<32x128xf32, #tpu.memory_space<hbm>>
      %dma_start3A_1143 = arith.constant 0 : i32
      %dma_start3A_1144 = arith.constant 0 : i32
      %dma_start3A_1145 = tpu.memref_slice %arg10[%dma_start3A_1136, %dma_start3A_1143, %dma_start3A_1144] : memref<8x32x128xf32, #tpu.memory_space<vmem>> -> memref<1x32x128xf32, #tpu.memory_space<vmem>>
      %dma_start3A_1146 = tpu.memref_squeeze %dma_start3A_1145 : memref<1x32x128xf32, #tpu.memory_space<vmem>> -> memref<32x128xf32, #tpu.memory_space<vmem>>
      %dma_start3A_1147 = arith.constant 0 : i32
      %dma_start3A_1148 = tpu.memref_slice %arg4[%dma_start3A_1147, %multiple_of3A_1108] : memref<32x10000001xf32, #tpu.memory_space<hbm>> -> memref<32x128xf32, #tpu.memory_space<hbm>>
      tpu.enqueue_dma source(%dma_start3A_1148 : memref<32x128xf32, #tpu.memory_space<hbm>>) target(%dma_start3A_1146 : memref<32x128xf32, #tpu.memory_space<vmem>>) target_semaphore(%arg14 : memref<!tpu.dma_semaphore, #tpu.memory_space<semaphore_mem>>)
      %dma_start3A_1149 = arith.constant 2 : i32
      %dma_start3A_1150 = arith.constant 0 : i32
      %dma_start3A_1151 = arith.constant 0 : i32
      %dma_start3A_1152 = tpu.memref_slice %arg11[%dma_start3A_1149, %dma_start3A_1150, %dma_start3A_1151] : memref<8x32x128xf32, #tpu.memory_space<vmem>> -> memref<1x32x128xf32, #tpu.memory_space<vmem>>
      %dma_start3A_1153 = tpu.memref_squeeze %dma_start3A_1152 : memref<1x32x128xf32, #tpu.memory_space<vmem>> -> memref<32x128xf32, #tpu.memory_space<vmem>>
      %dma_start3A_1154 = arith.constant 0 : i32
      %dma_start3A_1155 = tpu.memref_slice %arg5[%dma_start3A_1154, %multiple_of3A_1135] : memref<32x10000001xf32, #tpu.memory_space<hbm>> -> memref<32x128xf32, #tpu.memory_space<hbm>>
      %dma_start3A_1156 = arith.constant 0 : i32
      %dma_start3A_1157 = arith.constant 0 : i32
      %dma_start3A_1158 = tpu.memref_slice %arg11[%dma_start3A_1149, %dma_start3A_1156, %dma_start3A_1157] : memref<8x32x128xf32, #tpu.memory_space<vmem>> -> memref<1x32x128xf32, #tpu.memory_space<vmem>>
      %dma_start3A_1159 = tpu.memref_squeeze %dma_start3A_1158 : memref<1x32x128xf32, #tpu.memory_space<vmem>> -> memref<32x128xf32, #tpu.memory_space<vmem>>
      %dma_start3A_1160 = arith.constant 0 : i32
      %dma_start3A_1161 = tpu.memref_slice %arg5[%dma_start3A_1160, %multiple_of3A_1135] : memref<32x10000001xf32, #tpu.memory_space<hbm>> -> memref<32x128xf32, #tpu.memory_space<hbm>>
      tpu.enqueue_dma source(%dma_start3A_1161 : memref<32x128xf32, #tpu.memory_space<hbm>>) target(%dma_start3A_1159 : memref<32x128xf32, #tpu.memory_space<vmem>>) target_semaphore(%arg15 : memref<!tpu.dma_semaphore, #tpu.memory_space<semaphore_mem>>)
      %dma_wait3A_1162 = arith.constant 3 : i32
      %dma_wait3A_1163 = arith.constant 0 : i32
      %dma_wait3A_1164 = arith.constant 0 : i32
      %dma_wait3A_1165 = tpu.memref_slice %arg10[%dma_wait3A_1162, %dma_wait3A_1163, %dma_wait3A_1164] : memref<8x32x128xf32, #tpu.memory_space<vmem>> -> memref<1x32x128xf32, #tpu.memory_space<vmem>>
      %dma_wait3A_1166 = tpu.memref_squeeze %dma_wait3A_1165 : memref<1x32x128xf32, #tpu.memory_space<vmem>> -> memref<32x128xf32, #tpu.memory_space<vmem>>
      %dma_wait3A_1167 = arith.constant 0 : i32
      %dma_wait3A_1168 = arith.constant 0 : i32
      %dma_wait3A_1169 = tpu.memref_slice %arg4[%dma_wait3A_1167, %dma_wait3A_1168] : memref<32x10000001xf32, #tpu.memory_space<hbm>> -> memref<32x128xf32, #tpu.memory_space<hbm>>
      %dma_wait3A_1170 = arith.constant 0 : i32
      %dma_wait3A_1171 = arith.constant 0 : i32
      %dma_wait3A_1172 = tpu.memref_slice %arg10[%dma_wait3A_1162, %dma_wait3A_1170, %dma_wait3A_1171] : memref<8x32x128xf32, #tpu.memory_space<vmem>> -> memref<1x32x128xf32, #tpu.memory_space<vmem>>
      %dma_wait3A_1173 = tpu.memref_squeeze %dma_wait3A_1172 : memref<1x32x128xf32, #tpu.memory_space<vmem>> -> memref<32x128xf32, #tpu.memory_space<vmem>>
      %dma_wait3A_1174 = arith.constant 0 : i32
      %dma_wait3A_1175 = arith.constant 0 : i32
      %dma_wait3A_1176 = tpu.memref_slice %arg4[%dma_wait3A_1174, %dma_wait3A_1175] : memref<32x10000001xf32, #tpu.memory_space<hbm>> -> memref<32x128xf32, #tpu.memory_space<hbm>>
      tpu.wait_dma2 semaphore(%arg14 : memref<!tpu.dma_semaphore, #tpu.memory_space<semaphore_mem>>) src(%dma_wait3A_1176 : memref<32x128xf32, #tpu.memory_space<hbm>>) dst(%dma_wait3A_1173 : memref<32x128xf32, #tpu.memory_space<vmem>>)
      %dma_wait3A_1177 = arith.constant 3 : i32
      %dma_wait3A_1178 = arith.constant 0 : i32
      %dma_wait3A_1179 = arith.constant 0 : i32
      %dma_wait3A_1180 = tpu.memref_slice %arg11[%dma_wait3A_1177, %dma_wait3A_1178, %dma_wait3A_1179] : memref<8x32x128xf32, #tpu.memory_space<vmem>> -> memref<1x32x128xf32, #tpu.memory_space<vmem>>
      %dma_wait3A_1181 = tpu.memref_squeeze %dma_wait3A_1180 : memref<1x32x128xf32, #tpu.memory_space<vmem>> -> memref<32x128xf32, #tpu.memory_space<vmem>>
      %dma_wait3A_1182 = arith.constant 0 : i32
      %dma_wait3A_1183 = arith.constant 0 : i32
      %dma_wait3A_1184 = tpu.memref_slice %arg5[%dma_wait3A_1182, %dma_wait3A_1183] : memref<32x10000001xf32, #tpu.memory_space<hbm>> -> memref<32x128xf32, #tpu.memory_space<hbm>>
      %dma_wait3A_1185 = arith.constant 0 : i32
      %dma_wait3A_1186 = arith.constant 0 : i32
      %dma_wait3A_1187 = tpu.memref_slice %arg11[%dma_wait3A_1177, %dma_wait3A_1185, %dma_wait3A_1186] : memref<8x32x128xf32, #tpu.memory_space<vmem>> -> memref<1x32x128xf32, #tpu.memory_space<vmem>>
      %dma_wait3A_1188 = tpu.memref_squeeze %dma_wait3A_1187 : memref<1x32x128xf32, #tpu.memory_space<vmem>> -> memref<32x128xf32, #tpu.memory_space<vmem>>
      %dma_wait3A_1189 = arith.constant 0 : i32
      %dma_wait3A_1190 = arith.constant 0 : i32
      %dma_wait3A_1191 = tpu.memref_slice %arg5[%dma_wait3A_1189, %dma_wait3A_1190] : memref<32x10000001xf32, #tpu.memory_space<hbm>> -> memref<32x128xf32, #tpu.memory_space<hbm>>
      tpu.wait_dma2 semaphore(%arg15 : memref<!tpu.dma_semaphore, #tpu.memory_space<semaphore_mem>>) src(%dma_wait3A_1191 : memref<32x128xf32, #tpu.memory_space<hbm>>) dst(%dma_wait3A_1188 : memref<32x128xf32, #tpu.memory_space<vmem>>)
      %slice3A_1192 = vector.extract_strided_slice %get3A_596 {offsets = [3], sizes = [1], strides = [1]} : vector<16xi32> to vector<1xi32>
      %squeeze3A_1193 = vector.extract %slice3A_1192[0] : i32 from vector<1xi32>
      %rem3A_1194 = arith.constant 128 : i32
      %rem3A_1195 = arith.remsi %squeeze3A_1193, %rem3A_1194 : i32
      %broadcast_in_dim3A_1196 = vector.broadcast %rem3A_1195 : i32 to vector<16xi32>
      %slice3A_1197 = vector.extract_strided_slice %get3A_600 {offsets = [3], sizes = [1], strides = [1]} : vector<16xi32> to vector<1xi32>
      %squeeze3A_1198 = vector.extract %slice3A_1197[0] : i32 from vector<1xi32>
      %rem3A_1199 = arith.constant 128 : i32
      %rem3A_1200 = arith.remsi %squeeze3A_1198, %rem3A_1199 : i32
      %broadcast_in_dim3A_1201 = vector.broadcast %rem3A_1200 : i32 to vector<16xi32>
      %gather3A_1202 = arith.constant 3 : i32
      %gather3A_1203 = arith.constant 0 : i32
      %gather3A_1204 = arith.constant 0 : i32
      %gather3A_1205 = tpu.memref_slice %arg10[%gather3A_1202, %gather3A_1203, %gather3A_1204] : memref<8x32x128xf32, #tpu.memory_space<vmem>> -> memref<1x32x128xf32, #tpu.memory_space<vmem>>
      %gather3A_1206 = tpu.memref_squeeze %gather3A_1205 : memref<1x32x128xf32, #tpu.memory_space<vmem>> -> memref<32x128xf32, #tpu.memory_space<vmem>>
      %gather3A_1207 = tpu.vector_load_idx %gather3A_1206[%iota3A, %broadcast_in_dim3A_1196] : memref<32x128xf32, #tpu.memory_space<vmem>>[vector<16xi32>, vector<16xi32>], vector<16xf32>,
      %gather3A_1208 = arith.constant 3 : i32
      %gather3A_1209 = arith.constant 0 : i32
      %gather3A_1210 = arith.constant 0 : i32
      %gather3A_1211 = tpu.memref_slice %arg10[%gather3A_1208, %gather3A_1209, %gather3A_1210] : memref<8x32x128xf32, #tpu.memory_space<vmem>> -> memref<1x32x128xf32, #tpu.memory_space<vmem>>
      %gather3A_1212 = tpu.memref_squeeze %gather3A_1211 : memref<1x32x128xf32, #tpu.memory_space<vmem>> -> memref<32x128xf32, #tpu.memory_space<vmem>>
      %gather3A_1213 = tpu.vector_load_idx %gather3A_1212[%add3A_6, %broadcast_in_dim3A_1196] : memref<32x128xf32, #tpu.memory_space<vmem>>[vector<16xi32>, vector<16xi32>], vector<16xf32>,
      %gather3A_1214 = arith.constant 3 : i32
      %gather3A_1215 = arith.constant 0 : i32
      %gather3A_1216 = arith.constant 0 : i32
      %gather3A_1217 = tpu.memref_slice %arg11[%gather3A_1214, %gather3A_1215, %gather3A_1216] : memref<8x32x128xf32, #tpu.memory_space<vmem>> -> memref<1x32x128xf32, #tpu.memory_space<vmem>>
      %gather3A_1218 = tpu.memref_squeeze %gather3A_1217 : memref<1x32x128xf32, #tpu.memory_space<vmem>> -> memref<32x128xf32, #tpu.memory_space<vmem>>
      %gather3A_1219 = tpu.vector_load_idx %gather3A_1218[%iota3A, %broadcast_in_dim3A_1201] : memref<32x128xf32, #tpu.memory_space<vmem>>[vector<16xi32>, vector<16xi32>], vector<16xf32>,
      %gather3A_1220 = arith.constant 3 : i32
      %gather3A_1221 = arith.constant 0 : i32
      %gather3A_1222 = arith.constant 0 : i32
      %gather3A_1223 = tpu.memref_slice %arg11[%gather3A_1220, %gather3A_1221, %gather3A_1222] : memref<8x32x128xf32, #tpu.memory_space<vmem>> -> memref<1x32x128xf32, #tpu.memory_space<vmem>>
      %gather3A_1224 = tpu.memref_squeeze %gather3A_1223 : memref<1x32x128xf32, #tpu.memory_space<vmem>> -> memref<32x128xf32, #tpu.memory_space<vmem>>
      %gather3A_1225 = tpu.vector_load_idx %gather3A_1224[%add3A_6, %broadcast_in_dim3A_1201] : memref<32x128xf32, #tpu.memory_space<vmem>>[vector<16xi32>, vector<16xi32>], vector<16xf32>,
      %mul3A_1226 = arith.mulf %gather3A_1207, %gather3A_1219 : vector<16xf32>
      %mul3A_1227 = arith.mulf %gather3A_1213, %gather3A_1225 : vector<16xf32>
      %add3A_1228 = arith.addf %mul3A_1226, %mul3A_1227 : vector<16xf32>
      %reduce_sum3A_1229 = arith.constant true
      %reduce_sum3A_1230 = vector.broadcast %reduce_sum3A_1229 : i1 to vector<16xi1>
      %reduce_sum3A_1231 = tpu.scan <sum>, %add3A_1228 masked %reduce_sum3A_1230 : vector<16xf32>, vector<16xi1> -> vector<16xf32>
      %reduce_sum3A_1232 = vector.extract %reduce_sum3A_1231[15] : f32 from vector<16xf32>
      %eq3A_1233 = arith.constant 3 : i32
      %eq3A_1234 = vector.broadcast %eq3A_1233 : i32 to vector<16xi32>
      %eq3A_1235 = arith.cmpi eq, %iota3A, %eq3A_1234 : vector<16xi32>
      %broadcast_in_dim3A_1236 = vector.broadcast %reduce_sum3A_1232 : f32 to vector<16xf32>
      %select_n3A_1237 = arith.select %eq3A_1235, %broadcast_in_dim3A_1236, %select_n3A_1077 : vector<16xi1>, vector<16xf32>
      %slice3A_1238 = vector.extract_strided_slice %get3A_596 {offsets = [11], sizes = [1], strides = [1]} : vector<16xi32> to vector<1xi32>
      %squeeze3A_1239 = vector.extract %slice3A_1238[0] : i32 from vector<1xi32>
      %slice3A_1240 = vector.extract_strided_slice %get3A_600 {offsets = [11], sizes = [1], strides = [1]} : vector<16xi32> to vector<1xi32>
      %squeeze3A_1241 = vector.extract %slice3A_1240[0] : i32 from vector<1xi32>
      %jit3A_1242 = arith.constant 128 : i32
      %div3A_1243 = arith.divsi %squeeze3A_1239, %jit3A_1242 : i32
      %sign3A_1244 = arith.constant 0 : i32
      %sign3A_1245 = arith.cmpi sgt, %squeeze3A_1239, %sign3A_1244 : i32
      %sign3A_1246 = arith.extui %sign3A_1245 : i1 to i32
      %sign3A_1247 = arith.constant 0 : i32
      %sign3A_1248 = arith.cmpi slt, %squeeze3A_1239, %sign3A_1247 : i32
      %sign3A_1249 = arith.extui %sign3A_1248 : i1 to i32
      %sign3A_1250 = arith.subi %sign3A_1246, %sign3A_1249 : i32
      %sign3A_1251 = arith.constant 0 : i32
      %sign3A_1252 = arith.cmpi sgt, %jit3A_1242, %sign3A_1251 : i32
      %sign3A_1253 = arith.extui %sign3A_1252 : i1 to i32
      %sign3A_1254 = arith.constant 0 : i32
      %sign3A_1255 = arith.cmpi slt, %jit3A_1242, %sign3A_1254 : i32
      %sign3A_1256 = arith.extui %sign3A_1255 : i1 to i32
      %sign3A_1257 = arith.subi %sign3A_1253, %sign3A_1256 : i32
      %ne3A_1258 = arith.cmpi ne, %sign3A_1250, %sign3A_1257 : i32
      %rem3A_1259 = arith.remsi %squeeze3A_1239, %jit3A_1242 : i32
      %ne3A_1260 = arith.constant 0 : i32
      %ne3A_1261 = arith.cmpi ne, %rem3A_1259, %ne3A_1260 : i32
      %and3A_1262 = arith.andi %ne3A_1258, %ne3A_1261 : i1
      %sub3A_1263 = arith.constant 1 : i32
      %sub3A_1264 = arith.subi %div3A_1243, %sub3A_1263 : i32
      %select_n3A_1265 = arith.select %and3A_1262, %sub3A_1264, %div3A_1243 : i32
      %mul3A_1266 = arith.constant 128 : i32
      %mul3A_1267 = arith.muli %select_n3A_1265, %mul3A_1266 : i32
      %multiple_of3A_1268 = tpu.assume_multiple %mul3A_1267, 128 : i32
      %jit3A_1269 = arith.constant 128 : i32
      %div3A_1270 = arith.divsi %squeeze3A_1241, %jit3A_1269 : i32
      %sign3A_1271 = arith.constant 0 : i32
      %sign3A_1272 = arith.cmpi sgt, %squeeze3A_1241, %sign3A_1271 : i32
      %sign3A_1273 = arith.extui %sign3A_1272 : i1 to i32
      %sign3A_1274 = arith.constant 0 : i32
      %sign3A_1275 = arith.cmpi slt, %squeeze3A_1241, %sign3A_1274 : i32
      %sign3A_1276 = arith.extui %sign3A_1275 : i1 to i32
      %sign3A_1277 = arith.subi %sign3A_1273, %sign3A_1276 : i32
      %sign3A_1278 = arith.constant 0 : i32
      %sign3A_1279 = arith.cmpi sgt, %jit3A_1269, %sign3A_1278 : i32
      %sign3A_1280 = arith.extui %sign3A_1279 : i1 to i32
      %sign3A_1281 = arith.constant 0 : i32
      %sign3A_1282 = arith.cmpi slt, %jit3A_1269, %sign3A_1281 : i32
      %sign3A_1283 = arith.extui %sign3A_1282 : i1 to i32
      %sign3A_1284 = arith.subi %sign3A_1280, %sign3A_1283 : i32
      %ne3A_1285 = arith.cmpi ne, %sign3A_1277, %sign3A_1284 : i32
      %rem3A_1286 = arith.remsi %squeeze3A_1241, %jit3A_1269 : i32
      %ne3A_1287 = arith.constant 0 : i32
      %ne3A_1288 = arith.cmpi ne, %rem3A_1286, %ne3A_1287 : i32
      %and3A_1289 = arith.andi %ne3A_1285, %ne3A_1288 : i1
      %sub3A_1290 = arith.constant 1 : i32
      %sub3A_1291 = arith.subi %div3A_1270, %sub3A_1290 : i32
      %select_n3A_1292 = arith.select %and3A_1289, %sub3A_1291, %div3A_1270 : i32
      %mul3A_1293 = arith.constant 128 : i32
      %mul3A_1294 = arith.muli %select_n3A_1292, %mul3A_1293 : i32
      %multiple_of3A_1295 = tpu.assume_multiple %mul3A_1294, 128 : i32
      %dma_start3A_1296 = arith.constant 3 : i32
      %dma_start3A_1297 = arith.constant 0 : i32
      %dma_start3A_1298 = arith.constant 0 : i32
      %dma_start3A_1299 = tpu.memref_slice %arg10[%dma_start3A_1296, %dma_start3A_1297, %dma_start3A_1298] : memref<8x32x128xf32, #tpu.memory_space<vmem>> -> memref<1x32x128xf32, #tpu.memory_space<vmem>>
      %dma_start3A_1300 = tpu.memref_squeeze %dma_start3A_1299 : memref<1x32x128xf32, #tpu.memory_space<vmem>> -> memref<32x128xf32, #tpu.memory_space<vmem>>
      %dma_start3A_1301 = arith.constant 0 : i32
      %dma_start3A_1302 = tpu.memref_slice %arg4[%dma_start3A_1301, %multiple_of3A_1268] : memref<32x10000001xf32, #tpu.memory_space<hbm>> -> memref<32x128xf32, #tpu.memory_space<hbm>>
      %dma_start3A_1303 = arith.constant 0 : i32
      %dma_start3A_1304 = arith.constant 0 : i32
      %dma_start3A_1305 = tpu.memref_slice %arg10[%dma_start3A_1296, %dma_start3A_1303, %dma_start3A_1304] : memref<8x32x128xf32, #tpu.memory_space<vmem>> -> memref<1x32x128xf32, #tpu.memory_space<vmem>>
      %dma_start3A_1306 = tpu.memref_squeeze %dma_start3A_1305 : memref<1x32x128xf32, #tpu.memory_space<vmem>> -> memref<32x128xf32, #tpu.memory_space<vmem>>
      %dma_start3A_1307 = arith.constant 0 : i32
      %dma_start3A_1308 = tpu.memref_slice %arg4[%dma_start3A_1307, %multiple_of3A_1268] : memref<32x10000001xf32, #tpu.memory_space<hbm>> -> memref<32x128xf32, #tpu.memory_space<hbm>>
      tpu.enqueue_dma source(%dma_start3A_1308 : memref<32x128xf32, #tpu.memory_space<hbm>>) target(%dma_start3A_1306 : memref<32x128xf32, #tpu.memory_space<vmem>>) target_semaphore(%arg14 : memref<!tpu.dma_semaphore, #tpu.memory_space<semaphore_mem>>)
      %dma_start3A_1309 = arith.constant 3 : i32
      %dma_start3A_1310 = arith.constant 0 : i32
      %dma_start3A_1311 = arith.constant 0 : i32
      %dma_start3A_1312 = tpu.memref_slice %arg11[%dma_start3A_1309, %dma_start3A_1310, %dma_start3A_1311] : memref<8x32x128xf32, #tpu.memory_space<vmem>> -> memref<1x32x128xf32, #tpu.memory_space<vmem>>
      %dma_start3A_1313 = tpu.memref_squeeze %dma_start3A_1312 : memref<1x32x128xf32, #tpu.memory_space<vmem>> -> memref<32x128xf32, #tpu.memory_space<vmem>>
      %dma_start3A_1314 = arith.constant 0 : i32
      %dma_start3A_1315 = tpu.memref_slice %arg5[%dma_start3A_1314, %multiple_of3A_1295] : memref<32x10000001xf32, #tpu.memory_space<hbm>> -> memref<32x128xf32, #tpu.memory_space<hbm>>
      %dma_start3A_1316 = arith.constant 0 : i32
      %dma_start3A_1317 = arith.constant 0 : i32
      %dma_start3A_1318 = tpu.memref_slice %arg11[%dma_start3A_1309, %dma_start3A_1316, %dma_start3A_1317] : memref<8x32x128xf32, #tpu.memory_space<vmem>> -> memref<1x32x128xf32, #tpu.memory_space<vmem>>
      %dma_start3A_1319 = tpu.memref_squeeze %dma_start3A_1318 : memref<1x32x128xf32, #tpu.memory_space<vmem>> -> memref<32x128xf32, #tpu.memory_space<vmem>>
      %dma_start3A_1320 = arith.constant 0 : i32
      %dma_start3A_1321 = tpu.memref_slice %arg5[%dma_start3A_1320, %multiple_of3A_1295] : memref<32x10000001xf32, #tpu.memory_space<hbm>> -> memref<32x128xf32, #tpu.memory_space<hbm>>
      tpu.enqueue_dma source(%dma_start3A_1321 : memref<32x128xf32, #tpu.memory_space<hbm>>) target(%dma_start3A_1319 : memref<32x128xf32, #tpu.memory_space<vmem>>) target_semaphore(%arg15 : memref<!tpu.dma_semaphore, #tpu.memory_space<semaphore_mem>>)
      %dma_wait3A_1322 = arith.constant 4 : i32
      %dma_wait3A_1323 = arith.constant 0 : i32
      %dma_wait3A_1324 = arith.constant 0 : i32
      %dma_wait3A_1325 = tpu.memref_slice %arg10[%dma_wait3A_1322, %dma_wait3A_1323, %dma_wait3A_1324] : memref<8x32x128xf32, #tpu.memory_space<vmem>> -> memref<1x32x128xf32, #tpu.memory_space<vmem>>
      %dma_wait3A_1326 = tpu.memref_squeeze %dma_wait3A_1325 : memref<1x32x128xf32, #tpu.memory_space<vmem>> -> memref<32x128xf32, #tpu.memory_space<vmem>>
      %dma_wait3A_1327 = arith.constant 0 : i32
      %dma_wait3A_1328 = arith.constant 0 : i32
      %dma_wait3A_1329 = tpu.memref_slice %arg4[%dma_wait3A_1327, %dma_wait3A_1328] : memref<32x10000001xf32, #tpu.memory_space<hbm>> -> memref<32x128xf32, #tpu.memory_space<hbm>>
      %dma_wait3A_1330 = arith.constant 0 : i32
      %dma_wait3A_1331 = arith.constant 0 : i32
      %dma_wait3A_1332 = tpu.memref_slice %arg10[%dma_wait3A_1322, %dma_wait3A_1330, %dma_wait3A_1331] : memref<8x32x128xf32, #tpu.memory_space<vmem>> -> memref<1x32x128xf32, #tpu.memory_space<vmem>>
      %dma_wait3A_1333 = tpu.memref_squeeze %dma_wait3A_1332 : memref<1x32x128xf32, #tpu.memory_space<vmem>> -> memref<32x128xf32, #tpu.memory_space<vmem>>
      %dma_wait3A_1334 = arith.constant 0 : i32
      %dma_wait3A_1335 = arith.constant 0 : i32
      %dma_wait3A_1336 = tpu.memref_slice %arg4[%dma_wait3A_1334, %dma_wait3A_1335] : memref<32x10000001xf32, #tpu.memory_space<hbm>> -> memref<32x128xf32, #tpu.memory_space<hbm>>
      tpu.wait_dma2 semaphore(%arg14 : memref<!tpu.dma_semaphore, #tpu.memory_space<semaphore_mem>>) src(%dma_wait3A_1336 : memref<32x128xf32, #tpu.memory_space<hbm>>) dst(%dma_wait3A_1333 : memref<32x128xf32, #tpu.memory_space<vmem>>)
      %dma_wait3A_1337 = arith.constant 4 : i32
      %dma_wait3A_1338 = arith.constant 0 : i32
      %dma_wait3A_1339 = arith.constant 0 : i32
      %dma_wait3A_1340 = tpu.memref_slice %arg11[%dma_wait3A_1337, %dma_wait3A_1338, %dma_wait3A_1339] : memref<8x32x128xf32, #tpu.memory_space<vmem>> -> memref<1x32x128xf32, #tpu.memory_space<vmem>>
      %dma_wait3A_1341 = tpu.memref_squeeze %dma_wait3A_1340 : memref<1x32x128xf32, #tpu.memory_space<vmem>> -> memref<32x128xf32, #tpu.memory_space<vmem>>
      %dma_wait3A_1342 = arith.constant 0 : i32
      %dma_wait3A_1343 = arith.constant 0 : i32
      %dma_wait3A_1344 = tpu.memref_slice %arg5[%dma_wait3A_1342, %dma_wait3A_1343] : memref<32x10000001xf32, #tpu.memory_space<hbm>> -> memref<32x128xf32, #tpu.memory_space<hbm>>
      %dma_wait3A_1345 = arith.constant 0 : i32
      %dma_wait3A_1346 = arith.constant 0 : i32
      %dma_wait3A_1347 = tpu.memref_slice %arg11[%dma_wait3A_1337, %dma_wait3A_1345, %dma_wait3A_1346] : memref<8x32x128xf32, #tpu.memory_space<vmem>> -> memref<1x32x128xf32, #tpu.memory_space<vmem>>
      %dma_wait3A_1348 = tpu.memref_squeeze %dma_wait3A_1347 : memref<1x32x128xf32, #tpu.memory_space<vmem>> -> memref<32x128xf32, #tpu.memory_space<vmem>>
      %dma_wait3A_1349 = arith.constant 0 : i32
      %dma_wait3A_1350 = arith.constant 0 : i32
      %dma_wait3A_1351 = tpu.memref_slice %arg5[%dma_wait3A_1349, %dma_wait3A_1350] : memref<32x10000001xf32, #tpu.memory_space<hbm>> -> memref<32x128xf32, #tpu.memory_space<hbm>>
      tpu.wait_dma2 semaphore(%arg15 : memref<!tpu.dma_semaphore, #tpu.memory_space<semaphore_mem>>) src(%dma_wait3A_1351 : memref<32x128xf32, #tpu.memory_space<hbm>>) dst(%dma_wait3A_1348 : memref<32x128xf32, #tpu.memory_space<vmem>>)
      %slice3A_1352 = vector.extract_strided_slice %get3A_596 {offsets = [4], sizes = [1], strides = [1]} : vector<16xi32> to vector<1xi32>
      %squeeze3A_1353 = vector.extract %slice3A_1352[0] : i32 from vector<1xi32>
      %rem3A_1354 = arith.constant 128 : i32
      %rem3A_1355 = arith.remsi %squeeze3A_1353, %rem3A_1354 : i32
      %broadcast_in_dim3A_1356 = vector.broadcast %rem3A_1355 : i32 to vector<16xi32>
      %slice3A_1357 = vector.extract_strided_slice %get3A_600 {offsets = [4], sizes = [1], strides = [1]} : vector<16xi32> to vector<1xi32>
      %squeeze3A_1358 = vector.extract %slice3A_1357[0] : i32 from vector<1xi32>
      %rem3A_1359 = arith.constant 128 : i32
      %rem3A_1360 = arith.remsi %squeeze3A_1358, %rem3A_1359 : i32
      %broadcast_in_dim3A_1361 = vector.broadcast %rem3A_1360 : i32 to vector<16xi32>
      %gather3A_1362 = arith.constant 4 : i32
      %gather3A_1363 = arith.constant 0 : i32
      %gather3A_1364 = arith.constant 0 : i32
      %gather3A_1365 = tpu.memref_slice %arg10[%gather3A_1362, %gather3A_1363, %gather3A_1364] : memref<8x32x128xf32, #tpu.memory_space<vmem>> -> memref<1x32x128xf32, #tpu.memory_space<vmem>>
      %gather3A_1366 = tpu.memref_squeeze %gather3A_1365 : memref<1x32x128xf32, #tpu.memory_space<vmem>> -> memref<32x128xf32, #tpu.memory_space<vmem>>
      %gather3A_1367 = tpu.vector_load_idx %gather3A_1366[%iota3A, %broadcast_in_dim3A_1356] : memref<32x128xf32, #tpu.memory_space<vmem>>[vector<16xi32>, vector<16xi32>], vector<16xf32>,
      %gather3A_1368 = arith.constant 4 : i32
      %gather3A_1369 = arith.constant 0 : i32
      %gather3A_1370 = arith.constant 0 : i32
      %gather3A_1371 = tpu.memref_slice %arg10[%gather3A_1368, %gather3A_1369, %gather3A_1370] : memref<8x32x128xf32, #tpu.memory_space<vmem>> -> memref<1x32x128xf32, #tpu.memory_space<vmem>>
      %gather3A_1372 = tpu.memref_squeeze %gather3A_1371 : memref<1x32x128xf32, #tpu.memory_space<vmem>> -> memref<32x128xf32, #tpu.memory_space<vmem>>
      %gather3A_1373 = tpu.vector_load_idx %gather3A_1372[%add3A_6, %broadcast_in_dim3A_1356] : memref<32x128xf32, #tpu.memory_space<vmem>>[vector<16xi32>, vector<16xi32>], vector<16xf32>,
      %gather3A_1374 = arith.constant 4 : i32
      %gather3A_1375 = arith.constant 0 : i32
      %gather3A_1376 = arith.constant 0 : i32
      %gather3A_1377 = tpu.memref_slice %arg11[%gather3A_1374, %gather3A_1375, %gather3A_1376] : memref<8x32x128xf32, #tpu.memory_space<vmem>> -> memref<1x32x128xf32, #tpu.memory_space<vmem>>
      %gather3A_1378 = tpu.memref_squeeze %gather3A_1377 : memref<1x32x128xf32, #tpu.memory_space<vmem>> -> memref<32x128xf32, #tpu.memory_space<vmem>>
      %gather3A_1379 = tpu.vector_load_idx %gather3A_1378[%iota3A, %broadcast_in_dim3A_1361] : memref<32x128xf32, #tpu.memory_space<vmem>>[vector<16xi32>, vector<16xi32>], vector<16xf32>,
      %gather3A_1380 = arith.constant 4 : i32
      %gather3A_1381 = arith.constant 0 : i32
      %gather3A_1382 = arith.constant 0 : i32
      %gather3A_1383 = tpu.memref_slice %arg11[%gather3A_1380, %gather3A_1381, %gather3A_1382] : memref<8x32x128xf32, #tpu.memory_space<vmem>> -> memref<1x32x128xf32, #tpu.memory_space<vmem>>
      %gather3A_1384 = tpu.memref_squeeze %gather3A_1383 : memref<1x32x128xf32, #tpu.memory_space<vmem>> -> memref<32x128xf32, #tpu.memory_space<vmem>>
      %gather3A_1385 = tpu.vector_load_idx %gather3A_1384[%add3A_6, %broadcast_in_dim3A_1361] : memref<32x128xf32, #tpu.memory_space<vmem>>[vector<16xi32>, vector<16xi32>], vector<16xf32>,
      %mul3A_1386 = arith.mulf %gather3A_1367, %gather3A_1379 : vector<16xf32>
      %mul3A_1387 = arith.mulf %gather3A_1373, %gather3A_1385 : vector<16xf32>
      %add3A_1388 = arith.addf %mul3A_1386, %mul3A_1387 : vector<16xf32>
      %reduce_sum3A_1389 = arith.constant true
      %reduce_sum3A_1390 = vector.broadcast %reduce_sum3A_1389 : i1 to vector<16xi1>
      %reduce_sum3A_1391 = tpu.scan <sum>, %add3A_1388 masked %reduce_sum3A_1390 : vector<16xf32>, vector<16xi1> -> vector<16xf32>
      %reduce_sum3A_1392 = vector.extract %reduce_sum3A_1391[15] : f32 from vector<16xf32>
      %eq3A_1393 = arith.constant 4 : i32
      %eq3A_1394 = vector.broadcast %eq3A_1393 : i32 to vector<16xi32>
      %eq3A_1395 = arith.cmpi eq, %iota3A, %eq3A_1394 : vector<16xi32>
      %broadcast_in_dim3A_1396 = vector.broadcast %reduce_sum3A_1392 : f32 to vector<16xf32>
      %select_n3A_1397 = arith.select %eq3A_1395, %broadcast_in_dim3A_1396, %select_n3A_1237 : vector<16xi1>, vector<16xf32>
      %slice3A_1398 = vector.extract_strided_slice %get3A_596 {offsets = [12], sizes = [1], strides = [1]} : vector<16xi32> to vector<1xi32>
      %squeeze3A_1399 = vector.extract %slice3A_1398[0] : i32 from vector<1xi32>
      %slice3A_1400 = vector.extract_strided_slice %get3A_600 {offsets = [12], sizes = [1], strides = [1]} : vector<16xi32> to vector<1xi32>
      %squeeze3A_1401 = vector.extract %slice3A_1400[0] : i32 from vector<1xi32>
      %jit3A_1402 = arith.constant 128 : i32
      %div3A_1403 = arith.divsi %squeeze3A_1399, %jit3A_1402 : i32
      %sign3A_1404 = arith.constant 0 : i32
      %sign3A_1405 = arith.cmpi sgt, %squeeze3A_1399, %sign3A_1404 : i32
      %sign3A_1406 = arith.extui %sign3A_1405 : i1 to i32
      %sign3A_1407 = arith.constant 0 : i32
      %sign3A_1408 = arith.cmpi slt, %squeeze3A_1399, %sign3A_1407 : i32
      %sign3A_1409 = arith.extui %sign3A_1408 : i1 to i32
      %sign3A_1410 = arith.subi %sign3A_1406, %sign3A_1409 : i32
      %sign3A_1411 = arith.constant 0 : i32
      %sign3A_1412 = arith.cmpi sgt, %jit3A_1402, %sign3A_1411 : i32
      %sign3A_1413 = arith.extui %sign3A_1412 : i1 to i32
      %sign3A_1414 = arith.constant 0 : i32
      %sign3A_1415 = arith.cmpi slt, %jit3A_1402, %sign3A_1414 : i32
      %sign3A_1416 = arith.extui %sign3A_1415 : i1 to i32
      %sign3A_1417 = arith.subi %sign3A_1413, %sign3A_1416 : i32
      %ne3A_1418 = arith.cmpi ne, %sign3A_1410, %sign3A_1417 : i32
      %rem3A_1419 = arith.remsi %squeeze3A_1399, %jit3A_1402 : i32
      %ne3A_1420 = arith.constant 0 : i32
      %ne3A_1421 = arith.cmpi ne, %rem3A_1419, %ne3A_1420 : i32
      %and3A_1422 = arith.andi %ne3A_1418, %ne3A_1421 : i1
      %sub3A_1423 = arith.constant 1 : i32
      %sub3A_1424 = arith.subi %div3A_1403, %sub3A_1423 : i32
      %select_n3A_1425 = arith.select %and3A_1422, %sub3A_1424, %div3A_1403 : i32
      %mul3A_1426 = arith.constant 128 : i32
      %mul3A_1427 = arith.muli %select_n3A_1425, %mul3A_1426 : i32
      %multiple_of3A_1428 = tpu.assume_multiple %mul3A_1427, 128 : i32
      %jit3A_1429 = arith.constant 128 : i32
      %div3A_1430 = arith.divsi %squeeze3A_1401, %jit3A_1429 : i32
      %sign3A_1431 = arith.constant 0 : i32
      %sign3A_1432 = arith.cmpi sgt, %squeeze3A_1401, %sign3A_1431 : i32
      %sign3A_1433 = arith.extui %sign3A_1432 : i1 to i32
      %sign3A_1434 = arith.constant 0 : i32
      %sign3A_1435 = arith.cmpi slt, %squeeze3A_1401, %sign3A_1434 : i32
      %sign3A_1436 = arith.extui %sign3A_1435 : i1 to i32
      %sign3A_1437 = arith.subi %sign3A_1433, %sign3A_1436 : i32
      %sign3A_1438 = arith.constant 0 : i32
      %sign3A_1439 = arith.cmpi sgt, %jit3A_1429, %sign3A_1438 : i32
      %sign3A_1440 = arith.extui %sign3A_1439 : i1 to i32
      %sign3A_1441 = arith.constant 0 : i32
      %sign3A_1442 = arith.cmpi slt, %jit3A_1429, %sign3A_1441 : i32
      %sign3A_1443 = arith.extui %sign3A_1442 : i1 to i32
      %sign3A_1444 = arith.subi %sign3A_1440, %sign3A_1443 : i32
      %ne3A_1445 = arith.cmpi ne, %sign3A_1437, %sign3A_1444 : i32
      %rem3A_1446 = arith.remsi %squeeze3A_1401, %jit3A_1429 : i32
      %ne3A_1447 = arith.constant 0 : i32
      %ne3A_1448 = arith.cmpi ne, %rem3A_1446, %ne3A_1447 : i32
      %and3A_1449 = arith.andi %ne3A_1445, %ne3A_1448 : i1
      %sub3A_1450 = arith.constant 1 : i32
      %sub3A_1451 = arith.subi %div3A_1430, %sub3A_1450 : i32
      %select_n3A_1452 = arith.select %and3A_1449, %sub3A_1451, %div3A_1430 : i32
      %mul3A_1453 = arith.constant 128 : i32
      %mul3A_1454 = arith.muli %select_n3A_1452, %mul3A_1453 : i32
      %multiple_of3A_1455 = tpu.assume_multiple %mul3A_1454, 128 : i32
      %dma_start3A_1456 = arith.constant 4 : i32
      %dma_start3A_1457 = arith.constant 0 : i32
      %dma_start3A_1458 = arith.constant 0 : i32
      %dma_start3A_1459 = tpu.memref_slice %arg10[%dma_start3A_1456, %dma_start3A_1457, %dma_start3A_1458] : memref<8x32x128xf32, #tpu.memory_space<vmem>> -> memref<1x32x128xf32, #tpu.memory_space<vmem>>
      %dma_start3A_1460 = tpu.memref_squeeze %dma_start3A_1459 : memref<1x32x128xf32, #tpu.memory_space<vmem>> -> memref<32x128xf32, #tpu.memory_space<vmem>>
      %dma_start3A_1461 = arith.constant 0 : i32
      %dma_start3A_1462 = tpu.memref_slice %arg4[%dma_start3A_1461, %multiple_of3A_1428] : memref<32x10000001xf32, #tpu.memory_space<hbm>> -> memref<32x128xf32, #tpu.memory_space<hbm>>
      %dma_start3A_1463 = arith.constant 0 : i32
      %dma_start3A_1464 = arith.constant 0 : i32
      %dma_start3A_1465 = tpu.memref_slice %arg10[%dma_start3A_1456, %dma_start3A_1463, %dma_start3A_1464] : memref<8x32x128xf32, #tpu.memory_space<vmem>> -> memref<1x32x128xf32, #tpu.memory_space<vmem>>
      %dma_start3A_1466 = tpu.memref_squeeze %dma_start3A_1465 : memref<1x32x128xf32, #tpu.memory_space<vmem>> -> memref<32x128xf32, #tpu.memory_space<vmem>>
      %dma_start3A_1467 = arith.constant 0 : i32
      %dma_start3A_1468 = tpu.memref_slice %arg4[%dma_start3A_1467, %multiple_of3A_1428] : memref<32x10000001xf32, #tpu.memory_space<hbm>> -> memref<32x128xf32, #tpu.memory_space<hbm>>
      tpu.enqueue_dma source(%dma_start3A_1468 : memref<32x128xf32, #tpu.memory_space<hbm>>) target(%dma_start3A_1466 : memref<32x128xf32, #tpu.memory_space<vmem>>) target_semaphore(%arg14 : memref<!tpu.dma_semaphore, #tpu.memory_space<semaphore_mem>>)
      %dma_start3A_1469 = arith.constant 4 : i32
      %dma_start3A_1470 = arith.constant 0 : i32
      %dma_start3A_1471 = arith.constant 0 : i32
      %dma_start3A_1472 = tpu.memref_slice %arg11[%dma_start3A_1469, %dma_start3A_1470, %dma_start3A_1471] : memref<8x32x128xf32, #tpu.memory_space<vmem>> -> memref<1x32x128xf32, #tpu.memory_space<vmem>>
      %dma_start3A_1473 = tpu.memref_squeeze %dma_start3A_1472 : memref<1x32x128xf32, #tpu.memory_space<vmem>> -> memref<32x128xf32, #tpu.memory_space<vmem>>
      %dma_start3A_1474 = arith.constant 0 : i32
      %dma_start3A_1475 = tpu.memref_slice %arg5[%dma_start3A_1474, %multiple_of3A_1455] : memref<32x10000001xf32, #tpu.memory_space<hbm>> -> memref<32x128xf32, #tpu.memory_space<hbm>>
      %dma_start3A_1476 = arith.constant 0 : i32
      %dma_start3A_1477 = arith.constant 0 : i32
      %dma_start3A_1478 = tpu.memref_slice %arg11[%dma_start3A_1469, %dma_start3A_1476, %dma_start3A_1477] : memref<8x32x128xf32, #tpu.memory_space<vmem>> -> memref<1x32x128xf32, #tpu.memory_space<vmem>>
      %dma_start3A_1479 = tpu.memref_squeeze %dma_start3A_1478 : memref<1x32x128xf32, #tpu.memory_space<vmem>> -> memref<32x128xf32, #tpu.memory_space<vmem>>
      %dma_start3A_1480 = arith.constant 0 : i32
      %dma_start3A_1481 = tpu.memref_slice %arg5[%dma_start3A_1480, %multiple_of3A_1455] : memref<32x10000001xf32, #tpu.memory_space<hbm>> -> memref<32x128xf32, #tpu.memory_space<hbm>>
      tpu.enqueue_dma source(%dma_start3A_1481 : memref<32x128xf32, #tpu.memory_space<hbm>>) target(%dma_start3A_1479 : memref<32x128xf32, #tpu.memory_space<vmem>>) target_semaphore(%arg15 : memref<!tpu.dma_semaphore, #tpu.memory_space<semaphore_mem>>)
      %dma_wait3A_1482 = arith.constant 5 : i32
      %dma_wait3A_1483 = arith.constant 0 : i32
      %dma_wait3A_1484 = arith.constant 0 : i32
      %dma_wait3A_1485 = tpu.memref_slice %arg10[%dma_wait3A_1482, %dma_wait3A_1483, %dma_wait3A_1484] : memref<8x32x128xf32, #tpu.memory_space<vmem>> -> memref<1x32x128xf32, #tpu.memory_space<vmem>>
      %dma_wait3A_1486 = tpu.memref_squeeze %dma_wait3A_1485 : memref<1x32x128xf32, #tpu.memory_space<vmem>> -> memref<32x128xf32, #tpu.memory_space<vmem>>
      %dma_wait3A_1487 = arith.constant 0 : i32
      %dma_wait3A_1488 = arith.constant 0 : i32
      %dma_wait3A_1489 = tpu.memref_slice %arg4[%dma_wait3A_1487, %dma_wait3A_1488] : memref<32x10000001xf32, #tpu.memory_space<hbm>> -> memref<32x128xf32, #tpu.memory_space<hbm>>
      %dma_wait3A_1490 = arith.constant 0 : i32
      %dma_wait3A_1491 = arith.constant 0 : i32
      %dma_wait3A_1492 = tpu.memref_slice %arg10[%dma_wait3A_1482, %dma_wait3A_1490, %dma_wait3A_1491] : memref<8x32x128xf32, #tpu.memory_space<vmem>> -> memref<1x32x128xf32, #tpu.memory_space<vmem>>
      %dma_wait3A_1493 = tpu.memref_squeeze %dma_wait3A_1492 : memref<1x32x128xf32, #tpu.memory_space<vmem>> -> memref<32x128xf32, #tpu.memory_space<vmem>>
      %dma_wait3A_1494 = arith.constant 0 : i32
      %dma_wait3A_1495 = arith.constant 0 : i32
      %dma_wait3A_1496 = tpu.memref_slice %arg4[%dma_wait3A_1494, %dma_wait3A_1495] : memref<32x10000001xf32, #tpu.memory_space<hbm>> -> memref<32x128xf32, #tpu.memory_space<hbm>>
      tpu.wait_dma2 semaphore(%arg14 : memref<!tpu.dma_semaphore, #tpu.memory_space<semaphore_mem>>) src(%dma_wait3A_1496 : memref<32x128xf32, #tpu.memory_space<hbm>>) dst(%dma_wait3A_1493 : memref<32x128xf32, #tpu.memory_space<vmem>>)
      %dma_wait3A_1497 = arith.constant 5 : i32
      %dma_wait3A_1498 = arith.constant 0 : i32
      %dma_wait3A_1499 = arith.constant 0 : i32
      %dma_wait3A_1500 = tpu.memref_slice %arg11[%dma_wait3A_1497, %dma_wait3A_1498, %dma_wait3A_1499] : memref<8x32x128xf32, #tpu.memory_space<vmem>> -> memref<1x32x128xf32, #tpu.memory_space<vmem>>
      %dma_wait3A_1501 = tpu.memref_squeeze %dma_wait3A_1500 : memref<1x32x128xf32, #tpu.memory_space<vmem>> -> memref<32x128xf32, #tpu.memory_space<vmem>>
      %dma_wait3A_1502 = arith.constant 0 : i32
      %dma_wait3A_1503 = arith.constant 0 : i32
      %dma_wait3A_1504 = tpu.memref_slice %arg5[%dma_wait3A_1502, %dma_wait3A_1503] : memref<32x10000001xf32, #tpu.memory_space<hbm>> -> memref<32x128xf32, #tpu.memory_space<hbm>>
      %dma_wait3A_1505 = arith.constant 0 : i32
      %dma_wait3A_1506 = arith.constant 0 : i32
      %dma_wait3A_1507 = tpu.memref_slice %arg11[%dma_wait3A_1497, %dma_wait3A_1505, %dma_wait3A_1506] : memref<8x32x128xf32, #tpu.memory_space<vmem>> -> memref<1x32x128xf32, #tpu.memory_space<vmem>>
      %dma_wait3A_1508 = tpu.memref_squeeze %dma_wait3A_1507 : memref<1x32x128xf32, #tpu.memory_space<vmem>> -> memref<32x128xf32, #tpu.memory_space<vmem>>
      %dma_wait3A_1509 = arith.constant 0 : i32
      %dma_wait3A_1510 = arith.constant 0 : i32
      %dma_wait3A_1511 = tpu.memref_slice %arg5[%dma_wait3A_1509, %dma_wait3A_1510] : memref<32x10000001xf32, #tpu.memory_space<hbm>> -> memref<32x128xf32, #tpu.memory_space<hbm>>
      tpu.wait_dma2 semaphore(%arg15 : memref<!tpu.dma_semaphore, #tpu.memory_space<semaphore_mem>>) src(%dma_wait3A_1511 : memref<32x128xf32, #tpu.memory_space<hbm>>) dst(%dma_wait3A_1508 : memref<32x128xf32, #tpu.memory_space<vmem>>)
      %slice3A_1512 = vector.extract_strided_slice %get3A_596 {offsets = [5], sizes = [1], strides = [1]} : vector<16xi32> to vector<1xi32>
      %squeeze3A_1513 = vector.extract %slice3A_1512[0] : i32 from vector<1xi32>
      %rem3A_1514 = arith.constant 128 : i32
      %rem3A_1515 = arith.remsi %squeeze3A_1513, %rem3A_1514 : i32
      %broadcast_in_dim3A_1516 = vector.broadcast %rem3A_1515 : i32 to vector<16xi32>
      %slice3A_1517 = vector.extract_strided_slice %get3A_600 {offsets = [5], sizes = [1], strides = [1]} : vector<16xi32> to vector<1xi32>
      %squeeze3A_1518 = vector.extract %slice3A_1517[0] : i32 from vector<1xi32>
      %rem3A_1519 = arith.constant 128 : i32
      %rem3A_1520 = arith.remsi %squeeze3A_1518, %rem3A_1519 : i32
      %broadcast_in_dim3A_1521 = vector.broadcast %rem3A_1520 : i32 to vector<16xi32>
      %gather3A_1522 = arith.constant 5 : i32
      %gather3A_1523 = arith.constant 0 : i32
      %gather3A_1524 = arith.constant 0 : i32
      %gather3A_1525 = tpu.memref_slice %arg10[%gather3A_1522, %gather3A_1523, %gather3A_1524] : memref<8x32x128xf32, #tpu.memory_space<vmem>> -> memref<1x32x128xf32, #tpu.memory_space<vmem>>
      %gather3A_1526 = tpu.memref_squeeze %gather3A_1525 : memref<1x32x128xf32, #tpu.memory_space<vmem>> -> memref<32x128xf32, #tpu.memory_space<vmem>>
      %gather3A_1527 = tpu.vector_load_idx %gather3A_1526[%iota3A, %broadcast_in_dim3A_1516] : memref<32x128xf32, #tpu.memory_space<vmem>>[vector<16xi32>, vector<16xi32>], vector<16xf32>,
      %gather3A_1528 = arith.constant 5 : i32
      %gather3A_1529 = arith.constant 0 : i32
      %gather3A_1530 = arith.constant 0 : i32
      %gather3A_1531 = tpu.memref_slice %arg10[%gather3A_1528, %gather3A_1529, %gather3A_1530] : memref<8x32x128xf32, #tpu.memory_space<vmem>> -> memref<1x32x128xf32, #tpu.memory_space<vmem>>
      %gather3A_1532 = tpu.memref_squeeze %gather3A_1531 : memref<1x32x128xf32, #tpu.memory_space<vmem>> -> memref<32x128xf32, #tpu.memory_space<vmem>>
      %gather3A_1533 = tpu.vector_load_idx %gather3A_1532[%add3A_6, %broadcast_in_dim3A_1516] : memref<32x128xf32, #tpu.memory_space<vmem>>[vector<16xi32>, vector<16xi32>], vector<16xf32>,
      %gather3A_1534 = arith.constant 5 : i32
      %gather3A_1535 = arith.constant 0 : i32
      %gather3A_1536 = arith.constant 0 : i32
      %gather3A_1537 = tpu.memref_slice %arg11[%gather3A_1534, %gather3A_1535, %gather3A_1536] : memref<8x32x128xf32, #tpu.memory_space<vmem>> -> memref<1x32x128xf32, #tpu.memory_space<vmem>>
      %gather3A_1538 = tpu.memref_squeeze %gather3A_1537 : memref<1x32x128xf32, #tpu.memory_space<vmem>> -> memref<32x128xf32, #tpu.memory_space<vmem>>
      %gather3A_1539 = tpu.vector_load_idx %gather3A_1538[%iota3A, %broadcast_in_dim3A_1521] : memref<32x128xf32, #tpu.memory_space<vmem>>[vector<16xi32>, vector<16xi32>], vector<16xf32>,
      %gather3A_1540 = arith.constant 5 : i32
      %gather3A_1541 = arith.constant 0 : i32
      %gather3A_1542 = arith.constant 0 : i32
      %gather3A_1543 = tpu.memref_slice %arg11[%gather3A_1540, %gather3A_1541, %gather3A_1542] : memref<8x32x128xf32, #tpu.memory_space<vmem>> -> memref<1x32x128xf32, #tpu.memory_space<vmem>>
      %gather3A_1544 = tpu.memref_squeeze %gather3A_1543 : memref<1x32x128xf32, #tpu.memory_space<vmem>> -> memref<32x128xf32, #tpu.memory_space<vmem>>
      %gather3A_1545 = tpu.vector_load_idx %gather3A_1544[%add3A_6, %broadcast_in_dim3A_1521] : memref<32x128xf32, #tpu.memory_space<vmem>>[vector<16xi32>, vector<16xi32>], vector<16xf32>,
      %mul3A_1546 = arith.mulf %gather3A_1527, %gather3A_1539 : vector<16xf32>
      %mul3A_1547 = arith.mulf %gather3A_1533, %gather3A_1545 : vector<16xf32>
      %add3A_1548 = arith.addf %mul3A_1546, %mul3A_1547 : vector<16xf32>
      %reduce_sum3A_1549 = arith.constant true
      %reduce_sum3A_1550 = vector.broadcast %reduce_sum3A_1549 : i1 to vector<16xi1>
      %reduce_sum3A_1551 = tpu.scan <sum>, %add3A_1548 masked %reduce_sum3A_1550 : vector<16xf32>, vector<16xi1> -> vector<16xf32>
      %reduce_sum3A_1552 = vector.extract %reduce_sum3A_1551[15] : f32 from vector<16xf32>
      %eq3A_1553 = arith.constant 5 : i32
      %eq3A_1554 = vector.broadcast %eq3A_1553 : i32 to vector<16xi32>
      %eq3A_1555 = arith.cmpi eq, %iota3A, %eq3A_1554 : vector<16xi32>
      %broadcast_in_dim3A_1556 = vector.broadcast %reduce_sum3A_1552 : f32 to vector<16xf32>
      %select_n3A_1557 = arith.select %eq3A_1555, %broadcast_in_dim3A_1556, %select_n3A_1397 : vector<16xi1>, vector<16xf32>
      %slice3A_1558 = vector.extract_strided_slice %get3A_596 {offsets = [13], sizes = [1], strides = [1]} : vector<16xi32> to vector<1xi32>
      %squeeze3A_1559 = vector.extract %slice3A_1558[0] : i32 from vector<1xi32>
      %slice3A_1560 = vector.extract_strided_slice %get3A_600 {offsets = [13], sizes = [1], strides = [1]} : vector<16xi32> to vector<1xi32>
      %squeeze3A_1561 = vector.extract %slice3A_1560[0] : i32 from vector<1xi32>
      %jit3A_1562 = arith.constant 128 : i32
      %div3A_1563 = arith.divsi %squeeze3A_1559, %jit3A_1562 : i32
      %sign3A_1564 = arith.constant 0 : i32
      %sign3A_1565 = arith.cmpi sgt, %squeeze3A_1559, %sign3A_1564 : i32
      %sign3A_1566 = arith.extui %sign3A_1565 : i1 to i32
      %sign3A_1567 = arith.constant 0 : i32
      %sign3A_1568 = arith.cmpi slt, %squeeze3A_1559, %sign3A_1567 : i32
      %sign3A_1569 = arith.extui %sign3A_1568 : i1 to i32
      %sign3A_1570 = arith.subi %sign3A_1566, %sign3A_1569 : i32
      %sign3A_1571 = arith.constant 0 : i32
      %sign3A_1572 = arith.cmpi sgt, %jit3A_1562, %sign3A_1571 : i32
      %sign3A_1573 = arith.extui %sign3A_1572 : i1 to i32
      %sign3A_1574 = arith.constant 0 : i32
      %sign3A_1575 = arith.cmpi slt, %jit3A_1562, %sign3A_1574 : i32
      %sign3A_1576 = arith.extui %sign3A_1575 : i1 to i32
      %sign3A_1577 = arith.subi %sign3A_1573, %sign3A_1576 : i32
      %ne3A_1578 = arith.cmpi ne, %sign3A_1570, %sign3A_1577 : i32
      %rem3A_1579 = arith.remsi %squeeze3A_1559, %jit3A_1562 : i32
      %ne3A_1580 = arith.constant 0 : i32
      %ne3A_1581 = arith.cmpi ne, %rem3A_1579, %ne3A_1580 : i32
      %and3A_1582 = arith.andi %ne3A_1578, %ne3A_1581 : i1
      %sub3A_1583 = arith.constant 1 : i32
      %sub3A_1584 = arith.subi %div3A_1563, %sub3A_1583 : i32
      %select_n3A_1585 = arith.select %and3A_1582, %sub3A_1584, %div3A_1563 : i32
      %mul3A_1586 = arith.constant 128 : i32
      %mul3A_1587 = arith.muli %select_n3A_1585, %mul3A_1586 : i32
      %multiple_of3A_1588 = tpu.assume_multiple %mul3A_1587, 128 : i32
      %jit3A_1589 = arith.constant 128 : i32
      %div3A_1590 = arith.divsi %squeeze3A_1561, %jit3A_1589 : i32
      %sign3A_1591 = arith.constant 0 : i32
      %sign3A_1592 = arith.cmpi sgt, %squeeze3A_1561, %sign3A_1591 : i32
      %sign3A_1593 = arith.extui %sign3A_1592 : i1 to i32
      %sign3A_1594 = arith.constant 0 : i32
      %sign3A_1595 = arith.cmpi slt, %squeeze3A_1561, %sign3A_1594 : i32
      %sign3A_1596 = arith.extui %sign3A_1595 : i1 to i32
      %sign3A_1597 = arith.subi %sign3A_1593, %sign3A_1596 : i32
      %sign3A_1598 = arith.constant 0 : i32
      %sign3A_1599 = arith.cmpi sgt, %jit3A_1589, %sign3A_1598 : i32
      %sign3A_1600 = arith.extui %sign3A_1599 : i1 to i32
      %sign3A_1601 = arith.constant 0 : i32
      %sign3A_1602 = arith.cmpi slt, %jit3A_1589, %sign3A_1601 : i32
      %sign3A_1603 = arith.extui %sign3A_1602 : i1 to i32
      %sign3A_1604 = arith.subi %sign3A_1600, %sign3A_1603 : i32
      %ne3A_1605 = arith.cmpi ne, %sign3A_1597, %sign3A_1604 : i32
      %rem3A_1606 = arith.remsi %squeeze3A_1561, %jit3A_1589 : i32
      %ne3A_1607 = arith.constant 0 : i32
      %ne3A_1608 = arith.cmpi ne, %rem3A_1606, %ne3A_1607 : i32
      %and3A_1609 = arith.andi %ne3A_1605, %ne3A_1608 : i1
      %sub3A_1610 = arith.constant 1 : i32
      %sub3A_1611 = arith.subi %div3A_1590, %sub3A_1610 : i32
      %select_n3A_1612 = arith.select %and3A_1609, %sub3A_1611, %div3A_1590 : i32
      %mul3A_1613 = arith.constant 128 : i32
      %mul3A_1614 = arith.muli %select_n3A_1612, %mul3A_1613 : i32
      %multiple_of3A_1615 = tpu.assume_multiple %mul3A_1614, 128 : i32
      %dma_start3A_1616 = arith.constant 5 : i32
      %dma_start3A_1617 = arith.constant 0 : i32
      %dma_start3A_1618 = arith.constant 0 : i32
      %dma_start3A_1619 = tpu.memref_slice %arg10[%dma_start3A_1616, %dma_start3A_1617, %dma_start3A_1618] : memref<8x32x128xf32, #tpu.memory_space<vmem>> -> memref<1x32x128xf32, #tpu.memory_space<vmem>>
      %dma_start3A_1620 = tpu.memref_squeeze %dma_start3A_1619 : memref<1x32x128xf32, #tpu.memory_space<vmem>> -> memref<32x128xf32, #tpu.memory_space<vmem>>
      %dma_start3A_1621 = arith.constant 0 : i32
      %dma_start3A_1622 = tpu.memref_slice %arg4[%dma_start3A_1621, %multiple_of3A_1588] : memref<32x10000001xf32, #tpu.memory_space<hbm>> -> memref<32x128xf32, #tpu.memory_space<hbm>>
      %dma_start3A_1623 = arith.constant 0 : i32
      %dma_start3A_1624 = arith.constant 0 : i32
      %dma_start3A_1625 = tpu.memref_slice %arg10[%dma_start3A_1616, %dma_start3A_1623, %dma_start3A_1624] : memref<8x32x128xf32, #tpu.memory_space<vmem>> -> memref<1x32x128xf32, #tpu.memory_space<vmem>>
      %dma_start3A_1626 = tpu.memref_squeeze %dma_start3A_1625 : memref<1x32x128xf32, #tpu.memory_space<vmem>> -> memref<32x128xf32, #tpu.memory_space<vmem>>
      %dma_start3A_1627 = arith.constant 0 : i32
      %dma_start3A_1628 = tpu.memref_slice %arg4[%dma_start3A_1627, %multiple_of3A_1588] : memref<32x10000001xf32, #tpu.memory_space<hbm>> -> memref<32x128xf32, #tpu.memory_space<hbm>>
      tpu.enqueue_dma source(%dma_start3A_1628 : memref<32x128xf32, #tpu.memory_space<hbm>>) target(%dma_start3A_1626 : memref<32x128xf32, #tpu.memory_space<vmem>>) target_semaphore(%arg14 : memref<!tpu.dma_semaphore, #tpu.memory_space<semaphore_mem>>)
      %dma_start3A_1629 = arith.constant 5 : i32
      %dma_start3A_1630 = arith.constant 0 : i32
      %dma_start3A_1631 = arith.constant 0 : i32
      %dma_start3A_1632 = tpu.memref_slice %arg11[%dma_start3A_1629, %dma_start3A_1630, %dma_start3A_1631] : memref<8x32x128xf32, #tpu.memory_space<vmem>> -> memref<1x32x128xf32, #tpu.memory_space<vmem>>
      %dma_start3A_1633 = tpu.memref_squeeze %dma_start3A_1632 : memref<1x32x128xf32, #tpu.memory_space<vmem>> -> memref<32x128xf32, #tpu.memory_space<vmem>>
      %dma_start3A_1634 = arith.constant 0 : i32
      %dma_start3A_1635 = tpu.memref_slice %arg5[%dma_start3A_1634, %multiple_of3A_1615] : memref<32x10000001xf32, #tpu.memory_space<hbm>> -> memref<32x128xf32, #tpu.memory_space<hbm>>
      %dma_start3A_1636 = arith.constant 0 : i32
      %dma_start3A_1637 = arith.constant 0 : i32
      %dma_start3A_1638 = tpu.memref_slice %arg11[%dma_start3A_1629, %dma_start3A_1636, %dma_start3A_1637] : memref<8x32x128xf32, #tpu.memory_space<vmem>> -> memref<1x32x128xf32, #tpu.memory_space<vmem>>
      %dma_start3A_1639 = tpu.memref_squeeze %dma_start3A_1638 : memref<1x32x128xf32, #tpu.memory_space<vmem>> -> memref<32x128xf32, #tpu.memory_space<vmem>>
      %dma_start3A_1640 = arith.constant 0 : i32
      %dma_start3A_1641 = tpu.memref_slice %arg5[%dma_start3A_1640, %multiple_of3A_1615] : memref<32x10000001xf32, #tpu.memory_space<hbm>> -> memref<32x128xf32, #tpu.memory_space<hbm>>
      tpu.enqueue_dma source(%dma_start3A_1641 : memref<32x128xf32, #tpu.memory_space<hbm>>) target(%dma_start3A_1639 : memref<32x128xf32, #tpu.memory_space<vmem>>) target_semaphore(%arg15 : memref<!tpu.dma_semaphore, #tpu.memory_space<semaphore_mem>>)
      %dma_wait3A_1642 = arith.constant 6 : i32
      %dma_wait3A_1643 = arith.constant 0 : i32
      %dma_wait3A_1644 = arith.constant 0 : i32
      %dma_wait3A_1645 = tpu.memref_slice %arg10[%dma_wait3A_1642, %dma_wait3A_1643, %dma_wait3A_1644] : memref<8x32x128xf32, #tpu.memory_space<vmem>> -> memref<1x32x128xf32, #tpu.memory_space<vmem>>
      %dma_wait3A_1646 = tpu.memref_squeeze %dma_wait3A_1645 : memref<1x32x128xf32, #tpu.memory_space<vmem>> -> memref<32x128xf32, #tpu.memory_space<vmem>>
      %dma_wait3A_1647 = arith.constant 0 : i32
      %dma_wait3A_1648 = arith.constant 0 : i32
      %dma_wait3A_1649 = tpu.memref_slice %arg4[%dma_wait3A_1647, %dma_wait3A_1648] : memref<32x10000001xf32, #tpu.memory_space<hbm>> -> memref<32x128xf32, #tpu.memory_space<hbm>>
      %dma_wait3A_1650 = arith.constant 0 : i32
      %dma_wait3A_1651 = arith.constant 0 : i32
      %dma_wait3A_1652 = tpu.memref_slice %arg10[%dma_wait3A_1642, %dma_wait3A_1650, %dma_wait3A_1651] : memref<8x32x128xf32, #tpu.memory_space<vmem>> -> memref<1x32x128xf32, #tpu.memory_space<vmem>>
      %dma_wait3A_1653 = tpu.memref_squeeze %dma_wait3A_1652 : memref<1x32x128xf32, #tpu.memory_space<vmem>> -> memref<32x128xf32, #tpu.memory_space<vmem>>
      %dma_wait3A_1654 = arith.constant 0 : i32
      %dma_wait3A_1655 = arith.constant 0 : i32
      %dma_wait3A_1656 = tpu.memref_slice %arg4[%dma_wait3A_1654, %dma_wait3A_1655] : memref<32x10000001xf32, #tpu.memory_space<hbm>> -> memref<32x128xf32, #tpu.memory_space<hbm>>
      tpu.wait_dma2 semaphore(%arg14 : memref<!tpu.dma_semaphore, #tpu.memory_space<semaphore_mem>>) src(%dma_wait3A_1656 : memref<32x128xf32, #tpu.memory_space<hbm>>) dst(%dma_wait3A_1653 : memref<32x128xf32, #tpu.memory_space<vmem>>)
      %dma_wait3A_1657 = arith.constant 6 : i32
      %dma_wait3A_1658 = arith.constant 0 : i32
      %dma_wait3A_1659 = arith.constant 0 : i32
      %dma_wait3A_1660 = tpu.memref_slice %arg11[%dma_wait3A_1657, %dma_wait3A_1658, %dma_wait3A_1659] : memref<8x32x128xf32, #tpu.memory_space<vmem>> -> memref<1x32x128xf32, #tpu.memory_space<vmem>>
      %dma_wait3A_1661 = tpu.memref_squeeze %dma_wait3A_1660 : memref<1x32x128xf32, #tpu.memory_space<vmem>> -> memref<32x128xf32, #tpu.memory_space<vmem>>
      %dma_wait3A_1662 = arith.constant 0 : i32
      %dma_wait3A_1663 = arith.constant 0 : i32
      %dma_wait3A_1664 = tpu.memref_slice %arg5[%dma_wait3A_1662, %dma_wait3A_1663] : memref<32x10000001xf32, #tpu.memory_space<hbm>> -> memref<32x128xf32, #tpu.memory_space<hbm>>
      %dma_wait3A_1665 = arith.constant 0 : i32
      %dma_wait3A_1666 = arith.constant 0 : i32
      %dma_wait3A_1667 = tpu.memref_slice %arg11[%dma_wait3A_1657, %dma_wait3A_1665, %dma_wait3A_1666] : memref<8x32x128xf32, #tpu.memory_space<vmem>> -> memref<1x32x128xf32, #tpu.memory_space<vmem>>
      %dma_wait3A_1668 = tpu.memref_squeeze %dma_wait3A_1667 : memref<1x32x128xf32, #tpu.memory_space<vmem>> -> memref<32x128xf32, #tpu.memory_space<vmem>>
      %dma_wait3A_1669 = arith.constant 0 : i32
      %dma_wait3A_1670 = arith.constant 0 : i32
      %dma_wait3A_1671 = tpu.memref_slice %arg5[%dma_wait3A_1669, %dma_wait3A_1670] : memref<32x10000001xf32, #tpu.memory_space<hbm>> -> memref<32x128xf32, #tpu.memory_space<hbm>>
      tpu.wait_dma2 semaphore(%arg15 : memref<!tpu.dma_semaphore, #tpu.memory_space<semaphore_mem>>) src(%dma_wait3A_1671 : memref<32x128xf32, #tpu.memory_space<hbm>>) dst(%dma_wait3A_1668 : memref<32x128xf32, #tpu.memory_space<vmem>>)
      %slice3A_1672 = vector.extract_strided_slice %get3A_596 {offsets = [6], sizes = [1], strides = [1]} : vector<16xi32> to vector<1xi32>
      %squeeze3A_1673 = vector.extract %slice3A_1672[0] : i32 from vector<1xi32>
      %rem3A_1674 = arith.constant 128 : i32
      %rem3A_1675 = arith.remsi %squeeze3A_1673, %rem3A_1674 : i32
      %broadcast_in_dim3A_1676 = vector.broadcast %rem3A_1675 : i32 to vector<16xi32>
      %slice3A_1677 = vector.extract_strided_slice %get3A_600 {offsets = [6], sizes = [1], strides = [1]} : vector<16xi32> to vector<1xi32>
      %squeeze3A_1678 = vector.extract %slice3A_1677[0] : i32 from vector<1xi32>
      %rem3A_1679 = arith.constant 128 : i32
      %rem3A_1680 = arith.remsi %squeeze3A_1678, %rem3A_1679 : i32
      %broadcast_in_dim3A_1681 = vector.broadcast %rem3A_1680 : i32 to vector<16xi32>
      %gather3A_1682 = arith.constant 6 : i32
      %gather3A_1683 = arith.constant 0 : i32
      %gather3A_1684 = arith.constant 0 : i32
      %gather3A_1685 = tpu.memref_slice %arg10[%gather3A_1682, %gather3A_1683, %gather3A_1684] : memref<8x32x128xf32, #tpu.memory_space<vmem>> -> memref<1x32x128xf32, #tpu.memory_space<vmem>>
      %gather3A_1686 = tpu.memref_squeeze %gather3A_1685 : memref<1x32x128xf32, #tpu.memory_space<vmem>> -> memref<32x128xf32, #tpu.memory_space<vmem>>
      %gather3A_1687 = tpu.vector_load_idx %gather3A_1686[%iota3A, %broadcast_in_dim3A_1676] : memref<32x128xf32, #tpu.memory_space<vmem>>[vector<16xi32>, vector<16xi32>], vector<16xf32>,
      %gather3A_1688 = arith.constant 6 : i32
      %gather3A_1689 = arith.constant 0 : i32
      %gather3A_1690 = arith.constant 0 : i32
      %gather3A_1691 = tpu.memref_slice %arg10[%gather3A_1688, %gather3A_1689, %gather3A_1690] : memref<8x32x128xf32, #tpu.memory_space<vmem>> -> memref<1x32x128xf32, #tpu.memory_space<vmem>>
      %gather3A_1692 = tpu.memref_squeeze %gather3A_1691 : memref<1x32x128xf32, #tpu.memory_space<vmem>> -> memref<32x128xf32, #tpu.memory_space<vmem>>
      %gather3A_1693 = tpu.vector_load_idx %gather3A_1692[%add3A_6, %broadcast_in_dim3A_1676] : memref<32x128xf32, #tpu.memory_space<vmem>>[vector<16xi32>, vector<16xi32>], vector<16xf32>,
      %gather3A_1694 = arith.constant 6 : i32
      %gather3A_1695 = arith.constant 0 : i32
      %gather3A_1696 = arith.constant 0 : i32
      %gather3A_1697 = tpu.memref_slice %arg11[%gather3A_1694, %gather3A_1695, %gather3A_1696] : memref<8x32x128xf32, #tpu.memory_space<vmem>> -> memref<1x32x128xf32, #tpu.memory_space<vmem>>
      %gather3A_1698 = tpu.memref_squeeze %gather3A_1697 : memref<1x32x128xf32, #tpu.memory_space<vmem>> -> memref<32x128xf32, #tpu.memory_space<vmem>>
      %gather3A_1699 = tpu.vector_load_idx %gather3A_1698[%iota3A, %broadcast_in_dim3A_1681] : memref<32x128xf32, #tpu.memory_space<vmem>>[vector<16xi32>, vector<16xi32>], vector<16xf32>,
      %gather3A_1700 = arith.constant 6 : i32
      %gather3A_1701 = arith.constant 0 : i32
      %gather3A_1702 = arith.constant 0 : i32
      %gather3A_1703 = tpu.memref_slice %arg11[%gather3A_1700, %gather3A_1701, %gather3A_1702] : memref<8x32x128xf32, #tpu.memory_space<vmem>> -> memref<1x32x128xf32, #tpu.memory_space<vmem>>
      %gather3A_1704 = tpu.memref_squeeze %gather3A_1703 : memref<1x32x128xf32, #tpu.memory_space<vmem>> -> memref<32x128xf32, #tpu.memory_space<vmem>>
      %gather3A_1705 = tpu.vector_load_idx %gather3A_1704[%add3A_6, %broadcast_in_dim3A_1681] : memref<32x128xf32, #tpu.memory_space<vmem>>[vector<16xi32>, vector<16xi32>], vector<16xf32>,
      %mul3A_1706 = arith.mulf %gather3A_1687, %gather3A_1699 : vector<16xf32>
      %mul3A_1707 = arith.mulf %gather3A_1693, %gather3A_1705 : vector<16xf32>
      %add3A_1708 = arith.addf %mul3A_1706, %mul3A_1707 : vector<16xf32>
      %reduce_sum3A_1709 = arith.constant true
      %reduce_sum3A_1710 = vector.broadcast %reduce_sum3A_1709 : i1 to vector<16xi1>
      %reduce_sum3A_1711 = tpu.scan <sum>, %add3A_1708 masked %reduce_sum3A_1710 : vector<16xf32>, vector<16xi1> -> vector<16xf32>
      %reduce_sum3A_1712 = vector.extract %reduce_sum3A_1711[15] : f32 from vector<16xf32>
      %eq3A_1713 = arith.constant 6 : i32
      %eq3A_1714 = vector.broadcast %eq3A_1713 : i32 to vector<16xi32>
      %eq3A_1715 = arith.cmpi eq, %iota3A, %eq3A_1714 : vector<16xi32>
      %broadcast_in_dim3A_1716 = vector.broadcast %reduce_sum3A_1712 : f32 to vector<16xf32>
      %select_n3A_1717 = arith.select %eq3A_1715, %broadcast_in_dim3A_1716, %select_n3A_1557 : vector<16xi1>, vector<16xf32>
      %slice3A_1718 = vector.extract_strided_slice %get3A_596 {offsets = [14], sizes = [1], strides = [1]} : vector<16xi32> to vector<1xi32>
      %squeeze3A_1719 = vector.extract %slice3A_1718[0] : i32 from vector<1xi32>
      %slice3A_1720 = vector.extract_strided_slice %get3A_600 {offsets = [14], sizes = [1], strides = [1]} : vector<16xi32> to vector<1xi32>
      %squeeze3A_1721 = vector.extract %slice3A_1720[0] : i32 from vector<1xi32>
      %jit3A_1722 = arith.constant 128 : i32
      %div3A_1723 = arith.divsi %squeeze3A_1719, %jit3A_1722 : i32
      %sign3A_1724 = arith.constant 0 : i32
      %sign3A_1725 = arith.cmpi sgt, %squeeze3A_1719, %sign3A_1724 : i32
      %sign3A_1726 = arith.extui %sign3A_1725 : i1 to i32
      %sign3A_1727 = arith.constant 0 : i32
      %sign3A_1728 = arith.cmpi slt, %squeeze3A_1719, %sign3A_1727 : i32
      %sign3A_1729 = arith.extui %sign3A_1728 : i1 to i32
      %sign3A_1730 = arith.subi %sign3A_1726, %sign3A_1729 : i32
      %sign3A_1731 = arith.constant 0 : i32
      %sign3A_1732 = arith.cmpi sgt, %jit3A_1722, %sign3A_1731 : i32
      %sign3A_1733 = arith.extui %sign3A_1732 : i1 to i32
      %sign3A_1734 = arith.constant 0 : i32
      %sign3A_1735 = arith.cmpi slt, %jit3A_1722, %sign3A_1734 : i32
      %sign3A_1736 = arith.extui %sign3A_1735 : i1 to i32
      %sign3A_1737 = arith.subi %sign3A_1733, %sign3A_1736 : i32
      %ne3A_1738 = arith.cmpi ne, %sign3A_1730, %sign3A_1737 : i32
      %rem3A_1739 = arith.remsi %squeeze3A_1719, %jit3A_1722 : i32
      %ne3A_1740 = arith.constant 0 : i32
      %ne3A_1741 = arith.cmpi ne, %rem3A_1739, %ne3A_1740 : i32
      %and3A_1742 = arith.andi %ne3A_1738, %ne3A_1741 : i1
      %sub3A_1743 = arith.constant 1 : i32
      %sub3A_1744 = arith.subi %div3A_1723, %sub3A_1743 : i32
      %select_n3A_1745 = arith.select %and3A_1742, %sub3A_1744, %div3A_1723 : i32
      %mul3A_1746 = arith.constant 128 : i32
      %mul3A_1747 = arith.muli %select_n3A_1745, %mul3A_1746 : i32
      %multiple_of3A_1748 = tpu.assume_multiple %mul3A_1747, 128 : i32
      %jit3A_1749 = arith.constant 128 : i32
      %div3A_1750 = arith.divsi %squeeze3A_1721, %jit3A_1749 : i32
      %sign3A_1751 = arith.constant 0 : i32
      %sign3A_1752 = arith.cmpi sgt, %squeeze3A_1721, %sign3A_1751 : i32
      %sign3A_1753 = arith.extui %sign3A_1752 : i1 to i32
      %sign3A_1754 = arith.constant 0 : i32
      %sign3A_1755 = arith.cmpi slt, %squeeze3A_1721, %sign3A_1754 : i32
      %sign3A_1756 = arith.extui %sign3A_1755 : i1 to i32
      %sign3A_1757 = arith.subi %sign3A_1753, %sign3A_1756 : i32
      %sign3A_1758 = arith.constant 0 : i32
      %sign3A_1759 = arith.cmpi sgt, %jit3A_1749, %sign3A_1758 : i32
      %sign3A_1760 = arith.extui %sign3A_1759 : i1 to i32
      %sign3A_1761 = arith.constant 0 : i32
      %sign3A_1762 = arith.cmpi slt, %jit3A_1749, %sign3A_1761 : i32
      %sign3A_1763 = arith.extui %sign3A_1762 : i1 to i32
      %sign3A_1764 = arith.subi %sign3A_1760, %sign3A_1763 : i32
      %ne3A_1765 = arith.cmpi ne, %sign3A_1757, %sign3A_1764 : i32
      %rem3A_1766 = arith.remsi %squeeze3A_1721, %jit3A_1749 : i32
      %ne3A_1767 = arith.constant 0 : i32
      %ne3A_1768 = arith.cmpi ne, %rem3A_1766, %ne3A_1767 : i32
      %and3A_1769 = arith.andi %ne3A_1765, %ne3A_1768 : i1
      %sub3A_1770 = arith.constant 1 : i32
      %sub3A_1771 = arith.subi %div3A_1750, %sub3A_1770 : i32
      %select_n3A_1772 = arith.select %and3A_1769, %sub3A_1771, %div3A_1750 : i32
      %mul3A_1773 = arith.constant 128 : i32
      %mul3A_1774 = arith.muli %select_n3A_1772, %mul3A_1773 : i32
      %multiple_of3A_1775 = tpu.assume_multiple %mul3A_1774, 128 : i32
      %dma_start3A_1776 = arith.constant 6 : i32
      %dma_start3A_1777 = arith.constant 0 : i32
      %dma_start3A_1778 = arith.constant 0 : i32
      %dma_start3A_1779 = tpu.memref_slice %arg10[%dma_start3A_1776, %dma_start3A_1777, %dma_start3A_1778] : memref<8x32x128xf32, #tpu.memory_space<vmem>> -> memref<1x32x128xf32, #tpu.memory_space<vmem>>
      %dma_start3A_1780 = tpu.memref_squeeze %dma_start3A_1779 : memref<1x32x128xf32, #tpu.memory_space<vmem>> -> memref<32x128xf32, #tpu.memory_space<vmem>>
      %dma_start3A_1781 = arith.constant 0 : i32
      %dma_start3A_1782 = tpu.memref_slice %arg4[%dma_start3A_1781, %multiple_of3A_1748] : memref<32x10000001xf32, #tpu.memory_space<hbm>> -> memref<32x128xf32, #tpu.memory_space<hbm>>
      %dma_start3A_1783 = arith.constant 0 : i32
      %dma_start3A_1784 = arith.constant 0 : i32
      %dma_start3A_1785 = tpu.memref_slice %arg10[%dma_start3A_1776, %dma_start3A_1783, %dma_start3A_1784] : memref<8x32x128xf32, #tpu.memory_space<vmem>> -> memref<1x32x128xf32, #tpu.memory_space<vmem>>
      %dma_start3A_1786 = tpu.memref_squeeze %dma_start3A_1785 : memref<1x32x128xf32, #tpu.memory_space<vmem>> -> memref<32x128xf32, #tpu.memory_space<vmem>>
      %dma_start3A_1787 = arith.constant 0 : i32
      %dma_start3A_1788 = tpu.memref_slice %arg4[%dma_start3A_1787, %multiple_of3A_1748] : memref<32x10000001xf32, #tpu.memory_space<hbm>> -> memref<32x128xf32, #tpu.memory_space<hbm>>
      tpu.enqueue_dma source(%dma_start3A_1788 : memref<32x128xf32, #tpu.memory_space<hbm>>) target(%dma_start3A_1786 : memref<32x128xf32, #tpu.memory_space<vmem>>) target_semaphore(%arg14 : memref<!tpu.dma_semaphore, #tpu.memory_space<semaphore_mem>>)
      %dma_start3A_1789 = arith.constant 6 : i32
      %dma_start3A_1790 = arith.constant 0 : i32
      %dma_start3A_1791 = arith.constant 0 : i32
      %dma_start3A_1792 = tpu.memref_slice %arg11[%dma_start3A_1789, %dma_start3A_1790, %dma_start3A_1791] : memref<8x32x128xf32, #tpu.memory_space<vmem>> -> memref<1x32x128xf32, #tpu.memory_space<vmem>>
      %dma_start3A_1793 = tpu.memref_squeeze %dma_start3A_1792 : memref<1x32x128xf32, #tpu.memory_space<vmem>> -> memref<32x128xf32, #tpu.memory_space<vmem>>
      %dma_start3A_1794 = arith.constant 0 : i32
      %dma_start3A_1795 = tpu.memref_slice %arg5[%dma_start3A_1794, %multiple_of3A_1775] : memref<32x10000001xf32, #tpu.memory_space<hbm>> -> memref<32x128xf32, #tpu.memory_space<hbm>>
      %dma_start3A_1796 = arith.constant 0 : i32
      %dma_start3A_1797 = arith.constant 0 : i32
      %dma_start3A_1798 = tpu.memref_slice %arg11[%dma_start3A_1789, %dma_start3A_1796, %dma_start3A_1797] : memref<8x32x128xf32, #tpu.memory_space<vmem>> -> memref<1x32x128xf32, #tpu.memory_space<vmem>>
      %dma_start3A_1799 = tpu.memref_squeeze %dma_start3A_1798 : memref<1x32x128xf32, #tpu.memory_space<vmem>> -> memref<32x128xf32, #tpu.memory_space<vmem>>
      %dma_start3A_1800 = arith.constant 0 : i32
      %dma_start3A_1801 = tpu.memref_slice %arg5[%dma_start3A_1800, %multiple_of3A_1775] : memref<32x10000001xf32, #tpu.memory_space<hbm>> -> memref<32x128xf32, #tpu.memory_space<hbm>>
      tpu.enqueue_dma source(%dma_start3A_1801 : memref<32x128xf32, #tpu.memory_space<hbm>>) target(%dma_start3A_1799 : memref<32x128xf32, #tpu.memory_space<vmem>>) target_semaphore(%arg15 : memref<!tpu.dma_semaphore, #tpu.memory_space<semaphore_mem>>)
      %dma_wait3A_1802 = arith.constant 7 : i32
      %dma_wait3A_1803 = arith.constant 0 : i32
      %dma_wait3A_1804 = arith.constant 0 : i32
      %dma_wait3A_1805 = tpu.memref_slice %arg10[%dma_wait3A_1802, %dma_wait3A_1803, %dma_wait3A_1804] : memref<8x32x128xf32, #tpu.memory_space<vmem>> -> memref<1x32x128xf32, #tpu.memory_space<vmem>>
      %dma_wait3A_1806 = tpu.memref_squeeze %dma_wait3A_1805 : memref<1x32x128xf32, #tpu.memory_space<vmem>> -> memref<32x128xf32, #tpu.memory_space<vmem>>
      %dma_wait3A_1807 = arith.constant 0 : i32
      %dma_wait3A_1808 = arith.constant 0 : i32
      %dma_wait3A_1809 = tpu.memref_slice %arg4[%dma_wait3A_1807, %dma_wait3A_1808] : memref<32x10000001xf32, #tpu.memory_space<hbm>> -> memref<32x128xf32, #tpu.memory_space<hbm>>
      %dma_wait3A_1810 = arith.constant 0 : i32
      %dma_wait3A_1811 = arith.constant 0 : i32
      %dma_wait3A_1812 = tpu.memref_slice %arg10[%dma_wait3A_1802, %dma_wait3A_1810, %dma_wait3A_1811] : memref<8x32x128xf32, #tpu.memory_space<vmem>> -> memref<1x32x128xf32, #tpu.memory_space<vmem>>
      %dma_wait3A_1813 = tpu.memref_squeeze %dma_wait3A_1812 : memref<1x32x128xf32, #tpu.memory_space<vmem>> -> memref<32x128xf32, #tpu.memory_space<vmem>>
      %dma_wait3A_1814 = arith.constant 0 : i32
      %dma_wait3A_1815 = arith.constant 0 : i32
      %dma_wait3A_1816 = tpu.memref_slice %arg4[%dma_wait3A_1814, %dma_wait3A_1815] : memref<32x10000001xf32, #tpu.memory_space<hbm>> -> memref<32x128xf32, #tpu.memory_space<hbm>>
      tpu.wait_dma2 semaphore(%arg14 : memref<!tpu.dma_semaphore, #tpu.memory_space<semaphore_mem>>) src(%dma_wait3A_1816 : memref<32x128xf32, #tpu.memory_space<hbm>>) dst(%dma_wait3A_1813 : memref<32x128xf32, #tpu.memory_space<vmem>>)
      %dma_wait3A_1817 = arith.constant 7 : i32
      %dma_wait3A_1818 = arith.constant 0 : i32
      %dma_wait3A_1819 = arith.constant 0 : i32
      %dma_wait3A_1820 = tpu.memref_slice %arg11[%dma_wait3A_1817, %dma_wait3A_1818, %dma_wait3A_1819] : memref<8x32x128xf32, #tpu.memory_space<vmem>> -> memref<1x32x128xf32, #tpu.memory_space<vmem>>
      %dma_wait3A_1821 = tpu.memref_squeeze %dma_wait3A_1820 : memref<1x32x128xf32, #tpu.memory_space<vmem>> -> memref<32x128xf32, #tpu.memory_space<vmem>>
      %dma_wait3A_1822 = arith.constant 0 : i32
      %dma_wait3A_1823 = arith.constant 0 : i32
      %dma_wait3A_1824 = tpu.memref_slice %arg5[%dma_wait3A_1822, %dma_wait3A_1823] : memref<32x10000001xf32, #tpu.memory_space<hbm>> -> memref<32x128xf32, #tpu.memory_space<hbm>>
      %dma_wait3A_1825 = arith.constant 0 : i32
      %dma_wait3A_1826 = arith.constant 0 : i32
      %dma_wait3A_1827 = tpu.memref_slice %arg11[%dma_wait3A_1817, %dma_wait3A_1825, %dma_wait3A_1826] : memref<8x32x128xf32, #tpu.memory_space<vmem>> -> memref<1x32x128xf32, #tpu.memory_space<vmem>>
      %dma_wait3A_1828 = tpu.memref_squeeze %dma_wait3A_1827 : memref<1x32x128xf32, #tpu.memory_space<vmem>> -> memref<32x128xf32, #tpu.memory_space<vmem>>
      %dma_wait3A_1829 = arith.constant 0 : i32
      %dma_wait3A_1830 = arith.constant 0 : i32
      %dma_wait3A_1831 = tpu.memref_slice %arg5[%dma_wait3A_1829, %dma_wait3A_1830] : memref<32x10000001xf32, #tpu.memory_space<hbm>> -> memref<32x128xf32, #tpu.memory_space<hbm>>
      tpu.wait_dma2 semaphore(%arg15 : memref<!tpu.dma_semaphore, #tpu.memory_space<semaphore_mem>>) src(%dma_wait3A_1831 : memref<32x128xf32, #tpu.memory_space<hbm>>) dst(%dma_wait3A_1828 : memref<32x128xf32, #tpu.memory_space<vmem>>)
      %slice3A_1832 = vector.extract_strided_slice %get3A_596 {offsets = [7], sizes = [1], strides = [1]} : vector<16xi32> to vector<1xi32>
      %squeeze3A_1833 = vector.extract %slice3A_1832[0] : i32 from vector<1xi32>
      %rem3A_1834 = arith.constant 128 : i32
      %rem3A_1835 = arith.remsi %squeeze3A_1833, %rem3A_1834 : i32
      %broadcast_in_dim3A_1836 = vector.broadcast %rem3A_1835 : i32 to vector<16xi32>
      %slice3A_1837 = vector.extract_strided_slice %get3A_600 {offsets = [7], sizes = [1], strides = [1]} : vector<16xi32> to vector<1xi32>
      %squeeze3A_1838 = vector.extract %slice3A_1837[0] : i32 from vector<1xi32>
      %rem3A_1839 = arith.constant 128 : i32
      %rem3A_1840 = arith.remsi %squeeze3A_1838, %rem3A_1839 : i32
      %broadcast_in_dim3A_1841 = vector.broadcast %rem3A_1840 : i32 to vector<16xi32>
      %gather3A_1842 = arith.constant 7 : i32
      %gather3A_1843 = arith.constant 0 : i32
      %gather3A_1844 = arith.constant 0 : i32
      %gather3A_1845 = tpu.memref_slice %arg10[%gather3A_1842, %gather3A_1843, %gather3A_1844] : memref<8x32x128xf32, #tpu.memory_space<vmem>> -> memref<1x32x128xf32, #tpu.memory_space<vmem>>
      %gather3A_1846 = tpu.memref_squeeze %gather3A_1845 : memref<1x32x128xf32, #tpu.memory_space<vmem>> -> memref<32x128xf32, #tpu.memory_space<vmem>>
      %gather3A_1847 = tpu.vector_load_idx %gather3A_1846[%iota3A, %broadcast_in_dim3A_1836] : memref<32x128xf32, #tpu.memory_space<vmem>>[vector<16xi32>, vector<16xi32>], vector<16xf32>,
      %gather3A_1848 = arith.constant 7 : i32
      %gather3A_1849 = arith.constant 0 : i32
      %gather3A_1850 = arith.constant 0 : i32
      %gather3A_1851 = tpu.memref_slice %arg10[%gather3A_1848, %gather3A_1849, %gather3A_1850] : memref<8x32x128xf32, #tpu.memory_space<vmem>> -> memref<1x32x128xf32, #tpu.memory_space<vmem>>
      %gather3A_1852 = tpu.memref_squeeze %gather3A_1851 : memref<1x32x128xf32, #tpu.memory_space<vmem>> -> memref<32x128xf32, #tpu.memory_space<vmem>>
      %gather3A_1853 = tpu.vector_load_idx %gather3A_1852[%add3A_6, %broadcast_in_dim3A_1836] : memref<32x128xf32, #tpu.memory_space<vmem>>[vector<16xi32>, vector<16xi32>], vector<16xf32>,
      %gather3A_1854 = arith.constant 7 : i32
      %gather3A_1855 = arith.constant 0 : i32
      %gather3A_1856 = arith.constant 0 : i32
      %gather3A_1857 = tpu.memref_slice %arg11[%gather3A_1854, %gather3A_1855, %gather3A_1856] : memref<8x32x128xf32, #tpu.memory_space<vmem>> -> memref<1x32x128xf32, #tpu.memory_space<vmem>>
      %gather3A_1858 = tpu.memref_squeeze %gather3A_1857 : memref<1x32x128xf32, #tpu.memory_space<vmem>> -> memref<32x128xf32, #tpu.memory_space<vmem>>
      %gather3A_1859 = tpu.vector_load_idx %gather3A_1858[%iota3A, %broadcast_in_dim3A_1841] : memref<32x128xf32, #tpu.memory_space<vmem>>[vector<16xi32>, vector<16xi32>], vector<16xf32>,
      %gather3A_1860 = arith.constant 7 : i32
      %gather3A_1861 = arith.constant 0 : i32
      %gather3A_1862 = arith.constant 0 : i32
      %gather3A_1863 = tpu.memref_slice %arg11[%gather3A_1860, %gather3A_1861, %gather3A_1862] : memref<8x32x128xf32, #tpu.memory_space<vmem>> -> memref<1x32x128xf32, #tpu.memory_space<vmem>>
      %gather3A_1864 = tpu.memref_squeeze %gather3A_1863 : memref<1x32x128xf32, #tpu.memory_space<vmem>> -> memref<32x128xf32, #tpu.memory_space<vmem>>
      %gather3A_1865 = tpu.vector_load_idx %gather3A_1864[%add3A_6, %broadcast_in_dim3A_1841] : memref<32x128xf32, #tpu.memory_space<vmem>>[vector<16xi32>, vector<16xi32>], vector<16xf32>,
      %mul3A_1866 = arith.mulf %gather3A_1847, %gather3A_1859 : vector<16xf32>
      %mul3A_1867 = arith.mulf %gather3A_1853, %gather3A_1865 : vector<16xf32>
      %add3A_1868 = arith.addf %mul3A_1866, %mul3A_1867 : vector<16xf32>
      %reduce_sum3A_1869 = arith.constant true
      %reduce_sum3A_1870 = vector.broadcast %reduce_sum3A_1869 : i1 to vector<16xi1>
      %reduce_sum3A_1871 = tpu.scan <sum>, %add3A_1868 masked %reduce_sum3A_1870 : vector<16xf32>, vector<16xi1> -> vector<16xf32>
      %reduce_sum3A_1872 = vector.extract %reduce_sum3A_1871[15] : f32 from vector<16xf32>
      %eq3A_1873 = arith.constant 7 : i32
      %eq3A_1874 = vector.broadcast %eq3A_1873 : i32 to vector<16xi32>
      %eq3A_1875 = arith.cmpi eq, %iota3A, %eq3A_1874 : vector<16xi32>
      %broadcast_in_dim3A_1876 = vector.broadcast %reduce_sum3A_1872 : f32 to vector<16xf32>
      %select_n3A_1877 = arith.select %eq3A_1875, %broadcast_in_dim3A_1876, %select_n3A_1717 : vector<16xi1>, vector<16xf32>
      %slice3A_1878 = vector.extract_strided_slice %get3A_596 {offsets = [15], sizes = [1], strides = [1]} : vector<16xi32> to vector<1xi32>
      %squeeze3A_1879 = vector.extract %slice3A_1878[0] : i32 from vector<1xi32>
      %slice3A_1880 = vector.extract_strided_slice %get3A_600 {offsets = [15], sizes = [1], strides = [1]} : vector<16xi32> to vector<1xi32>
      %squeeze3A_1881 = vector.extract %slice3A_1880[0] : i32 from vector<1xi32>
      %jit3A_1882 = arith.constant 128 : i32
      %div3A_1883 = arith.divsi %squeeze3A_1879, %jit3A_1882 : i32
      %sign3A_1884 = arith.constant 0 : i32
      %sign3A_1885 = arith.cmpi sgt, %squeeze3A_1879, %sign3A_1884 : i32
      %sign3A_1886 = arith.extui %sign3A_1885 : i1 to i32
      %sign3A_1887 = arith.constant 0 : i32
      %sign3A_1888 = arith.cmpi slt, %squeeze3A_1879, %sign3A_1887 : i32
      %sign3A_1889 = arith.extui %sign3A_1888 : i1 to i32
      %sign3A_1890 = arith.subi %sign3A_1886, %sign3A_1889 : i32
      %sign3A_1891 = arith.constant 0 : i32
      %sign3A_1892 = arith.cmpi sgt, %jit3A_1882, %sign3A_1891 : i32
      %sign3A_1893 = arith.extui %sign3A_1892 : i1 to i32
      %sign3A_1894 = arith.constant 0 : i32
      %sign3A_1895 = arith.cmpi slt, %jit3A_1882, %sign3A_1894 : i32
      %sign3A_1896 = arith.extui %sign3A_1895 : i1 to i32
      %sign3A_1897 = arith.subi %sign3A_1893, %sign3A_1896 : i32
      %ne3A_1898 = arith.cmpi ne, %sign3A_1890, %sign3A_1897 : i32
      %rem3A_1899 = arith.remsi %squeeze3A_1879, %jit3A_1882 : i32
      %ne3A_1900 = arith.constant 0 : i32
      %ne3A_1901 = arith.cmpi ne, %rem3A_1899, %ne3A_1900 : i32
      %and3A_1902 = arith.andi %ne3A_1898, %ne3A_1901 : i1
      %sub3A_1903 = arith.constant 1 : i32
      %sub3A_1904 = arith.subi %div3A_1883, %sub3A_1903 : i32
      %select_n3A_1905 = arith.select %and3A_1902, %sub3A_1904, %div3A_1883 : i32
      %mul3A_1906 = arith.constant 128 : i32
      %mul3A_1907 = arith.muli %select_n3A_1905, %mul3A_1906 : i32
      %multiple_of3A_1908 = tpu.assume_multiple %mul3A_1907, 128 : i32
      %jit3A_1909 = arith.constant 128 : i32
      %div3A_1910 = arith.divsi %squeeze3A_1881, %jit3A_1909 : i32
      %sign3A_1911 = arith.constant 0 : i32
      %sign3A_1912 = arith.cmpi sgt, %squeeze3A_1881, %sign3A_1911 : i32
      %sign3A_1913 = arith.extui %sign3A_1912 : i1 to i32
      %sign3A_1914 = arith.constant 0 : i32
      %sign3A_1915 = arith.cmpi slt, %squeeze3A_1881, %sign3A_1914 : i32
      %sign3A_1916 = arith.extui %sign3A_1915 : i1 to i32
      %sign3A_1917 = arith.subi %sign3A_1913, %sign3A_1916 : i32
      %sign3A_1918 = arith.constant 0 : i32
      %sign3A_1919 = arith.cmpi sgt, %jit3A_1909, %sign3A_1918 : i32
      %sign3A_1920 = arith.extui %sign3A_1919 : i1 to i32
      %sign3A_1921 = arith.constant 0 : i32
      %sign3A_1922 = arith.cmpi slt, %jit3A_1909, %sign3A_1921 : i32
      %sign3A_1923 = arith.extui %sign3A_1922 : i1 to i32
      %sign3A_1924 = arith.subi %sign3A_1920, %sign3A_1923 : i32
      %ne3A_1925 = arith.cmpi ne, %sign3A_1917, %sign3A_1924 : i32
      %rem3A_1926 = arith.remsi %squeeze3A_1881, %jit3A_1909 : i32
      %ne3A_1927 = arith.constant 0 : i32
      %ne3A_1928 = arith.cmpi ne, %rem3A_1926, %ne3A_1927 : i32
      %and3A_1929 = arith.andi %ne3A_1925, %ne3A_1928 : i1
      %sub3A_1930 = arith.constant 1 : i32
      %sub3A_1931 = arith.subi %div3A_1910, %sub3A_1930 : i32
      %select_n3A_1932 = arith.select %and3A_1929, %sub3A_1931, %div3A_1910 : i32
      %mul3A_1933 = arith.constant 128 : i32
      %mul3A_1934 = arith.muli %select_n3A_1932, %mul3A_1933 : i32
      %multiple_of3A_1935 = tpu.assume_multiple %mul3A_1934, 128 : i32
      %dma_start3A_1936 = arith.constant 7 : i32
      %dma_start3A_1937 = arith.constant 0 : i32
      %dma_start3A_1938 = arith.constant 0 : i32
      %dma_start3A_1939 = tpu.memref_slice %arg10[%dma_start3A_1936, %dma_start3A_1937, %dma_start3A_1938] : memref<8x32x128xf32, #tpu.memory_space<vmem>> -> memref<1x32x128xf32, #tpu.memory_space<vmem>>
      %dma_start3A_1940 = tpu.memref_squeeze %dma_start3A_1939 : memref<1x32x128xf32, #tpu.memory_space<vmem>> -> memref<32x128xf32, #tpu.memory_space<vmem>>
      %dma_start3A_1941 = arith.constant 0 : i32
      %dma_start3A_1942 = tpu.memref_slice %arg4[%dma_start3A_1941, %multiple_of3A_1908] : memref<32x10000001xf32, #tpu.memory_space<hbm>> -> memref<32x128xf32, #tpu.memory_space<hbm>>
      %dma_start3A_1943 = arith.constant 0 : i32
      %dma_start3A_1944 = arith.constant 0 : i32
      %dma_start3A_1945 = tpu.memref_slice %arg10[%dma_start3A_1936, %dma_start3A_1943, %dma_start3A_1944] : memref<8x32x128xf32, #tpu.memory_space<vmem>> -> memref<1x32x128xf32, #tpu.memory_space<vmem>>
      %dma_start3A_1946 = tpu.memref_squeeze %dma_start3A_1945 : memref<1x32x128xf32, #tpu.memory_space<vmem>> -> memref<32x128xf32, #tpu.memory_space<vmem>>
      %dma_start3A_1947 = arith.constant 0 : i32
      %dma_start3A_1948 = tpu.memref_slice %arg4[%dma_start3A_1947, %multiple_of3A_1908] : memref<32x10000001xf32, #tpu.memory_space<hbm>> -> memref<32x128xf32, #tpu.memory_space<hbm>>
      tpu.enqueue_dma source(%dma_start3A_1948 : memref<32x128xf32, #tpu.memory_space<hbm>>) target(%dma_start3A_1946 : memref<32x128xf32, #tpu.memory_space<vmem>>) target_semaphore(%arg14 : memref<!tpu.dma_semaphore, #tpu.memory_space<semaphore_mem>>)
      %dma_start3A_1949 = arith.constant 7 : i32
      %dma_start3A_1950 = arith.constant 0 : i32
      %dma_start3A_1951 = arith.constant 0 : i32
      %dma_start3A_1952 = tpu.memref_slice %arg11[%dma_start3A_1949, %dma_start3A_1950, %dma_start3A_1951] : memref<8x32x128xf32, #tpu.memory_space<vmem>> -> memref<1x32x128xf32, #tpu.memory_space<vmem>>
      %dma_start3A_1953 = tpu.memref_squeeze %dma_start3A_1952 : memref<1x32x128xf32, #tpu.memory_space<vmem>> -> memref<32x128xf32, #tpu.memory_space<vmem>>
      %dma_start3A_1954 = arith.constant 0 : i32
      %dma_start3A_1955 = tpu.memref_slice %arg5[%dma_start3A_1954, %multiple_of3A_1935] : memref<32x10000001xf32, #tpu.memory_space<hbm>> -> memref<32x128xf32, #tpu.memory_space<hbm>>
      %dma_start3A_1956 = arith.constant 0 : i32
      %dma_start3A_1957 = arith.constant 0 : i32
      %dma_start3A_1958 = tpu.memref_slice %arg11[%dma_start3A_1949, %dma_start3A_1956, %dma_start3A_1957] : memref<8x32x128xf32, #tpu.memory_space<vmem>> -> memref<1x32x128xf32, #tpu.memory_space<vmem>>
      %dma_start3A_1959 = tpu.memref_squeeze %dma_start3A_1958 : memref<1x32x128xf32, #tpu.memory_space<vmem>> -> memref<32x128xf32, #tpu.memory_space<vmem>>
      %dma_start3A_1960 = arith.constant 0 : i32
      %dma_start3A_1961 = tpu.memref_slice %arg5[%dma_start3A_1960, %multiple_of3A_1935] : memref<32x10000001xf32, #tpu.memory_space<hbm>> -> memref<32x128xf32, #tpu.memory_space<hbm>>
      tpu.enqueue_dma source(%dma_start3A_1961 : memref<32x128xf32, #tpu.memory_space<hbm>>) target(%dma_start3A_1959 : memref<32x128xf32, #tpu.memory_space<vmem>>) target_semaphore(%arg15 : memref<!tpu.dma_semaphore, #tpu.memory_space<semaphore_mem>>)
      %dma_wait3A_1962 = arith.constant 0 : i32
      %dma_wait3A_1963 = arith.constant 0 : i32
      %dma_wait3A_1964 = arith.constant 0 : i32
      %dma_wait3A_1965 = tpu.memref_slice %arg10[%dma_wait3A_1962, %dma_wait3A_1963, %dma_wait3A_1964] : memref<8x32x128xf32, #tpu.memory_space<vmem>> -> memref<1x32x128xf32, #tpu.memory_space<vmem>>
      %dma_wait3A_1966 = tpu.memref_squeeze %dma_wait3A_1965 : memref<1x32x128xf32, #tpu.memory_space<vmem>> -> memref<32x128xf32, #tpu.memory_space<vmem>>
      %dma_wait3A_1967 = arith.constant 0 : i32
      %dma_wait3A_1968 = arith.constant 0 : i32
      %dma_wait3A_1969 = tpu.memref_slice %arg4[%dma_wait3A_1967, %dma_wait3A_1968] : memref<32x10000001xf32, #tpu.memory_space<hbm>> -> memref<32x128xf32, #tpu.memory_space<hbm>>
      %dma_wait3A_1970 = arith.constant 0 : i32
      %dma_wait3A_1971 = arith.constant 0 : i32
      %dma_wait3A_1972 = tpu.memref_slice %arg10[%dma_wait3A_1962, %dma_wait3A_1970, %dma_wait3A_1971] : memref<8x32x128xf32, #tpu.memory_space<vmem>> -> memref<1x32x128xf32, #tpu.memory_space<vmem>>
      %dma_wait3A_1973 = tpu.memref_squeeze %dma_wait3A_1972 : memref<1x32x128xf32, #tpu.memory_space<vmem>> -> memref<32x128xf32, #tpu.memory_space<vmem>>
      %dma_wait3A_1974 = arith.constant 0 : i32
      %dma_wait3A_1975 = arith.constant 0 : i32
      %dma_wait3A_1976 = tpu.memref_slice %arg4[%dma_wait3A_1974, %dma_wait3A_1975] : memref<32x10000001xf32, #tpu.memory_space<hbm>> -> memref<32x128xf32, #tpu.memory_space<hbm>>
      tpu.wait_dma2 semaphore(%arg14 : memref<!tpu.dma_semaphore, #tpu.memory_space<semaphore_mem>>) src(%dma_wait3A_1976 : memref<32x128xf32, #tpu.memory_space<hbm>>) dst(%dma_wait3A_1973 : memref<32x128xf32, #tpu.memory_space<vmem>>)
      %dma_wait3A_1977 = arith.constant 0 : i32
      %dma_wait3A_1978 = arith.constant 0 : i32
      %dma_wait3A_1979 = arith.constant 0 : i32
      %dma_wait3A_1980 = tpu.memref_slice %arg11[%dma_wait3A_1977, %dma_wait3A_1978, %dma_wait3A_1979] : memref<8x32x128xf32, #tpu.memory_space<vmem>> -> memref<1x32x128xf32, #tpu.memory_space<vmem>>
      %dma_wait3A_1981 = tpu.memref_squeeze %dma_wait3A_1980 : memref<1x32x128xf32, #tpu.memory_space<vmem>> -> memref<32x128xf32, #tpu.memory_space<vmem>>
      %dma_wait3A_1982 = arith.constant 0 : i32
      %dma_wait3A_1983 = arith.constant 0 : i32
      %dma_wait3A_1984 = tpu.memref_slice %arg5[%dma_wait3A_1982, %dma_wait3A_1983] : memref<32x10000001xf32, #tpu.memory_space<hbm>> -> memref<32x128xf32, #tpu.memory_space<hbm>>
      %dma_wait3A_1985 = arith.constant 0 : i32
      %dma_wait3A_1986 = arith.constant 0 : i32
      %dma_wait3A_1987 = tpu.memref_slice %arg11[%dma_wait3A_1977, %dma_wait3A_1985, %dma_wait3A_1986] : memref<8x32x128xf32, #tpu.memory_space<vmem>> -> memref<1x32x128xf32, #tpu.memory_space<vmem>>
      %dma_wait3A_1988 = tpu.memref_squeeze %dma_wait3A_1987 : memref<1x32x128xf32, #tpu.memory_space<vmem>> -> memref<32x128xf32, #tpu.memory_space<vmem>>
      %dma_wait3A_1989 = arith.constant 0 : i32
      %dma_wait3A_1990 = arith.constant 0 : i32
      %dma_wait3A_1991 = tpu.memref_slice %arg5[%dma_wait3A_1989, %dma_wait3A_1990] : memref<32x10000001xf32, #tpu.memory_space<hbm>> -> memref<32x128xf32, #tpu.memory_space<hbm>>
      tpu.wait_dma2 semaphore(%arg15 : memref<!tpu.dma_semaphore, #tpu.memory_space<semaphore_mem>>) src(%dma_wait3A_1991 : memref<32x128xf32, #tpu.memory_space<hbm>>) dst(%dma_wait3A_1988 : memref<32x128xf32, #tpu.memory_space<vmem>>)
      %slice3A_1992 = vector.extract_strided_slice %get3A_596 {offsets = [8], sizes = [1], strides = [1]} : vector<16xi32> to vector<1xi32>
      %squeeze3A_1993 = vector.extract %slice3A_1992[0] : i32 from vector<1xi32>
      %rem3A_1994 = arith.constant 128 : i32
      %rem3A_1995 = arith.remsi %squeeze3A_1993, %rem3A_1994 : i32
      %broadcast_in_dim3A_1996 = vector.broadcast %rem3A_1995 : i32 to vector<16xi32>
      %slice3A_1997 = vector.extract_strided_slice %get3A_600 {offsets = [8], sizes = [1], strides = [1]} : vector<16xi32> to vector<1xi32>
      %squeeze3A_1998 = vector.extract %slice3A_1997[0] : i32 from vector<1xi32>
      %rem3A_1999 = arith.constant 128 : i32
      %rem3A_2000 = arith.remsi %squeeze3A_1998, %rem3A_1999 : i32
      %broadcast_in_dim3A_2001 = vector.broadcast %rem3A_2000 : i32 to vector<16xi32>
      %gather3A_2002 = arith.constant 0 : i32
      %gather3A_2003 = arith.constant 0 : i32
      %gather3A_2004 = arith.constant 0 : i32
      %gather3A_2005 = tpu.memref_slice %arg10[%gather3A_2002, %gather3A_2003, %gather3A_2004] : memref<8x32x128xf32, #tpu.memory_space<vmem>> -> memref<1x32x128xf32, #tpu.memory_space<vmem>>
      %gather3A_2006 = tpu.memref_squeeze %gather3A_2005 : memref<1x32x128xf32, #tpu.memory_space<vmem>> -> memref<32x128xf32, #tpu.memory_space<vmem>>
      %gather3A_2007 = tpu.vector_load_idx %gather3A_2006[%iota3A, %broadcast_in_dim3A_1996] : memref<32x128xf32, #tpu.memory_space<vmem>>[vector<16xi32>, vector<16xi32>], vector<16xf32>,
      %gather3A_2008 = arith.constant 0 : i32
      %gather3A_2009 = arith.constant 0 : i32
      %gather3A_2010 = arith.constant 0 : i32
      %gather3A_2011 = tpu.memref_slice %arg10[%gather3A_2008, %gather3A_2009, %gather3A_2010] : memref<8x32x128xf32, #tpu.memory_space<vmem>> -> memref<1x32x128xf32, #tpu.memory_space<vmem>>
      %gather3A_2012 = tpu.memref_squeeze %gather3A_2011 : memref<1x32x128xf32, #tpu.memory_space<vmem>> -> memref<32x128xf32, #tpu.memory_space<vmem>>
      %gather3A_2013 = tpu.vector_load_idx %gather3A_2012[%add3A_6, %broadcast_in_dim3A_1996] : memref<32x128xf32, #tpu.memory_space<vmem>>[vector<16xi32>, vector<16xi32>], vector<16xf32>,
      %gather3A_2014 = arith.constant 0 : i32
      %gather3A_2015 = arith.constant 0 : i32
      %gather3A_2016 = arith.constant 0 : i32
      %gather3A_2017 = tpu.memref_slice %arg11[%gather3A_2014, %gather3A_2015, %gather3A_2016] : memref<8x32x128xf32, #tpu.memory_space<vmem>> -> memref<1x32x128xf32, #tpu.memory_space<vmem>>
      %gather3A_2018 = tpu.memref_squeeze %gather3A_2017 : memref<1x32x128xf32, #tpu.memory_space<vmem>> -> memref<32x128xf32, #tpu.memory_space<vmem>>
      %gather3A_2019 = tpu.vector_load_idx %gather3A_2018[%iota3A, %broadcast_in_dim3A_2001] : memref<32x128xf32, #tpu.memory_space<vmem>>[vector<16xi32>, vector<16xi32>], vector<16xf32>,
      %gather3A_2020 = arith.constant 0 : i32
      %gather3A_2021 = arith.constant 0 : i32
      %gather3A_2022 = arith.constant 0 : i32
      %gather3A_2023 = tpu.memref_slice %arg11[%gather3A_2020, %gather3A_2021, %gather3A_2022] : memref<8x32x128xf32, #tpu.memory_space<vmem>> -> memref<1x32x128xf32, #tpu.memory_space<vmem>>
      %gather3A_2024 = tpu.memref_squeeze %gather3A_2023 : memref<1x32x128xf32, #tpu.memory_space<vmem>> -> memref<32x128xf32, #tpu.memory_space<vmem>>
      %gather3A_2025 = tpu.vector_load_idx %gather3A_2024[%add3A_6, %broadcast_in_dim3A_2001] : memref<32x128xf32, #tpu.memory_space<vmem>>[vector<16xi32>, vector<16xi32>], vector<16xf32>,
      %mul3A_2026 = arith.mulf %gather3A_2007, %gather3A_2019 : vector<16xf32>
      %mul3A_2027 = arith.mulf %gather3A_2013, %gather3A_2025 : vector<16xf32>
      %add3A_2028 = arith.addf %mul3A_2026, %mul3A_2027 : vector<16xf32>
      %reduce_sum3A_2029 = arith.constant true
      %reduce_sum3A_2030 = vector.broadcast %reduce_sum3A_2029 : i1 to vector<16xi1>
      %reduce_sum3A_2031 = tpu.scan <sum>, %add3A_2028 masked %reduce_sum3A_2030 : vector<16xf32>, vector<16xi1> -> vector<16xf32>
      %reduce_sum3A_2032 = vector.extract %reduce_sum3A_2031[15] : f32 from vector<16xf32>
      %eq3A_2033 = arith.constant 8 : i32
      %eq3A_2034 = vector.broadcast %eq3A_2033 : i32 to vector<16xi32>
      %eq3A_2035 = arith.cmpi eq, %iota3A, %eq3A_2034 : vector<16xi32>
      %broadcast_in_dim3A_2036 = vector.broadcast %reduce_sum3A_2032 : f32 to vector<16xf32>
      %select_n3A_2037 = arith.select %eq3A_2035, %broadcast_in_dim3A_2036, %select_n3A_1877 : vector<16xi1>, vector<16xf32>
      %add3A_2038 = arith.constant 1 : i32
      %add3A_2039 = arith.addi %scan3A_592, %add3A_2038 : i32
      %lt3A = arith.constant 32 : i32
      %lt3A_2040 = arith.cmpi slt, %add3A_2039, %lt3A : i32
      %convert_element_type3A = arith.extui %lt3A_2040 : i1 to i32
      %cond3A = arith.constant 0 : i32
      %cond3A_2041 = arith.cmpi ne, %convert_element_type3A, %cond3A : i32
      scf.if %cond3A_2041 {
        %add3A_2628 = arith.constant 1 : i32
        %add3A_2629 = arith.addi %scan3A_592, %add3A_2628 : i32
        %mul3A_2630 = arith.constant 16 : i32
        %mul3A_2631 = arith.muli %add3A_2629, %mul3A_2630 : i32
        %get3A_2632 = arith.index_cast %mul3A_2631 : i32 to index
        %get3A_2633 = tpu.vector_load %arg8[%get3A_2632] {strides = array<i32>} : memref<512xi32, #tpu.memory_space<vmem>>, vector<16xi32>,
        %add3A_2634 = arith.constant 1 : i32
        %add3A_2635 = arith.addi %scan3A_592, %add3A_2634 : i32
        %mul3A_2636 = arith.constant 16 : i32
        %mul3A_2637 = arith.muli %add3A_2635, %mul3A_2636 : i32
        %get3A_2638 = arith.index_cast %mul3A_2637 : i32 to index
        %get3A_2639 = tpu.vector_load %arg9[%get3A_2638] {strides = array<i32>} : memref<512xi32, #tpu.memory_space<vmem>>, vector<16xi32>,
        %slice3A_2640 = vector.extract_strided_slice %get3A_2633 {offsets = [0], sizes = [1], strides = [1]} : vector<16xi32> to vector<1xi32>
        %squeeze3A_2641 = vector.extract %slice3A_2640[0] : i32 from vector<1xi32>
        %slice3A_2642 = vector.extract_strided_slice %get3A_2639 {offsets = [0], sizes = [1], strides = [1]} : vector<16xi32> to vector<1xi32>
        %squeeze3A_2643 = vector.extract %slice3A_2642[0] : i32 from vector<1xi32>
        %jit3A_2644 = arith.constant 128 : i32
        %div3A_2645 = arith.divsi %squeeze3A_2641, %jit3A_2644 : i32
        %sign3A_2646 = arith.constant 0 : i32
        %sign3A_2647 = arith.cmpi sgt, %squeeze3A_2641, %sign3A_2646 : i32
        %sign3A_2648 = arith.extui %sign3A_2647 : i1 to i32
        %sign3A_2649 = arith.constant 0 : i32
        %sign3A_2650 = arith.cmpi slt, %squeeze3A_2641, %sign3A_2649 : i32
        %sign3A_2651 = arith.extui %sign3A_2650 : i1 to i32
        %sign3A_2652 = arith.subi %sign3A_2648, %sign3A_2651 : i32
        %sign3A_2653 = arith.constant 0 : i32
        %sign3A_2654 = arith.cmpi sgt, %jit3A_2644, %sign3A_2653 : i32
        %sign3A_2655 = arith.extui %sign3A_2654 : i1 to i32
        %sign3A_2656 = arith.constant 0 : i32
        %sign3A_2657 = arith.cmpi slt, %jit3A_2644, %sign3A_2656 : i32
        %sign3A_2658 = arith.extui %sign3A_2657 : i1 to i32
        %sign3A_2659 = arith.subi %sign3A_2655, %sign3A_2658 : i32
        %ne3A_2660 = arith.cmpi ne, %sign3A_2652, %sign3A_2659 : i32
        %rem3A_2661 = arith.remsi %squeeze3A_2641, %jit3A_2644 : i32
        %ne3A_2662 = arith.constant 0 : i32
        %ne3A_2663 = arith.cmpi ne, %rem3A_2661, %ne3A_2662 : i32
        %and3A_2664 = arith.andi %ne3A_2660, %ne3A_2663 : i1
        %sub3A_2665 = arith.constant 1 : i32
        %sub3A_2666 = arith.subi %div3A_2645, %sub3A_2665 : i32
        %select_n3A_2667 = arith.select %and3A_2664, %sub3A_2666, %div3A_2645 : i32
        %mul3A_2668 = arith.constant 128 : i32
        %mul3A_2669 = arith.muli %select_n3A_2667, %mul3A_2668 : i32
        %multiple_of3A_2670 = tpu.assume_multiple %mul3A_2669, 128 : i32
        %jit3A_2671 = arith.constant 128 : i32
        %div3A_2672 = arith.divsi %squeeze3A_2643, %jit3A_2671 : i32
        %sign3A_2673 = arith.constant 0 : i32
        %sign3A_2674 = arith.cmpi sgt, %squeeze3A_2643, %sign3A_2673 : i32
        %sign3A_2675 = arith.extui %sign3A_2674 : i1 to i32
        %sign3A_2676 = arith.constant 0 : i32
        %sign3A_2677 = arith.cmpi slt, %squeeze3A_2643, %sign3A_2676 : i32
        %sign3A_2678 = arith.extui %sign3A_2677 : i1 to i32
        %sign3A_2679 = arith.subi %sign3A_2675, %sign3A_2678 : i32
        %sign3A_2680 = arith.constant 0 : i32
        %sign3A_2681 = arith.cmpi sgt, %jit3A_2671, %sign3A_2680 : i32
        %sign3A_2682 = arith.extui %sign3A_2681 : i1 to i32
        %sign3A_2683 = arith.constant 0 : i32
        %sign3A_2684 = arith.cmpi slt, %jit3A_2671, %sign3A_2683 : i32
        %sign3A_2685 = arith.extui %sign3A_2684 : i1 to i32
        %sign3A_2686 = arith.subi %sign3A_2682, %sign3A_2685 : i32
        %ne3A_2687 = arith.cmpi ne, %sign3A_2679, %sign3A_2686 : i32
        %rem3A_2688 = arith.remsi %squeeze3A_2643, %jit3A_2671 : i32
        %ne3A_2689 = arith.constant 0 : i32
        %ne3A_2690 = arith.cmpi ne, %rem3A_2688, %ne3A_2689 : i32
        %and3A_2691 = arith.andi %ne3A_2687, %ne3A_2690 : i1
        %sub3A_2692 = arith.constant 1 : i32
        %sub3A_2693 = arith.subi %div3A_2672, %sub3A_2692 : i32
        %select_n3A_2694 = arith.select %and3A_2691, %sub3A_2693, %div3A_2672 : i32
        %mul3A_2695 = arith.constant 128 : i32
        %mul3A_2696 = arith.muli %select_n3A_2694, %mul3A_2695 : i32
        %multiple_of3A_2697 = tpu.assume_multiple %mul3A_2696, 128 : i32
        %dma_start3A_2698 = arith.constant 0 : i32
        %dma_start3A_2699 = arith.constant 0 : i32
        %dma_start3A_2700 = arith.constant 0 : i32
        %dma_start3A_2701 = tpu.memref_slice %arg10[%dma_start3A_2698, %dma_start3A_2699, %dma_start3A_2700] : memref<8x32x128xf32, #tpu.memory_space<vmem>> -> memref<1x32x128xf32, #tpu.memory_space<vmem>>
        %dma_start3A_2702 = tpu.memref_squeeze %dma_start3A_2701 : memref<1x32x128xf32, #tpu.memory_space<vmem>> -> memref<32x128xf32, #tpu.memory_space<vmem>>
        %dma_start3A_2703 = arith.constant 0 : i32
        %dma_start3A_2704 = tpu.memref_slice %arg4[%dma_start3A_2703, %multiple_of3A_2670] : memref<32x10000001xf32, #tpu.memory_space<hbm>> -> memref<32x128xf32, #tpu.memory_space<hbm>>
        %dma_start3A_2705 = arith.constant 0 : i32
        %dma_start3A_2706 = arith.constant 0 : i32
        %dma_start3A_2707 = tpu.memref_slice %arg10[%dma_start3A_2698, %dma_start3A_2705, %dma_start3A_2706] : memref<8x32x128xf32, #tpu.memory_space<vmem>> -> memref<1x32x128xf32, #tpu.memory_space<vmem>>
        %dma_start3A_2708 = tpu.memref_squeeze %dma_start3A_2707 : memref<1x32x128xf32, #tpu.memory_space<vmem>> -> memref<32x128xf32, #tpu.memory_space<vmem>>
        %dma_start3A_2709 = arith.constant 0 : i32
        %dma_start3A_2710 = tpu.memref_slice %arg4[%dma_start3A_2709, %multiple_of3A_2670] : memref<32x10000001xf32, #tpu.memory_space<hbm>> -> memref<32x128xf32, #tpu.memory_space<hbm>>
        tpu.enqueue_dma source(%dma_start3A_2710 : memref<32x128xf32, #tpu.memory_space<hbm>>) target(%dma_start3A_2708 : memref<32x128xf32, #tpu.memory_space<vmem>>) target_semaphore(%arg14 : memref<!tpu.dma_semaphore, #tpu.memory_space<semaphore_mem>>)
        %dma_start3A_2711 = arith.constant 0 : i32
        %dma_start3A_2712 = arith.constant 0 : i32
        %dma_start3A_2713 = arith.constant 0 : i32
        %dma_start3A_2714 = tpu.memref_slice %arg11[%dma_start3A_2711, %dma_start3A_2712, %dma_start3A_2713] : memref<8x32x128xf32, #tpu.memory_space<vmem>> -> memref<1x32x128xf32, #tpu.memory_space<vmem>>
        %dma_start3A_2715 = tpu.memref_squeeze %dma_start3A_2714 : memref<1x32x128xf32, #tpu.memory_space<vmem>> -> memref<32x128xf32, #tpu.memory_space<vmem>>
        %dma_start3A_2716 = arith.constant 0 : i32
        %dma_start3A_2717 = tpu.memref_slice %arg5[%dma_start3A_2716, %multiple_of3A_2697] : memref<32x10000001xf32, #tpu.memory_space<hbm>> -> memref<32x128xf32, #tpu.memory_space<hbm>>
        %dma_start3A_2718 = arith.constant 0 : i32
        %dma_start3A_2719 = arith.constant 0 : i32
        %dma_start3A_2720 = tpu.memref_slice %arg11[%dma_start3A_2711, %dma_start3A_2718, %dma_start3A_2719] : memref<8x32x128xf32, #tpu.memory_space<vmem>> -> memref<1x32x128xf32, #tpu.memory_space<vmem>>
        %dma_start3A_2721 = tpu.memref_squeeze %dma_start3A_2720 : memref<1x32x128xf32, #tpu.memory_space<vmem>> -> memref<32x128xf32, #tpu.memory_space<vmem>>
        %dma_start3A_2722 = arith.constant 0 : i32
        %dma_start3A_2723 = tpu.memref_slice %arg5[%dma_start3A_2722, %multiple_of3A_2697] : memref<32x10000001xf32, #tpu.memory_space<hbm>> -> memref<32x128xf32, #tpu.memory_space<hbm>>
        tpu.enqueue_dma source(%dma_start3A_2723 : memref<32x128xf32, #tpu.memory_space<hbm>>) target(%dma_start3A_2721 : memref<32x128xf32, #tpu.memory_space<vmem>>) target_semaphore(%arg15 : memref<!tpu.dma_semaphore, #tpu.memory_space<semaphore_mem>>)
      } else {
      }
      %dma_wait3A_2042 = arith.constant 1 : i32
      %dma_wait3A_2043 = arith.constant 0 : i32
      %dma_wait3A_2044 = arith.constant 0 : i32
      %dma_wait3A_2045 = tpu.memref_slice %arg10[%dma_wait3A_2042, %dma_wait3A_2043, %dma_wait3A_2044] : memref<8x32x128xf32, #tpu.memory_space<vmem>> -> memref<1x32x128xf32, #tpu.memory_space<vmem>>
      %dma_wait3A_2046 = tpu.memref_squeeze %dma_wait3A_2045 : memref<1x32x128xf32, #tpu.memory_space<vmem>> -> memref<32x128xf32, #tpu.memory_space<vmem>>
      %dma_wait3A_2047 = arith.constant 0 : i32
      %dma_wait3A_2048 = arith.constant 0 : i32
      %dma_wait3A_2049 = tpu.memref_slice %arg4[%dma_wait3A_2047, %dma_wait3A_2048] : memref<32x10000001xf32, #tpu.memory_space<hbm>> -> memref<32x128xf32, #tpu.memory_space<hbm>>
      %dma_wait3A_2050 = arith.constant 0 : i32
      %dma_wait3A_2051 = arith.constant 0 : i32
      %dma_wait3A_2052 = tpu.memref_slice %arg10[%dma_wait3A_2042, %dma_wait3A_2050, %dma_wait3A_2051] : memref<8x32x128xf32, #tpu.memory_space<vmem>> -> memref<1x32x128xf32, #tpu.memory_space<vmem>>
      %dma_wait3A_2053 = tpu.memref_squeeze %dma_wait3A_2052 : memref<1x32x128xf32, #tpu.memory_space<vmem>> -> memref<32x128xf32, #tpu.memory_space<vmem>>
      %dma_wait3A_2054 = arith.constant 0 : i32
      %dma_wait3A_2055 = arith.constant 0 : i32
      %dma_wait3A_2056 = tpu.memref_slice %arg4[%dma_wait3A_2054, %dma_wait3A_2055] : memref<32x10000001xf32, #tpu.memory_space<hbm>> -> memref<32x128xf32, #tpu.memory_space<hbm>>
      tpu.wait_dma2 semaphore(%arg14 : memref<!tpu.dma_semaphore, #tpu.memory_space<semaphore_mem>>) src(%dma_wait3A_2056 : memref<32x128xf32, #tpu.memory_space<hbm>>) dst(%dma_wait3A_2053 : memref<32x128xf32, #tpu.memory_space<vmem>>)
      %dma_wait3A_2057 = arith.constant 1 : i32
      %dma_wait3A_2058 = arith.constant 0 : i32
      %dma_wait3A_2059 = arith.constant 0 : i32
      %dma_wait3A_2060 = tpu.memref_slice %arg11[%dma_wait3A_2057, %dma_wait3A_2058, %dma_wait3A_2059] : memref<8x32x128xf32, #tpu.memory_space<vmem>> -> memref<1x32x128xf32, #tpu.memory_space<vmem>>
      %dma_wait3A_2061 = tpu.memref_squeeze %dma_wait3A_2060 : memref<1x32x128xf32, #tpu.memory_space<vmem>> -> memref<32x128xf32, #tpu.memory_space<vmem>>
      %dma_wait3A_2062 = arith.constant 0 : i32
      %dma_wait3A_2063 = arith.constant 0 : i32
      %dma_wait3A_2064 = tpu.memref_slice %arg5[%dma_wait3A_2062, %dma_wait3A_2063] : memref<32x10000001xf32, #tpu.memory_space<hbm>> -> memref<32x128xf32, #tpu.memory_space<hbm>>
      %dma_wait3A_2065 = arith.constant 0 : i32
      %dma_wait3A_2066 = arith.constant 0 : i32
      %dma_wait3A_2067 = tpu.memref_slice %arg11[%dma_wait3A_2057, %dma_wait3A_2065, %dma_wait3A_2066] : memref<8x32x128xf32, #tpu.memory_space<vmem>> -> memref<1x32x128xf32, #tpu.memory_space<vmem>>
      %dma_wait3A_2068 = tpu.memref_squeeze %dma_wait3A_2067 : memref<1x32x128xf32, #tpu.memory_space<vmem>> -> memref<32x128xf32, #tpu.memory_space<vmem>>
      %dma_wait3A_2069 = arith.constant 0 : i32
      %dma_wait3A_2070 = arith.constant 0 : i32
      %dma_wait3A_2071 = tpu.memref_slice %arg5[%dma_wait3A_2069, %dma_wait3A_2070] : memref<32x10000001xf32, #tpu.memory_space<hbm>> -> memref<32x128xf32, #tpu.memory_space<hbm>>
      tpu.wait_dma2 semaphore(%arg15 : memref<!tpu.dma_semaphore, #tpu.memory_space<semaphore_mem>>) src(%dma_wait3A_2071 : memref<32x128xf32, #tpu.memory_space<hbm>>) dst(%dma_wait3A_2068 : memref<32x128xf32, #tpu.memory_space<vmem>>)
      %slice3A_2072 = vector.extract_strided_slice %get3A_596 {offsets = [9], sizes = [1], strides = [1]} : vector<16xi32> to vector<1xi32>
      %squeeze3A_2073 = vector.extract %slice3A_2072[0] : i32 from vector<1xi32>
      %rem3A_2074 = arith.constant 128 : i32
      %rem3A_2075 = arith.remsi %squeeze3A_2073, %rem3A_2074 : i32
      %broadcast_in_dim3A_2076 = vector.broadcast %rem3A_2075 : i32 to vector<16xi32>
      %slice3A_2077 = vector.extract_strided_slice %get3A_600 {offsets = [9], sizes = [1], strides = [1]} : vector<16xi32> to vector<1xi32>
      %squeeze3A_2078 = vector.extract %slice3A_2077[0] : i32 from vector<1xi32>
      %rem3A_2079 = arith.constant 128 : i32
      %rem3A_2080 = arith.remsi %squeeze3A_2078, %rem3A_2079 : i32
      %broadcast_in_dim3A_2081 = vector.broadcast %rem3A_2080 : i32 to vector<16xi32>
      %gather3A_2082 = arith.constant 1 : i32
      %gather3A_2083 = arith.constant 0 : i32
      %gather3A_2084 = arith.constant 0 : i32
      %gather3A_2085 = tpu.memref_slice %arg10[%gather3A_2082, %gather3A_2083, %gather3A_2084] : memref<8x32x128xf32, #tpu.memory_space<vmem>> -> memref<1x32x128xf32, #tpu.memory_space<vmem>>
      %gather3A_2086 = tpu.memref_squeeze %gather3A_2085 : memref<1x32x128xf32, #tpu.memory_space<vmem>> -> memref<32x128xf32, #tpu.memory_space<vmem>>
      %gather3A_2087 = tpu.vector_load_idx %gather3A_2086[%iota3A, %broadcast_in_dim3A_2076] : memref<32x128xf32, #tpu.memory_space<vmem>>[vector<16xi32>, vector<16xi32>], vector<16xf32>,
      %gather3A_2088 = arith.constant 1 : i32
      %gather3A_2089 = arith.constant 0 : i32
      %gather3A_2090 = arith.constant 0 : i32
      %gather3A_2091 = tpu.memref_slice %arg10[%gather3A_2088, %gather3A_2089, %gather3A_2090] : memref<8x32x128xf32, #tpu.memory_space<vmem>> -> memref<1x32x128xf32, #tpu.memory_space<vmem>>
      %gather3A_2092 = tpu.memref_squeeze %gather3A_2091 : memref<1x32x128xf32, #tpu.memory_space<vmem>> -> memref<32x128xf32, #tpu.memory_space<vmem>>
      %gather3A_2093 = tpu.vector_load_idx %gather3A_2092[%add3A_6, %broadcast_in_dim3A_2076] : memref<32x128xf32, #tpu.memory_space<vmem>>[vector<16xi32>, vector<16xi32>], vector<16xf32>,
      %gather3A_2094 = arith.constant 1 : i32
      %gather3A_2095 = arith.constant 0 : i32
      %gather3A_2096 = arith.constant 0 : i32
      %gather3A_2097 = tpu.memref_slice %arg11[%gather3A_2094, %gather3A_2095, %gather3A_2096] : memref<8x32x128xf32, #tpu.memory_space<vmem>> -> memref<1x32x128xf32, #tpu.memory_space<vmem>>
      %gather3A_2098 = tpu.memref_squeeze %gather3A_2097 : memref<1x32x128xf32, #tpu.memory_space<vmem>> -> memref<32x128xf32, #tpu.memory_space<vmem>>
      %gather3A_2099 = tpu.vector_load_idx %gather3A_2098[%iota3A, %broadcast_in_dim3A_2081] : memref<32x128xf32, #tpu.memory_space<vmem>>[vector<16xi32>, vector<16xi32>], vector<16xf32>,
      %gather3A_2100 = arith.constant 1 : i32
      %gather3A_2101 = arith.constant 0 : i32
      %gather3A_2102 = arith.constant 0 : i32
      %gather3A_2103 = tpu.memref_slice %arg11[%gather3A_2100, %gather3A_2101, %gather3A_2102] : memref<8x32x128xf32, #tpu.memory_space<vmem>> -> memref<1x32x128xf32, #tpu.memory_space<vmem>>
      %gather3A_2104 = tpu.memref_squeeze %gather3A_2103 : memref<1x32x128xf32, #tpu.memory_space<vmem>> -> memref<32x128xf32, #tpu.memory_space<vmem>>
      %gather3A_2105 = tpu.vector_load_idx %gather3A_2104[%add3A_6, %broadcast_in_dim3A_2081] : memref<32x128xf32, #tpu.memory_space<vmem>>[vector<16xi32>, vector<16xi32>], vector<16xf32>,
      %mul3A_2106 = arith.mulf %gather3A_2087, %gather3A_2099 : vector<16xf32>
      %mul3A_2107 = arith.mulf %gather3A_2093, %gather3A_2105 : vector<16xf32>
      %add3A_2108 = arith.addf %mul3A_2106, %mul3A_2107 : vector<16xf32>
      %reduce_sum3A_2109 = arith.constant true
      %reduce_sum3A_2110 = vector.broadcast %reduce_sum3A_2109 : i1 to vector<16xi1>
      %reduce_sum3A_2111 = tpu.scan <sum>, %add3A_2108 masked %reduce_sum3A_2110 : vector<16xf32>, vector<16xi1> -> vector<16xf32>
      %reduce_sum3A_2112 = vector.extract %reduce_sum3A_2111[15] : f32 from vector<16xf32>
      %eq3A_2113 = arith.constant 9 : i32
      %eq3A_2114 = vector.broadcast %eq3A_2113 : i32 to vector<16xi32>
      %eq3A_2115 = arith.cmpi eq, %iota3A, %eq3A_2114 : vector<16xi32>
      %broadcast_in_dim3A_2116 = vector.broadcast %reduce_sum3A_2112 : f32 to vector<16xf32>
      %select_n3A_2117 = arith.select %eq3A_2115, %broadcast_in_dim3A_2116, %select_n3A_2037 : vector<16xi1>, vector<16xf32>
      %add3A_2118 = arith.constant 1 : i32
      %add3A_2119 = arith.addi %scan3A_592, %add3A_2118 : i32
      %lt3A_2120 = arith.constant 32 : i32
      %lt3A_2121 = arith.cmpi slt, %add3A_2119, %lt3A_2120 : i32
      %convert_element_type3A_2122 = arith.extui %lt3A_2121 : i1 to i32
      %cond3A_2123 = arith.constant 0 : i32
      %cond3A_2124 = arith.cmpi ne, %convert_element_type3A_2122, %cond3A_2123 : i32
      scf.if %cond3A_2124 {
        %add3A_2628 = arith.constant 1 : i32
        %add3A_2629 = arith.addi %scan3A_592, %add3A_2628 : i32
        %mul3A_2630 = arith.constant 16 : i32
        %mul3A_2631 = arith.muli %add3A_2629, %mul3A_2630 : i32
        %get3A_2632 = arith.index_cast %mul3A_2631 : i32 to index
        %get3A_2633 = tpu.vector_load %arg8[%get3A_2632] {strides = array<i32>} : memref<512xi32, #tpu.memory_space<vmem>>, vector<16xi32>,
        %add3A_2634 = arith.constant 1 : i32
        %add3A_2635 = arith.addi %scan3A_592, %add3A_2634 : i32
        %mul3A_2636 = arith.constant 16 : i32
        %mul3A_2637 = arith.muli %add3A_2635, %mul3A_2636 : i32
        %get3A_2638 = arith.index_cast %mul3A_2637 : i32 to index
        %get3A_2639 = tpu.vector_load %arg9[%get3A_2638] {strides = array<i32>} : memref<512xi32, #tpu.memory_space<vmem>>, vector<16xi32>,
        %slice3A_2640 = vector.extract_strided_slice %get3A_2633 {offsets = [1], sizes = [1], strides = [1]} : vector<16xi32> to vector<1xi32>
        %squeeze3A_2641 = vector.extract %slice3A_2640[0] : i32 from vector<1xi32>
        %slice3A_2642 = vector.extract_strided_slice %get3A_2639 {offsets = [1], sizes = [1], strides = [1]} : vector<16xi32> to vector<1xi32>
        %squeeze3A_2643 = vector.extract %slice3A_2642[0] : i32 from vector<1xi32>
        %jit3A_2644 = arith.constant 128 : i32
        %div3A_2645 = arith.divsi %squeeze3A_2641, %jit3A_2644 : i32
        %sign3A_2646 = arith.constant 0 : i32
        %sign3A_2647 = arith.cmpi sgt, %squeeze3A_2641, %sign3A_2646 : i32
        %sign3A_2648 = arith.extui %sign3A_2647 : i1 to i32
        %sign3A_2649 = arith.constant 0 : i32
        %sign3A_2650 = arith.cmpi slt, %squeeze3A_2641, %sign3A_2649 : i32
        %sign3A_2651 = arith.extui %sign3A_2650 : i1 to i32
        %sign3A_2652 = arith.subi %sign3A_2648, %sign3A_2651 : i32
        %sign3A_2653 = arith.constant 0 : i32
        %sign3A_2654 = arith.cmpi sgt, %jit3A_2644, %sign3A_2653 : i32
        %sign3A_2655 = arith.extui %sign3A_2654 : i1 to i32
        %sign3A_2656 = arith.constant 0 : i32
        %sign3A_2657 = arith.cmpi slt, %jit3A_2644, %sign3A_2656 : i32
        %sign3A_2658 = arith.extui %sign3A_2657 : i1 to i32
        %sign3A_2659 = arith.subi %sign3A_2655, %sign3A_2658 : i32
        %ne3A_2660 = arith.cmpi ne, %sign3A_2652, %sign3A_2659 : i32
        %rem3A_2661 = arith.remsi %squeeze3A_2641, %jit3A_2644 : i32
        %ne3A_2662 = arith.constant 0 : i32
        %ne3A_2663 = arith.cmpi ne, %rem3A_2661, %ne3A_2662 : i32
        %and3A_2664 = arith.andi %ne3A_2660, %ne3A_2663 : i1
        %sub3A_2665 = arith.constant 1 : i32
        %sub3A_2666 = arith.subi %div3A_2645, %sub3A_2665 : i32
        %select_n3A_2667 = arith.select %and3A_2664, %sub3A_2666, %div3A_2645 : i32
        %mul3A_2668 = arith.constant 128 : i32
        %mul3A_2669 = arith.muli %select_n3A_2667, %mul3A_2668 : i32
        %multiple_of3A_2670 = tpu.assume_multiple %mul3A_2669, 128 : i32
        %jit3A_2671 = arith.constant 128 : i32
        %div3A_2672 = arith.divsi %squeeze3A_2643, %jit3A_2671 : i32
        %sign3A_2673 = arith.constant 0 : i32
        %sign3A_2674 = arith.cmpi sgt, %squeeze3A_2643, %sign3A_2673 : i32
        %sign3A_2675 = arith.extui %sign3A_2674 : i1 to i32
        %sign3A_2676 = arith.constant 0 : i32
        %sign3A_2677 = arith.cmpi slt, %squeeze3A_2643, %sign3A_2676 : i32
        %sign3A_2678 = arith.extui %sign3A_2677 : i1 to i32
        %sign3A_2679 = arith.subi %sign3A_2675, %sign3A_2678 : i32
        %sign3A_2680 = arith.constant 0 : i32
        %sign3A_2681 = arith.cmpi sgt, %jit3A_2671, %sign3A_2680 : i32
        %sign3A_2682 = arith.extui %sign3A_2681 : i1 to i32
        %sign3A_2683 = arith.constant 0 : i32
        %sign3A_2684 = arith.cmpi slt, %jit3A_2671, %sign3A_2683 : i32
        %sign3A_2685 = arith.extui %sign3A_2684 : i1 to i32
        %sign3A_2686 = arith.subi %sign3A_2682, %sign3A_2685 : i32
        %ne3A_2687 = arith.cmpi ne, %sign3A_2679, %sign3A_2686 : i32
        %rem3A_2688 = arith.remsi %squeeze3A_2643, %jit3A_2671 : i32
        %ne3A_2689 = arith.constant 0 : i32
        %ne3A_2690 = arith.cmpi ne, %rem3A_2688, %ne3A_2689 : i32
        %and3A_2691 = arith.andi %ne3A_2687, %ne3A_2690 : i1
        %sub3A_2692 = arith.constant 1 : i32
        %sub3A_2693 = arith.subi %div3A_2672, %sub3A_2692 : i32
        %select_n3A_2694 = arith.select %and3A_2691, %sub3A_2693, %div3A_2672 : i32
        %mul3A_2695 = arith.constant 128 : i32
        %mul3A_2696 = arith.muli %select_n3A_2694, %mul3A_2695 : i32
        %multiple_of3A_2697 = tpu.assume_multiple %mul3A_2696, 128 : i32
        %dma_start3A_2698 = arith.constant 1 : i32
        %dma_start3A_2699 = arith.constant 0 : i32
        %dma_start3A_2700 = arith.constant 0 : i32
        %dma_start3A_2701 = tpu.memref_slice %arg10[%dma_start3A_2698, %dma_start3A_2699, %dma_start3A_2700] : memref<8x32x128xf32, #tpu.memory_space<vmem>> -> memref<1x32x128xf32, #tpu.memory_space<vmem>>
        %dma_start3A_2702 = tpu.memref_squeeze %dma_start3A_2701 : memref<1x32x128xf32, #tpu.memory_space<vmem>> -> memref<32x128xf32, #tpu.memory_space<vmem>>
        %dma_start3A_2703 = arith.constant 0 : i32
        %dma_start3A_2704 = tpu.memref_slice %arg4[%dma_start3A_2703, %multiple_of3A_2670] : memref<32x10000001xf32, #tpu.memory_space<hbm>> -> memref<32x128xf32, #tpu.memory_space<hbm>>
        %dma_start3A_2705 = arith.constant 0 : i32
        %dma_start3A_2706 = arith.constant 0 : i32
        %dma_start3A_2707 = tpu.memref_slice %arg10[%dma_start3A_2698, %dma_start3A_2705, %dma_start3A_2706] : memref<8x32x128xf32, #tpu.memory_space<vmem>> -> memref<1x32x128xf32, #tpu.memory_space<vmem>>
        %dma_start3A_2708 = tpu.memref_squeeze %dma_start3A_2707 : memref<1x32x128xf32, #tpu.memory_space<vmem>> -> memref<32x128xf32, #tpu.memory_space<vmem>>
        %dma_start3A_2709 = arith.constant 0 : i32
        %dma_start3A_2710 = tpu.memref_slice %arg4[%dma_start3A_2709, %multiple_of3A_2670] : memref<32x10000001xf32, #tpu.memory_space<hbm>> -> memref<32x128xf32, #tpu.memory_space<hbm>>
        tpu.enqueue_dma source(%dma_start3A_2710 : memref<32x128xf32, #tpu.memory_space<hbm>>) target(%dma_start3A_2708 : memref<32x128xf32, #tpu.memory_space<vmem>>) target_semaphore(%arg14 : memref<!tpu.dma_semaphore, #tpu.memory_space<semaphore_mem>>)
        %dma_start3A_2711 = arith.constant 1 : i32
        %dma_start3A_2712 = arith.constant 0 : i32
        %dma_start3A_2713 = arith.constant 0 : i32
        %dma_start3A_2714 = tpu.memref_slice %arg11[%dma_start3A_2711, %dma_start3A_2712, %dma_start3A_2713] : memref<8x32x128xf32, #tpu.memory_space<vmem>> -> memref<1x32x128xf32, #tpu.memory_space<vmem>>
        %dma_start3A_2715 = tpu.memref_squeeze %dma_start3A_2714 : memref<1x32x128xf32, #tpu.memory_space<vmem>> -> memref<32x128xf32, #tpu.memory_space<vmem>>
        %dma_start3A_2716 = arith.constant 0 : i32
        %dma_start3A_2717 = tpu.memref_slice %arg5[%dma_start3A_2716, %multiple_of3A_2697] : memref<32x10000001xf32, #tpu.memory_space<hbm>> -> memref<32x128xf32, #tpu.memory_space<hbm>>
        %dma_start3A_2718 = arith.constant 0 : i32
        %dma_start3A_2719 = arith.constant 0 : i32
        %dma_start3A_2720 = tpu.memref_slice %arg11[%dma_start3A_2711, %dma_start3A_2718, %dma_start3A_2719] : memref<8x32x128xf32, #tpu.memory_space<vmem>> -> memref<1x32x128xf32, #tpu.memory_space<vmem>>
        %dma_start3A_2721 = tpu.memref_squeeze %dma_start3A_2720 : memref<1x32x128xf32, #tpu.memory_space<vmem>> -> memref<32x128xf32, #tpu.memory_space<vmem>>
        %dma_start3A_2722 = arith.constant 0 : i32
        %dma_start3A_2723 = tpu.memref_slice %arg5[%dma_start3A_2722, %multiple_of3A_2697] : memref<32x10000001xf32, #tpu.memory_space<hbm>> -> memref<32x128xf32, #tpu.memory_space<hbm>>
        tpu.enqueue_dma source(%dma_start3A_2723 : memref<32x128xf32, #tpu.memory_space<hbm>>) target(%dma_start3A_2721 : memref<32x128xf32, #tpu.memory_space<vmem>>) target_semaphore(%arg15 : memref<!tpu.dma_semaphore, #tpu.memory_space<semaphore_mem>>)
      } else {
      }
      %dma_wait3A_2125 = arith.constant 2 : i32
      %dma_wait3A_2126 = arith.constant 0 : i32
      %dma_wait3A_2127 = arith.constant 0 : i32
      %dma_wait3A_2128 = tpu.memref_slice %arg10[%dma_wait3A_2125, %dma_wait3A_2126, %dma_wait3A_2127] : memref<8x32x128xf32, #tpu.memory_space<vmem>> -> memref<1x32x128xf32, #tpu.memory_space<vmem>>
      %dma_wait3A_2129 = tpu.memref_squeeze %dma_wait3A_2128 : memref<1x32x128xf32, #tpu.memory_space<vmem>> -> memref<32x128xf32, #tpu.memory_space<vmem>>
      %dma_wait3A_2130 = arith.constant 0 : i32
      %dma_wait3A_2131 = arith.constant 0 : i32
      %dma_wait3A_2132 = tpu.memref_slice %arg4[%dma_wait3A_2130, %dma_wait3A_2131] : memref<32x10000001xf32, #tpu.memory_space<hbm>> -> memref<32x128xf32, #tpu.memory_space<hbm>>
      %dma_wait3A_2133 = arith.constant 0 : i32
      %dma_wait3A_2134 = arith.constant 0 : i32
      %dma_wait3A_2135 = tpu.memref_slice %arg10[%dma_wait3A_2125, %dma_wait3A_2133, %dma_wait3A_2134] : memref<8x32x128xf32, #tpu.memory_space<vmem>> -> memref<1x32x128xf32, #tpu.memory_space<vmem>>
      %dma_wait3A_2136 = tpu.memref_squeeze %dma_wait3A_2135 : memref<1x32x128xf32, #tpu.memory_space<vmem>> -> memref<32x128xf32, #tpu.memory_space<vmem>>
      %dma_wait3A_2137 = arith.constant 0 : i32
      %dma_wait3A_2138 = arith.constant 0 : i32
      %dma_wait3A_2139 = tpu.memref_slice %arg4[%dma_wait3A_2137, %dma_wait3A_2138] : memref<32x10000001xf32, #tpu.memory_space<hbm>> -> memref<32x128xf32, #tpu.memory_space<hbm>>
      tpu.wait_dma2 semaphore(%arg14 : memref<!tpu.dma_semaphore, #tpu.memory_space<semaphore_mem>>) src(%dma_wait3A_2139 : memref<32x128xf32, #tpu.memory_space<hbm>>) dst(%dma_wait3A_2136 : memref<32x128xf32, #tpu.memory_space<vmem>>)
      %dma_wait3A_2140 = arith.constant 2 : i32
      %dma_wait3A_2141 = arith.constant 0 : i32
      %dma_wait3A_2142 = arith.constant 0 : i32
      %dma_wait3A_2143 = tpu.memref_slice %arg11[%dma_wait3A_2140, %dma_wait3A_2141, %dma_wait3A_2142] : memref<8x32x128xf32, #tpu.memory_space<vmem>> -> memref<1x32x128xf32, #tpu.memory_space<vmem>>
      %dma_wait3A_2144 = tpu.memref_squeeze %dma_wait3A_2143 : memref<1x32x128xf32, #tpu.memory_space<vmem>> -> memref<32x128xf32, #tpu.memory_space<vmem>>
      %dma_wait3A_2145 = arith.constant 0 : i32
      %dma_wait3A_2146 = arith.constant 0 : i32
      %dma_wait3A_2147 = tpu.memref_slice %arg5[%dma_wait3A_2145, %dma_wait3A_2146] : memref<32x10000001xf32, #tpu.memory_space<hbm>> -> memref<32x128xf32, #tpu.memory_space<hbm>>
      %dma_wait3A_2148 = arith.constant 0 : i32
      %dma_wait3A_2149 = arith.constant 0 : i32
      %dma_wait3A_2150 = tpu.memref_slice %arg11[%dma_wait3A_2140, %dma_wait3A_2148, %dma_wait3A_2149] : memref<8x32x128xf32, #tpu.memory_space<vmem>> -> memref<1x32x128xf32, #tpu.memory_space<vmem>>
      %dma_wait3A_2151 = tpu.memref_squeeze %dma_wait3A_2150 : memref<1x32x128xf32, #tpu.memory_space<vmem>> -> memref<32x128xf32, #tpu.memory_space<vmem>>
      %dma_wait3A_2152 = arith.constant 0 : i32
      %dma_wait3A_2153 = arith.constant 0 : i32
      %dma_wait3A_2154 = tpu.memref_slice %arg5[%dma_wait3A_2152, %dma_wait3A_2153] : memref<32x10000001xf32, #tpu.memory_space<hbm>> -> memref<32x128xf32, #tpu.memory_space<hbm>>
      tpu.wait_dma2 semaphore(%arg15 : memref<!tpu.dma_semaphore, #tpu.memory_space<semaphore_mem>>) src(%dma_wait3A_2154 : memref<32x128xf32, #tpu.memory_space<hbm>>) dst(%dma_wait3A_2151 : memref<32x128xf32, #tpu.memory_space<vmem>>)
      %slice3A_2155 = vector.extract_strided_slice %get3A_596 {offsets = [10], sizes = [1], strides = [1]} : vector<16xi32> to vector<1xi32>
      %squeeze3A_2156 = vector.extract %slice3A_2155[0] : i32 from vector<1xi32>
      %rem3A_2157 = arith.constant 128 : i32
      %rem3A_2158 = arith.remsi %squeeze3A_2156, %rem3A_2157 : i32
      %broadcast_in_dim3A_2159 = vector.broadcast %rem3A_2158 : i32 to vector<16xi32>
      %slice3A_2160 = vector.extract_strided_slice %get3A_600 {offsets = [10], sizes = [1], strides = [1]} : vector<16xi32> to vector<1xi32>
      %squeeze3A_2161 = vector.extract %slice3A_2160[0] : i32 from vector<1xi32>
      %rem3A_2162 = arith.constant 128 : i32
      %rem3A_2163 = arith.remsi %squeeze3A_2161, %rem3A_2162 : i32
      %broadcast_in_dim3A_2164 = vector.broadcast %rem3A_2163 : i32 to vector<16xi32>
      %gather3A_2165 = arith.constant 2 : i32
      %gather3A_2166 = arith.constant 0 : i32
      %gather3A_2167 = arith.constant 0 : i32
      %gather3A_2168 = tpu.memref_slice %arg10[%gather3A_2165, %gather3A_2166, %gather3A_2167] : memref<8x32x128xf32, #tpu.memory_space<vmem>> -> memref<1x32x128xf32, #tpu.memory_space<vmem>>
      %gather3A_2169 = tpu.memref_squeeze %gather3A_2168 : memref<1x32x128xf32, #tpu.memory_space<vmem>> -> memref<32x128xf32, #tpu.memory_space<vmem>>
      %gather3A_2170 = tpu.vector_load_idx %gather3A_2169[%iota3A, %broadcast_in_dim3A_2159] : memref<32x128xf32, #tpu.memory_space<vmem>>[vector<16xi32>, vector<16xi32>], vector<16xf32>,
      %gather3A_2171 = arith.constant 2 : i32
      %gather3A_2172 = arith.constant 0 : i32
      %gather3A_2173 = arith.constant 0 : i32
      %gather3A_2174 = tpu.memref_slice %arg10[%gather3A_2171, %gather3A_2172, %gather3A_2173] : memref<8x32x128xf32, #tpu.memory_space<vmem>> -> memref<1x32x128xf32, #tpu.memory_space<vmem>>
      %gather3A_2175 = tpu.memref_squeeze %gather3A_2174 : memref<1x32x128xf32, #tpu.memory_space<vmem>> -> memref<32x128xf32, #tpu.memory_space<vmem>>
      %gather3A_2176 = tpu.vector_load_idx %gather3A_2175[%add3A_6, %broadcast_in_dim3A_2159] : memref<32x128xf32, #tpu.memory_space<vmem>>[vector<16xi32>, vector<16xi32>], vector<16xf32>,
      %gather3A_2177 = arith.constant 2 : i32
      %gather3A_2178 = arith.constant 0 : i32
      %gather3A_2179 = arith.constant 0 : i32
      %gather3A_2180 = tpu.memref_slice %arg11[%gather3A_2177, %gather3A_2178, %gather3A_2179] : memref<8x32x128xf32, #tpu.memory_space<vmem>> -> memref<1x32x128xf32, #tpu.memory_space<vmem>>
      %gather3A_2181 = tpu.memref_squeeze %gather3A_2180 : memref<1x32x128xf32, #tpu.memory_space<vmem>> -> memref<32x128xf32, #tpu.memory_space<vmem>>
      %gather3A_2182 = tpu.vector_load_idx %gather3A_2181[%iota3A, %broadcast_in_dim3A_2164] : memref<32x128xf32, #tpu.memory_space<vmem>>[vector<16xi32>, vector<16xi32>], vector<16xf32>,
      %gather3A_2183 = arith.constant 2 : i32
      %gather3A_2184 = arith.constant 0 : i32
      %gather3A_2185 = arith.constant 0 : i32
      %gather3A_2186 = tpu.memref_slice %arg11[%gather3A_2183, %gather3A_2184, %gather3A_2185] : memref<8x32x128xf32, #tpu.memory_space<vmem>> -> memref<1x32x128xf32, #tpu.memory_space<vmem>>
      %gather3A_2187 = tpu.memref_squeeze %gather3A_2186 : memref<1x32x128xf32, #tpu.memory_space<vmem>> -> memref<32x128xf32, #tpu.memory_space<vmem>>
      %gather3A_2188 = tpu.vector_load_idx %gather3A_2187[%add3A_6, %broadcast_in_dim3A_2164] : memref<32x128xf32, #tpu.memory_space<vmem>>[vector<16xi32>, vector<16xi32>], vector<16xf32>,
      %mul3A_2189 = arith.mulf %gather3A_2170, %gather3A_2182 : vector<16xf32>
      %mul3A_2190 = arith.mulf %gather3A_2176, %gather3A_2188 : vector<16xf32>
      %add3A_2191 = arith.addf %mul3A_2189, %mul3A_2190 : vector<16xf32>
      %reduce_sum3A_2192 = arith.constant true
      %reduce_sum3A_2193 = vector.broadcast %reduce_sum3A_2192 : i1 to vector<16xi1>
      %reduce_sum3A_2194 = tpu.scan <sum>, %add3A_2191 masked %reduce_sum3A_2193 : vector<16xf32>, vector<16xi1> -> vector<16xf32>
      %reduce_sum3A_2195 = vector.extract %reduce_sum3A_2194[15] : f32 from vector<16xf32>
      %eq3A_2196 = arith.constant 10 : i32
      %eq3A_2197 = vector.broadcast %eq3A_2196 : i32 to vector<16xi32>
      %eq3A_2198 = arith.cmpi eq, %iota3A, %eq3A_2197 : vector<16xi32>
      %broadcast_in_dim3A_2199 = vector.broadcast %reduce_sum3A_2195 : f32 to vector<16xf32>
      %select_n3A_2200 = arith.select %eq3A_2198, %broadcast_in_dim3A_2199, %select_n3A_2117 : vector<16xi1>, vector<16xf32>
      %add3A_2201 = arith.constant 1 : i32
      %add3A_2202 = arith.addi %scan3A_592, %add3A_2201 : i32
      %lt3A_2203 = arith.constant 32 : i32
      %lt3A_2204 = arith.cmpi slt, %add3A_2202, %lt3A_2203 : i32
      %convert_element_type3A_2205 = arith.extui %lt3A_2204 : i1 to i32
      %cond3A_2206 = arith.constant 0 : i32
      %cond3A_2207 = arith.cmpi ne, %convert_element_type3A_2205, %cond3A_2206 : i32
      scf.if %cond3A_2207 {
        %add3A_2628 = arith.constant 1 : i32
        %add3A_2629 = arith.addi %scan3A_592, %add3A_2628 : i32
        %mul3A_2630 = arith.constant 16 : i32
        %mul3A_2631 = arith.muli %add3A_2629, %mul3A_2630 : i32
        %get3A_2632 = arith.index_cast %mul3A_2631 : i32 to index
        %get3A_2633 = tpu.vector_load %arg8[%get3A_2632] {strides = array<i32>} : memref<512xi32, #tpu.memory_space<vmem>>, vector<16xi32>,
        %add3A_2634 = arith.constant 1 : i32
        %add3A_2635 = arith.addi %scan3A_592, %add3A_2634 : i32
        %mul3A_2636 = arith.constant 16 : i32
        %mul3A_2637 = arith.muli %add3A_2635, %mul3A_2636 : i32
        %get3A_2638 = arith.index_cast %mul3A_2637 : i32 to index
        %get3A_2639 = tpu.vector_load %arg9[%get3A_2638] {strides = array<i32>} : memref<512xi32, #tpu.memory_space<vmem>>, vector<16xi32>,
        %slice3A_2640 = vector.extract_strided_slice %get3A_2633 {offsets = [2], sizes = [1], strides = [1]} : vector<16xi32> to vector<1xi32>
        %squeeze3A_2641 = vector.extract %slice3A_2640[0] : i32 from vector<1xi32>
        %slice3A_2642 = vector.extract_strided_slice %get3A_2639 {offsets = [2], sizes = [1], strides = [1]} : vector<16xi32> to vector<1xi32>
        %squeeze3A_2643 = vector.extract %slice3A_2642[0] : i32 from vector<1xi32>
        %jit3A_2644 = arith.constant 128 : i32
        %div3A_2645 = arith.divsi %squeeze3A_2641, %jit3A_2644 : i32
        %sign3A_2646 = arith.constant 0 : i32
        %sign3A_2647 = arith.cmpi sgt, %squeeze3A_2641, %sign3A_2646 : i32
        %sign3A_2648 = arith.extui %sign3A_2647 : i1 to i32
        %sign3A_2649 = arith.constant 0 : i32
        %sign3A_2650 = arith.cmpi slt, %squeeze3A_2641, %sign3A_2649 : i32
        %sign3A_2651 = arith.extui %sign3A_2650 : i1 to i32
        %sign3A_2652 = arith.subi %sign3A_2648, %sign3A_2651 : i32
        %sign3A_2653 = arith.constant 0 : i32
        %sign3A_2654 = arith.cmpi sgt, %jit3A_2644, %sign3A_2653 : i32
        %sign3A_2655 = arith.extui %sign3A_2654 : i1 to i32
        %sign3A_2656 = arith.constant 0 : i32
        %sign3A_2657 = arith.cmpi slt, %jit3A_2644, %sign3A_2656 : i32
        %sign3A_2658 = arith.extui %sign3A_2657 : i1 to i32
        %sign3A_2659 = arith.subi %sign3A_2655, %sign3A_2658 : i32
        %ne3A_2660 = arith.cmpi ne, %sign3A_2652, %sign3A_2659 : i32
        %rem3A_2661 = arith.remsi %squeeze3A_2641, %jit3A_2644 : i32
        %ne3A_2662 = arith.constant 0 : i32
        %ne3A_2663 = arith.cmpi ne, %rem3A_2661, %ne3A_2662 : i32
        %and3A_2664 = arith.andi %ne3A_2660, %ne3A_2663 : i1
        %sub3A_2665 = arith.constant 1 : i32
        %sub3A_2666 = arith.subi %div3A_2645, %sub3A_2665 : i32
        %select_n3A_2667 = arith.select %and3A_2664, %sub3A_2666, %div3A_2645 : i32
        %mul3A_2668 = arith.constant 128 : i32
        %mul3A_2669 = arith.muli %select_n3A_2667, %mul3A_2668 : i32
        %multiple_of3A_2670 = tpu.assume_multiple %mul3A_2669, 128 : i32
        %jit3A_2671 = arith.constant 128 : i32
        %div3A_2672 = arith.divsi %squeeze3A_2643, %jit3A_2671 : i32
        %sign3A_2673 = arith.constant 0 : i32
        %sign3A_2674 = arith.cmpi sgt, %squeeze3A_2643, %sign3A_2673 : i32
        %sign3A_2675 = arith.extui %sign3A_2674 : i1 to i32
        %sign3A_2676 = arith.constant 0 : i32
        %sign3A_2677 = arith.cmpi slt, %squeeze3A_2643, %sign3A_2676 : i32
        %sign3A_2678 = arith.extui %sign3A_2677 : i1 to i32
        %sign3A_2679 = arith.subi %sign3A_2675, %sign3A_2678 : i32
        %sign3A_2680 = arith.constant 0 : i32
        %sign3A_2681 = arith.cmpi sgt, %jit3A_2671, %sign3A_2680 : i32
        %sign3A_2682 = arith.extui %sign3A_2681 : i1 to i32
        %sign3A_2683 = arith.constant 0 : i32
        %sign3A_2684 = arith.cmpi slt, %jit3A_2671, %sign3A_2683 : i32
        %sign3A_2685 = arith.extui %sign3A_2684 : i1 to i32
        %sign3A_2686 = arith.subi %sign3A_2682, %sign3A_2685 : i32
        %ne3A_2687 = arith.cmpi ne, %sign3A_2679, %sign3A_2686 : i32
        %rem3A_2688 = arith.remsi %squeeze3A_2643, %jit3A_2671 : i32
        %ne3A_2689 = arith.constant 0 : i32
        %ne3A_2690 = arith.cmpi ne, %rem3A_2688, %ne3A_2689 : i32
        %and3A_2691 = arith.andi %ne3A_2687, %ne3A_2690 : i1
        %sub3A_2692 = arith.constant 1 : i32
        %sub3A_2693 = arith.subi %div3A_2672, %sub3A_2692 : i32
        %select_n3A_2694 = arith.select %and3A_2691, %sub3A_2693, %div3A_2672 : i32
        %mul3A_2695 = arith.constant 128 : i32
        %mul3A_2696 = arith.muli %select_n3A_2694, %mul3A_2695 : i32
        %multiple_of3A_2697 = tpu.assume_multiple %mul3A_2696, 128 : i32
        %dma_start3A_2698 = arith.constant 2 : i32
        %dma_start3A_2699 = arith.constant 0 : i32
        %dma_start3A_2700 = arith.constant 0 : i32
        %dma_start3A_2701 = tpu.memref_slice %arg10[%dma_start3A_2698, %dma_start3A_2699, %dma_start3A_2700] : memref<8x32x128xf32, #tpu.memory_space<vmem>> -> memref<1x32x128xf32, #tpu.memory_space<vmem>>
        %dma_start3A_2702 = tpu.memref_squeeze %dma_start3A_2701 : memref<1x32x128xf32, #tpu.memory_space<vmem>> -> memref<32x128xf32, #tpu.memory_space<vmem>>
        %dma_start3A_2703 = arith.constant 0 : i32
        %dma_start3A_2704 = tpu.memref_slice %arg4[%dma_start3A_2703, %multiple_of3A_2670] : memref<32x10000001xf32, #tpu.memory_space<hbm>> -> memref<32x128xf32, #tpu.memory_space<hbm>>
        %dma_start3A_2705 = arith.constant 0 : i32
        %dma_start3A_2706 = arith.constant 0 : i32
        %dma_start3A_2707 = tpu.memref_slice %arg10[%dma_start3A_2698, %dma_start3A_2705, %dma_start3A_2706] : memref<8x32x128xf32, #tpu.memory_space<vmem>> -> memref<1x32x128xf32, #tpu.memory_space<vmem>>
        %dma_start3A_2708 = tpu.memref_squeeze %dma_start3A_2707 : memref<1x32x128xf32, #tpu.memory_space<vmem>> -> memref<32x128xf32, #tpu.memory_space<vmem>>
        %dma_start3A_2709 = arith.constant 0 : i32
        %dma_start3A_2710 = tpu.memref_slice %arg4[%dma_start3A_2709, %multiple_of3A_2670] : memref<32x10000001xf32, #tpu.memory_space<hbm>> -> memref<32x128xf32, #tpu.memory_space<hbm>>
        tpu.enqueue_dma source(%dma_start3A_2710 : memref<32x128xf32, #tpu.memory_space<hbm>>) target(%dma_start3A_2708 : memref<32x128xf32, #tpu.memory_space<vmem>>) target_semaphore(%arg14 : memref<!tpu.dma_semaphore, #tpu.memory_space<semaphore_mem>>)
        %dma_start3A_2711 = arith.constant 2 : i32
        %dma_start3A_2712 = arith.constant 0 : i32
        %dma_start3A_2713 = arith.constant 0 : i32
        %dma_start3A_2714 = tpu.memref_slice %arg11[%dma_start3A_2711, %dma_start3A_2712, %dma_start3A_2713] : memref<8x32x128xf32, #tpu.memory_space<vmem>> -> memref<1x32x128xf32, #tpu.memory_space<vmem>>
        %dma_start3A_2715 = tpu.memref_squeeze %dma_start3A_2714 : memref<1x32x128xf32, #tpu.memory_space<vmem>> -> memref<32x128xf32, #tpu.memory_space<vmem>>
        %dma_start3A_2716 = arith.constant 0 : i32
        %dma_start3A_2717 = tpu.memref_slice %arg5[%dma_start3A_2716, %multiple_of3A_2697] : memref<32x10000001xf32, #tpu.memory_space<hbm>> -> memref<32x128xf32, #tpu.memory_space<hbm>>
        %dma_start3A_2718 = arith.constant 0 : i32
        %dma_start3A_2719 = arith.constant 0 : i32
        %dma_start3A_2720 = tpu.memref_slice %arg11[%dma_start3A_2711, %dma_start3A_2718, %dma_start3A_2719] : memref<8x32x128xf32, #tpu.memory_space<vmem>> -> memref<1x32x128xf32, #tpu.memory_space<vmem>>
        %dma_start3A_2721 = tpu.memref_squeeze %dma_start3A_2720 : memref<1x32x128xf32, #tpu.memory_space<vmem>> -> memref<32x128xf32, #tpu.memory_space<vmem>>
        %dma_start3A_2722 = arith.constant 0 : i32
        %dma_start3A_2723 = tpu.memref_slice %arg5[%dma_start3A_2722, %multiple_of3A_2697] : memref<32x10000001xf32, #tpu.memory_space<hbm>> -> memref<32x128xf32, #tpu.memory_space<hbm>>
        tpu.enqueue_dma source(%dma_start3A_2723 : memref<32x128xf32, #tpu.memory_space<hbm>>) target(%dma_start3A_2721 : memref<32x128xf32, #tpu.memory_space<vmem>>) target_semaphore(%arg15 : memref<!tpu.dma_semaphore, #tpu.memory_space<semaphore_mem>>)
      } else {
      }
      %dma_wait3A_2208 = arith.constant 3 : i32
      %dma_wait3A_2209 = arith.constant 0 : i32
      %dma_wait3A_2210 = arith.constant 0 : i32
      %dma_wait3A_2211 = tpu.memref_slice %arg10[%dma_wait3A_2208, %dma_wait3A_2209, %dma_wait3A_2210] : memref<8x32x128xf32, #tpu.memory_space<vmem>> -> memref<1x32x128xf32, #tpu.memory_space<vmem>>
      %dma_wait3A_2212 = tpu.memref_squeeze %dma_wait3A_2211 : memref<1x32x128xf32, #tpu.memory_space<vmem>> -> memref<32x128xf32, #tpu.memory_space<vmem>>
      %dma_wait3A_2213 = arith.constant 0 : i32
      %dma_wait3A_2214 = arith.constant 0 : i32
      %dma_wait3A_2215 = tpu.memref_slice %arg4[%dma_wait3A_2213, %dma_wait3A_2214] : memref<32x10000001xf32, #tpu.memory_space<hbm>> -> memref<32x128xf32, #tpu.memory_space<hbm>>
      %dma_wait3A_2216 = arith.constant 0 : i32
      %dma_wait3A_2217 = arith.constant 0 : i32
      %dma_wait3A_2218 = tpu.memref_slice %arg10[%dma_wait3A_2208, %dma_wait3A_2216, %dma_wait3A_2217] : memref<8x32x128xf32, #tpu.memory_space<vmem>> -> memref<1x32x128xf32, #tpu.memory_space<vmem>>
      %dma_wait3A_2219 = tpu.memref_squeeze %dma_wait3A_2218 : memref<1x32x128xf32, #tpu.memory_space<vmem>> -> memref<32x128xf32, #tpu.memory_space<vmem>>
      %dma_wait3A_2220 = arith.constant 0 : i32
      %dma_wait3A_2221 = arith.constant 0 : i32
      %dma_wait3A_2222 = tpu.memref_slice %arg4[%dma_wait3A_2220, %dma_wait3A_2221] : memref<32x10000001xf32, #tpu.memory_space<hbm>> -> memref<32x128xf32, #tpu.memory_space<hbm>>
      tpu.wait_dma2 semaphore(%arg14 : memref<!tpu.dma_semaphore, #tpu.memory_space<semaphore_mem>>) src(%dma_wait3A_2222 : memref<32x128xf32, #tpu.memory_space<hbm>>) dst(%dma_wait3A_2219 : memref<32x128xf32, #tpu.memory_space<vmem>>)
      %dma_wait3A_2223 = arith.constant 3 : i32
      %dma_wait3A_2224 = arith.constant 0 : i32
      %dma_wait3A_2225 = arith.constant 0 : i32
      %dma_wait3A_2226 = tpu.memref_slice %arg11[%dma_wait3A_2223, %dma_wait3A_2224, %dma_wait3A_2225] : memref<8x32x128xf32, #tpu.memory_space<vmem>> -> memref<1x32x128xf32, #tpu.memory_space<vmem>>
      %dma_wait3A_2227 = tpu.memref_squeeze %dma_wait3A_2226 : memref<1x32x128xf32, #tpu.memory_space<vmem>> -> memref<32x128xf32, #tpu.memory_space<vmem>>
      %dma_wait3A_2228 = arith.constant 0 : i32
      %dma_wait3A_2229 = arith.constant 0 : i32
      %dma_wait3A_2230 = tpu.memref_slice %arg5[%dma_wait3A_2228, %dma_wait3A_2229] : memref<32x10000001xf32, #tpu.memory_space<hbm>> -> memref<32x128xf32, #tpu.memory_space<hbm>>
      %dma_wait3A_2231 = arith.constant 0 : i32
      %dma_wait3A_2232 = arith.constant 0 : i32
      %dma_wait3A_2233 = tpu.memref_slice %arg11[%dma_wait3A_2223, %dma_wait3A_2231, %dma_wait3A_2232] : memref<8x32x128xf32, #tpu.memory_space<vmem>> -> memref<1x32x128xf32, #tpu.memory_space<vmem>>
      %dma_wait3A_2234 = tpu.memref_squeeze %dma_wait3A_2233 : memref<1x32x128xf32, #tpu.memory_space<vmem>> -> memref<32x128xf32, #tpu.memory_space<vmem>>
      %dma_wait3A_2235 = arith.constant 0 : i32
      %dma_wait3A_2236 = arith.constant 0 : i32
      %dma_wait3A_2237 = tpu.memref_slice %arg5[%dma_wait3A_2235, %dma_wait3A_2236] : memref<32x10000001xf32, #tpu.memory_space<hbm>> -> memref<32x128xf32, #tpu.memory_space<hbm>>
      tpu.wait_dma2 semaphore(%arg15 : memref<!tpu.dma_semaphore, #tpu.memory_space<semaphore_mem>>) src(%dma_wait3A_2237 : memref<32x128xf32, #tpu.memory_space<hbm>>) dst(%dma_wait3A_2234 : memref<32x128xf32, #tpu.memory_space<vmem>>)
      %slice3A_2238 = vector.extract_strided_slice %get3A_596 {offsets = [11], sizes = [1], strides = [1]} : vector<16xi32> to vector<1xi32>
      %squeeze3A_2239 = vector.extract %slice3A_2238[0] : i32 from vector<1xi32>
      %rem3A_2240 = arith.constant 128 : i32
      %rem3A_2241 = arith.remsi %squeeze3A_2239, %rem3A_2240 : i32
      %broadcast_in_dim3A_2242 = vector.broadcast %rem3A_2241 : i32 to vector<16xi32>
      %slice3A_2243 = vector.extract_strided_slice %get3A_600 {offsets = [11], sizes = [1], strides = [1]} : vector<16xi32> to vector<1xi32>
      %squeeze3A_2244 = vector.extract %slice3A_2243[0] : i32 from vector<1xi32>
      %rem3A_2245 = arith.constant 128 : i32
      %rem3A_2246 = arith.remsi %squeeze3A_2244, %rem3A_2245 : i32
      %broadcast_in_dim3A_2247 = vector.broadcast %rem3A_2246 : i32 to vector<16xi32>
      %gather3A_2248 = arith.constant 3 : i32
      %gather3A_2249 = arith.constant 0 : i32
      %gather3A_2250 = arith.constant 0 : i32
      %gather3A_2251 = tpu.memref_slice %arg10[%gather3A_2248, %gather3A_2249, %gather3A_2250] : memref<8x32x128xf32, #tpu.memory_space<vmem>> -> memref<1x32x128xf32, #tpu.memory_space<vmem>>
      %gather3A_2252 = tpu.memref_squeeze %gather3A_2251 : memref<1x32x128xf32, #tpu.memory_space<vmem>> -> memref<32x128xf32, #tpu.memory_space<vmem>>
      %gather3A_2253 = tpu.vector_load_idx %gather3A_2252[%iota3A, %broadcast_in_dim3A_2242] : memref<32x128xf32, #tpu.memory_space<vmem>>[vector<16xi32>, vector<16xi32>], vector<16xf32>,
      %gather3A_2254 = arith.constant 3 : i32
      %gather3A_2255 = arith.constant 0 : i32
      %gather3A_2256 = arith.constant 0 : i32
      %gather3A_2257 = tpu.memref_slice %arg10[%gather3A_2254, %gather3A_2255, %gather3A_2256] : memref<8x32x128xf32, #tpu.memory_space<vmem>> -> memref<1x32x128xf32, #tpu.memory_space<vmem>>
      %gather3A_2258 = tpu.memref_squeeze %gather3A_2257 : memref<1x32x128xf32, #tpu.memory_space<vmem>> -> memref<32x128xf32, #tpu.memory_space<vmem>>
      %gather3A_2259 = tpu.vector_load_idx %gather3A_2258[%add3A_6, %broadcast_in_dim3A_2242] : memref<32x128xf32, #tpu.memory_space<vmem>>[vector<16xi32>, vector<16xi32>], vector<16xf32>,
      %gather3A_2260 = arith.constant 3 : i32
      %gather3A_2261 = arith.constant 0 : i32
      %gather3A_2262 = arith.constant 0 : i32
      %gather3A_2263 = tpu.memref_slice %arg11[%gather3A_2260, %gather3A_2261, %gather3A_2262] : memref<8x32x128xf32, #tpu.memory_space<vmem>> -> memref<1x32x128xf32, #tpu.memory_space<vmem>>
      %gather3A_2264 = tpu.memref_squeeze %gather3A_2263 : memref<1x32x128xf32, #tpu.memory_space<vmem>> -> memref<32x128xf32, #tpu.memory_space<vmem>>
      %gather3A_2265 = tpu.vector_load_idx %gather3A_2264[%iota3A, %broadcast_in_dim3A_2247] : memref<32x128xf32, #tpu.memory_space<vmem>>[vector<16xi32>, vector<16xi32>], vector<16xf32>,
      %gather3A_2266 = arith.constant 3 : i32
      %gather3A_2267 = arith.constant 0 : i32
      %gather3A_2268 = arith.constant 0 : i32
      %gather3A_2269 = tpu.memref_slice %arg11[%gather3A_2266, %gather3A_2267, %gather3A_2268] : memref<8x32x128xf32, #tpu.memory_space<vmem>> -> memref<1x32x128xf32, #tpu.memory_space<vmem>>
      %gather3A_2270 = tpu.memref_squeeze %gather3A_2269 : memref<1x32x128xf32, #tpu.memory_space<vmem>> -> memref<32x128xf32, #tpu.memory_space<vmem>>
      %gather3A_2271 = tpu.vector_load_idx %gather3A_2270[%add3A_6, %broadcast_in_dim3A_2247] : memref<32x128xf32, #tpu.memory_space<vmem>>[vector<16xi32>, vector<16xi32>], vector<16xf32>,
      %mul3A_2272 = arith.mulf %gather3A_2253, %gather3A_2265 : vector<16xf32>
      %mul3A_2273 = arith.mulf %gather3A_2259, %gather3A_2271 : vector<16xf32>
      %add3A_2274 = arith.addf %mul3A_2272, %mul3A_2273 : vector<16xf32>
      %reduce_sum3A_2275 = arith.constant true
      %reduce_sum3A_2276 = vector.broadcast %reduce_sum3A_2275 : i1 to vector<16xi1>
      %reduce_sum3A_2277 = tpu.scan <sum>, %add3A_2274 masked %reduce_sum3A_2276 : vector<16xf32>, vector<16xi1> -> vector<16xf32>
      %reduce_sum3A_2278 = vector.extract %reduce_sum3A_2277[15] : f32 from vector<16xf32>
      %eq3A_2279 = arith.constant 11 : i32
      %eq3A_2280 = vector.broadcast %eq3A_2279 : i32 to vector<16xi32>
      %eq3A_2281 = arith.cmpi eq, %iota3A, %eq3A_2280 : vector<16xi32>
      %broadcast_in_dim3A_2282 = vector.broadcast %reduce_sum3A_2278 : f32 to vector<16xf32>
      %select_n3A_2283 = arith.select %eq3A_2281, %broadcast_in_dim3A_2282, %select_n3A_2200 : vector<16xi1>, vector<16xf32>
      %add3A_2284 = arith.constant 1 : i32
      %add3A_2285 = arith.addi %scan3A_592, %add3A_2284 : i32
      %lt3A_2286 = arith.constant 32 : i32
      %lt3A_2287 = arith.cmpi slt, %add3A_2285, %lt3A_2286 : i32
      %convert_element_type3A_2288 = arith.extui %lt3A_2287 : i1 to i32
      %cond3A_2289 = arith.constant 0 : i32
      %cond3A_2290 = arith.cmpi ne, %convert_element_type3A_2288, %cond3A_2289 : i32
      scf.if %cond3A_2290 {
        %add3A_2628 = arith.constant 1 : i32
        %add3A_2629 = arith.addi %scan3A_592, %add3A_2628 : i32
        %mul3A_2630 = arith.constant 16 : i32
        %mul3A_2631 = arith.muli %add3A_2629, %mul3A_2630 : i32
        %get3A_2632 = arith.index_cast %mul3A_2631 : i32 to index
        %get3A_2633 = tpu.vector_load %arg8[%get3A_2632] {strides = array<i32>} : memref<512xi32, #tpu.memory_space<vmem>>, vector<16xi32>,
        %add3A_2634 = arith.constant 1 : i32
        %add3A_2635 = arith.addi %scan3A_592, %add3A_2634 : i32
        %mul3A_2636 = arith.constant 16 : i32
        %mul3A_2637 = arith.muli %add3A_2635, %mul3A_2636 : i32
        %get3A_2638 = arith.index_cast %mul3A_2637 : i32 to index
        %get3A_2639 = tpu.vector_load %arg9[%get3A_2638] {strides = array<i32>} : memref<512xi32, #tpu.memory_space<vmem>>, vector<16xi32>,
        %slice3A_2640 = vector.extract_strided_slice %get3A_2633 {offsets = [3], sizes = [1], strides = [1]} : vector<16xi32> to vector<1xi32>
        %squeeze3A_2641 = vector.extract %slice3A_2640[0] : i32 from vector<1xi32>
        %slice3A_2642 = vector.extract_strided_slice %get3A_2639 {offsets = [3], sizes = [1], strides = [1]} : vector<16xi32> to vector<1xi32>
        %squeeze3A_2643 = vector.extract %slice3A_2642[0] : i32 from vector<1xi32>
        %jit3A_2644 = arith.constant 128 : i32
        %div3A_2645 = arith.divsi %squeeze3A_2641, %jit3A_2644 : i32
        %sign3A_2646 = arith.constant 0 : i32
        %sign3A_2647 = arith.cmpi sgt, %squeeze3A_2641, %sign3A_2646 : i32
        %sign3A_2648 = arith.extui %sign3A_2647 : i1 to i32
        %sign3A_2649 = arith.constant 0 : i32
        %sign3A_2650 = arith.cmpi slt, %squeeze3A_2641, %sign3A_2649 : i32
        %sign3A_2651 = arith.extui %sign3A_2650 : i1 to i32
        %sign3A_2652 = arith.subi %sign3A_2648, %sign3A_2651 : i32
        %sign3A_2653 = arith.constant 0 : i32
        %sign3A_2654 = arith.cmpi sgt, %jit3A_2644, %sign3A_2653 : i32
        %sign3A_2655 = arith.extui %sign3A_2654 : i1 to i32
        %sign3A_2656 = arith.constant 0 : i32
        %sign3A_2657 = arith.cmpi slt, %jit3A_2644, %sign3A_2656 : i32
        %sign3A_2658 = arith.extui %sign3A_2657 : i1 to i32
        %sign3A_2659 = arith.subi %sign3A_2655, %sign3A_2658 : i32
        %ne3A_2660 = arith.cmpi ne, %sign3A_2652, %sign3A_2659 : i32
        %rem3A_2661 = arith.remsi %squeeze3A_2641, %jit3A_2644 : i32
        %ne3A_2662 = arith.constant 0 : i32
        %ne3A_2663 = arith.cmpi ne, %rem3A_2661, %ne3A_2662 : i32
        %and3A_2664 = arith.andi %ne3A_2660, %ne3A_2663 : i1
        %sub3A_2665 = arith.constant 1 : i32
        %sub3A_2666 = arith.subi %div3A_2645, %sub3A_2665 : i32
        %select_n3A_2667 = arith.select %and3A_2664, %sub3A_2666, %div3A_2645 : i32
        %mul3A_2668 = arith.constant 128 : i32
        %mul3A_2669 = arith.muli %select_n3A_2667, %mul3A_2668 : i32
        %multiple_of3A_2670 = tpu.assume_multiple %mul3A_2669, 128 : i32
        %jit3A_2671 = arith.constant 128 : i32
        %div3A_2672 = arith.divsi %squeeze3A_2643, %jit3A_2671 : i32
        %sign3A_2673 = arith.constant 0 : i32
        %sign3A_2674 = arith.cmpi sgt, %squeeze3A_2643, %sign3A_2673 : i32
        %sign3A_2675 = arith.extui %sign3A_2674 : i1 to i32
        %sign3A_2676 = arith.constant 0 : i32
        %sign3A_2677 = arith.cmpi slt, %squeeze3A_2643, %sign3A_2676 : i32
        %sign3A_2678 = arith.extui %sign3A_2677 : i1 to i32
        %sign3A_2679 = arith.subi %sign3A_2675, %sign3A_2678 : i32
        %sign3A_2680 = arith.constant 0 : i32
        %sign3A_2681 = arith.cmpi sgt, %jit3A_2671, %sign3A_2680 : i32
        %sign3A_2682 = arith.extui %sign3A_2681 : i1 to i32
        %sign3A_2683 = arith.constant 0 : i32
        %sign3A_2684 = arith.cmpi slt, %jit3A_2671, %sign3A_2683 : i32
        %sign3A_2685 = arith.extui %sign3A_2684 : i1 to i32
        %sign3A_2686 = arith.subi %sign3A_2682, %sign3A_2685 : i32
        %ne3A_2687 = arith.cmpi ne, %sign3A_2679, %sign3A_2686 : i32
        %rem3A_2688 = arith.remsi %squeeze3A_2643, %jit3A_2671 : i32
        %ne3A_2689 = arith.constant 0 : i32
        %ne3A_2690 = arith.cmpi ne, %rem3A_2688, %ne3A_2689 : i32
        %and3A_2691 = arith.andi %ne3A_2687, %ne3A_2690 : i1
        %sub3A_2692 = arith.constant 1 : i32
        %sub3A_2693 = arith.subi %div3A_2672, %sub3A_2692 : i32
        %select_n3A_2694 = arith.select %and3A_2691, %sub3A_2693, %div3A_2672 : i32
        %mul3A_2695 = arith.constant 128 : i32
        %mul3A_2696 = arith.muli %select_n3A_2694, %mul3A_2695 : i32
        %multiple_of3A_2697 = tpu.assume_multiple %mul3A_2696, 128 : i32
        %dma_start3A_2698 = arith.constant 3 : i32
        %dma_start3A_2699 = arith.constant 0 : i32
        %dma_start3A_2700 = arith.constant 0 : i32
        %dma_start3A_2701 = tpu.memref_slice %arg10[%dma_start3A_2698, %dma_start3A_2699, %dma_start3A_2700] : memref<8x32x128xf32, #tpu.memory_space<vmem>> -> memref<1x32x128xf32, #tpu.memory_space<vmem>>
        %dma_start3A_2702 = tpu.memref_squeeze %dma_start3A_2701 : memref<1x32x128xf32, #tpu.memory_space<vmem>> -> memref<32x128xf32, #tpu.memory_space<vmem>>
        %dma_start3A_2703 = arith.constant 0 : i32
        %dma_start3A_2704 = tpu.memref_slice %arg4[%dma_start3A_2703, %multiple_of3A_2670] : memref<32x10000001xf32, #tpu.memory_space<hbm>> -> memref<32x128xf32, #tpu.memory_space<hbm>>
        %dma_start3A_2705 = arith.constant 0 : i32
        %dma_start3A_2706 = arith.constant 0 : i32
        %dma_start3A_2707 = tpu.memref_slice %arg10[%dma_start3A_2698, %dma_start3A_2705, %dma_start3A_2706] : memref<8x32x128xf32, #tpu.memory_space<vmem>> -> memref<1x32x128xf32, #tpu.memory_space<vmem>>
        %dma_start3A_2708 = tpu.memref_squeeze %dma_start3A_2707 : memref<1x32x128xf32, #tpu.memory_space<vmem>> -> memref<32x128xf32, #tpu.memory_space<vmem>>
        %dma_start3A_2709 = arith.constant 0 : i32
        %dma_start3A_2710 = tpu.memref_slice %arg4[%dma_start3A_2709, %multiple_of3A_2670] : memref<32x10000001xf32, #tpu.memory_space<hbm>> -> memref<32x128xf32, #tpu.memory_space<hbm>>
        tpu.enqueue_dma source(%dma_start3A_2710 : memref<32x128xf32, #tpu.memory_space<hbm>>) target(%dma_start3A_2708 : memref<32x128xf32, #tpu.memory_space<vmem>>) target_semaphore(%arg14 : memref<!tpu.dma_semaphore, #tpu.memory_space<semaphore_mem>>)
        %dma_start3A_2711 = arith.constant 3 : i32
        %dma_start3A_2712 = arith.constant 0 : i32
        %dma_start3A_2713 = arith.constant 0 : i32
        %dma_start3A_2714 = tpu.memref_slice %arg11[%dma_start3A_2711, %dma_start3A_2712, %dma_start3A_2713] : memref<8x32x128xf32, #tpu.memory_space<vmem>> -> memref<1x32x128xf32, #tpu.memory_space<vmem>>
        %dma_start3A_2715 = tpu.memref_squeeze %dma_start3A_2714 : memref<1x32x128xf32, #tpu.memory_space<vmem>> -> memref<32x128xf32, #tpu.memory_space<vmem>>
        %dma_start3A_2716 = arith.constant 0 : i32
        %dma_start3A_2717 = tpu.memref_slice %arg5[%dma_start3A_2716, %multiple_of3A_2697] : memref<32x10000001xf32, #tpu.memory_space<hbm>> -> memref<32x128xf32, #tpu.memory_space<hbm>>
        %dma_start3A_2718 = arith.constant 0 : i32
        %dma_start3A_2719 = arith.constant 0 : i32
        %dma_start3A_2720 = tpu.memref_slice %arg11[%dma_start3A_2711, %dma_start3A_2718, %dma_start3A_2719] : memref<8x32x128xf32, #tpu.memory_space<vmem>> -> memref<1x32x128xf32, #tpu.memory_space<vmem>>
        %dma_start3A_2721 = tpu.memref_squeeze %dma_start3A_2720 : memref<1x32x128xf32, #tpu.memory_space<vmem>> -> memref<32x128xf32, #tpu.memory_space<vmem>>
        %dma_start3A_2722 = arith.constant 0 : i32
        %dma_start3A_2723 = tpu.memref_slice %arg5[%dma_start3A_2722, %multiple_of3A_2697] : memref<32x10000001xf32, #tpu.memory_space<hbm>> -> memref<32x128xf32, #tpu.memory_space<hbm>>
        tpu.enqueue_dma source(%dma_start3A_2723 : memref<32x128xf32, #tpu.memory_space<hbm>>) target(%dma_start3A_2721 : memref<32x128xf32, #tpu.memory_space<vmem>>) target_semaphore(%arg15 : memref<!tpu.dma_semaphore, #tpu.memory_space<semaphore_mem>>)
      } else {
      }
      %dma_wait3A_2291 = arith.constant 4 : i32
      %dma_wait3A_2292 = arith.constant 0 : i32
      %dma_wait3A_2293 = arith.constant 0 : i32
      %dma_wait3A_2294 = tpu.memref_slice %arg10[%dma_wait3A_2291, %dma_wait3A_2292, %dma_wait3A_2293] : memref<8x32x128xf32, #tpu.memory_space<vmem>> -> memref<1x32x128xf32, #tpu.memory_space<vmem>>
      %dma_wait3A_2295 = tpu.memref_squeeze %dma_wait3A_2294 : memref<1x32x128xf32, #tpu.memory_space<vmem>> -> memref<32x128xf32, #tpu.memory_space<vmem>>
      %dma_wait3A_2296 = arith.constant 0 : i32
      %dma_wait3A_2297 = arith.constant 0 : i32
      %dma_wait3A_2298 = tpu.memref_slice %arg4[%dma_wait3A_2296, %dma_wait3A_2297] : memref<32x10000001xf32, #tpu.memory_space<hbm>> -> memref<32x128xf32, #tpu.memory_space<hbm>>
      %dma_wait3A_2299 = arith.constant 0 : i32
      %dma_wait3A_2300 = arith.constant 0 : i32
      %dma_wait3A_2301 = tpu.memref_slice %arg10[%dma_wait3A_2291, %dma_wait3A_2299, %dma_wait3A_2300] : memref<8x32x128xf32, #tpu.memory_space<vmem>> -> memref<1x32x128xf32, #tpu.memory_space<vmem>>
      %dma_wait3A_2302 = tpu.memref_squeeze %dma_wait3A_2301 : memref<1x32x128xf32, #tpu.memory_space<vmem>> -> memref<32x128xf32, #tpu.memory_space<vmem>>
      %dma_wait3A_2303 = arith.constant 0 : i32
      %dma_wait3A_2304 = arith.constant 0 : i32
      %dma_wait3A_2305 = tpu.memref_slice %arg4[%dma_wait3A_2303, %dma_wait3A_2304] : memref<32x10000001xf32, #tpu.memory_space<hbm>> -> memref<32x128xf32, #tpu.memory_space<hbm>>
      tpu.wait_dma2 semaphore(%arg14 : memref<!tpu.dma_semaphore, #tpu.memory_space<semaphore_mem>>) src(%dma_wait3A_2305 : memref<32x128xf32, #tpu.memory_space<hbm>>) dst(%dma_wait3A_2302 : memref<32x128xf32, #tpu.memory_space<vmem>>)
      %dma_wait3A_2306 = arith.constant 4 : i32
      %dma_wait3A_2307 = arith.constant 0 : i32
      %dma_wait3A_2308 = arith.constant 0 : i32
      %dma_wait3A_2309 = tpu.memref_slice %arg11[%dma_wait3A_2306, %dma_wait3A_2307, %dma_wait3A_2308] : memref<8x32x128xf32, #tpu.memory_space<vmem>> -> memref<1x32x128xf32, #tpu.memory_space<vmem>>
      %dma_wait3A_2310 = tpu.memref_squeeze %dma_wait3A_2309 : memref<1x32x128xf32, #tpu.memory_space<vmem>> -> memref<32x128xf32, #tpu.memory_space<vmem>>
      %dma_wait3A_2311 = arith.constant 0 : i32
      %dma_wait3A_2312 = arith.constant 0 : i32
      %dma_wait3A_2313 = tpu.memref_slice %arg5[%dma_wait3A_2311, %dma_wait3A_2312] : memref<32x10000001xf32, #tpu.memory_space<hbm>> -> memref<32x128xf32, #tpu.memory_space<hbm>>
      %dma_wait3A_2314 = arith.constant 0 : i32
      %dma_wait3A_2315 = arith.constant 0 : i32
      %dma_wait3A_2316 = tpu.memref_slice %arg11[%dma_wait3A_2306, %dma_wait3A_2314, %dma_wait3A_2315] : memref<8x32x128xf32, #tpu.memory_space<vmem>> -> memref<1x32x128xf32, #tpu.memory_space<vmem>>
      %dma_wait3A_2317 = tpu.memref_squeeze %dma_wait3A_2316 : memref<1x32x128xf32, #tpu.memory_space<vmem>> -> memref<32x128xf32, #tpu.memory_space<vmem>>
      %dma_wait3A_2318 = arith.constant 0 : i32
      %dma_wait3A_2319 = arith.constant 0 : i32
      %dma_wait3A_2320 = tpu.memref_slice %arg5[%dma_wait3A_2318, %dma_wait3A_2319] : memref<32x10000001xf32, #tpu.memory_space<hbm>> -> memref<32x128xf32, #tpu.memory_space<hbm>>
      tpu.wait_dma2 semaphore(%arg15 : memref<!tpu.dma_semaphore, #tpu.memory_space<semaphore_mem>>) src(%dma_wait3A_2320 : memref<32x128xf32, #tpu.memory_space<hbm>>) dst(%dma_wait3A_2317 : memref<32x128xf32, #tpu.memory_space<vmem>>)
      %slice3A_2321 = vector.extract_strided_slice %get3A_596 {offsets = [12], sizes = [1], strides = [1]} : vector<16xi32> to vector<1xi32>
      %squeeze3A_2322 = vector.extract %slice3A_2321[0] : i32 from vector<1xi32>
      %rem3A_2323 = arith.constant 128 : i32
      %rem3A_2324 = arith.remsi %squeeze3A_2322, %rem3A_2323 : i32
      %broadcast_in_dim3A_2325 = vector.broadcast %rem3A_2324 : i32 to vector<16xi32>
      %slice3A_2326 = vector.extract_strided_slice %get3A_600 {offsets = [12], sizes = [1], strides = [1]} : vector<16xi32> to vector<1xi32>
      %squeeze3A_2327 = vector.extract %slice3A_2326[0] : i32 from vector<1xi32>
      %rem3A_2328 = arith.constant 128 : i32
      %rem3A_2329 = arith.remsi %squeeze3A_2327, %rem3A_2328 : i32
      %broadcast_in_dim3A_2330 = vector.broadcast %rem3A_2329 : i32 to vector<16xi32>
      %gather3A_2331 = arith.constant 4 : i32
      %gather3A_2332 = arith.constant 0 : i32
      %gather3A_2333 = arith.constant 0 : i32
      %gather3A_2334 = tpu.memref_slice %arg10[%gather3A_2331, %gather3A_2332, %gather3A_2333] : memref<8x32x128xf32, #tpu.memory_space<vmem>> -> memref<1x32x128xf32, #tpu.memory_space<vmem>>
      %gather3A_2335 = tpu.memref_squeeze %gather3A_2334 : memref<1x32x128xf32, #tpu.memory_space<vmem>> -> memref<32x128xf32, #tpu.memory_space<vmem>>
      %gather3A_2336 = tpu.vector_load_idx %gather3A_2335[%iota3A, %broadcast_in_dim3A_2325] : memref<32x128xf32, #tpu.memory_space<vmem>>[vector<16xi32>, vector<16xi32>], vector<16xf32>,
      %gather3A_2337 = arith.constant 4 : i32
      %gather3A_2338 = arith.constant 0 : i32
      %gather3A_2339 = arith.constant 0 : i32
      %gather3A_2340 = tpu.memref_slice %arg10[%gather3A_2337, %gather3A_2338, %gather3A_2339] : memref<8x32x128xf32, #tpu.memory_space<vmem>> -> memref<1x32x128xf32, #tpu.memory_space<vmem>>
      %gather3A_2341 = tpu.memref_squeeze %gather3A_2340 : memref<1x32x128xf32, #tpu.memory_space<vmem>> -> memref<32x128xf32, #tpu.memory_space<vmem>>
      %gather3A_2342 = tpu.vector_load_idx %gather3A_2341[%add3A_6, %broadcast_in_dim3A_2325] : memref<32x128xf32, #tpu.memory_space<vmem>>[vector<16xi32>, vector<16xi32>], vector<16xf32>,
      %gather3A_2343 = arith.constant 4 : i32
      %gather3A_2344 = arith.constant 0 : i32
      %gather3A_2345 = arith.constant 0 : i32
      %gather3A_2346 = tpu.memref_slice %arg11[%gather3A_2343, %gather3A_2344, %gather3A_2345] : memref<8x32x128xf32, #tpu.memory_space<vmem>> -> memref<1x32x128xf32, #tpu.memory_space<vmem>>
      %gather3A_2347 = tpu.memref_squeeze %gather3A_2346 : memref<1x32x128xf32, #tpu.memory_space<vmem>> -> memref<32x128xf32, #tpu.memory_space<vmem>>
      %gather3A_2348 = tpu.vector_load_idx %gather3A_2347[%iota3A, %broadcast_in_dim3A_2330] : memref<32x128xf32, #tpu.memory_space<vmem>>[vector<16xi32>, vector<16xi32>], vector<16xf32>,
      %gather3A_2349 = arith.constant 4 : i32
      %gather3A_2350 = arith.constant 0 : i32
      %gather3A_2351 = arith.constant 0 : i32
      %gather3A_2352 = tpu.memref_slice %arg11[%gather3A_2349, %gather3A_2350, %gather3A_2351] : memref<8x32x128xf32, #tpu.memory_space<vmem>> -> memref<1x32x128xf32, #tpu.memory_space<vmem>>
      %gather3A_2353 = tpu.memref_squeeze %gather3A_2352 : memref<1x32x128xf32, #tpu.memory_space<vmem>> -> memref<32x128xf32, #tpu.memory_space<vmem>>
      %gather3A_2354 = tpu.vector_load_idx %gather3A_2353[%add3A_6, %broadcast_in_dim3A_2330] : memref<32x128xf32, #tpu.memory_space<vmem>>[vector<16xi32>, vector<16xi32>], vector<16xf32>,
      %mul3A_2355 = arith.mulf %gather3A_2336, %gather3A_2348 : vector<16xf32>
      %mul3A_2356 = arith.mulf %gather3A_2342, %gather3A_2354 : vector<16xf32>
      %add3A_2357 = arith.addf %mul3A_2355, %mul3A_2356 : vector<16xf32>
      %reduce_sum3A_2358 = arith.constant true
      %reduce_sum3A_2359 = vector.broadcast %reduce_sum3A_2358 : i1 to vector<16xi1>
      %reduce_sum3A_2360 = tpu.scan <sum>, %add3A_2357 masked %reduce_sum3A_2359 : vector<16xf32>, vector<16xi1> -> vector<16xf32>
      %reduce_sum3A_2361 = vector.extract %reduce_sum3A_2360[15] : f32 from vector<16xf32>
      %eq3A_2362 = arith.constant 12 : i32
      %eq3A_2363 = vector.broadcast %eq3A_2362 : i32 to vector<16xi32>
      %eq3A_2364 = arith.cmpi eq, %iota3A, %eq3A_2363 : vector<16xi32>
      %broadcast_in_dim3A_2365 = vector.broadcast %reduce_sum3A_2361 : f32 to vector<16xf32>
      %select_n3A_2366 = arith.select %eq3A_2364, %broadcast_in_dim3A_2365, %select_n3A_2283 : vector<16xi1>, vector<16xf32>
      %add3A_2367 = arith.constant 1 : i32
      %add3A_2368 = arith.addi %scan3A_592, %add3A_2367 : i32
      %lt3A_2369 = arith.constant 32 : i32
      %lt3A_2370 = arith.cmpi slt, %add3A_2368, %lt3A_2369 : i32
      %convert_element_type3A_2371 = arith.extui %lt3A_2370 : i1 to i32
      %cond3A_2372 = arith.constant 0 : i32
      %cond3A_2373 = arith.cmpi ne, %convert_element_type3A_2371, %cond3A_2372 : i32
      scf.if %cond3A_2373 {
        %add3A_2628 = arith.constant 1 : i32
        %add3A_2629 = arith.addi %scan3A_592, %add3A_2628 : i32
        %mul3A_2630 = arith.constant 16 : i32
        %mul3A_2631 = arith.muli %add3A_2629, %mul3A_2630 : i32
        %get3A_2632 = arith.index_cast %mul3A_2631 : i32 to index
        %get3A_2633 = tpu.vector_load %arg8[%get3A_2632] {strides = array<i32>} : memref<512xi32, #tpu.memory_space<vmem>>, vector<16xi32>,
        %add3A_2634 = arith.constant 1 : i32
        %add3A_2635 = arith.addi %scan3A_592, %add3A_2634 : i32
        %mul3A_2636 = arith.constant 16 : i32
        %mul3A_2637 = arith.muli %add3A_2635, %mul3A_2636 : i32
        %get3A_2638 = arith.index_cast %mul3A_2637 : i32 to index
        %get3A_2639 = tpu.vector_load %arg9[%get3A_2638] {strides = array<i32>} : memref<512xi32, #tpu.memory_space<vmem>>, vector<16xi32>,
        %slice3A_2640 = vector.extract_strided_slice %get3A_2633 {offsets = [4], sizes = [1], strides = [1]} : vector<16xi32> to vector<1xi32>
        %squeeze3A_2641 = vector.extract %slice3A_2640[0] : i32 from vector<1xi32>
        %slice3A_2642 = vector.extract_strided_slice %get3A_2639 {offsets = [4], sizes = [1], strides = [1]} : vector<16xi32> to vector<1xi32>
        %squeeze3A_2643 = vector.extract %slice3A_2642[0] : i32 from vector<1xi32>
        %jit3A_2644 = arith.constant 128 : i32
        %div3A_2645 = arith.divsi %squeeze3A_2641, %jit3A_2644 : i32
        %sign3A_2646 = arith.constant 0 : i32
        %sign3A_2647 = arith.cmpi sgt, %squeeze3A_2641, %sign3A_2646 : i32
        %sign3A_2648 = arith.extui %sign3A_2647 : i1 to i32
        %sign3A_2649 = arith.constant 0 : i32
        %sign3A_2650 = arith.cmpi slt, %squeeze3A_2641, %sign3A_2649 : i32
        %sign3A_2651 = arith.extui %sign3A_2650 : i1 to i32
        %sign3A_2652 = arith.subi %sign3A_2648, %sign3A_2651 : i32
        %sign3A_2653 = arith.constant 0 : i32
        %sign3A_2654 = arith.cmpi sgt, %jit3A_2644, %sign3A_2653 : i32
        %sign3A_2655 = arith.extui %sign3A_2654 : i1 to i32
        %sign3A_2656 = arith.constant 0 : i32
        %sign3A_2657 = arith.cmpi slt, %jit3A_2644, %sign3A_2656 : i32
        %sign3A_2658 = arith.extui %sign3A_2657 : i1 to i32
        %sign3A_2659 = arith.subi %sign3A_2655, %sign3A_2658 : i32
        %ne3A_2660 = arith.cmpi ne, %sign3A_2652, %sign3A_2659 : i32
        %rem3A_2661 = arith.remsi %squeeze3A_2641, %jit3A_2644 : i32
        %ne3A_2662 = arith.constant 0 : i32
        %ne3A_2663 = arith.cmpi ne, %rem3A_2661, %ne3A_2662 : i32
        %and3A_2664 = arith.andi %ne3A_2660, %ne3A_2663 : i1
        %sub3A_2665 = arith.constant 1 : i32
        %sub3A_2666 = arith.subi %div3A_2645, %sub3A_2665 : i32
        %select_n3A_2667 = arith.select %and3A_2664, %sub3A_2666, %div3A_2645 : i32
        %mul3A_2668 = arith.constant 128 : i32
        %mul3A_2669 = arith.muli %select_n3A_2667, %mul3A_2668 : i32
        %multiple_of3A_2670 = tpu.assume_multiple %mul3A_2669, 128 : i32
        %jit3A_2671 = arith.constant 128 : i32
        %div3A_2672 = arith.divsi %squeeze3A_2643, %jit3A_2671 : i32
        %sign3A_2673 = arith.constant 0 : i32
        %sign3A_2674 = arith.cmpi sgt, %squeeze3A_2643, %sign3A_2673 : i32
        %sign3A_2675 = arith.extui %sign3A_2674 : i1 to i32
        %sign3A_2676 = arith.constant 0 : i32
        %sign3A_2677 = arith.cmpi slt, %squeeze3A_2643, %sign3A_2676 : i32
        %sign3A_2678 = arith.extui %sign3A_2677 : i1 to i32
        %sign3A_2679 = arith.subi %sign3A_2675, %sign3A_2678 : i32
        %sign3A_2680 = arith.constant 0 : i32
        %sign3A_2681 = arith.cmpi sgt, %jit3A_2671, %sign3A_2680 : i32
        %sign3A_2682 = arith.extui %sign3A_2681 : i1 to i32
        %sign3A_2683 = arith.constant 0 : i32
        %sign3A_2684 = arith.cmpi slt, %jit3A_2671, %sign3A_2683 : i32
        %sign3A_2685 = arith.extui %sign3A_2684 : i1 to i32
        %sign3A_2686 = arith.subi %sign3A_2682, %sign3A_2685 : i32
        %ne3A_2687 = arith.cmpi ne, %sign3A_2679, %sign3A_2686 : i32
        %rem3A_2688 = arith.remsi %squeeze3A_2643, %jit3A_2671 : i32
        %ne3A_2689 = arith.constant 0 : i32
        %ne3A_2690 = arith.cmpi ne, %rem3A_2688, %ne3A_2689 : i32
        %and3A_2691 = arith.andi %ne3A_2687, %ne3A_2690 : i1
        %sub3A_2692 = arith.constant 1 : i32
        %sub3A_2693 = arith.subi %div3A_2672, %sub3A_2692 : i32
        %select_n3A_2694 = arith.select %and3A_2691, %sub3A_2693, %div3A_2672 : i32
        %mul3A_2695 = arith.constant 128 : i32
        %mul3A_2696 = arith.muli %select_n3A_2694, %mul3A_2695 : i32
        %multiple_of3A_2697 = tpu.assume_multiple %mul3A_2696, 128 : i32
        %dma_start3A_2698 = arith.constant 4 : i32
        %dma_start3A_2699 = arith.constant 0 : i32
        %dma_start3A_2700 = arith.constant 0 : i32
        %dma_start3A_2701 = tpu.memref_slice %arg10[%dma_start3A_2698, %dma_start3A_2699, %dma_start3A_2700] : memref<8x32x128xf32, #tpu.memory_space<vmem>> -> memref<1x32x128xf32, #tpu.memory_space<vmem>>
        %dma_start3A_2702 = tpu.memref_squeeze %dma_start3A_2701 : memref<1x32x128xf32, #tpu.memory_space<vmem>> -> memref<32x128xf32, #tpu.memory_space<vmem>>
        %dma_start3A_2703 = arith.constant 0 : i32
        %dma_start3A_2704 = tpu.memref_slice %arg4[%dma_start3A_2703, %multiple_of3A_2670] : memref<32x10000001xf32, #tpu.memory_space<hbm>> -> memref<32x128xf32, #tpu.memory_space<hbm>>
        %dma_start3A_2705 = arith.constant 0 : i32
        %dma_start3A_2706 = arith.constant 0 : i32
        %dma_start3A_2707 = tpu.memref_slice %arg10[%dma_start3A_2698, %dma_start3A_2705, %dma_start3A_2706] : memref<8x32x128xf32, #tpu.memory_space<vmem>> -> memref<1x32x128xf32, #tpu.memory_space<vmem>>
        %dma_start3A_2708 = tpu.memref_squeeze %dma_start3A_2707 : memref<1x32x128xf32, #tpu.memory_space<vmem>> -> memref<32x128xf32, #tpu.memory_space<vmem>>
        %dma_start3A_2709 = arith.constant 0 : i32
        %dma_start3A_2710 = tpu.memref_slice %arg4[%dma_start3A_2709, %multiple_of3A_2670] : memref<32x10000001xf32, #tpu.memory_space<hbm>> -> memref<32x128xf32, #tpu.memory_space<hbm>>
        tpu.enqueue_dma source(%dma_start3A_2710 : memref<32x128xf32, #tpu.memory_space<hbm>>) target(%dma_start3A_2708 : memref<32x128xf32, #tpu.memory_space<vmem>>) target_semaphore(%arg14 : memref<!tpu.dma_semaphore, #tpu.memory_space<semaphore_mem>>)
        %dma_start3A_2711 = arith.constant 4 : i32
        %dma_start3A_2712 = arith.constant 0 : i32
        %dma_start3A_2713 = arith.constant 0 : i32
        %dma_start3A_2714 = tpu.memref_slice %arg11[%dma_start3A_2711, %dma_start3A_2712, %dma_start3A_2713] : memref<8x32x128xf32, #tpu.memory_space<vmem>> -> memref<1x32x128xf32, #tpu.memory_space<vmem>>
        %dma_start3A_2715 = tpu.memref_squeeze %dma_start3A_2714 : memref<1x32x128xf32, #tpu.memory_space<vmem>> -> memref<32x128xf32, #tpu.memory_space<vmem>>
        %dma_start3A_2716 = arith.constant 0 : i32
        %dma_start3A_2717 = tpu.memref_slice %arg5[%dma_start3A_2716, %multiple_of3A_2697] : memref<32x10000001xf32, #tpu.memory_space<hbm>> -> memref<32x128xf32, #tpu.memory_space<hbm>>
        %dma_start3A_2718 = arith.constant 0 : i32
        %dma_start3A_2719 = arith.constant 0 : i32
        %dma_start3A_2720 = tpu.memref_slice %arg11[%dma_start3A_2711, %dma_start3A_2718, %dma_start3A_2719] : memref<8x32x128xf32, #tpu.memory_space<vmem>> -> memref<1x32x128xf32, #tpu.memory_space<vmem>>
        %dma_start3A_2721 = tpu.memref_squeeze %dma_start3A_2720 : memref<1x32x128xf32, #tpu.memory_space<vmem>> -> memref<32x128xf32, #tpu.memory_space<vmem>>
        %dma_start3A_2722 = arith.constant 0 : i32
        %dma_start3A_2723 = tpu.memref_slice %arg5[%dma_start3A_2722, %multiple_of3A_2697] : memref<32x10000001xf32, #tpu.memory_space<hbm>> -> memref<32x128xf32, #tpu.memory_space<hbm>>
        tpu.enqueue_dma source(%dma_start3A_2723 : memref<32x128xf32, #tpu.memory_space<hbm>>) target(%dma_start3A_2721 : memref<32x128xf32, #tpu.memory_space<vmem>>) target_semaphore(%arg15 : memref<!tpu.dma_semaphore, #tpu.memory_space<semaphore_mem>>)
      } else {
      }
      %dma_wait3A_2374 = arith.constant 5 : i32
      %dma_wait3A_2375 = arith.constant 0 : i32
      %dma_wait3A_2376 = arith.constant 0 : i32
      %dma_wait3A_2377 = tpu.memref_slice %arg10[%dma_wait3A_2374, %dma_wait3A_2375, %dma_wait3A_2376] : memref<8x32x128xf32, #tpu.memory_space<vmem>> -> memref<1x32x128xf32, #tpu.memory_space<vmem>>
      %dma_wait3A_2378 = tpu.memref_squeeze %dma_wait3A_2377 : memref<1x32x128xf32, #tpu.memory_space<vmem>> -> memref<32x128xf32, #tpu.memory_space<vmem>>
      %dma_wait3A_2379 = arith.constant 0 : i32
      %dma_wait3A_2380 = arith.constant 0 : i32
      %dma_wait3A_2381 = tpu.memref_slice %arg4[%dma_wait3A_2379, %dma_wait3A_2380] : memref<32x10000001xf32, #tpu.memory_space<hbm>> -> memref<32x128xf32, #tpu.memory_space<hbm>>
      %dma_wait3A_2382 = arith.constant 0 : i32
      %dma_wait3A_2383 = arith.constant 0 : i32
      %dma_wait3A_2384 = tpu.memref_slice %arg10[%dma_wait3A_2374, %dma_wait3A_2382, %dma_wait3A_2383] : memref<8x32x128xf32, #tpu.memory_space<vmem>> -> memref<1x32x128xf32, #tpu.memory_space<vmem>>
      %dma_wait3A_2385 = tpu.memref_squeeze %dma_wait3A_2384 : memref<1x32x128xf32, #tpu.memory_space<vmem>> -> memref<32x128xf32, #tpu.memory_space<vmem>>
      %dma_wait3A_2386 = arith.constant 0 : i32
      %dma_wait3A_2387 = arith.constant 0 : i32
      %dma_wait3A_2388 = tpu.memref_slice %arg4[%dma_wait3A_2386, %dma_wait3A_2387] : memref<32x10000001xf32, #tpu.memory_space<hbm>> -> memref<32x128xf32, #tpu.memory_space<hbm>>
      tpu.wait_dma2 semaphore(%arg14 : memref<!tpu.dma_semaphore, #tpu.memory_space<semaphore_mem>>) src(%dma_wait3A_2388 : memref<32x128xf32, #tpu.memory_space<hbm>>) dst(%dma_wait3A_2385 : memref<32x128xf32, #tpu.memory_space<vmem>>)
      %dma_wait3A_2389 = arith.constant 5 : i32
      %dma_wait3A_2390 = arith.constant 0 : i32
      %dma_wait3A_2391 = arith.constant 0 : i32
      %dma_wait3A_2392 = tpu.memref_slice %arg11[%dma_wait3A_2389, %dma_wait3A_2390, %dma_wait3A_2391] : memref<8x32x128xf32, #tpu.memory_space<vmem>> -> memref<1x32x128xf32, #tpu.memory_space<vmem>>
      %dma_wait3A_2393 = tpu.memref_squeeze %dma_wait3A_2392 : memref<1x32x128xf32, #tpu.memory_space<vmem>> -> memref<32x128xf32, #tpu.memory_space<vmem>>
      %dma_wait3A_2394 = arith.constant 0 : i32
      %dma_wait3A_2395 = arith.constant 0 : i32
      %dma_wait3A_2396 = tpu.memref_slice %arg5[%dma_wait3A_2394, %dma_wait3A_2395] : memref<32x10000001xf32, #tpu.memory_space<hbm>> -> memref<32x128xf32, #tpu.memory_space<hbm>>
      %dma_wait3A_2397 = arith.constant 0 : i32
      %dma_wait3A_2398 = arith.constant 0 : i32
      %dma_wait3A_2399 = tpu.memref_slice %arg11[%dma_wait3A_2389, %dma_wait3A_2397, %dma_wait3A_2398] : memref<8x32x128xf32, #tpu.memory_space<vmem>> -> memref<1x32x128xf32, #tpu.memory_space<vmem>>
      %dma_wait3A_2400 = tpu.memref_squeeze %dma_wait3A_2399 : memref<1x32x128xf32, #tpu.memory_space<vmem>> -> memref<32x128xf32, #tpu.memory_space<vmem>>
      %dma_wait3A_2401 = arith.constant 0 : i32
      %dma_wait3A_2402 = arith.constant 0 : i32
      %dma_wait3A_2403 = tpu.memref_slice %arg5[%dma_wait3A_2401, %dma_wait3A_2402] : memref<32x10000001xf32, #tpu.memory_space<hbm>> -> memref<32x128xf32, #tpu.memory_space<hbm>>
      tpu.wait_dma2 semaphore(%arg15 : memref<!tpu.dma_semaphore, #tpu.memory_space<semaphore_mem>>) src(%dma_wait3A_2403 : memref<32x128xf32, #tpu.memory_space<hbm>>) dst(%dma_wait3A_2400 : memref<32x128xf32, #tpu.memory_space<vmem>>)
      %slice3A_2404 = vector.extract_strided_slice %get3A_596 {offsets = [13], sizes = [1], strides = [1]} : vector<16xi32> to vector<1xi32>
      %squeeze3A_2405 = vector.extract %slice3A_2404[0] : i32 from vector<1xi32>
      %rem3A_2406 = arith.constant 128 : i32
      %rem3A_2407 = arith.remsi %squeeze3A_2405, %rem3A_2406 : i32
      %broadcast_in_dim3A_2408 = vector.broadcast %rem3A_2407 : i32 to vector<16xi32>
      %slice3A_2409 = vector.extract_strided_slice %get3A_600 {offsets = [13], sizes = [1], strides = [1]} : vector<16xi32> to vector<1xi32>
      %squeeze3A_2410 = vector.extract %slice3A_2409[0] : i32 from vector<1xi32>
      %rem3A_2411 = arith.constant 128 : i32
      %rem3A_2412 = arith.remsi %squeeze3A_2410, %rem3A_2411 : i32
      %broadcast_in_dim3A_2413 = vector.broadcast %rem3A_2412 : i32 to vector<16xi32>
      %gather3A_2414 = arith.constant 5 : i32
      %gather3A_2415 = arith.constant 0 : i32
      %gather3A_2416 = arith.constant 0 : i32
      %gather3A_2417 = tpu.memref_slice %arg10[%gather3A_2414, %gather3A_2415, %gather3A_2416] : memref<8x32x128xf32, #tpu.memory_space<vmem>> -> memref<1x32x128xf32, #tpu.memory_space<vmem>>
      %gather3A_2418 = tpu.memref_squeeze %gather3A_2417 : memref<1x32x128xf32, #tpu.memory_space<vmem>> -> memref<32x128xf32, #tpu.memory_space<vmem>>
      %gather3A_2419 = tpu.vector_load_idx %gather3A_2418[%iota3A, %broadcast_in_dim3A_2408] : memref<32x128xf32, #tpu.memory_space<vmem>>[vector<16xi32>, vector<16xi32>], vector<16xf32>,
      %gather3A_2420 = arith.constant 5 : i32
      %gather3A_2421 = arith.constant 0 : i32
      %gather3A_2422 = arith.constant 0 : i32
      %gather3A_2423 = tpu.memref_slice %arg10[%gather3A_2420, %gather3A_2421, %gather3A_2422] : memref<8x32x128xf32, #tpu.memory_space<vmem>> -> memref<1x32x128xf32, #tpu.memory_space<vmem>>
      %gather3A_2424 = tpu.memref_squeeze %gather3A_2423 : memref<1x32x128xf32, #tpu.memory_space<vmem>> -> memref<32x128xf32, #tpu.memory_space<vmem>>
      %gather3A_2425 = tpu.vector_load_idx %gather3A_2424[%add3A_6, %broadcast_in_dim3A_2408] : memref<32x128xf32, #tpu.memory_space<vmem>>[vector<16xi32>, vector<16xi32>], vector<16xf32>,
      %gather3A_2426 = arith.constant 5 : i32
      %gather3A_2427 = arith.constant 0 : i32
      %gather3A_2428 = arith.constant 0 : i32
      %gather3A_2429 = tpu.memref_slice %arg11[%gather3A_2426, %gather3A_2427, %gather3A_2428] : memref<8x32x128xf32, #tpu.memory_space<vmem>> -> memref<1x32x128xf32, #tpu.memory_space<vmem>>
      %gather3A_2430 = tpu.memref_squeeze %gather3A_2429 : memref<1x32x128xf32, #tpu.memory_space<vmem>> -> memref<32x128xf32, #tpu.memory_space<vmem>>
      %gather3A_2431 = tpu.vector_load_idx %gather3A_2430[%iota3A, %broadcast_in_dim3A_2413] : memref<32x128xf32, #tpu.memory_space<vmem>>[vector<16xi32>, vector<16xi32>], vector<16xf32>,
      %gather3A_2432 = arith.constant 5 : i32
      %gather3A_2433 = arith.constant 0 : i32
      %gather3A_2434 = arith.constant 0 : i32
      %gather3A_2435 = tpu.memref_slice %arg11[%gather3A_2432, %gather3A_2433, %gather3A_2434] : memref<8x32x128xf32, #tpu.memory_space<vmem>> -> memref<1x32x128xf32, #tpu.memory_space<vmem>>
      %gather3A_2436 = tpu.memref_squeeze %gather3A_2435 : memref<1x32x128xf32, #tpu.memory_space<vmem>> -> memref<32x128xf32, #tpu.memory_space<vmem>>
      %gather3A_2437 = tpu.vector_load_idx %gather3A_2436[%add3A_6, %broadcast_in_dim3A_2413] : memref<32x128xf32, #tpu.memory_space<vmem>>[vector<16xi32>, vector<16xi32>], vector<16xf32>,
      %mul3A_2438 = arith.mulf %gather3A_2419, %gather3A_2431 : vector<16xf32>
      %mul3A_2439 = arith.mulf %gather3A_2425, %gather3A_2437 : vector<16xf32>
      %add3A_2440 = arith.addf %mul3A_2438, %mul3A_2439 : vector<16xf32>
      %reduce_sum3A_2441 = arith.constant true
      %reduce_sum3A_2442 = vector.broadcast %reduce_sum3A_2441 : i1 to vector<16xi1>
      %reduce_sum3A_2443 = tpu.scan <sum>, %add3A_2440 masked %reduce_sum3A_2442 : vector<16xf32>, vector<16xi1> -> vector<16xf32>
      %reduce_sum3A_2444 = vector.extract %reduce_sum3A_2443[15] : f32 from vector<16xf32>
      %eq3A_2445 = arith.constant 13 : i32
      %eq3A_2446 = vector.broadcast %eq3A_2445 : i32 to vector<16xi32>
      %eq3A_2447 = arith.cmpi eq, %iota3A, %eq3A_2446 : vector<16xi32>
      %broadcast_in_dim3A_2448 = vector.broadcast %reduce_sum3A_2444 : f32 to vector<16xf32>
      %select_n3A_2449 = arith.select %eq3A_2447, %broadcast_in_dim3A_2448, %select_n3A_2366 : vector<16xi1>, vector<16xf32>
      %add3A_2450 = arith.constant 1 : i32
      %add3A_2451 = arith.addi %scan3A_592, %add3A_2450 : i32
      %lt3A_2452 = arith.constant 32 : i32
      %lt3A_2453 = arith.cmpi slt, %add3A_2451, %lt3A_2452 : i32
      %convert_element_type3A_2454 = arith.extui %lt3A_2453 : i1 to i32
      %cond3A_2455 = arith.constant 0 : i32
      %cond3A_2456 = arith.cmpi ne, %convert_element_type3A_2454, %cond3A_2455 : i32
      scf.if %cond3A_2456 {
        %add3A_2628 = arith.constant 1 : i32
        %add3A_2629 = arith.addi %scan3A_592, %add3A_2628 : i32
        %mul3A_2630 = arith.constant 16 : i32
        %mul3A_2631 = arith.muli %add3A_2629, %mul3A_2630 : i32
        %get3A_2632 = arith.index_cast %mul3A_2631 : i32 to index
        %get3A_2633 = tpu.vector_load %arg8[%get3A_2632] {strides = array<i32>} : memref<512xi32, #tpu.memory_space<vmem>>, vector<16xi32>,
        %add3A_2634 = arith.constant 1 : i32
        %add3A_2635 = arith.addi %scan3A_592, %add3A_2634 : i32
        %mul3A_2636 = arith.constant 16 : i32
        %mul3A_2637 = arith.muli %add3A_2635, %mul3A_2636 : i32
        %get3A_2638 = arith.index_cast %mul3A_2637 : i32 to index
        %get3A_2639 = tpu.vector_load %arg9[%get3A_2638] {strides = array<i32>} : memref<512xi32, #tpu.memory_space<vmem>>, vector<16xi32>,
        %slice3A_2640 = vector.extract_strided_slice %get3A_2633 {offsets = [5], sizes = [1], strides = [1]} : vector<16xi32> to vector<1xi32>
        %squeeze3A_2641 = vector.extract %slice3A_2640[0] : i32 from vector<1xi32>
        %slice3A_2642 = vector.extract_strided_slice %get3A_2639 {offsets = [5], sizes = [1], strides = [1]} : vector<16xi32> to vector<1xi32>
        %squeeze3A_2643 = vector.extract %slice3A_2642[0] : i32 from vector<1xi32>
        %jit3A_2644 = arith.constant 128 : i32
        %div3A_2645 = arith.divsi %squeeze3A_2641, %jit3A_2644 : i32
        %sign3A_2646 = arith.constant 0 : i32
        %sign3A_2647 = arith.cmpi sgt, %squeeze3A_2641, %sign3A_2646 : i32
        %sign3A_2648 = arith.extui %sign3A_2647 : i1 to i32
        %sign3A_2649 = arith.constant 0 : i32
        %sign3A_2650 = arith.cmpi slt, %squeeze3A_2641, %sign3A_2649 : i32
        %sign3A_2651 = arith.extui %sign3A_2650 : i1 to i32
        %sign3A_2652 = arith.subi %sign3A_2648, %sign3A_2651 : i32
        %sign3A_2653 = arith.constant 0 : i32
        %sign3A_2654 = arith.cmpi sgt, %jit3A_2644, %sign3A_2653 : i32
        %sign3A_2655 = arith.extui %sign3A_2654 : i1 to i32
        %sign3A_2656 = arith.constant 0 : i32
        %sign3A_2657 = arith.cmpi slt, %jit3A_2644, %sign3A_2656 : i32
        %sign3A_2658 = arith.extui %sign3A_2657 : i1 to i32
        %sign3A_2659 = arith.subi %sign3A_2655, %sign3A_2658 : i32
        %ne3A_2660 = arith.cmpi ne, %sign3A_2652, %sign3A_2659 : i32
        %rem3A_2661 = arith.remsi %squeeze3A_2641, %jit3A_2644 : i32
        %ne3A_2662 = arith.constant 0 : i32
        %ne3A_2663 = arith.cmpi ne, %rem3A_2661, %ne3A_2662 : i32
        %and3A_2664 = arith.andi %ne3A_2660, %ne3A_2663 : i1
        %sub3A_2665 = arith.constant 1 : i32
        %sub3A_2666 = arith.subi %div3A_2645, %sub3A_2665 : i32
        %select_n3A_2667 = arith.select %and3A_2664, %sub3A_2666, %div3A_2645 : i32
        %mul3A_2668 = arith.constant 128 : i32
        %mul3A_2669 = arith.muli %select_n3A_2667, %mul3A_2668 : i32
        %multiple_of3A_2670 = tpu.assume_multiple %mul3A_2669, 128 : i32
        %jit3A_2671 = arith.constant 128 : i32
        %div3A_2672 = arith.divsi %squeeze3A_2643, %jit3A_2671 : i32
        %sign3A_2673 = arith.constant 0 : i32
        %sign3A_2674 = arith.cmpi sgt, %squeeze3A_2643, %sign3A_2673 : i32
        %sign3A_2675 = arith.extui %sign3A_2674 : i1 to i32
        %sign3A_2676 = arith.constant 0 : i32
        %sign3A_2677 = arith.cmpi slt, %squeeze3A_2643, %sign3A_2676 : i32
        %sign3A_2678 = arith.extui %sign3A_2677 : i1 to i32
        %sign3A_2679 = arith.subi %sign3A_2675, %sign3A_2678 : i32
        %sign3A_2680 = arith.constant 0 : i32
        %sign3A_2681 = arith.cmpi sgt, %jit3A_2671, %sign3A_2680 : i32
        %sign3A_2682 = arith.extui %sign3A_2681 : i1 to i32
        %sign3A_2683 = arith.constant 0 : i32
        %sign3A_2684 = arith.cmpi slt, %jit3A_2671, %sign3A_2683 : i32
        %sign3A_2685 = arith.extui %sign3A_2684 : i1 to i32
        %sign3A_2686 = arith.subi %sign3A_2682, %sign3A_2685 : i32
        %ne3A_2687 = arith.cmpi ne, %sign3A_2679, %sign3A_2686 : i32
        %rem3A_2688 = arith.remsi %squeeze3A_2643, %jit3A_2671 : i32
        %ne3A_2689 = arith.constant 0 : i32
        %ne3A_2690 = arith.cmpi ne, %rem3A_2688, %ne3A_2689 : i32
        %and3A_2691 = arith.andi %ne3A_2687, %ne3A_2690 : i1
        %sub3A_2692 = arith.constant 1 : i32
        %sub3A_2693 = arith.subi %div3A_2672, %sub3A_2692 : i32
        %select_n3A_2694 = arith.select %and3A_2691, %sub3A_2693, %div3A_2672 : i32
        %mul3A_2695 = arith.constant 128 : i32
        %mul3A_2696 = arith.muli %select_n3A_2694, %mul3A_2695 : i32
        %multiple_of3A_2697 = tpu.assume_multiple %mul3A_2696, 128 : i32
        %dma_start3A_2698 = arith.constant 5 : i32
        %dma_start3A_2699 = arith.constant 0 : i32
        %dma_start3A_2700 = arith.constant 0 : i32
        %dma_start3A_2701 = tpu.memref_slice %arg10[%dma_start3A_2698, %dma_start3A_2699, %dma_start3A_2700] : memref<8x32x128xf32, #tpu.memory_space<vmem>> -> memref<1x32x128xf32, #tpu.memory_space<vmem>>
        %dma_start3A_2702 = tpu.memref_squeeze %dma_start3A_2701 : memref<1x32x128xf32, #tpu.memory_space<vmem>> -> memref<32x128xf32, #tpu.memory_space<vmem>>
        %dma_start3A_2703 = arith.constant 0 : i32
        %dma_start3A_2704 = tpu.memref_slice %arg4[%dma_start3A_2703, %multiple_of3A_2670] : memref<32x10000001xf32, #tpu.memory_space<hbm>> -> memref<32x128xf32, #tpu.memory_space<hbm>>
        %dma_start3A_2705 = arith.constant 0 : i32
        %dma_start3A_2706 = arith.constant 0 : i32
        %dma_start3A_2707 = tpu.memref_slice %arg10[%dma_start3A_2698, %dma_start3A_2705, %dma_start3A_2706] : memref<8x32x128xf32, #tpu.memory_space<vmem>> -> memref<1x32x128xf32, #tpu.memory_space<vmem>>
        %dma_start3A_2708 = tpu.memref_squeeze %dma_start3A_2707 : memref<1x32x128xf32, #tpu.memory_space<vmem>> -> memref<32x128xf32, #tpu.memory_space<vmem>>
        %dma_start3A_2709 = arith.constant 0 : i32
        %dma_start3A_2710 = tpu.memref_slice %arg4[%dma_start3A_2709, %multiple_of3A_2670] : memref<32x10000001xf32, #tpu.memory_space<hbm>> -> memref<32x128xf32, #tpu.memory_space<hbm>>
        tpu.enqueue_dma source(%dma_start3A_2710 : memref<32x128xf32, #tpu.memory_space<hbm>>) target(%dma_start3A_2708 : memref<32x128xf32, #tpu.memory_space<vmem>>) target_semaphore(%arg14 : memref<!tpu.dma_semaphore, #tpu.memory_space<semaphore_mem>>)
        %dma_start3A_2711 = arith.constant 5 : i32
        %dma_start3A_2712 = arith.constant 0 : i32
        %dma_start3A_2713 = arith.constant 0 : i32
        %dma_start3A_2714 = tpu.memref_slice %arg11[%dma_start3A_2711, %dma_start3A_2712, %dma_start3A_2713] : memref<8x32x128xf32, #tpu.memory_space<vmem>> -> memref<1x32x128xf32, #tpu.memory_space<vmem>>
        %dma_start3A_2715 = tpu.memref_squeeze %dma_start3A_2714 : memref<1x32x128xf32, #tpu.memory_space<vmem>> -> memref<32x128xf32, #tpu.memory_space<vmem>>
        %dma_start3A_2716 = arith.constant 0 : i32
        %dma_start3A_2717 = tpu.memref_slice %arg5[%dma_start3A_2716, %multiple_of3A_2697] : memref<32x10000001xf32, #tpu.memory_space<hbm>> -> memref<32x128xf32, #tpu.memory_space<hbm>>
        %dma_start3A_2718 = arith.constant 0 : i32
        %dma_start3A_2719 = arith.constant 0 : i32
        %dma_start3A_2720 = tpu.memref_slice %arg11[%dma_start3A_2711, %dma_start3A_2718, %dma_start3A_2719] : memref<8x32x128xf32, #tpu.memory_space<vmem>> -> memref<1x32x128xf32, #tpu.memory_space<vmem>>
        %dma_start3A_2721 = tpu.memref_squeeze %dma_start3A_2720 : memref<1x32x128xf32, #tpu.memory_space<vmem>> -> memref<32x128xf32, #tpu.memory_space<vmem>>
        %dma_start3A_2722 = arith.constant 0 : i32
        %dma_start3A_2723 = tpu.memref_slice %arg5[%dma_start3A_2722, %multiple_of3A_2697] : memref<32x10000001xf32, #tpu.memory_space<hbm>> -> memref<32x128xf32, #tpu.memory_space<hbm>>
        tpu.enqueue_dma source(%dma_start3A_2723 : memref<32x128xf32, #tpu.memory_space<hbm>>) target(%dma_start3A_2721 : memref<32x128xf32, #tpu.memory_space<vmem>>) target_semaphore(%arg15 : memref<!tpu.dma_semaphore, #tpu.memory_space<semaphore_mem>>)
      } else {
      }
      %dma_wait3A_2457 = arith.constant 6 : i32
      %dma_wait3A_2458 = arith.constant 0 : i32
      %dma_wait3A_2459 = arith.constant 0 : i32
      %dma_wait3A_2460 = tpu.memref_slice %arg10[%dma_wait3A_2457, %dma_wait3A_2458, %dma_wait3A_2459] : memref<8x32x128xf32, #tpu.memory_space<vmem>> -> memref<1x32x128xf32, #tpu.memory_space<vmem>>
      %dma_wait3A_2461 = tpu.memref_squeeze %dma_wait3A_2460 : memref<1x32x128xf32, #tpu.memory_space<vmem>> -> memref<32x128xf32, #tpu.memory_space<vmem>>
      %dma_wait3A_2462 = arith.constant 0 : i32
      %dma_wait3A_2463 = arith.constant 0 : i32
      %dma_wait3A_2464 = tpu.memref_slice %arg4[%dma_wait3A_2462, %dma_wait3A_2463] : memref<32x10000001xf32, #tpu.memory_space<hbm>> -> memref<32x128xf32, #tpu.memory_space<hbm>>
      %dma_wait3A_2465 = arith.constant 0 : i32
      %dma_wait3A_2466 = arith.constant 0 : i32
      %dma_wait3A_2467 = tpu.memref_slice %arg10[%dma_wait3A_2457, %dma_wait3A_2465, %dma_wait3A_2466] : memref<8x32x128xf32, #tpu.memory_space<vmem>> -> memref<1x32x128xf32, #tpu.memory_space<vmem>>
      %dma_wait3A_2468 = tpu.memref_squeeze %dma_wait3A_2467 : memref<1x32x128xf32, #tpu.memory_space<vmem>> -> memref<32x128xf32, #tpu.memory_space<vmem>>
      %dma_wait3A_2469 = arith.constant 0 : i32
      %dma_wait3A_2470 = arith.constant 0 : i32
      %dma_wait3A_2471 = tpu.memref_slice %arg4[%dma_wait3A_2469, %dma_wait3A_2470] : memref<32x10000001xf32, #tpu.memory_space<hbm>> -> memref<32x128xf32, #tpu.memory_space<hbm>>
      tpu.wait_dma2 semaphore(%arg14 : memref<!tpu.dma_semaphore, #tpu.memory_space<semaphore_mem>>) src(%dma_wait3A_2471 : memref<32x128xf32, #tpu.memory_space<hbm>>) dst(%dma_wait3A_2468 : memref<32x128xf32, #tpu.memory_space<vmem>>)
      %dma_wait3A_2472 = arith.constant 6 : i32
      %dma_wait3A_2473 = arith.constant 0 : i32
      %dma_wait3A_2474 = arith.constant 0 : i32
      %dma_wait3A_2475 = tpu.memref_slice %arg11[%dma_wait3A_2472, %dma_wait3A_2473, %dma_wait3A_2474] : memref<8x32x128xf32, #tpu.memory_space<vmem>> -> memref<1x32x128xf32, #tpu.memory_space<vmem>>
      %dma_wait3A_2476 = tpu.memref_squeeze %dma_wait3A_2475 : memref<1x32x128xf32, #tpu.memory_space<vmem>> -> memref<32x128xf32, #tpu.memory_space<vmem>>
      %dma_wait3A_2477 = arith.constant 0 : i32
      %dma_wait3A_2478 = arith.constant 0 : i32
      %dma_wait3A_2479 = tpu.memref_slice %arg5[%dma_wait3A_2477, %dma_wait3A_2478] : memref<32x10000001xf32, #tpu.memory_space<hbm>> -> memref<32x128xf32, #tpu.memory_space<hbm>>
      %dma_wait3A_2480 = arith.constant 0 : i32
      %dma_wait3A_2481 = arith.constant 0 : i32
      %dma_wait3A_2482 = tpu.memref_slice %arg11[%dma_wait3A_2472, %dma_wait3A_2480, %dma_wait3A_2481] : memref<8x32x128xf32, #tpu.memory_space<vmem>> -> memref<1x32x128xf32, #tpu.memory_space<vmem>>
      %dma_wait3A_2483 = tpu.memref_squeeze %dma_wait3A_2482 : memref<1x32x128xf32, #tpu.memory_space<vmem>> -> memref<32x128xf32, #tpu.memory_space<vmem>>
      %dma_wait3A_2484 = arith.constant 0 : i32
      %dma_wait3A_2485 = arith.constant 0 : i32
      %dma_wait3A_2486 = tpu.memref_slice %arg5[%dma_wait3A_2484, %dma_wait3A_2485] : memref<32x10000001xf32, #tpu.memory_space<hbm>> -> memref<32x128xf32, #tpu.memory_space<hbm>>
      tpu.wait_dma2 semaphore(%arg15 : memref<!tpu.dma_semaphore, #tpu.memory_space<semaphore_mem>>) src(%dma_wait3A_2486 : memref<32x128xf32, #tpu.memory_space<hbm>>) dst(%dma_wait3A_2483 : memref<32x128xf32, #tpu.memory_space<vmem>>)
      %slice3A_2487 = vector.extract_strided_slice %get3A_596 {offsets = [14], sizes = [1], strides = [1]} : vector<16xi32> to vector<1xi32>
      %squeeze3A_2488 = vector.extract %slice3A_2487[0] : i32 from vector<1xi32>
      %rem3A_2489 = arith.constant 128 : i32
      %rem3A_2490 = arith.remsi %squeeze3A_2488, %rem3A_2489 : i32
      %broadcast_in_dim3A_2491 = vector.broadcast %rem3A_2490 : i32 to vector<16xi32>
      %slice3A_2492 = vector.extract_strided_slice %get3A_600 {offsets = [14], sizes = [1], strides = [1]} : vector<16xi32> to vector<1xi32>
      %squeeze3A_2493 = vector.extract %slice3A_2492[0] : i32 from vector<1xi32>
      %rem3A_2494 = arith.constant 128 : i32
      %rem3A_2495 = arith.remsi %squeeze3A_2493, %rem3A_2494 : i32
      %broadcast_in_dim3A_2496 = vector.broadcast %rem3A_2495 : i32 to vector<16xi32>
      %gather3A_2497 = arith.constant 6 : i32
      %gather3A_2498 = arith.constant 0 : i32
      %gather3A_2499 = arith.constant 0 : i32
      %gather3A_2500 = tpu.memref_slice %arg10[%gather3A_2497, %gather3A_2498, %gather3A_2499] : memref<8x32x128xf32, #tpu.memory_space<vmem>> -> memref<1x32x128xf32, #tpu.memory_space<vmem>>
      %gather3A_2501 = tpu.memref_squeeze %gather3A_2500 : memref<1x32x128xf32, #tpu.memory_space<vmem>> -> memref<32x128xf32, #tpu.memory_space<vmem>>
      %gather3A_2502 = tpu.vector_load_idx %gather3A_2501[%iota3A, %broadcast_in_dim3A_2491] : memref<32x128xf32, #tpu.memory_space<vmem>>[vector<16xi32>, vector<16xi32>], vector<16xf32>,
      %gather3A_2503 = arith.constant 6 : i32
      %gather3A_2504 = arith.constant 0 : i32
      %gather3A_2505 = arith.constant 0 : i32
      %gather3A_2506 = tpu.memref_slice %arg10[%gather3A_2503, %gather3A_2504, %gather3A_2505] : memref<8x32x128xf32, #tpu.memory_space<vmem>> -> memref<1x32x128xf32, #tpu.memory_space<vmem>>
      %gather3A_2507 = tpu.memref_squeeze %gather3A_2506 : memref<1x32x128xf32, #tpu.memory_space<vmem>> -> memref<32x128xf32, #tpu.memory_space<vmem>>
      %gather3A_2508 = tpu.vector_load_idx %gather3A_2507[%add3A_6, %broadcast_in_dim3A_2491] : memref<32x128xf32, #tpu.memory_space<vmem>>[vector<16xi32>, vector<16xi32>], vector<16xf32>,
      %gather3A_2509 = arith.constant 6 : i32
      %gather3A_2510 = arith.constant 0 : i32
      %gather3A_2511 = arith.constant 0 : i32
      %gather3A_2512 = tpu.memref_slice %arg11[%gather3A_2509, %gather3A_2510, %gather3A_2511] : memref<8x32x128xf32, #tpu.memory_space<vmem>> -> memref<1x32x128xf32, #tpu.memory_space<vmem>>
      %gather3A_2513 = tpu.memref_squeeze %gather3A_2512 : memref<1x32x128xf32, #tpu.memory_space<vmem>> -> memref<32x128xf32, #tpu.memory_space<vmem>>
      %gather3A_2514 = tpu.vector_load_idx %gather3A_2513[%iota3A, %broadcast_in_dim3A_2496] : memref<32x128xf32, #tpu.memory_space<vmem>>[vector<16xi32>, vector<16xi32>], vector<16xf32>,
      %gather3A_2515 = arith.constant 6 : i32
      %gather3A_2516 = arith.constant 0 : i32
      %gather3A_2517 = arith.constant 0 : i32
      %gather3A_2518 = tpu.memref_slice %arg11[%gather3A_2515, %gather3A_2516, %gather3A_2517] : memref<8x32x128xf32, #tpu.memory_space<vmem>> -> memref<1x32x128xf32, #tpu.memory_space<vmem>>
      %gather3A_2519 = tpu.memref_squeeze %gather3A_2518 : memref<1x32x128xf32, #tpu.memory_space<vmem>> -> memref<32x128xf32, #tpu.memory_space<vmem>>
      %gather3A_2520 = tpu.vector_load_idx %gather3A_2519[%add3A_6, %broadcast_in_dim3A_2496] : memref<32x128xf32, #tpu.memory_space<vmem>>[vector<16xi32>, vector<16xi32>], vector<16xf32>,
      %mul3A_2521 = arith.mulf %gather3A_2502, %gather3A_2514 : vector<16xf32>
      %mul3A_2522 = arith.mulf %gather3A_2508, %gather3A_2520 : vector<16xf32>
      %add3A_2523 = arith.addf %mul3A_2521, %mul3A_2522 : vector<16xf32>
      %reduce_sum3A_2524 = arith.constant true
      %reduce_sum3A_2525 = vector.broadcast %reduce_sum3A_2524 : i1 to vector<16xi1>
      %reduce_sum3A_2526 = tpu.scan <sum>, %add3A_2523 masked %reduce_sum3A_2525 : vector<16xf32>, vector<16xi1> -> vector<16xf32>
      %reduce_sum3A_2527 = vector.extract %reduce_sum3A_2526[15] : f32 from vector<16xf32>
      %eq3A_2528 = arith.constant 14 : i32
      %eq3A_2529 = vector.broadcast %eq3A_2528 : i32 to vector<16xi32>
      %eq3A_2530 = arith.cmpi eq, %iota3A, %eq3A_2529 : vector<16xi32>
      %broadcast_in_dim3A_2531 = vector.broadcast %reduce_sum3A_2527 : f32 to vector<16xf32>
      %select_n3A_2532 = arith.select %eq3A_2530, %broadcast_in_dim3A_2531, %select_n3A_2449 : vector<16xi1>, vector<16xf32>
      %add3A_2533 = arith.constant 1 : i32
      %add3A_2534 = arith.addi %scan3A_592, %add3A_2533 : i32
      %lt3A_2535 = arith.constant 32 : i32
      %lt3A_2536 = arith.cmpi slt, %add3A_2534, %lt3A_2535 : i32
      %convert_element_type3A_2537 = arith.extui %lt3A_2536 : i1 to i32
      %cond3A_2538 = arith.constant 0 : i32
      %cond3A_2539 = arith.cmpi ne, %convert_element_type3A_2537, %cond3A_2538 : i32
      scf.if %cond3A_2539 {
        %add3A_2628 = arith.constant 1 : i32
        %add3A_2629 = arith.addi %scan3A_592, %add3A_2628 : i32
        %mul3A_2630 = arith.constant 16 : i32
        %mul3A_2631 = arith.muli %add3A_2629, %mul3A_2630 : i32
        %get3A_2632 = arith.index_cast %mul3A_2631 : i32 to index
        %get3A_2633 = tpu.vector_load %arg8[%get3A_2632] {strides = array<i32>} : memref<512xi32, #tpu.memory_space<vmem>>, vector<16xi32>,
        %add3A_2634 = arith.constant 1 : i32
        %add3A_2635 = arith.addi %scan3A_592, %add3A_2634 : i32
        %mul3A_2636 = arith.constant 16 : i32
        %mul3A_2637 = arith.muli %add3A_2635, %mul3A_2636 : i32
        %get3A_2638 = arith.index_cast %mul3A_2637 : i32 to index
        %get3A_2639 = tpu.vector_load %arg9[%get3A_2638] {strides = array<i32>} : memref<512xi32, #tpu.memory_space<vmem>>, vector<16xi32>,
        %slice3A_2640 = vector.extract_strided_slice %get3A_2633 {offsets = [6], sizes = [1], strides = [1]} : vector<16xi32> to vector<1xi32>
        %squeeze3A_2641 = vector.extract %slice3A_2640[0] : i32 from vector<1xi32>
        %slice3A_2642 = vector.extract_strided_slice %get3A_2639 {offsets = [6], sizes = [1], strides = [1]} : vector<16xi32> to vector<1xi32>
        %squeeze3A_2643 = vector.extract %slice3A_2642[0] : i32 from vector<1xi32>
        %jit3A_2644 = arith.constant 128 : i32
        %div3A_2645 = arith.divsi %squeeze3A_2641, %jit3A_2644 : i32
        %sign3A_2646 = arith.constant 0 : i32
        %sign3A_2647 = arith.cmpi sgt, %squeeze3A_2641, %sign3A_2646 : i32
        %sign3A_2648 = arith.extui %sign3A_2647 : i1 to i32
        %sign3A_2649 = arith.constant 0 : i32
        %sign3A_2650 = arith.cmpi slt, %squeeze3A_2641, %sign3A_2649 : i32
        %sign3A_2651 = arith.extui %sign3A_2650 : i1 to i32
        %sign3A_2652 = arith.subi %sign3A_2648, %sign3A_2651 : i32
        %sign3A_2653 = arith.constant 0 : i32
        %sign3A_2654 = arith.cmpi sgt, %jit3A_2644, %sign3A_2653 : i32
        %sign3A_2655 = arith.extui %sign3A_2654 : i1 to i32
        %sign3A_2656 = arith.constant 0 : i32
        %sign3A_2657 = arith.cmpi slt, %jit3A_2644, %sign3A_2656 : i32
        %sign3A_2658 = arith.extui %sign3A_2657 : i1 to i32
        %sign3A_2659 = arith.subi %sign3A_2655, %sign3A_2658 : i32
        %ne3A_2660 = arith.cmpi ne, %sign3A_2652, %sign3A_2659 : i32
        %rem3A_2661 = arith.remsi %squeeze3A_2641, %jit3A_2644 : i32
        %ne3A_2662 = arith.constant 0 : i32
        %ne3A_2663 = arith.cmpi ne, %rem3A_2661, %ne3A_2662 : i32
        %and3A_2664 = arith.andi %ne3A_2660, %ne3A_2663 : i1
        %sub3A_2665 = arith.constant 1 : i32
        %sub3A_2666 = arith.subi %div3A_2645, %sub3A_2665 : i32
        %select_n3A_2667 = arith.select %and3A_2664, %sub3A_2666, %div3A_2645 : i32
        %mul3A_2668 = arith.constant 128 : i32
        %mul3A_2669 = arith.muli %select_n3A_2667, %mul3A_2668 : i32
        %multiple_of3A_2670 = tpu.assume_multiple %mul3A_2669, 128 : i32
        %jit3A_2671 = arith.constant 128 : i32
        %div3A_2672 = arith.divsi %squeeze3A_2643, %jit3A_2671 : i32
        %sign3A_2673 = arith.constant 0 : i32
        %sign3A_2674 = arith.cmpi sgt, %squeeze3A_2643, %sign3A_2673 : i32
        %sign3A_2675 = arith.extui %sign3A_2674 : i1 to i32
        %sign3A_2676 = arith.constant 0 : i32
        %sign3A_2677 = arith.cmpi slt, %squeeze3A_2643, %sign3A_2676 : i32
        %sign3A_2678 = arith.extui %sign3A_2677 : i1 to i32
        %sign3A_2679 = arith.subi %sign3A_2675, %sign3A_2678 : i32
        %sign3A_2680 = arith.constant 0 : i32
        %sign3A_2681 = arith.cmpi sgt, %jit3A_2671, %sign3A_2680 : i32
        %sign3A_2682 = arith.extui %sign3A_2681 : i1 to i32
        %sign3A_2683 = arith.constant 0 : i32
        %sign3A_2684 = arith.cmpi slt, %jit3A_2671, %sign3A_2683 : i32
        %sign3A_2685 = arith.extui %sign3A_2684 : i1 to i32
        %sign3A_2686 = arith.subi %sign3A_2682, %sign3A_2685 : i32
        %ne3A_2687 = arith.cmpi ne, %sign3A_2679, %sign3A_2686 : i32
        %rem3A_2688 = arith.remsi %squeeze3A_2643, %jit3A_2671 : i32
        %ne3A_2689 = arith.constant 0 : i32
        %ne3A_2690 = arith.cmpi ne, %rem3A_2688, %ne3A_2689 : i32
        %and3A_2691 = arith.andi %ne3A_2687, %ne3A_2690 : i1
        %sub3A_2692 = arith.constant 1 : i32
        %sub3A_2693 = arith.subi %div3A_2672, %sub3A_2692 : i32
        %select_n3A_2694 = arith.select %and3A_2691, %sub3A_2693, %div3A_2672 : i32
        %mul3A_2695 = arith.constant 128 : i32
        %mul3A_2696 = arith.muli %select_n3A_2694, %mul3A_2695 : i32
        %multiple_of3A_2697 = tpu.assume_multiple %mul3A_2696, 128 : i32
        %dma_start3A_2698 = arith.constant 6 : i32
        %dma_start3A_2699 = arith.constant 0 : i32
        %dma_start3A_2700 = arith.constant 0 : i32
        %dma_start3A_2701 = tpu.memref_slice %arg10[%dma_start3A_2698, %dma_start3A_2699, %dma_start3A_2700] : memref<8x32x128xf32, #tpu.memory_space<vmem>> -> memref<1x32x128xf32, #tpu.memory_space<vmem>>
        %dma_start3A_2702 = tpu.memref_squeeze %dma_start3A_2701 : memref<1x32x128xf32, #tpu.memory_space<vmem>> -> memref<32x128xf32, #tpu.memory_space<vmem>>
        %dma_start3A_2703 = arith.constant 0 : i32
        %dma_start3A_2704 = tpu.memref_slice %arg4[%dma_start3A_2703, %multiple_of3A_2670] : memref<32x10000001xf32, #tpu.memory_space<hbm>> -> memref<32x128xf32, #tpu.memory_space<hbm>>
        %dma_start3A_2705 = arith.constant 0 : i32
        %dma_start3A_2706 = arith.constant 0 : i32
        %dma_start3A_2707 = tpu.memref_slice %arg10[%dma_start3A_2698, %dma_start3A_2705, %dma_start3A_2706] : memref<8x32x128xf32, #tpu.memory_space<vmem>> -> memref<1x32x128xf32, #tpu.memory_space<vmem>>
        %dma_start3A_2708 = tpu.memref_squeeze %dma_start3A_2707 : memref<1x32x128xf32, #tpu.memory_space<vmem>> -> memref<32x128xf32, #tpu.memory_space<vmem>>
        %dma_start3A_2709 = arith.constant 0 : i32
        %dma_start3A_2710 = tpu.memref_slice %arg4[%dma_start3A_2709, %multiple_of3A_2670] : memref<32x10000001xf32, #tpu.memory_space<hbm>> -> memref<32x128xf32, #tpu.memory_space<hbm>>
        tpu.enqueue_dma source(%dma_start3A_2710 : memref<32x128xf32, #tpu.memory_space<hbm>>) target(%dma_start3A_2708 : memref<32x128xf32, #tpu.memory_space<vmem>>) target_semaphore(%arg14 : memref<!tpu.dma_semaphore, #tpu.memory_space<semaphore_mem>>)
        %dma_start3A_2711 = arith.constant 6 : i32
        %dma_start3A_2712 = arith.constant 0 : i32
        %dma_start3A_2713 = arith.constant 0 : i32
        %dma_start3A_2714 = tpu.memref_slice %arg11[%dma_start3A_2711, %dma_start3A_2712, %dma_start3A_2713] : memref<8x32x128xf32, #tpu.memory_space<vmem>> -> memref<1x32x128xf32, #tpu.memory_space<vmem>>
        %dma_start3A_2715 = tpu.memref_squeeze %dma_start3A_2714 : memref<1x32x128xf32, #tpu.memory_space<vmem>> -> memref<32x128xf32, #tpu.memory_space<vmem>>
        %dma_start3A_2716 = arith.constant 0 : i32
        %dma_start3A_2717 = tpu.memref_slice %arg5[%dma_start3A_2716, %multiple_of3A_2697] : memref<32x10000001xf32, #tpu.memory_space<hbm>> -> memref<32x128xf32, #tpu.memory_space<hbm>>
        %dma_start3A_2718 = arith.constant 0 : i32
        %dma_start3A_2719 = arith.constant 0 : i32
        %dma_start3A_2720 = tpu.memref_slice %arg11[%dma_start3A_2711, %dma_start3A_2718, %dma_start3A_2719] : memref<8x32x128xf32, #tpu.memory_space<vmem>> -> memref<1x32x128xf32, #tpu.memory_space<vmem>>
        %dma_start3A_2721 = tpu.memref_squeeze %dma_start3A_2720 : memref<1x32x128xf32, #tpu.memory_space<vmem>> -> memref<32x128xf32, #tpu.memory_space<vmem>>
        %dma_start3A_2722 = arith.constant 0 : i32
        %dma_start3A_2723 = tpu.memref_slice %arg5[%dma_start3A_2722, %multiple_of3A_2697] : memref<32x10000001xf32, #tpu.memory_space<hbm>> -> memref<32x128xf32, #tpu.memory_space<hbm>>
        tpu.enqueue_dma source(%dma_start3A_2723 : memref<32x128xf32, #tpu.memory_space<hbm>>) target(%dma_start3A_2721 : memref<32x128xf32, #tpu.memory_space<vmem>>) target_semaphore(%arg15 : memref<!tpu.dma_semaphore, #tpu.memory_space<semaphore_mem>>)
      } else {
      }
      %dma_wait3A_2540 = arith.constant 7 : i32
      %dma_wait3A_2541 = arith.constant 0 : i32
      %dma_wait3A_2542 = arith.constant 0 : i32
      %dma_wait3A_2543 = tpu.memref_slice %arg10[%dma_wait3A_2540, %dma_wait3A_2541, %dma_wait3A_2542] : memref<8x32x128xf32, #tpu.memory_space<vmem>> -> memref<1x32x128xf32, #tpu.memory_space<vmem>>
      %dma_wait3A_2544 = tpu.memref_squeeze %dma_wait3A_2543 : memref<1x32x128xf32, #tpu.memory_space<vmem>> -> memref<32x128xf32, #tpu.memory_space<vmem>>
      %dma_wait3A_2545 = arith.constant 0 : i32
      %dma_wait3A_2546 = arith.constant 0 : i32
      %dma_wait3A_2547 = tpu.memref_slice %arg4[%dma_wait3A_2545, %dma_wait3A_2546] : memref<32x10000001xf32, #tpu.memory_space<hbm>> -> memref<32x128xf32, #tpu.memory_space<hbm>>
      %dma_wait3A_2548 = arith.constant 0 : i32
      %dma_wait3A_2549 = arith.constant 0 : i32
      %dma_wait3A_2550 = tpu.memref_slice %arg10[%dma_wait3A_2540, %dma_wait3A_2548, %dma_wait3A_2549] : memref<8x32x128xf32, #tpu.memory_space<vmem>> -> memref<1x32x128xf32, #tpu.memory_space<vmem>>
      %dma_wait3A_2551 = tpu.memref_squeeze %dma_wait3A_2550 : memref<1x32x128xf32, #tpu.memory_space<vmem>> -> memref<32x128xf32, #tpu.memory_space<vmem>>
      %dma_wait3A_2552 = arith.constant 0 : i32
      %dma_wait3A_2553 = arith.constant 0 : i32
      %dma_wait3A_2554 = tpu.memref_slice %arg4[%dma_wait3A_2552, %dma_wait3A_2553] : memref<32x10000001xf32, #tpu.memory_space<hbm>> -> memref<32x128xf32, #tpu.memory_space<hbm>>
      tpu.wait_dma2 semaphore(%arg14 : memref<!tpu.dma_semaphore, #tpu.memory_space<semaphore_mem>>) src(%dma_wait3A_2554 : memref<32x128xf32, #tpu.memory_space<hbm>>) dst(%dma_wait3A_2551 : memref<32x128xf32, #tpu.memory_space<vmem>>)
      %dma_wait3A_2555 = arith.constant 7 : i32
      %dma_wait3A_2556 = arith.constant 0 : i32
      %dma_wait3A_2557 = arith.constant 0 : i32
      %dma_wait3A_2558 = tpu.memref_slice %arg11[%dma_wait3A_2555, %dma_wait3A_2556, %dma_wait3A_2557] : memref<8x32x128xf32, #tpu.memory_space<vmem>> -> memref<1x32x128xf32, #tpu.memory_space<vmem>>
      %dma_wait3A_2559 = tpu.memref_squeeze %dma_wait3A_2558 : memref<1x32x128xf32, #tpu.memory_space<vmem>> -> memref<32x128xf32, #tpu.memory_space<vmem>>
      %dma_wait3A_2560 = arith.constant 0 : i32
      %dma_wait3A_2561 = arith.constant 0 : i32
      %dma_wait3A_2562 = tpu.memref_slice %arg5[%dma_wait3A_2560, %dma_wait3A_2561] : memref<32x10000001xf32, #tpu.memory_space<hbm>> -> memref<32x128xf32, #tpu.memory_space<hbm>>
      %dma_wait3A_2563 = arith.constant 0 : i32
      %dma_wait3A_2564 = arith.constant 0 : i32
      %dma_wait3A_2565 = tpu.memref_slice %arg11[%dma_wait3A_2555, %dma_wait3A_2563, %dma_wait3A_2564] : memref<8x32x128xf32, #tpu.memory_space<vmem>> -> memref<1x32x128xf32, #tpu.memory_space<vmem>>
      %dma_wait3A_2566 = tpu.memref_squeeze %dma_wait3A_2565 : memref<1x32x128xf32, #tpu.memory_space<vmem>> -> memref<32x128xf32, #tpu.memory_space<vmem>>
      %dma_wait3A_2567 = arith.constant 0 : i32
      %dma_wait3A_2568 = arith.constant 0 : i32
      %dma_wait3A_2569 = tpu.memref_slice %arg5[%dma_wait3A_2567, %dma_wait3A_2568] : memref<32x10000001xf32, #tpu.memory_space<hbm>> -> memref<32x128xf32, #tpu.memory_space<hbm>>
      tpu.wait_dma2 semaphore(%arg15 : memref<!tpu.dma_semaphore, #tpu.memory_space<semaphore_mem>>) src(%dma_wait3A_2569 : memref<32x128xf32, #tpu.memory_space<hbm>>) dst(%dma_wait3A_2566 : memref<32x128xf32, #tpu.memory_space<vmem>>)
      %slice3A_2570 = vector.extract_strided_slice %get3A_596 {offsets = [15], sizes = [1], strides = [1]} : vector<16xi32> to vector<1xi32>
      %squeeze3A_2571 = vector.extract %slice3A_2570[0] : i32 from vector<1xi32>
      %rem3A_2572 = arith.constant 128 : i32
      %rem3A_2573 = arith.remsi %squeeze3A_2571, %rem3A_2572 : i32
      %broadcast_in_dim3A_2574 = vector.broadcast %rem3A_2573 : i32 to vector<16xi32>
      %slice3A_2575 = vector.extract_strided_slice %get3A_600 {offsets = [15], sizes = [1], strides = [1]} : vector<16xi32> to vector<1xi32>
      %squeeze3A_2576 = vector.extract %slice3A_2575[0] : i32 from vector<1xi32>
      %rem3A_2577 = arith.constant 128 : i32
      %rem3A_2578 = arith.remsi %squeeze3A_2576, %rem3A_2577 : i32
      %broadcast_in_dim3A_2579 = vector.broadcast %rem3A_2578 : i32 to vector<16xi32>
      %gather3A_2580 = arith.constant 7 : i32
      %gather3A_2581 = arith.constant 0 : i32
      %gather3A_2582 = arith.constant 0 : i32
      %gather3A_2583 = tpu.memref_slice %arg10[%gather3A_2580, %gather3A_2581, %gather3A_2582] : memref<8x32x128xf32, #tpu.memory_space<vmem>> -> memref<1x32x128xf32, #tpu.memory_space<vmem>>
      %gather3A_2584 = tpu.memref_squeeze %gather3A_2583 : memref<1x32x128xf32, #tpu.memory_space<vmem>> -> memref<32x128xf32, #tpu.memory_space<vmem>>
      %gather3A_2585 = tpu.vector_load_idx %gather3A_2584[%iota3A, %broadcast_in_dim3A_2574] : memref<32x128xf32, #tpu.memory_space<vmem>>[vector<16xi32>, vector<16xi32>], vector<16xf32>,
      %gather3A_2586 = arith.constant 7 : i32
      %gather3A_2587 = arith.constant 0 : i32
      %gather3A_2588 = arith.constant 0 : i32
      %gather3A_2589 = tpu.memref_slice %arg10[%gather3A_2586, %gather3A_2587, %gather3A_2588] : memref<8x32x128xf32, #tpu.memory_space<vmem>> -> memref<1x32x128xf32, #tpu.memory_space<vmem>>
      %gather3A_2590 = tpu.memref_squeeze %gather3A_2589 : memref<1x32x128xf32, #tpu.memory_space<vmem>> -> memref<32x128xf32, #tpu.memory_space<vmem>>
      %gather3A_2591 = tpu.vector_load_idx %gather3A_2590[%add3A_6, %broadcast_in_dim3A_2574] : memref<32x128xf32, #tpu.memory_space<vmem>>[vector<16xi32>, vector<16xi32>], vector<16xf32>,
      %gather3A_2592 = arith.constant 7 : i32
      %gather3A_2593 = arith.constant 0 : i32
      %gather3A_2594 = arith.constant 0 : i32
      %gather3A_2595 = tpu.memref_slice %arg11[%gather3A_2592, %gather3A_2593, %gather3A_2594] : memref<8x32x128xf32, #tpu.memory_space<vmem>> -> memref<1x32x128xf32, #tpu.memory_space<vmem>>
      %gather3A_2596 = tpu.memref_squeeze %gather3A_2595 : memref<1x32x128xf32, #tpu.memory_space<vmem>> -> memref<32x128xf32, #tpu.memory_space<vmem>>
      %gather3A_2597 = tpu.vector_load_idx %gather3A_2596[%iota3A, %broadcast_in_dim3A_2579] : memref<32x128xf32, #tpu.memory_space<vmem>>[vector<16xi32>, vector<16xi32>], vector<16xf32>,
      %gather3A_2598 = arith.constant 7 : i32
      %gather3A_2599 = arith.constant 0 : i32
      %gather3A_2600 = arith.constant 0 : i32
      %gather3A_2601 = tpu.memref_slice %arg11[%gather3A_2598, %gather3A_2599, %gather3A_2600] : memref<8x32x128xf32, #tpu.memory_space<vmem>> -> memref<1x32x128xf32, #tpu.memory_space<vmem>>
      %gather3A_2602 = tpu.memref_squeeze %gather3A_2601 : memref<1x32x128xf32, #tpu.memory_space<vmem>> -> memref<32x128xf32, #tpu.memory_space<vmem>>
      %gather3A_2603 = tpu.vector_load_idx %gather3A_2602[%add3A_6, %broadcast_in_dim3A_2579] : memref<32x128xf32, #tpu.memory_space<vmem>>[vector<16xi32>, vector<16xi32>], vector<16xf32>,
      %mul3A_2604 = arith.mulf %gather3A_2585, %gather3A_2597 : vector<16xf32>
      %mul3A_2605 = arith.mulf %gather3A_2591, %gather3A_2603 : vector<16xf32>
      %add3A_2606 = arith.addf %mul3A_2604, %mul3A_2605 : vector<16xf32>
      %reduce_sum3A_2607 = arith.constant true
      %reduce_sum3A_2608 = vector.broadcast %reduce_sum3A_2607 : i1 to vector<16xi1>
      %reduce_sum3A_2609 = tpu.scan <sum>, %add3A_2606 masked %reduce_sum3A_2608 : vector<16xf32>, vector<16xi1> -> vector<16xf32>
      %reduce_sum3A_2610 = vector.extract %reduce_sum3A_2609[15] : f32 from vector<16xf32>
      %eq3A_2611 = arith.constant 15 : i32
      %eq3A_2612 = vector.broadcast %eq3A_2611 : i32 to vector<16xi32>
      %eq3A_2613 = arith.cmpi eq, %iota3A, %eq3A_2612 : vector<16xi32>
      %broadcast_in_dim3A_2614 = vector.broadcast %reduce_sum3A_2610 : f32 to vector<16xf32>
      %select_n3A_2615 = arith.select %eq3A_2613, %broadcast_in_dim3A_2614, %select_n3A_2532 : vector<16xi1>, vector<16xf32>
      %add3A_2616 = arith.addf %select_n3A_2615, %get3A_3 : vector<16xf32>
      %neg3A = arith.constant 0.000000e+00 : f32
      %neg3A_2617 = vector.broadcast %neg3A : f32 to vector<16xf32>
      %neg3A_2618 = arith.subf %neg3A_2617, %add3A_2616 : vector<16xf32>
      %exp3A = math.exp %neg3A_2618 : vector<16xf32>
      %add3A_2619 = arith.constant 1.000000e+00 : f32
      %add3A_2620 = vector.broadcast %add3A_2619 : f32 to vector<16xf32>
      %add3A_2621 = arith.addf %add3A_2620, %exp3A : vector<16xf32>
      %div3A_2622 = arith.constant 1.000000e+00 : f32
      %div3A_2623 = vector.broadcast %div3A_2622 : f32 to vector<16xf32>
      %div3A_2624 = arith.divf %div3A_2623, %add3A_2621 : vector<16xf32>
      %mul3A_2625 = arith.constant 16 : i32
      %mul3A_2626 = arith.muli %scan3A_592, %mul3A_2625 : i32
      %swap3A = arith.index_cast %mul3A_2626 : i32 to index
      %swap3A_2627 = tpu.vector_load %arg13[%swap3A] {strides = array<i32>} : memref<512xf32, #tpu.memory_space<vmem>>, vector<16xf32>,
      tpu.vector_store %arg13[%swap3A], %div3A_2624 {strides = array<i32>} : memref<512xf32, #tpu.memory_space<vmem>>, vector<16xf32>,
    }
    %scan3A_591 = arith.constant 32 : i32
    "tpu.region"() ({
      %run_scoped3A = tpu.sem_alloc : memref<!tpu.dma_semaphore, #tpu.memory_space<semaphore_mem>>
      %dma_start3A_592 = tpu.memref_slice %arg7[%mul3A_2] : memref<16384xf32, #tpu.memory_space<hbm>> -> memref<512xf32, #tpu.memory_space<hbm>>
      %dma_start3A_593 = tpu.memref_slice %arg7[%mul3A_2] : memref<16384xf32, #tpu.memory_space<hbm>> -> memref<512xf32, #tpu.memory_space<hbm>>
      tpu.enqueue_dma source(%arg13 : memref<512xf32, #tpu.memory_space<vmem>>) target(%dma_start3A_593 : memref<512xf32, #tpu.memory_space<hbm>>) target_semaphore(%run_scoped3A : memref<!tpu.dma_semaphore, #tpu.memory_space<semaphore_mem>>)
      %dma_wait3A = tpu.memref_slice %arg7[%mul3A_2] : memref<16384xf32, #tpu.memory_space<hbm>> -> memref<512xf32, #tpu.memory_space<hbm>>
      %dma_wait3A_594 = tpu.memref_slice %arg7[%mul3A_2] : memref<16384xf32, #tpu.memory_space<hbm>> -> memref<512xf32, #tpu.memory_space<hbm>>
      tpu.wait_dma2 semaphore(%run_scoped3A : memref<!tpu.dma_semaphore, #tpu.memory_space<semaphore_mem>>) src(%arg13 : memref<512xf32, #tpu.memory_space<vmem>>) dst(%dma_wait3A_594 : memref<512xf32, #tpu.memory_space<hbm>>)
      tpu.yield
    }) : () -> ()
    return
  }
}

</mosaic_0001>

<sc_bundles>
// kernel: kernel.3.cloned.1.call-start
scs
__scs_entry_jumppad:
0x0: {  	(pc) =	sbr.rel $0x88, $3  }
0x1: {  	(tag) =	ssettag $0x0;
	lr =	simm.s32 $0x1  }
0x2: {  	[smem:$0x3F9C] =	sst lr;
	_ =	strace $0xD0000000  }
0x3: {  	_ = 	snop  }
0x4: {  	_ = 	snop  }
0x5: {  	_ = 	snop  }
0x6: {  	_ = 	snop  }
0x7: {  	_ = 	snop  }
__scs_overlays_trampoline_lowered:
0x8: {  	[smem:$0x3FAB] =	sst s0  }
0x9: {  	[smem:$0x3FAC] =	sst s1  }
0xa: {  	[smem:$0x3FAD] =	sst s2  }
0xb: {  	[smem:$0x3FAE] =	sst s3  }
0xc: {  	[smem:$0x3FAF] =	sst s4  }
0xd: {  	[smem:$0x3FB0] =	sst s5  }
0xe: {  	[smem:$0x3FB1] =	sst s6  }
0xf: {  	[smem:$0x3FB2] =	sst s7  }
0x10: {  	[smem:$0x3FB3] =	sst s8  }
0x11: {  	[smem:$0x3FB4] =	sst s9;
	s0 =	simm.s32 @!p0 $0x0  }
0x12: {  	s1 =	sld [smem:$0x3F9A];
	s0 =	simm.s32 @p0 $0x1  }
0x13: {  	[smem:$0x3FB5] =	sst s0;
	s0 =	simm.s32 @!p1 $0x0  }
0x14: {  	s2 =	sld [smem:$0x3F99];
	s0 =	simm.s32 @p1 $0x1  }
0x15: {  	[smem:$0x3FB6] =	sst s0;
	s0 =	simm.s32 @!p2 $0x0  }
0x16: {  	s3 =	sld [smem:$0x3FDB];
	s0 =	simm.s32 @p2 $0x1  }
0x17: {  	s4 =	simm.s32 $0x1BF5;
	[smem:$0x3FB8] =	sst s0  }
0x18: {  	s0 =	sld [smem:$0x3F9B];
	_ =	swait.ge [sflag:s4], $0x0  }
0x19: {  	s7 =	sld [smem:$0x3F9C]  }
0x1a: {  	s8 =	sadd.s32 $0xFFFFE003, lr  }
0x1b: {  	s9 =	sadd.s32 $0xFFFFFEF7, lr;
	s5 =	simm.s32 $0xFFFFFFFF;
	p2 =	slt.u32 s8, $0xFFFFF086  }
0x1c: {  	p1 =	slt.u32 s9, $0xF7A;
	s5 =	simm.s32 @!p2 $0x0  }
0x1d: {  	s5 =	simm.s32 @p1 $0x1;
	p0 =	seq.s32 s7, s2  }
0x1e: {  	s7 =	smul.u32 @!p0 $0xF7A, s2;
	p2 =	seq.s32 @!p0 s5, $0x0  }
0x1f: {  	s9 =	smul.u32 $0xF7A, s1;
	s8 =	simm.s32 @!p0 $0x1BF5;
	p2 =	por !p2, p0  }
0x20: {  	[sflag:s8] =	ssyncset.s32 @!p0 $0xFFFFF086;
	s6 =	sadd.s32 @!p0 s3, s7;
	s7 =	simm.s32 @!p0 $0x108  }
0x21: {  	s3 =	sadd.s32 s3, s9;
	s6 =	sadd.s32 @!p0 $0x88, s6;
	s7 =	simm.s32 @p2 $0x1082  }
0x22: {  	[simem:s7], [sflag:s8] =	dma.local @!p0 [hbm:s6], $0xF7A  }
0x23: {  	s9 =	sor.u32 $0xD0000000, s2;
	s6 =	simm.s32 $0x108;
	_ =	swait.ge @!p0 [sflag:s8], $0x0  }
0x24: {  	s3 =	sadd.s32 $0x88, s3;
	s6 =	simm.s32 @!p1 $0x1082;
	[sflag:s4] =	ssyncset.s32 $0xFFFFF086  }
0x25: {  	[simem:s6], [sflag:s4] =	dma.local [hbm:s3], $0xF7A  }
0x26: {  	[smem:$0x3F9C] =	sst s1;
	(tag) =	ssettag s2;
	_ =	strace s9  }
0x27: {  	s1 =	sld [smem:$0x3FAC]  }
0x28: {  	s2 =	sld [smem:$0x3FAD]  }
0x29: {  	s4 =	sld [smem:$0x3FAF]  }
0x2a: {  	p0 =	seq.s32 s5, $0x0;
	s5 =	sld [smem:$0x3FB0]  }
0x2b: {  	s6 =	sld [smem:$0x3FB1]  }
0x2c: {  	s7 =	sld [smem:$0x3FB2]  }
0x2d: {  	s3 =	simm.s32 $0x108;
	s8 =	sld [smem:$0x3FB3]  }
0x2e: {  	s3 =	simm.s32 @!p0 $0x1082;
	s9 =	sld [smem:$0x3FB4]  }
0x2f: {  	lr =	sadd.s32 s0, s3;
	s0 =	sld [smem:$0x3FAB]  }
0x30: {  	s3 =	sld [smem:$0x3FAE]  }
0x31: {  	[smem:$0x3FB7] =	sst s10  }
0x32: {  	s10 =	sld [smem:$0x3FB5];
	_ =	sdelay $0x3  }
0x33: {  	p0 =	seq.s32 s10, $0x1;
	s10 =	sld [smem:$0x3FB7];
	_ =	sdelay $0x3  }
0x34: {  	[smem:$0x3FB7] =	sst s10  }
0x35: {  	s10 =	sld [smem:$0x3FB6];
	_ =	sdelay $0x3  }
0x36: {  	p1 =	seq.s32 s10, $0x1;
	s10 =	sld [smem:$0x3FB7];
	_ =	sdelay $0x3  }
0x37: {  	[smem:$0x3FB7] =	sst s10  }
0x38: {  	s10 =	sld [smem:$0x3FB8]  }
0x39: {  	_ = 	snop;
	(pc) =	sbr.ind lr, $3  }
0x3a: {  	_ = 	snop  }
0x3b: {  	_ = 	snop  }
0x3c: {  	p2 =	seq.s32 s10, $0x1;
	s10 =	sld [smem:$0x3FB7]  }
0x3d: {  	_ =	shalt  }
0x3e: {  	_ =	shalt  }
0x3f: {  	_ =	shalt  }
0x40: {  	_ =	shalt  }
0x41: {  	_ =	shalt  }
0x42: {  	_ =	shalt  }
0x43: {  	_ =	shalt  }
0x44: {  	_ =	shalt  }
0x45: {  	_ =	shalt  }
0x46: {  	_ =	shalt  }
0x47: {  	_ =	shalt  }
0x48: {  	_ =	shalt  }
0x49: {  	_ =	shalt  }
0x4a: {  	_ =	shalt  }
0x4b: {  	_ =	shalt  }
0x4c: {  	_ =	shalt  }
0x4d: {  	_ =	shalt  }
0x4e: {  	_ =	shalt  }
0x4f: {  	_ =	shalt  }
0x50: {  	_ =	shalt  }
0x51: {  	_ =	shalt  }
0x52: {  	_ =	shalt  }
0x53: {  	_ =	shalt  }
0x54: {  	_ =	shalt  }
0x55: {  	_ =	shalt  }
0x56: {  	_ =	shalt  }
0x57: {  	_ =	shalt  }
0x58: {  	_ =	shalt  }
0x59: {  	_ =	shalt  }
0x5a: {  	_ =	shalt  }
0x5b: {  	_ =	shalt  }
0x5c: {  	_ =	shalt  }
0x5d: {  	_ =	shalt  }
0x5e: {  	_ =	shalt  }
0x5f: {  	_ =	shalt  }
0x60: {  	_ =	shalt  }
0x61: {  	_ =	shalt  }
0x62: {  	_ =	shalt  }
0x63: {  	_ =	shalt  }
0x64: {  	_ =	shalt  }
0x65: {  	_ =	shalt  }
0x66: {  	_ =	shalt  }
0x67: {  	_ =	shalt  }
0x68: {  	_ =	shalt  }
0x69: {  	_ =	shalt  }
0x6a: {  	_ =	shalt  }
0x6b: {  	_ =	shalt  }
0x6c: {  	_ =	shalt  }
0x6d: {  	_ =	shalt  }
0x6e: {  	_ =	shalt  }
0x6f: {  	_ =	shalt  }
0x70: {  	_ =	shalt  }
0x71: {  	_ =	shalt  }
0x72: {  	_ =	shalt  }
0x73: {  	_ =	shalt  }
0x74: {  	_ =	shalt  }
0x75: {  	_ =	shalt  }
0x76: {  	_ =	shalt  }
0x77: {  	_ =	shalt  }
0x78: {  	_ =	shalt  }
0x79: {  	_ =	shalt  }
0x7a: {  	_ =	shalt  }
0x7b: {  	_ =	shalt  }
0x7c: {  	_ =	shalt  }
0x7d: {  	_ =	shalt  }
0x7e: {  	_ =	shalt  }
0x7f: {  	_ =	shalt  }
0x80: {  	_ =	shalt  }
0x81: {  	_ =	shalt  }
0x82: {  	_ =	shalt  }
0x83: {  	_ =	shalt  }
0x84: {  	_ =	shalt  }
0x85: {  	_ =	shalt  }
0x86: {  	_ =	shalt  }
0x87: {  	_ =	shalt  }
.Lfunc_end0:
.L_simem_size_0:
called_computation_lowered:
.L_overlay_start_0:
0x88: {  	s2 =	sld [smem:$0x3FD9]  }
0x89: {  	s3 =	sld [smem:$0x3FFE];
	_ =	sdelay $0x1  }
0x8a: {  	s1 =	srdreg.scid  }
0x8b: {  	s0 =	sand.u32 $0x1, s1  }
0x8c: {  	s17 =	sshll.u32 s0, $0xA;
	s2 =	sadd.s32 s3, s2  }
0x8d: {  	s2 =	sadd.s32 s2, s17  }
0x8e: {  	[smem:$0x3FC3] =	sst s2  }
0x8f: {  	_ = 	snop  }
0x90: {  	s2 =	sld [smem:$0x3FC9]  }
0x91: {  	s18 =	sld [smem:$0x3FC8]  }
0x92: {  	s4 =	sld [smem:$0x3FC7]  }
0x93: {  	s5 =	sld [smem:$0x3FC6]  }
0x94: {  	s6 =	sld [smem:$0x3FD0];
	(tm) =	ssettm $0x1  }
0x95: {  	s7 =	sld [smem:$0x3FFB];
	_ =	sdelay $0x3  }
0x96: {  	_ =	strace s7  }
0x97: {  	s7 =	sld [smem:$0x3FFC];
	_ =	sdelay $0x3  }
0x98: {  	_ =	strace s7  }
0x99: {  	s7 =	sld [smem:$0x3FFD];
	_ =	sdelay $0x3  }
0x9a: {  	_ =	strace s7  }
0x9b: {  	_ =	strace $0x8FFFFFFF  }
0x9c: {  	s19 =	sld [smem:$0x3FDB];
	_ =	sdelay $0x1  }
0x9d: {  	s8 =	simm.s32 $_scs_section_size  }
0x9e: {  	s9 =	simm.s32 $_size__tile_overlayer_lowered;
	s10 =	simm.s32 $_tile_overlayer_lowered  }
0x9f: {  	s22 =	simm.s32 $0x1BFF;
	s21 =	sshll.u32 s10, $0x1;
	s7 =	sadd.s32 s8, s19  }
0xa0: {  	s11 =	simm.s32 $0x0;
	s20 =	sshll.u32 s9, $0x1;
	s9 =	sadd.s32 s21, s7  }
0xa1: {  	[timem:s11], [sflag:s22] =	dma.local [hbm:s9], s20  }
0xa2: {  	_ =	swait.ge [sflag:s22], s20  }
0xa3: {  	s8 =	ssub.s32 $0x0, s20;
	[sflag:s22] =	ssyncset.done $0x0  }
0xa4: {  	[sflag:s22] =	ssyncadd.s32 s8;
	_ =	sdelay $0x1  }
0xa5: {  	s23 =	simm.s32 $0x1B8B  }
0xa6: {  	_ =	swait.ge [sflag:s23], $0x1  }
0xa7: {  	[sflag:s23] =	ssyncset.done $0x0  }
0xa8: {  	s25 =	simm.s32 $0x1B8E;
	s24 =	sld [smem:$0x3FFE];
	[sflag:s23] =	ssyncadd.s32 $0xFFFFFFFF  }
0xa9: {  	s26 =	simm.s32 $execute0_lowered;
	[smem:$0x3FD2] =	sst s25  }
0xaa: {  	s9 =	sshll.u32 s26, $0x1;
	_ =	strace $0x80000046;
	[dreg:$0x1] =	wrdreg $0xFFFFFFFF  }
0xab: {  	s28 =	simm.s32 $_size_execute0_lowered;
	s7 =	sadd.s32 s7, s9;
	[dreg:$0x0] =	wrdreg $0x0  }
0xac: {  	s9 =	sshll.u32 s28, $0x1;
	[dreg:$0x2] =	wrdreg s7  }
0xad: {  	[dreg:$0x3] =	wrdreg s9  }
0xae: {  	[dreg:$0x4] =	wrdreg $0xC0  }
0xaf: {  	_ =	task [dreg:s11], $0x5FFFF  }
0xb0: {  	[dreg:$0x1] =	wrdreg $0xFFFFFFFF  }
0xb1: {  	[dreg:$0x0] =	wrdreg $0x60  }
0xb2: {  	[dreg:$0x2] =	wrdreg s2  }
0xb3: {  	[dreg:$0x3] =	wrdreg s18  }
0xb4: {  	[dreg:$0x4] =	wrdreg s4  }
0xb5: {  	[dreg:$0x5] =	wrdreg s5  }
0xb6: {  	[dreg:$0x6] =	wrdreg s24  }
0xb7: {  	[dreg:$0x7] =	wrdreg s6  }
0xb8: {  	[dreg:$0x8] =	wrdreg $0x9  }
0xb9: {  	_ =	task.clear_ibuf [dreg:s11], $0x9FFFF;
	_ =	strace $0x90000046  }
0xba: {  	s29 =	simm.s32 $0x9;
	_ =	strace $0x80000048  }
0xbb: {  	_ =	swait.ge [sflag:s29], $0x1  }
0xbc: {  	[sflag:s29] =	ssyncadd.s32 $0xFFFFFFFF  }
0xbd: {  	_ =	strace $0x90000048  }
0xbe: {  	_ =	sfence  }
0xbf: {  	s30 =	sld [smem:$0x0];
	_ =	sdelay $0x2  }
0xc0: {  	s31 =	sshll.u32 s1, $0xD;
	s1 =	sshrl.u32 s1, $0x2  }
0xc1: {  	s3 =	sand.u32 $0x4000, s31;
	s1 =	sadd.s32 s1, s30  }
0xc2: {  	s0 =	sor.u32 s3, s0;
	s1 =	sshll.u32 s1, $0x11  }
0xc3: {  	s0 =	sor.u32 s1, s0  }
0xc4: {  	s0 =	sadd.s32 $0x8F2B, s0  }
0xc5: {  	[sflag:s0] =	ssyncadd.remote.s32 $0x1  }
0xc6: {  	_ =	sfence.sel $0xFFFF  }
0xc7: {  	[dreg:$0x0] =	wrdreg $0xFFFFFFFF;
	(pc) =	sbr.abs _section_cstart, $3  }
0xc8: {  	[dreg:$0x1] =	wrdreg $0xFFFFFFFF  }
0xc9: {  	_ =	task.clear_ibuf [dreg:s11], $0x2FFFF;
	_ =	strace $0x9FFFFFFF  }
0xca: {  	(tm) =	ssettm $0x7FFFFFFF  }
0xcb: {  	_ =	shalt  }
tec
execute0_lowered:
.L_overlay_start_1:
0x0: {  	(tag) =	ssettag $0x1  }
0x1: {  	s0 =	rddreg [dreg:$0x0]  }
0x2: {  	s1 =	rddreg [dreg:$0x1]  }
0x3: {  	s26 =	rddreg [dreg:$0x2]  }
0x4: {  	s23 =	rddreg [dreg:$0x3]  }
0x5: {  	s2 =	rddreg [dreg:$0x4]  }
0x6: {  	s3 =	rddreg [dreg:$0x5];
	s8 =	simm.s32 $0x0  }
0x7: {  	s4 =	srdreg.scid;
	s6 =	stileid.u32;
	s13 =	simm.s32 $0x1  }
0x8: {  	s15 =	simm.s32 $0x400;
	s31 =	simm.s32 $0x1400;
	s19 =	simm.s32 $0x2400  }
0x9: {  	s28 =	simm.s32 $0xA400;
	s29 =	simm.s32 $0xC400;
	s18 =	simm.s32 $0x5400  }
0xa: {  	s30 =	simm.s32 $0xD400;
	s20 =	simm.s32 $0x6400;
	s9 =	simm.s32 $0x7400  }
0xb: {  	s10 =	simm.s32 $0xF400;
	[smem:$0x7FF] =	sst s8;
	s4 =	sand.u32 $0x1, s4  }
0xc: {  	s6 =	sshll.u32 s6, $0x7;
	s2 =	sadd.s32 $0x400, s2;
	s5 =	ssub.s32 $0x2, s4  }
0xd: {  	s4 =	sshll.u32 s4, $0x6;
	_ =	strace $0x80000047;
	[dreg:$0x7] =	wrdreg s2  }
0xe: {  	s2 =	simm.s32 $0x3;
	s7 =	sshrl.u32 s5, $0x1;
	s4 =	sor.u32 s4, s6  }
0xf: {  	v0 =	vlaneseq.u32;
	vm0 =	vmmov $0x1;
	vm1 =	vmmov $0x3;
	s6 =	simm.s32 $0x9400;
	s21 =	ssub.s32 s5, s7;
	s0 =	sadd.s32 s0, s4  }
0x10: {  	vm2 =	vmmov $0x7;
	vm3 =	vmmov $0xf;
	vm4 =	vmmov $0x1f;
	s22 =	sadd.s32 s1, s4;
	s24 =	sadd.s32 s3, s4;
	[dreg:$0x8] =	wrdreg s0  }
0x11: {  	vm5 =	vmmov $0x3f;
	vm6 =	vmmov $0x7f;
	vm8 =	vcmask $0x2724;
	s5 =	simm.s32 $0x8400;
	s7 =	simm.s32 $0xE400;
	[dreg:$0x9] =	wrdreg s22  }
0x12: {  	vm9 =	vcmask $0x2B28;
	vm10 =	vcmask $0x2F2C;
	v0 =	vmul.u32 $0x80, v0;
	s3 =	simm.s32 $0x0;
	[dreg:$0xa] =	wrdreg s24;
	s25 =	smax.u32 s21, $0x1  }
0x13: {  	vm7 =	vmmov $0xff;
	vm11 =	vcmask $0x3330;
	vm12 =	vcmask $0x3734;
	s22 =	simm.s32 $0x4C4B800;
	s21 =	simm.s32 $0x3400;
	s24 =	simm.s32 $0xB400  }
0x14: {  	vm13 =	vcmask $0x3B38;
	vm14 =	vmmov $0x7fff;
	v1 =	vor.u32 $0x800, v0;
	s0 =	simm.s32 $0x2;
	[dreg:$0xb] =	wrdreg s25;
	s25 =	simm.s32 $0x4400  }
.LBB2_1:
0x15: {  	[dreg:$0xc] =	wrdreg s3  }
0x16: {  	s1 =	rddreg [dreg:$0x8]  }
0x17: {  	[tilespmem:s8], [sflag:$0x3] =	stream.linear.gather [hbm4b:s1+s8], $0x200, $0x38;
	[tilespmem:$0x10680] =	vst v63  }
0x18: {  	_ =	swait.ge [sflag:s2], $0x200  }
0x19: {  	[sflag:s2] =	ssyncset.done $0x0  }
0x1a: {  	s12 =	simm.s32 $0x200;
	s11 =	rddreg [dreg:$0x9];
	[sflag:s2] =	ssyncadd.s32 $0xFFFFFE00  }
0x1b: {  	[tilespmem:s12], [sflag:$0x3] =	stream.linear.gather [hbm4b:s11+s8], $0x200, $0x38;
	[tilespmem:$0x10680] =	vst v63  }
0x1c: {  	_ =	swait.ge [sflag:s2], $0x200  }
0x1d: {  	[sflag:s2] =	ssyncset.done $0x0  }
0x1e: {  	s16 =	simm.s32 $0x10400;
	s14 =	rddreg [dreg:$0x7];
	[sflag:s2] =	ssyncadd.s32 $0xFFFFFE00  }
0x1f: {  	[tilespmem:s16], [sflag:$0x3] =	stream.linear.gather [hbm4b:s14+s8], $0x80, $0x38;
	[tilespmem:$0x10680] =	vst v63  }
0x20: {  	_ =	swait.ge [sflag:s2], $0x80  }
0x21: {  	[sflag:s2] =	ssyncset.done $0x0  }
0x22: {  	[sflag:s2] =	ssyncadd.s32 $0xFFFFFF80  }
0x23: {  	v4 =	vld [tilespmem:$0x200];
	_ =	sdelay $0x4  }
0x24: {  	(v2sf) =	vpush v4, $0x0;
	_ =	sdelay $0x2  }
0x25: {  	v3 =	vld [tilespmem:$0x0];
	_ =	sdelay $0x4  }
0x26: {  	(v2sf) =	vpush v3, $0x0;
	_ =	sdelay $0x2  }
0x27: {  	(v2sf) =	vpush v4, $0x1;
	_ =	sdelay $0x3  }
0x28: {  	s17 =	spop (v2sf);
	(v2sf) =	vpush v3, $0x1;
	_ =	sdelay $0x7  }
0x29: {  	s3 =	sand.u32 $0x7F, s17;
	s8 =	spop (v2sf);
	s4 =	sshra.s32 s17, $0x1F  }
0x2a: {  	p6 =	slt.s32 s17, $0x1;
	p0 =	sne.s32 s3, $0x0;
	s11 =	sand.u32 $0x7F, s8  }
0x2b: {  	s12 =	sshra.s32 s8, $0x1F;
	p2 =	slt.s32 s8, $0x1;
	s4 =	sshrl.u32 s4, $0x19  }
0x2c: {  	s3 =	simm.s32 $0x1;
	s14 =	spop (v2sf);
	p1 =	sne.s32 s11, $0x0  }
0x2d: {  	(v2sf) =	vpush v4, $0x2;
	s2 =	sshrl.u32 s12, $0x19;
	s1 =	sadd.s32 s4, s17;
	p1 =	por !p2, !p1  }
0x2e: {  	p0 =	por !p6, !p0;
	s2 =	sadd.s32 s2, s8;
	p1 =	por !p1, !p1  }
0x2f: {  	p0 =	por !p0, !p0;
	s2 =	sshrl.u32 s2, $0x7;
	s3 =	simm.s32 @!p1 $0x0  }
0x30: {  	s2 =	ssub.s32 s2, s3;
	s3 =	simm.s32 $0x1;
	s17 =	spop (v2sf);
	(v2sf) =	vpush v3, $0x2  }
0x31: {  	s1 =	sshrl.u32 s1, $0x7;
	s2 =	sshll.u32 s2, $0x7;
	s3 =	simm.s32 @!p0 $0x0  }
0x32: {  	s2 =	sand.u32 $0x1FFFFF80, s2;
	s1 =	ssub.s32 s1, s3  }
0x33: {  	s2 =	sadd.s32 s26, s2;
	s1 =	sshll.u32 s1, $0x7  }
0x34: {  	v2 =	vld [tilespmem:$0x10400];
	[tilespmem:s15], [sflag:$0x1] =	stream.strided.gather [hbm4b:s2+s15], $0x1000, s22, s15, $0x38  }
0x35: {  	s16 =	sand.u32 $0x7F, s14;
	s1 =	sand.u32 $0x1FFFFF80, s1  }
0x36: {  	p6 =	slt.s32 s14, $0x1;
	p3 =	sne.s32 s16, $0x0;
	s1 =	sadd.s32 s23, s1  }
0x37: {  	[tilespmem:s5], [sflag:$0x2] =	stream.strided.gather [hbm4b:s1+s15], $0x1000, s22, s15, $0x38;
	[tilespmem:$0x10680] =	vst v63  }
0x38: {  	p0 =	por !p6, !p3;
	s5 =	sshra.s32 s14, $0x1F  }
0x39: {  	s3 =	simm.s32 $0x1;
	s4 =	sshrl.u32 s5, $0x19;
	s8 =	sand.u32 $0x7F, s17  }
0x3a: {  	s11 =	sshra.s32 s17, $0x1F;
	p5 =	slt.s32 s17, $0x1;
	p4 =	sne.s32 s8, $0x0  }
0x3b: {  	s2 =	sadd.s32 s4, s14;
	s1 =	sshrl.u32 s11, $0x19;
	p1 =	por !p5, !p4  }
0x3c: {  	s14 =	spop (v2sf);
	(v2sf) =	vpush v4, $0x3;
	s1 =	sadd.s32 s1, s17;
	p1 =	por !p1, !p1  }
0x3d: {  	p0 =	por !p0, !p0;
	s1 =	sshrl.u32 s1, $0x7;
	s3 =	simm.s32 @!p1 $0x0  }
0x3e: {  	s2 =	sshrl.u32 s2, $0x7;
	s1 =	ssub.s32 s1, s3;
	s3 =	simm.s32 $0x1  }
0x3f: {  	s1 =	sshll.u32 s1, $0x7;
	s3 =	simm.s32 @!p0 $0x0;
	s17 =	spop (v2sf);
	(v2sf) =	vpush v3, $0x3  }
0x40: {  	s1 =	sand.u32 $0x1FFFFF80, s1;
	s2 =	ssub.s32 s2, s3  }
0x41: {  	s1 =	sadd.s32 s26, s1;
	s12 =	sshll.u32 s2, $0x7  }
0x42: {  	[tilespmem:s31], [sflag:$0x1] =	stream.strided.gather [hbm4b:s1+s15], $0x1000, s22, s15, $0x38;
	[tilespmem:$0x10680] =	vst v63  }
0x43: {  	s16 =	sand.u32 $0x7F, s14;
	s5 =	sshra.s32 s14, $0x1F;
	s1 =	sand.u32 $0x1FFFFF80, s12  }
0x44: {  	p6 =	slt.s32 s14, $0x1;
	p3 =	sne.s32 s16, $0x0;
	s1 =	sadd.s32 s23, s1  }
0x45: {  	[tilespmem:s6], [sflag:$0x2] =	stream.strided.gather [hbm4b:s1+s15], $0x1000, s22, s15, $0x38;
	[tilespmem:$0x10680] =	vst v63  }
0x46: {  	s4 =	sshrl.u32 s5, $0x19;
	p0 =	por !p6, !p3;
	s6 =	sand.u32 $0x7F, s17  }
0x47: {  	s8 =	sshra.s32 s17, $0x1F;
	p5 =	slt.s32 s17, $0x1;
	p4 =	sne.s32 s6, $0x0  }
0x48: {  	s3 =	simm.s32 $0x1;
	s1 =	sshrl.u32 s8, $0x19;
	p1 =	por !p5, !p4  }
0x49: {  	p0 =	por !p0, !p0;
	s1 =	sadd.s32 s1, s17;
	p1 =	por !p1, !p1  }
0x4a: {  	s2 =	sadd.s32 s4, s14;
	s1 =	sshrl.u32 s1, $0x7;
	s3 =	simm.s32 @!p1 $0x0  }
0x4b: {  	s12 =	spop (v2sf);
	(v2sf) =	vpush v4, $0x4;
	s1 =	ssub.s32 s1, s3;
	s3 =	simm.s32 $0x1  }
0x4c: {  	s2 =	sshrl.u32 s2, $0x7;
	s1 =	sshll.u32 s1, $0x7;
	s3 =	simm.s32 @!p0 $0x0  }
0x4d: {  	s1 =	sand.u32 $0x1FFFFF80, s1;
	s2 =	ssub.s32 s2, s3  }
0x4e: {  	s1 =	sadd.s32 s26, s1;
	s11 =	sshll.u32 s2, $0x7;
	s16 =	spop (v2sf);
	(v2sf) =	vpush v3, $0x4  }
0x4f: {  	[tilespmem:s19], [sflag:$0x1] =	stream.strided.gather [hbm4b:s1+s15], $0x1000, s22, s15, $0x38;
	[tilespmem:$0x10680] =	vst v63  }
0x50: {  	s1 =	sand.u32 $0x1FFFFF80, s11  }
0x51: {  	s14 =	sand.u32 $0x7F, s12;
	p6 =	slt.s32 s12, $0x1;
	s1 =	sadd.s32 s23, s1  }
0x52: {  	[tilespmem:s28], [sflag:$0x2] =	stream.strided.gather [hbm4b:s1+s15], $0x1000, s22, s15, $0x38;
	[tilespmem:$0x10680] =	vst v63  }
0x53: {  	s17 =	sshra.s32 s12, $0x1F;
	p3 =	sne.s32 s14, $0x0;
	s5 =	sand.u32 $0x7F, s16  }
0x54: {  	s6 =	sshra.s32 s16, $0x1F;
	p5 =	slt.s32 s16, $0x1;
	p4 =	sne.s32 s5, $0x0  }
0x55: {  	s4 =	sshrl.u32 s17, $0x19;
	s1 =	sshrl.u32 s6, $0x19;
	p1 =	por !p5, !p4  }
0x56: {  	s3 =	simm.s32 $0x1;
	s1 =	sadd.s32 s1, s16;
	p1 =	por !p1, !p1  }
0x57: {  	p0 =	por !p6, !p3;
	s1 =	sshrl.u32 s1, $0x7;
	s3 =	simm.s32 @!p1 $0x0  }
0x58: {  	p0 =	por !p0, !p0;
	s2 =	sadd.s32 s4, s12;
	s1 =	ssub.s32 s1, s3  }
0x59: {  	s2 =	sshrl.u32 s2, $0x7;
	s3 =	simm.s32 $0x1;
	s1 =	sshll.u32 s1, $0x7  }
0x5a: {  	s11 =	spop (v2sf);
	(v2sf) =	vpush v4, $0x5;
	s3 =	simm.s32 @!p0 $0x0;
	s1 =	sand.u32 $0x1FFFFF80, s1  }
0x5b: {  	s2 =	ssub.s32 s2, s3;
	s1 =	sadd.s32 s26, s1  }
0x5c: {  	[tilespmem:s21], [sflag:$0x1] =	stream.strided.gather [hbm4b:s1+s15], $0x1000, s22, s15, $0x38;
	[tilespmem:$0x10680] =	vst v63  }
0x5d: {  	s8 =	sshll.u32 s2, $0x7;
	s14 =	spop (v2sf);
	(v2sf) =	vpush v3, $0x5  }
0x5e: {  	s12 =	sand.u32 $0x7F, s11;
	s1 =	sand.u32 $0x1FFFFF80, s8  }
0x5f: {  	p6 =	slt.s32 s11, $0x1;
	s16 =	sshra.s32 s11, $0x1F;
	s1 =	sadd.s32 s23, s1  }
0x60: {  	[tilespmem:s24], [sflag:$0x2] =	stream.strided.gather [hbm4b:s1+s15], $0x1000, s22, s15, $0x38;
	[tilespmem:$0x10680] =	vst v63  }
0x61: {  	p3 =	sne.s32 s12, $0x0;
	s4 =	sshrl.u32 s16, $0x19;
	s17 =	sand.u32 $0x7F, s14  }
0x62: {  	s5 =	sshra.s32 s14, $0x1F;
	p5 =	slt.s32 s14, $0x1;
	p4 =	sne.s32 s17, $0x0  }
0x63: {  	p0 =	por !p6, !p3;
	s1 =	sshrl.u32 s5, $0x19;
	p1 =	por !p5, !p4  }
0x64: {  	s3 =	simm.s32 $0x1;
	s1 =	sadd.s32 s1, s14;
	p1 =	por !p1, !p1  }
0x65: {  	p0 =	por !p0, !p0;
	s1 =	sshrl.u32 s1, $0x7;
	s3 =	simm.s32 @!p1 $0x0  }
0x66: {  	s2 =	sadd.s32 s4, s11;
	s1 =	ssub.s32 s1, s3;
	s3 =	simm.s32 $0x1  }
0x67: {  	s2 =	sshrl.u32 s2, $0x7;
	s1 =	sshll.u32 s1, $0x7;
	s3 =	simm.s32 @!p0 $0x0  }
0x68: {  	s1 =	sand.u32 $0x1FFFFF80, s1;
	s2 =	ssub.s32 s2, s3  }
0x69: {  	s8 =	spop (v2sf);
	(v2sf) =	vpush v4, $0x6;
	s1 =	sadd.s32 s26, s1;
	s6 =	sshll.u32 s2, $0x7  }
0x6a: {  	[tilespmem:s25], [sflag:$0x1] =	stream.strided.gather [hbm4b:s1+s15], $0x1000, s22, s15, $0x38;
	[tilespmem:$0x10680] =	vst v63  }
0x6b: {  	s11 =	sand.u32 $0x7F, s8;
	p6 =	slt.s32 s8, $0x1;
	s1 =	sand.u32 $0x1FFFFF80, s6  }
0x6c: {  	s14 =	sshra.s32 s8, $0x1F;
	s1 =	sadd.s32 s23, s1;
	s12 =	spop (v2sf);
	(v2sf) =	vpush v3, $0x6  }
0x6d: {  	[tilespmem:s29], [sflag:$0x2] =	stream.strided.gather [hbm4b:s1+s15], $0x1000, s22, s15, $0x38;
	[tilespmem:$0x10680] =	vst v63  }
0x6e: {  	p3 =	sne.s32 s11, $0x0;
	s4 =	sshrl.u32 s14, $0x19;
	s16 =	sand.u32 $0x7F, s12  }
0x6f: {  	s17 =	sshra.s32 s12, $0x1F;
	p5 =	slt.s32 s12, $0x1;
	p4 =	sne.s32 s16, $0x0  }
0x70: {  	p0 =	por !p6, !p3;
	s1 =	sshrl.u32 s17, $0x19;
	p1 =	por !p5, !p4  }
0x71: {  	s3 =	simm.s32 $0x1;
	s1 =	sadd.s32 s1, s12;
	p1 =	por !p1, !p1  }
0x72: {  	p0 =	por !p0, !p0;
	s1 =	sshrl.u32 s1, $0x7;
	s3 =	simm.s32 @!p1 $0x0  }
0x73: {  	s2 =	sadd.s32 s4, s8;
	s1 =	ssub.s32 s1, s3;
	s3 =	simm.s32 $0x1  }
0x74: {  	s2 =	sshrl.u32 s2, $0x7;
	s1 =	sshll.u32 s1, $0x7;
	s3 =	simm.s32 @!p0 $0x0  }
0x75: {  	s1 =	sand.u32 $0x1FFFFF80, s1;
	s2 =	ssub.s32 s2, s3  }
0x76: {  	s1 =	sadd.s32 s26, s1;
	s5 =	sshll.u32 s2, $0x7  }
0x77: {  	[tilespmem:s18], [sflag:$0x1] =	stream.strided.gather [hbm4b:s1+s15], $0x1000, s22, s15, $0x38;
	[tilespmem:$0x10680] =	vst v63  }
0x78: {  	s6 =	spop (v2sf);
	s1 =	sand.u32 $0x1FFFFF80, s5  }
0x79: {  	s8 =	sand.u32 $0x7F, s6;
	s1 =	sadd.s32 s23, s1  }
0x7a: {  	[tilespmem:s30], [sflag:$0x2] =	stream.strided.gather [hbm4b:s1+s15], $0x1000, s22, s15, $0x38;
	[tilespmem:$0x10680] =	vst v63  }
0x7b: {  	p6 =	slt.s32 s6, $0x1;
	s12 =	sshra.s32 s6, $0x1F;
	s11 =	spop (v2sf)  }
0x7c: {  	p3 =	sne.s32 s8, $0x0;
	s4 =	sshrl.u32 s12, $0x19;
	s14 =	sand.u32 $0x7F, s11  }
0x7d: {  	s16 =	sshra.s32 s11, $0x1F;
	p5 =	slt.s32 s11, $0x1;
	p4 =	sne.s32 s14, $0x0  }
0x7e: {  	p0 =	por !p6, !p3;
	s1 =	sshrl.u32 s16, $0x19;
	p1 =	por !p5, !p4  }
0x7f: {  	s3 =	simm.s32 $0x1;
	s1 =	sadd.s32 s1, s11;
	p1 =	por !p1, !p1  }
0x80: {  	p0 =	por !p0, !p0;
	s1 =	sshrl.u32 s1, $0x7;
	s3 =	simm.s32 @!p1 $0x0  }
0x81: {  	s2 =	sadd.s32 s4, s6;
	s1 =	ssub.s32 s1, s3;
	s3 =	simm.s32 $0x1  }
0x82: {  	s2 =	sshrl.u32 s2, $0x7;
	s1 =	sshll.u32 s1, $0x7;
	s3 =	simm.s32 @!p0 $0x0  }
0x83: {  	s1 =	sand.u32 $0x1FFFFF80, s1;
	s2 =	ssub.s32 s2, s3  }
0x84: {  	s1 =	sadd.s32 s26, s1;
	s17 =	sshll.u32 s2, $0x7  }
0x85: {  	[tilespmem:s20], [sflag:$0x1] =	stream.strided.gather [hbm4b:s1+s15], $0x1000, s22, s15, $0x38;
	[tilespmem:$0x10680] =	vst v63  }
0x86: {  	s1 =	sand.u32 $0x1FFFFF80, s17  }
0x87: {  	s12 =	simm.s32 $0x0;
	s1 =	sadd.s32 s23, s1  }
0x88: {  	[tilespmem:s7], [sflag:$0x2] =	stream.strided.gather [hbm4b:s1+s15], $0x1000, s22, s15, $0x38;
	[tilespmem:$0x10680] =	vst v63  }
.LBB2_2:
0x89: {  	s1 =	sshra.s32 s12, $0x2  }
0x8a: {  	v10 =	vld [tilespmem:s1+$0x0];
	_ =	sdelay $0x1  }
0x8b: {  	v11 =	vld [tilespmem:s1+$0x200];
	_ =	sdelay $0x2  }
0x8c: {  	(v2sf) =	vpush v10, $0x7;
	_ =	sdelay $0x1  }
0x8d: {  	(v2sf) =	vpush v11, $0x7;
	_ =	sdelay $0xc  }
0x8e: {  	s5 =	spop (v2sf)  }
0x8f: {  	s17 =	sshra.s32 s5, $0x1F  }
0x90: {  	[dreg:$0xd] =	wrdreg s1;
	s6 =	spop (v2sf);
	s1 =	sshrl.u32 s17, $0x19  }
0x91: {  	s2 =	sshra.s32 s6, $0x1F;
	s1 =	sadd.s32 s1, s5  }
0x92: {  	p0 =	slt.s32 s5, $0x1;
	s2 =	sshrl.u32 s2, $0x19;
	s3 =	sand.u32 $0xFFFFFF80, s1  }
0x93: {  	p6 =	slt.s32 s6, $0x1;
	s2 =	sadd.s32 s2, s6;
	p1 =	sne.s32 s5, s3  }
0x94: {  	[dreg:$0xe] =	wrdreg s3;
	s4 =	sand.u32 $0xFFFFFF80, s2;
	p0 =	por !p0, !p1  }
0x95: {  	s3 =	simm.s32 $0x1;
	p2 =	sne.s32 s6, s4;
	p0 =	por !p0, !p0  }
0x96: {  	s1 =	sshrl.u32 s1, $0x7;
	p2 =	por !p6, !p2;
	s3 =	simm.s32 @!p0 $0x0  }
0x97: {  	p0 =	por !p2, !p2;
	s1 =	ssub.s32 s1, s3;
	s3 =	simm.s32 $0x1  }
0x98: {  	s2 =	sshrl.u32 s2, $0x7;
	s1 =	sshll.u32 s1, $0x7;
	s3 =	simm.s32 @!p0 $0x0  }
0x99: {  	s1 =	sand.u32 $0x1FFFFF80, s1;
	s2 =	ssub.s32 s2, s3  }
0x9a: {  	s1 =	sadd.s32 s26, s1;
	s2 =	sshll.u32 s2, $0x7  }
0x9b: {  	[tilespmem:s9], [sflag:$0x1] =	stream.strided.gather [hbm4b:s1+s15], $0x1000, s22, s15, $0x38;
	[tilespmem:$0x10680] =	vst v63  }
0x9c: {  	s1 =	sand.u32 $0x1FFFFF80, s2  }
0x9d: {  	[dreg:$0x10] =	wrdreg s4;
	s1 =	sadd.s32 s23, s1  }
0x9e: {  	[tilespmem:s10], [sflag:$0x2] =	stream.strided.gather [hbm4b:s1+s15], $0x1000, s22, s15, $0x38;
	[tilespmem:$0x10680] =	vst v63  }
0x9f: {  	_ =	swait.ge [sflag:s13], $0x1000  }
0xa0: {  	[sflag:s13] =	ssyncset.done $0x0  }
0xa1: {  	[sflag:s13] =	ssyncadd.s32 $0xFFFFF000  }
0xa2: {  	_ =	swait.ge [sflag:s0], $0x1000  }
0xa3: {  	(v2sf) =	vpush v10, $0x0;
	_ =	sdelay $0x1  }
0xa4: {  	(v2sf) =	vpush v11, $0x0;
	_ =	sdelay $0xc  }
0xa5: {  	s3 =	spop (v2sf)  }
0xa6: {  	s4 =	sshra.s32 s3, $0x1F  }
0xa7: {  	(v2sf) =	vpush v10, $0x8;
	s7 =	spop (v2sf);
	s2 =	sshrl.u32 s4, $0x19  }
0xa8: {  	s8 =	sshra.s32 s7, $0x1F;
	s2 =	sadd.s32 s2, s3  }
0xa9: {  	(v2sf) =	vpush v11, $0x8;
	s4 =	sshrl.u32 s8, $0x19;
	s2 =	sand.u32 $0xFFFFFF80, s2  }
0xaa: {  	s9 =	sadd.s32 s4, s7;
	s1 =	ssub.s32 s3, s2  }
0xab: {  	s2 =	sand.u32 $0xFFFFFF80, s9;
	v3 =	vadd.s32 s1, v0  }
0xac: {  	s2 =	ssub.s32 s7, s2;
	v4 =	vadd.s32 s1, v1  }
0xad: {  	v5 =	vadd.s32 s2, v0  }
0xae: {  	[sflag:s0] =	ssyncset.done $0x0;
	v6 =	vadd.s32 s2, v1  }
0xaf: {  	[sflag:s0] =	ssyncadd.s32 $0xFFFFF000  }
0xb0: {  	v3 =	vld.idx.msk [tilespmem:v3+s15+$0x0], $0xffff  }
0xb1: {  	s10 =	simm.s32 $0x8400;
	v4 =	vld.idx.msk [tilespmem:v4+s15+$0x0], $0xffff  }
0xb2: {  	v5 =	vld.idx.msk [tilespmem:v5+s10+$0x0], $0xffff  }
0xb3: {  	v6 =	vld.idx.msk [tilespmem:v6+s10+$0x0], $0xffff;
	_ =	sdelay $0x2  }
0xb4: {  	s7 =	spop (v2sf)  }
0xb5: {  	s11 =	sshra.s32 s7, $0x1F  }
0xb6: {  	s8 =	spop (v2sf);
	s1 =	sshrl.u32 s11, $0x19;
	v3 =	vmul.f32 v5, v3;
	v4 =	vmul.f32 v6, v4  }
0xb7: {  	s16 =	sshra.s32 s8, $0x1F;
	s1 =	sadd.s32 s1, s7  }
0xb8: {  	s2 =	sshrl.u32 s16, $0x19;
	s14 =	sand.u32 $0xFFFFFF80, s1;
	v3 =	vadd.f32 v4, v3  }
0xb9: {  	p3 =	slt.s32 s7, $0x1;
	s2 =	sadd.s32 s2, s8;
	p4 =	sne.s32 s7, s14  }
0xba: {  	s3 =	simm.s32 $0x1;
	s17 =	sand.u32 $0xFFFFFF80, s2;
	p0 =	por !p3, !p4;
	(xrf2) =	vadd.scan.msk.f32 $0xffff, v3  }
0xbb: {  	p5 =	slt.s32 s8, $0x1;
	p6 =	sne.s32 s8, s17;
	p0 =	por !p0, !p0  }
0xbc: {  	s1 =	sshrl.u32 s1, $0x7;
	p2 =	por !p5, !p6;
	s3 =	simm.s32 @!p0 $0x0  }
0xbd: {  	p0 =	por !p2, !p2;
	s1 =	ssub.s32 s1, s3;
	s3 =	simm.s32 $0x1  }
0xbe: {  	s2 =	sshrl.u32 s2, $0x7;
	s1 =	sshll.u32 s1, $0x7;
	s3 =	simm.s32 @!p0 $0x0  }
0xbf: {  	s1 =	sand.u32 $0x1FFFFF80, s1;
	s2 =	ssub.s32 s2, s3  }
0xc0: {  	s1 =	sadd.s32 s26, s1;
	s10 =	sshll.u32 s2, $0x7  }
0xc1: {  	[tilespmem:s15], [sflag:$0x1] =	stream.strided.gather [hbm4b:s1+s15], $0x1000, s22, s15, $0x38;
	[tilespmem:$0x10680] =	vst v63  }
0xc2: {  	[dreg:$0xf] =	wrdreg s14;
	s1 =	sand.u32 $0x1FFFFF80, s10  }
0xc3: {  	s4 =	simm.s32 $0x8400;
	[dreg:$0x12] =	wrdreg s17;
	s1 =	sadd.s32 s23, s1  }
0xc4: {  	[tilespmem:s4], [sflag:$0x2] =	stream.strided.gather [hbm4b:s1+s15], $0x1000, s22, s15, $0x38;
	v3, _, _ =	vpop (xrf2);
	[tilespmem:$0x10680] =	vst v63  }
0xc5: {  	_ =	swait.ge [sflag:s13], $0x1000  }
0xc6: {  	[sflag:s13] =	ssyncset.done $0x0  }
0xc7: {  	[sflag:s13] =	ssyncadd.s32 $0xFFFFF000  }
0xc8: {  	_ =	swait.ge [sflag:s0], $0x1000  }
0xc9: {  	(v2sf) =	vpush v10, $0x1;
	_ =	sdelay $0x1  }
0xca: {  	(v2sf) =	vpush v11, $0x1;
	_ =	sdelay $0xc  }
0xcb: {  	s11 =	spop (v2sf)  }
0xcc: {  	s14 =	sshra.s32 s11, $0x1F  }
0xcd: {  	(v2sf) =	vpush v10, $0x9;
	s16 =	spop (v2sf);
	s2 =	sshrl.u32 s14, $0x19  }
0xce: {  	s17 =	sshra.s32 s16, $0x1F;
	s2 =	sadd.s32 s2, s11  }
0xcf: {  	(v2sf) =	vpush v11, $0x9;
	s4 =	sshrl.u32 s17, $0x19;
	s2 =	sand.u32 $0xFFFFFF80, s2  }
0xd0: {  	s9 =	sadd.s32 s4, s16;
	s1 =	ssub.s32 s11, s2  }
0xd1: {  	s2 =	sand.u32 $0xFFFFFF80, s9;
	v50 =	vadd.s32 s1, v0  }
0xd2: {  	s2 =	ssub.s32 s16, s2;
	v51 =	vadd.s32 s1, v1  }
0xd3: {  	v52 =	vadd.s32 s2, v0  }
0xd4: {  	[sflag:s0] =	ssyncset.done $0x0;
	v7 =	vadd.s32 s2, v1  }
0xd5: {  	[sflag:s0] =	ssyncadd.s32 $0xFFFFF000  }
0xd6: {  	v4 =	vld.idx.msk [tilespmem:v50+s31+$0x0], $0xffff  }
0xd7: {  	s10 =	simm.s32 $0x9400;
	v5 =	vld.idx.msk [tilespmem:v51+s31+$0x0], $0xffff  }
0xd8: {  	v6 =	vld.idx.msk [tilespmem:v52+s10+$0x0], $0xffff  }
0xd9: {  	v7 =	vld.idx.msk [tilespmem:v7+s10+$0x0], $0xffff;
	_ =	sdelay $0x2  }
0xda: {  	s4 =	spop (v2sf)  }
0xdb: {  	s11 =	sshra.s32 s4, $0x1F  }
0xdc: {  	s1 =	sshrl.u32 s11, $0x19;
	v4 =	vmul.f32 v6, v4;
	v5 =	vmul.f32 v7, v5;
	s11 =	spop (v2sf)  }
0xdd: {  	s1 =	sadd.s32 s1, s4;
	s16 =	sshra.s32 s11, $0x1F  }
0xde: {  	s14 =	sand.u32 $0xFFFFFF80, s1;
	v4 =	vadd.f32 v5, v4;
	s2 =	sshrl.u32 s16, $0x19  }
0xdf: {  	p3 =	slt.s32 s4, $0x1;
	p4 =	sne.s32 s4, s14;
	s2 =	sadd.s32 s2, s11  }
0xe0: {  	s3 =	simm.s32 $0x1;
	p0 =	por !p3, !p4;
	(xrf2) =	vadd.scan.msk.f32 $0xffff, v4;
	s17 =	sand.u32 $0xFFFFFF80, s2  }
0xe1: {  	p5 =	slt.s32 s11, $0x1;
	p0 =	por !p0, !p0;
	p6 =	sne.s32 s11, s17  }
0xe2: {  	s1 =	sshrl.u32 s1, $0x7;
	s3 =	simm.s32 @!p0 $0x0;
	p2 =	por !p5, !p6  }
0xe3: {  	s1 =	ssub.s32 s1, s3;
	p0 =	por !p2, !p2;
	s3 =	simm.s32 $0x1  }
0xe4: {  	s2 =	sshrl.u32 s2, $0x7;
	s1 =	sshll.u32 s1, $0x7;
	s3 =	simm.s32 @!p0 $0x0  }
0xe5: {  	s1 =	sand.u32 $0x1FFFFF80, s1;
	s2 =	ssub.s32 s2, s3  }
0xe6: {  	s1 =	sadd.s32 s26, s1;
	s2 =	sshll.u32 s2, $0x7  }
0xe7: {  	[tilespmem:s31], [sflag:$0x1] =	stream.strided.gather [hbm4b:s1+s15], $0x1000, s22, s15, $0x38;
	[tilespmem:$0x10680] =	vst v63  }
0xe8: {  	[dreg:$0x11] =	wrdreg s14;
	s1 =	sand.u32 $0x1FFFFF80, s2  }
0xe9: {  	s9 =	simm.s32 $0x9400;
	[dreg:$0x14] =	wrdreg s17;
	s1 =	sadd.s32 s23, s1  }
0xea: {  	[tilespmem:s9], [sflag:$0x2] =	stream.strided.gather [hbm4b:s1+s15], $0x1000, s22, s15, $0x38;
	v4, _, _ =	vpop (xrf2);
	[tilespmem:$0x10680] =	vst v63  }
0xeb: {  	_ =	swait.ge [sflag:s13], $0x1000  }
0xec: {  	[sflag:s13] =	ssyncset.done $0x0  }
0xed: {  	[sflag:s13] =	ssyncadd.s32 $0xFFFFF000  }
0xee: {  	_ =	swait.ge [sflag:s0], $0x1000  }
0xef: {  	(v2sf) =	vpush v10, $0x2;
	_ =	sdelay $0x1  }
0xf0: {  	(v2sf) =	vpush v11, $0x2;
	_ =	sdelay $0xc  }
0xf1: {  	s3 =	spop (v2sf)  }
0xf2: {  	s10 =	sshra.s32 s3, $0x1F  }
0xf3: {  	(v2sf) =	vpush v10, $0xA;
	s14 =	spop (v2sf);
	s2 =	sshrl.u32 s10, $0x19  }
0xf4: {  	s16 =	sshra.s32 s14, $0x1F;
	s2 =	sadd.s32 s2, s3  }
0xf5: {  	(v2sf) =	vpush v11, $0xA;
	s9 =	sshrl.u32 s16, $0x19;
	s2 =	sand.u32 $0xFFFFFF80, s2  }
0xf6: {  	s17 =	sadd.s32 s9, s14;
	s1 =	ssub.s32 s3, s2  }
0xf7: {  	s2 =	sand.u32 $0xFFFFFF80, s17;
	v53 =	vadd.s32 s1, v0  }
0xf8: {  	s2 =	ssub.s32 s14, s2;
	v54 =	vadd.s32 s1, v1  }
0xf9: {  	v55 =	vadd.s32 s2, v0  }
0xfa: {  	[sflag:s0] =	ssyncset.done $0x0;
	v8 =	vadd.s32 s2, v1  }
0xfb: {  	[sflag:s0] =	ssyncadd.s32 $0xFFFFF000  }
0xfc: {  	v5 =	vld.idx.msk [tilespmem:v53+s19+$0x0], $0xffff  }
0xfd: {  	v6 =	vld.idx.msk [tilespmem:v54+s19+$0x0], $0xffff  }
0xfe: {  	v7 =	vld.idx.msk [tilespmem:v55+s28+$0x0], $0xffff  }
0xff: {  	v8 =	vld.idx.msk [tilespmem:v8+s28+$0x0], $0xffff;
	_ =	sdelay $0x2  }
0x100: {  	s17 =	spop (v2sf)  }
0x101: {  	s9 =	sshra.s32 s17, $0x1F  }
0x102: {  	s19 =	spop (v2sf);
	s1 =	sshrl.u32 s9, $0x19;
	v5 =	vmul.f32 v7, v5;
	v6 =	vmul.f32 v8, v6  }
0x103: {  	s14 =	sshra.s32 s19, $0x1F;
	s1 =	sadd.s32 s1, s17  }
0x104: {  	s2 =	sshrl.u32 s14, $0x19;
	s10 =	sand.u32 $0xFFFFFF80, s1;
	v5 =	vadd.f32 v6, v5  }
0x105: {  	p3 =	slt.s32 s17, $0x1;
	s2 =	sadd.s32 s2, s19;
	p4 =	sne.s32 s17, s10  }
0x106: {  	s3 =	simm.s32 $0x1;
	s16 =	sand.u32 $0xFFFFFF80, s2;
	p0 =	por !p3, !p4;
	(xrf2) =	vadd.scan.msk.f32 $0xffff, v5  }
0x107: {  	p5 =	slt.s32 s19, $0x1;
	p6 =	sne.s32 s19, s16;
	p0 =	por !p0, !p0  }
0x108: {  	s1 =	sshrl.u32 s1, $0x7;
	p2 =	por !p5, !p6;
	s3 =	simm.s32 @!p0 $0x0  }
0x109: {  	p0 =	por !p2, !p2;
	s1 =	ssub.s32 s1, s3;
	s3 =	simm.s32 $0x1  }
0x10a: {  	s2 =	sshrl.u32 s2, $0x7;
	s1 =	sshll.u32 s1, $0x7;
	s3 =	simm.s32 @!p0 $0x0  }
0x10b: {  	s1 =	sand.u32 $0x1FFFFF80, s1;
	s2 =	ssub.s32 s2, s3  }
0x10c: {  	s9 =	simm.s32 $0x2400;
	s1 =	sadd.s32 s26, s1;
	s2 =	sshll.u32 s2, $0x7  }
0x10d: {  	[tilespmem:s9], [sflag:$0x1] =	stream.strided.gather [hbm4b:s1+s15], $0x1000, s22, s15, $0x38;
	[tilespmem:$0x10680] =	vst v63  }
0x10e: {  	[dreg:$0x13] =	wrdreg s10;
	s1 =	sand.u32 $0x1FFFFF80, s2  }
0x10f: {  	[dreg:$0x16] =	wrdreg s16;
	s1 =	sadd.s32 s23, s1  }
0x110: {  	[tilespmem:s28], [sflag:$0x2] =	stream.strided.gather [hbm4b:s1+s15], $0x1000, s22, s15, $0x38;
	v5, _, _ =	vpop (xrf2);
	[tilespmem:$0x10680] =	vst v63  }
0x111: {  	_ =	swait.ge [sflag:s13], $0x1000  }
0x112: {  	[sflag:s13] =	ssyncset.done $0x0  }
0x113: {  	[sflag:s13] =	ssyncadd.s32 $0xFFFFF000  }
0x114: {  	_ =	swait.ge [sflag:s0], $0x1000  }
0x115: {  	(v2sf) =	vpush v10, $0x3;
	_ =	sdelay $0x1  }
0x116: {  	(v2sf) =	vpush v11, $0x3;
	_ =	sdelay $0xc  }
0x117: {  	s3 =	spop (v2sf)  }
0x118: {  	s10 =	sshra.s32 s3, $0x1F  }
0x119: {  	(v2sf) =	vpush v10, $0xB;
	s14 =	spop (v2sf);
	s2 =	sshrl.u32 s10, $0x19  }
0x11a: {  	s16 =	sshra.s32 s14, $0x1F;
	s2 =	sadd.s32 s2, s3  }
0x11b: {  	(v2sf) =	vpush v11, $0xB;
	s9 =	sshrl.u32 s16, $0x19;
	s2 =	sand.u32 $0xFFFFFF80, s2  }
0x11c: {  	s9 =	sadd.s32 s9, s14;
	s1 =	ssub.s32 s3, s2  }
0x11d: {  	s2 =	sand.u32 $0xFFFFFF80, s9;
	v56 =	vadd.s32 s1, v0  }
0x11e: {  	s2 =	ssub.s32 s14, s2;
	v57 =	vadd.s32 s1, v1  }
0x11f: {  	v58 =	vadd.s32 s2, v0  }
0x120: {  	[sflag:s0] =	ssyncset.done $0x0;
	v9 =	vadd.s32 s2, v1  }
0x121: {  	[sflag:s0] =	ssyncadd.s32 $0xFFFFF000  }
0x122: {  	v6 =	vld.idx.msk [tilespmem:v56+s21+$0x0], $0xffff  }
0x123: {  	v7 =	vld.idx.msk [tilespmem:v57+s21+$0x0], $0xffff  }
0x124: {  	v8 =	vld.idx.msk [tilespmem:v58+s24+$0x0], $0xffff  }
0x125: {  	v9 =	vld.idx.msk [tilespmem:v9+s24+$0x0], $0xffff;
	_ =	sdelay $0x2  }
0x126: {  	s21 =	spop (v2sf)  }
0x127: {  	s10 =	sshra.s32 s21, $0x1F  }
0x128: {  	s24 =	spop (v2sf);
	s1 =	sshrl.u32 s10, $0x19;
	v6 =	vmul.f32 v8, v6;
	v7 =	vmul.f32 v9, v7  }
0x129: {  	s16 =	sshra.s32 s24, $0x1F;
	s1 =	sadd.s32 s1, s21  }
0x12a: {  	s3 =	simm.s32 $0x1;
	s2 =	sshrl.u32 s16, $0x19;
	s14 =	sand.u32 $0xFFFFFF80, s1;
	v6 =	vadd.f32 v7, v6  }
0x12b: {  	p3 =	slt.s32 s21, $0x1;
	s2 =	sadd.s32 s2, s24;
	p4 =	sne.s32 s21, s14  }
0x12c: {  	[dreg:$0x15] =	wrdreg s14;
	s14 =	sand.u32 $0xFFFFFF80, s2;
	p0 =	por !p3, !p4;
	(xrf2) =	vadd.scan.msk.f32 $0xffff, v6  }
0x12d: {  	p5 =	slt.s32 s24, $0x1;
	p6 =	sne.s32 s24, s14;
	p0 =	por !p0, !p0  }
0x12e: {  	s1 =	sshrl.u32 s1, $0x7;
	p2 =	por !p5, !p6;
	s3 =	simm.s32 @!p0 $0x0  }
0x12f: {  	p0 =	por !p2, !p2;
	s1 =	ssub.s32 s1, s3;
	s3 =	simm.s32 $0x1  }
0x130: {  	s2 =	sshrl.u32 s2, $0x7;
	s1 =	sshll.u32 s1, $0x7;
	s3 =	simm.s32 @!p0 $0x0  }
0x131: {  	s1 =	sand.u32 $0x1FFFFF80, s1;
	s2 =	ssub.s32 s2, s3  }
0x132: {  	s9 =	simm.s32 $0x3400;
	s1 =	sadd.s32 s26, s1;
	s2 =	sshll.u32 s2, $0x7  }
0x133: {  	[tilespmem:s9], [sflag:$0x1] =	stream.strided.gather [hbm4b:s1+s15], $0x1000, s22, s15, $0x38;
	[tilespmem:$0x10680] =	vst v63  }
0x134: {  	s1 =	sand.u32 $0x1FFFFF80, s2  }
0x135: {  	s10 =	simm.s32 $0xB400;
	[dreg:$0x18] =	wrdreg s14;
	s1 =	sadd.s32 s23, s1  }
0x136: {  	[tilespmem:s10], [sflag:$0x2] =	stream.strided.gather [hbm4b:s1+s15], $0x1000, s22, s15, $0x38;
	v6, _, _ =	vpop (xrf2);
	[tilespmem:$0x10680] =	vst v63  }
0x137: {  	_ =	swait.ge [sflag:s13], $0x1000  }
0x138: {  	[sflag:s13] =	ssyncset.done $0x0  }
0x139: {  	[sflag:s13] =	ssyncadd.s32 $0xFFFFF000  }
0x13a: {  	_ =	swait.ge [sflag:s0], $0x1000  }
0x13b: {  	(v2sf) =	vpush v10, $0x4;
	_ =	sdelay $0x1  }
0x13c: {  	(v2sf) =	vpush v11, $0x4;
	_ =	sdelay $0xc  }
0x13d: {  	s3 =	spop (v2sf)  }
0x13e: {  	s10 =	sshra.s32 s3, $0x1F  }
0x13f: {  	(v2sf) =	vpush v10, $0xC;
	s14 =	spop (v2sf);
	s2 =	sshrl.u32 s10, $0x19  }
0x140: {  	s16 =	sshra.s32 s14, $0x1F;
	s2 =	sadd.s32 s2, s3  }
0x141: {  	(v2sf) =	vpush v11, $0xC;
	s9 =	sshrl.u32 s16, $0x19;
	s2 =	sand.u32 $0xFFFFFF80, s2  }
0x142: {  	s10 =	sadd.s32 s9, s14;
	s1 =	ssub.s32 s3, s2  }
0x143: {  	s2 =	sand.u32 $0xFFFFFF80, s10;
	v59 =	vadd.s32 s1, v0  }
0x144: {  	s2 =	ssub.s32 s14, s2;
	v60 =	vadd.s32 s1, v1  }
0x145: {  	v61 =	vadd.s32 s2, v0  }
0x146: {  	[sflag:s0] =	ssyncset.done $0x0;
	v12 =	vadd.s32 s2, v1  }
0x147: {  	[sflag:s0] =	ssyncadd.s32 $0xFFFFF000  }
0x148: {  	v7 =	vld.idx.msk [tilespmem:v59+s25+$0x0], $0xffff  }
0x149: {  	v8 =	vld.idx.msk [tilespmem:v60+s25+$0x0], $0xffff  }
0x14a: {  	v9 =	vld.idx.msk [tilespmem:v61+s29+$0x0], $0xffff  }
0x14b: {  	v12 =	vld.idx.msk [tilespmem:v12+s29+$0x0], $0xffff;
	_ =	sdelay $0x2  }
0x14c: {  	s25 =	spop (v2sf)  }
0x14d: {  	s14 =	sshra.s32 s25, $0x1F  }
0x14e: {  	s29 =	spop (v2sf);
	s1 =	sshrl.u32 s14, $0x19;
	v7 =	vmul.f32 v9, v7;
	v8 =	vmul.f32 v12, v8  }
0x14f: {  	s14 =	sshra.s32 s29, $0x1F;
	s1 =	sadd.s32 s1, s25  }
0x150: {  	s3 =	simm.s32 $0x1;
	s2 =	sshrl.u32 s14, $0x19;
	s16 =	sand.u32 $0xFFFFFF80, s1;
	v7 =	vadd.f32 v8, v7  }
0x151: {  	p3 =	slt.s32 s25, $0x1;
	s2 =	sadd.s32 s2, s29;
	p4 =	sne.s32 s25, s16  }
0x152: {  	[dreg:$0x17] =	wrdreg s16;
	s16 =	sand.u32 $0xFFFFFF80, s2;
	p0 =	por !p3, !p4;
	(xrf2) =	vadd.scan.msk.f32 $0xffff, v7  }
0x153: {  	p5 =	slt.s32 s29, $0x1;
	p6 =	sne.s32 s29, s16;
	p0 =	por !p0, !p0  }
0x154: {  	s1 =	sshrl.u32 s1, $0x7;
	p2 =	por !p5, !p6;
	s3 =	simm.s32 @!p0 $0x0  }
0x155: {  	p0 =	por !p2, !p2;
	s1 =	ssub.s32 s1, s3;
	s3 =	simm.s32 $0x1  }
0x156: {  	s2 =	sshrl.u32 s2, $0x7;
	s1 =	sshll.u32 s1, $0x7;
	s3 =	simm.s32 @!p0 $0x0  }
0x157: {  	s1 =	sand.u32 $0x1FFFFF80, s1;
	s2 =	ssub.s32 s2, s3  }
0x158: {  	s9 =	simm.s32 $0x4400;
	s1 =	sadd.s32 s26, s1;
	s2 =	sshll.u32 s2, $0x7  }
0x159: {  	[tilespmem:s9], [sflag:$0x1] =	stream.strided.gather [hbm4b:s1+s15], $0x1000, s22, s15, $0x38;
	[tilespmem:$0x10680] =	vst v63  }
0x15a: {  	s1 =	sand.u32 $0x1FFFFF80, s2  }
0x15b: {  	s10 =	simm.s32 $0xC400;
	[dreg:$0x1a] =	wrdreg s16;
	s1 =	sadd.s32 s23, s1  }
0x15c: {  	[tilespmem:s10], [sflag:$0x2] =	stream.strided.gather [hbm4b:s1+s15], $0x1000, s22, s15, $0x38;
	v7, _, _ =	vpop (xrf2);
	[tilespmem:$0x10680] =	vst v63  }
0x15d: {  	_ =	swait.ge [sflag:s13], $0x1000  }
0x15e: {  	[sflag:s13] =	ssyncset.done $0x0  }
0x15f: {  	[sflag:s13] =	ssyncadd.s32 $0xFFFFF000  }
0x160: {  	_ =	swait.ge [sflag:s0], $0x1000  }
0x161: {  	(v2sf) =	vpush v10, $0x5;
	_ =	sdelay $0x1  }
0x162: {  	(v2sf) =	vpush v11, $0x5;
	_ =	sdelay $0xc  }
0x163: {  	s3 =	spop (v2sf)  }
0x164: {  	s14 =	sshra.s32 s3, $0x1F  }
0x165: {  	(v2sf) =	vpush v10, $0xD;
	s16 =	spop (v2sf);
	s2 =	sshrl.u32 s14, $0x19  }
0x166: {  	s10 =	sshra.s32 s16, $0x1F;
	s2 =	sadd.s32 s2, s3  }
0x167: {  	(v2sf) =	vpush v11, $0xD;
	s9 =	sshrl.u32 s10, $0x19;
	s2 =	sand.u32 $0xFFFFFF80, s2  }
0x168: {  	s14 =	sadd.s32 s9, s16;
	s1 =	ssub.s32 s3, s2  }
0x169: {  	s2 =	sand.u32 $0xFFFFFF80, s14;
	v62 =	vadd.s32 s1, v0  }
0x16a: {  	s2 =	ssub.s32 s16, s2;
	v63 =	vadd.s32 s1, v1  }
0x16b: {  	v16 =	vadd.s32 s2, v0  }
0x16c: {  	[sflag:s0] =	ssyncset.done $0x0;
	v13 =	vadd.s32 s2, v1  }
0x16d: {  	[sflag:s0] =	ssyncadd.s32 $0xFFFFF000  }
0x16e: {  	v8 =	vld.idx.msk [tilespmem:v62+s18+$0x0], $0xffff  }
0x16f: {  	v9 =	vld.idx.msk [tilespmem:v63+s18+$0x0], $0xffff  }
0x170: {  	v12 =	vld.idx.msk [tilespmem:v16+s30+$0x0], $0xffff  }
0x171: {  	v13 =	vld.idx.msk [tilespmem:v13+s30+$0x0], $0xffff;
	_ =	sdelay $0x2  }
0x172: {  	s30 =	spop (v2sf)  }
0x173: {  	s16 =	sshra.s32 s30, $0x1F  }
0x174: {  	s3 =	spop (v2sf);
	s1 =	sshrl.u32 s16, $0x19;
	v8 =	vmul.f32 v12, v8;
	v9 =	vmul.f32 v13, v9  }
0x175: {  	s10 =	sshra.s32 s3, $0x1F;
	s1 =	sadd.s32 s1, s30  }
0x176: {  	s9 =	simm.s32 $0x1;
	s2 =	sshrl.u32 s10, $0x19;
	s18 =	sand.u32 $0xFFFFFF80, s1;
	v8 =	vadd.f32 v9, v8  }
0x177: {  	p3 =	slt.s32 s30, $0x1;
	s2 =	sadd.s32 s2, s3;
	p4 =	sne.s32 s30, s18  }
0x178: {  	[dreg:$0x19] =	wrdreg s18;
	s18 =	sand.u32 $0xFFFFFF80, s2;
	p0 =	por !p3, !p4;
	(xrf2) =	vadd.scan.msk.f32 $0xffff, v8  }
0x179: {  	p5 =	slt.s32 s3, $0x1;
	p6 =	sne.s32 s3, s18;
	p0 =	por !p0, !p0  }
0x17a: {  	s1 =	sshrl.u32 s1, $0x7;
	p2 =	por !p5, !p6;
	s9 =	simm.s32 @!p0 $0x0  }
0x17b: {  	p0 =	por !p2, !p2;
	s1 =	ssub.s32 s1, s9;
	s9 =	simm.s32 $0x1  }
0x17c: {  	s2 =	sshrl.u32 s2, $0x7;
	s1 =	sshll.u32 s1, $0x7;
	s9 =	simm.s32 @!p0 $0x0  }
0x17d: {  	s1 =	sand.u32 $0x1FFFFF80, s1;
	s2 =	ssub.s32 s2, s9  }
0x17e: {  	s16 =	simm.s32 $0x5400;
	s1 =	sadd.s32 s26, s1;
	s10 =	sshll.u32 s2, $0x7  }
0x17f: {  	[tilespmem:s16], [sflag:$0x1] =	stream.strided.gather [hbm4b:s1+s15], $0x1000, s22, s15, $0x38;
	[tilespmem:$0x10680] =	vst v63  }
0x180: {  	s1 =	sand.u32 $0x1FFFFF80, s10  }
0x181: {  	s14 =	simm.s32 $0xD400;
	s1 =	sadd.s32 s23, s1  }
0x182: {  	[tilespmem:s14], [sflag:$0x2] =	stream.strided.gather [hbm4b:s1+s15], $0x1000, s22, s15, $0x38;
	v8, _, _ =	vpop (xrf2);
	[tilespmem:$0x10680] =	vst v63  }
0x183: {  	_ =	swait.ge [sflag:s13], $0x1000  }
0x184: {  	[sflag:s13] =	ssyncset.done $0x0  }
0x185: {  	[sflag:s13] =	ssyncadd.s32 $0xFFFFF000  }
0x186: {  	_ =	swait.ge [sflag:s0], $0x1000  }
0x187: {  	(v2sf) =	vpush v10, $0x6;
	_ =	sdelay $0x1  }
0x188: {  	(v2sf) =	vpush v11, $0x6;
	_ =	sdelay $0xc  }
0x189: {  	s16 =	spop (v2sf)  }
0x18a: {  	(v2sf) =	vpush v10, $0xE;
	s10 =	sshra.s32 s16, $0x1F  }
0x18b: {  	s9 =	spop (v2sf);
	s2 =	sshrl.u32 s10, $0x19  }
0x18c: {  	s14 =	sshra.s32 s9, $0x1F;
	s2 =	sadd.s32 s2, s16  }
0x18d: {  	(v2sf) =	vpush v11, $0xE;
	s10 =	sshrl.u32 s14, $0x19;
	s2 =	sand.u32 $0xFFFFFF80, s2  }
0x18e: {  	s1 =	ssub.s32 s16, s2;
	s16 =	sadd.s32 s10, s9  }
0x18f: {  	s2 =	sand.u32 $0xFFFFFF80, s16;
	v17 =	vadd.s32 s1, v0  }
0x190: {  	v18 =	vadd.s32 s1, v1;
	s2 =	ssub.s32 s9, s2  }
0x191: {  	v19 =	vadd.s32 s2, v0  }
0x192: {  	[sflag:s0] =	ssyncset.done $0x0;
	v14 =	vadd.s32 s2, v1  }
0x193: {  	[sflag:s0] =	ssyncadd.s32 $0xFFFFF000  }
0x194: {  	v9 =	vld.idx.msk [tilespmem:v17+s20+$0x0], $0xffff  }
0x195: {  	s10 =	simm.s32 $0xE400;
	v12 =	vld.idx.msk [tilespmem:v18+s20+$0x0], $0xffff  }
0x196: {  	v13 =	vld.idx.msk [tilespmem:v19+s10+$0x0], $0xffff  }
0x197: {  	v14 =	vld.idx.msk [tilespmem:v14+s10+$0x0], $0xffff;
	_ =	sdelay $0x1  }
0x198: {  	s9 =	spop (v2sf)  }
0x199: {  	s14 =	sshra.s32 s9, $0x1F  }
0x19a: {  	s1 =	sshrl.u32 s14, $0x19  }
0x19b: {  	v9 =	vmul.f32 v13, v9;
	v12 =	vmul.f32 v14, v12;
	s16 =	sadd.s32 s1, s9;
	s1 =	spop (v2sf)  }
0x19c: {  	s20 =	sand.u32 $0xFFFFFF80, s16;
	s14 =	sshra.s32 s1, $0x1F  }
0x19d: {  	p3 =	slt.s32 s9, $0x1;
	v9 =	vadd.f32 v12, v9;
	s10 =	sshrl.u32 s14, $0x19;
	p4 =	sne.s32 s9, s20  }
0x19e: {  	s2 =	sshrl.u32 s16, $0x7;
	s14 =	sadd.s32 s10, s1;
	p0 =	por !p3, !p4  }
0x19f: {  	s16 =	simm.s32 $0x1;
	(xrf2) =	vadd.scan.msk.f32 $0xffff, v9;
	p0 =	por !p0, !p0;
	s10 =	sand.u32 $0xFFFFFF80, s14  }
0x1a0: {  	p5 =	slt.s32 s1, $0x1;
	p6 =	sne.s32 s1, s10;
	s16 =	simm.s32 @!p0 $0x0  }
0x1a1: {  	s2 =	ssub.s32 s2, s16;
	p1 =	por !p5, !p6  }
0x1a2: {  	s16 =	simm.s32 $0x1;
	p0 =	por !p1, !p1;
	s2 =	sshll.u32 s2, $0x7  }
0x1a3: {  	s14 =	sshrl.u32 s14, $0x7;
	s16 =	simm.s32 @!p0 $0x0;
	s2 =	sand.u32 $0x1FFFFF80, s2  }
0x1a4: {  	s28 =	simm.s32 $0x6400;
	s14 =	ssub.s32 s14, s16;
	s2 =	sadd.s32 s26, s2  }
0x1a5: {  	[tilespmem:s28], [sflag:$0x1] =	stream.strided.gather [hbm4b:s2+s15], $0x1000, s22, s15, $0x38;
	[tilespmem:$0x10680] =	vst v63  }
0x1a6: {  	s16 =	sshll.u32 s14, $0x7  }
0x1a7: {  	s2 =	sand.u32 $0x1FFFFF80, s16  }
0x1a8: {  	s31 =	simm.s32 $0xE400;
	s2 =	sadd.s32 s23, s2  }
0x1a9: {  	[tilespmem:s31], [sflag:$0x2] =	stream.strided.gather [hbm4b:s2+s15], $0x1000, s22, s15, $0x38;
	v9, _, _ =	vpop (xrf2);
	[tilespmem:$0x10680] =	vst v63  }
0x1aa: {  	_ =	swait.ge [sflag:s13], $0x1000  }
0x1ab: {  	[sflag:s13] =	ssyncset.done $0x0  }
0x1ac: {  	[sflag:s13] =	ssyncadd.s32 $0xFFFFF000  }
0x1ad: {  	_ =	swait.ge [sflag:s0], $0x1000  }
0x1ae: {  	(v2sf) =	vpush v10, $0xF;
	_ =	sdelay $0x1  }
0x1af: {  	s14 =	rddreg [dreg:$0xe];
	(v2sf) =	vpush v11, $0xF  }
0x1b0: {  	s2 =	ssub.s32 s5, s14  }
0x1b1: {  	s16 =	rddreg [dreg:$0x10];
	v20 =	vadd.s32 s2, v0  }
0x1b2: {  	s5 =	ssub.s32 s6, s16;
	v21 =	vadd.s32 s2, v1  }
0x1b3: {  	v22 =	vadd.s32 s5, v0  }
0x1b4: {  	[sflag:s0] =	ssyncset.done $0x0;
	v23 =	vadd.s32 s5, v1  }
0x1b5: {  	[sflag:s0] =	ssyncadd.s32 $0xFFFFF000;
	s6 =	simm.s32 $0x7400  }
0x1b6: {  	s14 =	simm.s32 $0x7400;
	v10 =	vld.idx.msk [tilespmem:v20+s6+$0x0], $0xffff  }
0x1b7: {  	s16 =	simm.s32 $0xF400;
	v11 =	vld.idx.msk [tilespmem:v21+s14+$0x0], $0xffff  }
0x1b8: {  	s5 =	simm.s32 $0xF400;
	v12 =	vld.idx.msk [tilespmem:v22+s16+$0x0], $0xffff  }
0x1b9: {  	v13 =	vld.idx.msk [tilespmem:v23+s5+$0x0], $0xffff;
	_ =	sdelay $0x2  }
0x1ba: {  	s5 =	spop (v2sf)  }
0x1bb: {  	s6 =	sshra.s32 s5, $0x1F  }
0x1bc: {  	v10 =	vmul.f32 v12, v10;
	v11 =	vmul.f32 v13, v11;
	s2 =	sshrl.u32 s6, $0x19;
	s6 =	spop (v2sf)  }
0x1bd: {  	s2 =	sadd.s32 s2, s5;
	s14 =	sshra.s32 s6, $0x1F  }
0x1be: {  	s31 =	simm.s32 $0x1;
	v10 =	vadd.f32 v11, v10;
	s16 =	sand.u32 $0xFFFFFF80, s2;
	s14 =	sshrl.u32 s14, $0x19  }
0x1bf: {  	p2 =	slt.s32 s5, $0x1;
	p3 =	sne.s32 s5, s16;
	s14 =	sadd.s32 s14, s6  }
0x1c0: {  	(xrf2) =	vadd.scan.msk.f32 $0xffff, v10;
	s28 =	sshrl.u32 s2, $0x7;
	p0 =	por !p2, !p3;
	s2 =	sand.u32 $0xFFFFFF80, s14  }
0x1c1: {  	p4 =	slt.s32 s6, $0x1;
	p0 =	por !p0, !p0;
	p5 =	sne.s32 s6, s2  }
0x1c2: {  	s31 =	simm.s32 @!p0 $0x0;
	p6 =	por !p4, !p5  }
0x1c3: {  	s28 =	ssub.s32 s28, s31;
	p0 =	por !p6, !p6;
	s31 =	simm.s32 $0x1  }
0x1c4: {  	s14 =	sshrl.u32 s14, $0x7;
	s28 =	sshll.u32 s28, $0x7;
	s31 =	simm.s32 @!p0 $0x0  }
0x1c5: {  	s28 =	sand.u32 $0x1FFFFF80, s28;
	s14 =	ssub.s32 s14, s31  }
0x1c6: {  	s31 =	simm.s32 $0x7400;
	s28 =	sadd.s32 s26, s28;
	s14 =	sshll.u32 s14, $0x7  }
0x1c7: {  	[tilespmem:s31], [sflag:$0x1] =	stream.strided.gather [hbm4b:s28+s15], $0x1000, s22, s15, $0x38;
	[tilespmem:$0x10680] =	vst v63  }
0x1c8: {  	s14 =	sand.u32 $0x1FFFFF80, s14  }
0x1c9: {  	s28 =	simm.s32 $0xF400;
	s14 =	sadd.s32 s23, s14  }
0x1ca: {  	v10, _, _ =	vpop (xrf2);
	[tilespmem:s28], [sflag:$0x2] =	stream.strided.gather [hbm4b:s14+s15], $0x1000, s22, s15, $0x38;
	[tilespmem:$0x10680] =	vst v63  }
0x1cb: {  	_ =	swait.ge [sflag:s13], $0x1000  }
0x1cc: {  	[sflag:s13] =	ssyncset.done $0x0  }
0x1cd: {  	[sflag:s13] =	ssyncadd.s32 $0xFFFFF000  }
0x1ce: {  	_ =	swait.ge [sflag:s0], $0x1000  }
0x1cf: {  	p0 =	seq.s32 s12, $0x7C0;
	[sflag:s0] =	ssyncset.done $0x0  }
0x1d0: {  	s14 =	sshra.s32 @!p0 s12, $0x2;
	[sflag:s0] =	ssyncadd.s32 $0xFFFFF000  }
0x1d1: {  	v11 =	vld @!p0 [tilespmem:s14+$0x210]  }
0x1d2: {  	v12 =	vld @!p0 [tilespmem:s14+$0x10];
	_ =	sdelay $0x3  }
0x1d3: {  	(v2sf) =	vpush @!p0 v11, $0x0  }
0x1d4: {  	s28 =	rddreg [dreg:$0xf];
	(v2sf) =	vpush @!p0 v12, $0x0  }
0x1d5: {  	s7 =	ssub.s32 s7, s28  }
0x1d6: {  	s28 =	rddreg [dreg:$0x12];
	v24 =	vadd.s32 s7, v0  }
0x1d7: {  	s8 =	ssub.s32 s8, s28;
	v25 =	vadd.s32 s7, v1  }
0x1d8: {  	v26 =	vadd.s32 s8, v0  }
0x1d9: {  	v27 =	vadd.s32 s8, v1;
	_ =	sdelay $0x1  }
0x1da: {  	v11 =	vld.idx.msk [tilespmem:v24+s15+$0x0], $0xffff  }
0x1db: {  	s8 =	simm.s32 $0x8400;
	v12 =	vld.idx.msk [tilespmem:v25+s15+$0x0], $0xffff  }
0x1dc: {  	v13 =	vld.idx.msk [tilespmem:v26+s8+$0x0], $0xffff  }
0x1dd: {  	v14 =	vld.idx.msk [tilespmem:v27+s8+$0x0], $0xffff;
	_ =	sdelay $0x3  }
0x1de: {  	s7 =	spop @!p0 (v2sf)  }
0x1df: {  	v11 =	vmul.f32 v13, v11;
	v12 =	vmul.f32 v14, v12;
	s8 =	sshra.s32 @!p0 s7, $0x1F;
	s28 =	spop @!p0 (v2sf);
	p2 =	slt.s32 @!p0 s7, $0x1  }
0x1e0: {  	s8 =	sshrl.u32 @!p0 s8, $0x19;
	s31 =	sand.u32 @!p0 $0x7F, s28;
	p3 =	slt.s32 @!p0 s28, $0x1  }
0x1e1: {  	v11 =	vadd.f32 v12, v11;
	p1 =	sne.s32 @!p0 s31, $0x0;
	s8 =	sadd.s32 @!p0 s8, s7;
	s31 =	sshra.s32 @!p0 s28, $0x1F  }
0x1e2: {  	s7 =	sand.u32 @!p0 $0x7F, s7;
	s31 =	sshrl.u32 @!p0 s31, $0x19;
	p1 =	por @!p0 !p3, !p1  }
0x1e3: {  	(xrf2) =	vadd.scan.msk.f32 $0xffff, v11;
	p3 =	sne.s32 @!p0 s7, $0x0;
	s7 =	sadd.s32 @!p0 s31, s28;
	p1 =	por @!p0 !p1, !p1  }
0x1e4: {  	p2 =	por @!p0 !p2, !p3;
	s28 =	simm.s32 @!p0 $0x1;
	p1 =	por !p1, p0  }
0x1e5: {  	p2 =	por @!p0 !p2, !p2;
	s7 =	sshrl.u32 @!p0 s7, $0x7;
	s28 =	simm.s32 @p1 $0x0  }
0x1e6: {  	p1 =	por !p2, p0;
	s7 =	ssub.s32 @!p0 s7, s28;
	s28 =	simm.s32 @!p0 $0x1  }
0x1e7: {  	s8 =	sshrl.u32 @!p0 s8, $0x7;
	s28 =	simm.s32 @p1 $0x0;
	s7 =	sshll.u32 @!p0 s7, $0x7  }
0x1e8: {  	s28 =	ssub.s32 @!p0 s8, s28;
	s7 =	sand.u32 @!p0 $0x1FFFFF80, s7;
	s8 =	simm.s32 @!p0 $0x400  }
0x1e9: {  	s31 =	sadd.s32 @!p0 s26, s7;
	s7 =	simm.s32 @!p0 $0x4C4B800;
	s28 =	sshll.u32 @!p0 s28, $0x7  }
0x1ea: {  	[tilespmem:s8], [sflag:$0x1] =	stream.strided.gather @!p0 [hbm4b:s31+s8], $0x1000, s7, s8, $0x38;
	[tilespmem:$0x10680] =	vst v63  }
0x1eb: {  	s28 =	sand.u32 @!p0 $0x1FFFFF80, s28  }
0x1ec: {  	s31 =	simm.s32 @!p0 $0x8400;
	s28 =	sadd.s32 @!p0 s23, s28  }
0x1ed: {  	v11, _, _ =	vpop (xrf2);
	[tilespmem:s31], [sflag:$0x2] =	stream.strided.gather @!p0 [hbm4b:s28+s8], $0x1000, s7, s8, $0x38;
	[tilespmem:$0x10680] =	vst v63  }
0x1ee: {  	_ =	swait.ge [sflag:s13], $0x1000  }
0x1ef: {  	[sflag:s13] =	ssyncset.done $0x0  }
0x1f0: {  	[sflag:s13] =	ssyncadd.s32 $0xFFFFF000  }
0x1f1: {  	_ =	swait.ge [sflag:s0], $0x1000  }
0x1f2: {  	[sflag:s0] =	ssyncset.done $0x0  }
0x1f3: {  	[sflag:s0] =	ssyncadd.s32 $0xFFFFF000  }
0x1f4: {  	v12 =	vld @!p0 [tilespmem:s14+$0x210]  }
0x1f5: {  	v13 =	vld @!p0 [tilespmem:s14+$0x10];
	_ =	sdelay $0x3  }
0x1f6: {  	(v2sf) =	vpush @!p0 v12, $0x1  }
0x1f7: {  	(v2sf) =	vpush @!p0 v13, $0x1;
	_ =	sdelay $0x8  }
0x1f8: {  	s28 =	rddreg [dreg:$0x11]  }
0x1f9: {  	s4 =	ssub.s32 s4, s28  }
0x1fa: {  	s28 =	rddreg [dreg:$0x14];
	v28 =	vadd.s32 s4, v0  }
0x1fb: {  	s11 =	ssub.s32 s11, s28;
	v29 =	vadd.s32 s4, v1  }
0x1fc: {  	v30 =	vadd.s32 s11, v0  }
0x1fd: {  	v15 =	vadd.s32 s11, v1;
	s4 =	spop @!p0 (v2sf)  }
0x1fe: {  	s31 =	simm.s32 $0x1400;
	s11 =	spop @!p0 (v2sf)  }
0x1ff: {  	v12 =	vld.idx.msk [tilespmem:v28+s31+$0x0], $0xffff;
	s28 =	sand.u32 @!p0 $0x7F, s11  }
0x200: {  	v13 =	vld.idx.msk [tilespmem:v29+s31+$0x0], $0xffff;
	p1 =	sne.s32 @!p0 s28, $0x0;
	s28 =	simm.s32 $0x9400  }
0x201: {  	p2 =	slt.s32 @!p0 s11, $0x1;
	v14 =	vld.idx.msk [tilespmem:v30+s28+$0x0], $0xffff  }
0x202: {  	v15 =	vld.idx.msk [tilespmem:v15+s28+$0x0], $0xffff;
	p1 =	por @!p0 !p2, !p1;
	s28 =	sshra.s32 @!p0 s11, $0x1F  }
0x203: {  	s28 =	sshrl.u32 @!p0 s28, $0x19;
	p1 =	por @!p0 !p1, !p1  }
0x204: {  	s11 =	sadd.s32 @!p0 s28, s11;
	p1 =	por !p1, p0;
	s28 =	simm.s32 @!p0 $0x1  }
0x205: {  	s11 =	sshrl.u32 @!p0 s11, $0x7;
	s28 =	simm.s32 @p1 $0x0  }
0x206: {  	s11 =	ssub.s32 @!p0 s11, s28  }
0x207: {  	v12 =	vmul.f32 v14, v12;
	v13 =	vmul.f32 v15, v13;
	s11 =	sshll.u32 @!p0 s11, $0x7  }
0x208: {  	s11 =	sand.u32 @!p0 $0x1FFFFF80, s11  }
0x209: {  	s28 =	simm.s32 @!p0 $0x1400;
	v12 =	vadd.f32 v13, v12;
	s11 =	sadd.s32 @!p0 s26, s11  }
0x20a: {  	[tilespmem:s28], [sflag:$0x1] =	stream.strided.gather @!p0 [hbm4b:s11+s8], $0x1000, s7, s8, $0x38;
	[tilespmem:$0x10680] =	vst v63  }
0x20b: {  	s11 =	sand.u32 @!p0 $0x7F, s4;
	(xrf2) =	vadd.scan.msk.f32 $0xffff, v12  }
0x20c: {  	p2 =	slt.s32 @!p0 s4, $0x1;
	p1 =	sne.s32 @!p0 s11, $0x0  }
0x20d: {  	s11 =	sshra.s32 @!p0 s4, $0x1F;
	p1 =	por @!p0 !p2, !p1  }
0x20e: {  	s11 =	sshrl.u32 @!p0 s11, $0x19;
	p1 =	por @!p0 !p1, !p1  }
0x20f: {  	s4 =	sadd.s32 @!p0 s11, s4;
	s11 =	simm.s32 @!p0 $0x1;
	p1 =	por !p1, p0  }
0x210: {  	s4 =	sshrl.u32 @!p0 s4, $0x7;
	s11 =	simm.s32 @p1 $0x0  }
0x211: {  	s4 =	ssub.s32 @!p0 s4, s11  }
0x212: {  	s4 =	sshll.u32 @!p0 s4, $0x7  }
0x213: {  	s4 =	sand.u32 @!p0 $0x1FFFFF80, s4  }
0x214: {  	s11 =	simm.s32 @!p0 $0x9400;
	s4 =	sadd.s32 @!p0 s23, s4  }
0x215: {  	[tilespmem:s11], [sflag:$0x2] =	stream.strided.gather @!p0 [hbm4b:s4+s8], $0x1000, s7, s8, $0x38;
	v12, _, _ =	vpop (xrf2);
	[tilespmem:$0x10680] =	vst v63  }
0x216: {  	_ =	swait.ge [sflag:s13], $0x1000  }
0x217: {  	[sflag:s13] =	ssyncset.done $0x0  }
0x218: {  	[sflag:s13] =	ssyncadd.s32 $0xFFFFF000  }
0x219: {  	_ =	swait.ge [sflag:s0], $0x1000  }
0x21a: {  	[sflag:s0] =	ssyncset.done $0x0  }
0x21b: {  	[sflag:s0] =	ssyncadd.s32 $0xFFFFF000  }
0x21c: {  	v13 =	vld @!p0 [tilespmem:s14+$0x210]  }
0x21d: {  	v14 =	vld @!p0 [tilespmem:s14+$0x10];
	_ =	sdelay $0x3  }
0x21e: {  	(v2sf) =	vpush @!p0 v13, $0x2  }
0x21f: {  	(v2sf) =	vpush @!p0 v14, $0x2;
	_ =	sdelay $0x7  }
0x220: {  	s11 =	rddreg [dreg:$0x13]  }
0x221: {  	s4 =	ssub.s32 s17, s11  }
0x222: {  	s17 =	rddreg [dreg:$0x16];
	v31 =	vadd.s32 s4, v0  }
0x223: {  	s11 =	ssub.s32 s19, s17;
	v32 =	vadd.s32 s4, v1  }
0x224: {  	v33 =	vadd.s32 s11, v0  }
0x225: {  	v16 =	vadd.s32 s11, v1  }
0x226: {  	s19 =	simm.s32 $0x2400;
	s4 =	spop @!p0 (v2sf)  }
0x227: {  	v13 =	vld.idx.msk [tilespmem:v31+s19+$0x0], $0xffff;
	s11 =	spop @!p0 (v2sf)  }
0x228: {  	s28 =	simm.s32 $0xA400;
	v14 =	vld.idx.msk [tilespmem:v32+s19+$0x0], $0xffff;
	s17 =	sand.u32 @!p0 $0x7F, s11  }
0x229: {  	v15 =	vld.idx.msk [tilespmem:v33+s28+$0x0], $0xffff;
	p2 =	slt.s32 @!p0 s11, $0x1;
	p1 =	sne.s32 @!p0 s17, $0x0  }
0x22a: {  	v16 =	vld.idx.msk [tilespmem:v16+s28+$0x0], $0xffff;
	s17 =	sshra.s32 @!p0 s11, $0x1F;
	p1 =	por @!p0 !p2, !p1  }
0x22b: {  	s17 =	sshrl.u32 @!p0 s17, $0x19;
	p1 =	por @!p0 !p1, !p1  }
0x22c: {  	s11 =	sadd.s32 @!p0 s17, s11;
	s17 =	simm.s32 @!p0 $0x1;
	p1 =	por !p1, p0  }
0x22d: {  	s11 =	sshrl.u32 @!p0 s11, $0x7;
	s17 =	simm.s32 @p1 $0x0  }
0x22e: {  	s11 =	ssub.s32 @!p0 s11, s17  }
0x22f: {  	v13 =	vmul.f32 v15, v13;
	v14 =	vmul.f32 v16, v14;
	s11 =	sshll.u32 @!p0 s11, $0x7  }
0x230: {  	s11 =	sand.u32 @!p0 $0x1FFFFF80, s11  }
0x231: {  	v13 =	vadd.f32 v14, v13;
	s17 =	simm.s32 @!p0 $0x2400;
	s11 =	sadd.s32 @!p0 s26, s11  }
0x232: {  	[tilespmem:s17], [sflag:$0x1] =	stream.strided.gather @!p0 [hbm4b:s11+s8], $0x1000, s7, s8, $0x38;
	[tilespmem:$0x10680] =	vst v63  }
0x233: {  	(xrf2) =	vadd.scan.msk.f32 $0xffff, v13;
	s11 =	sand.u32 @!p0 $0x7F, s4  }
0x234: {  	p1 =	slt.s32 @!p0 s4, $0x1;
	p2 =	sne.s32 @!p0 s11, $0x0  }
0x235: {  	s11 =	sshra.s32 @!p0 s4, $0x1F;
	p1 =	por @!p0 !p1, !p2  }
0x236: {  	s11 =	sshrl.u32 @!p0 s11, $0x19;
	p1 =	por @!p0 !p1, !p1  }
0x237: {  	s4 =	sadd.s32 @!p0 s11, s4;
	s11 =	simm.s32 @!p0 $0x1;
	p1 =	por !p1, p0  }
0x238: {  	s4 =	sshrl.u32 @!p0 s4, $0x7;
	s11 =	simm.s32 @p1 $0x0  }
0x239: {  	s4 =	ssub.s32 @!p0 s4, s11  }
0x23a: {  	s4 =	sshll.u32 @!p0 s4, $0x7  }
0x23b: {  	s4 =	sand.u32 @!p0 $0x1FFFFF80, s4  }
0x23c: {  	s11 =	simm.s32 @!p0 $0xA400;
	s4 =	sadd.s32 @!p0 s23, s4  }
0x23d: {  	v13, _, _ =	vpop (xrf2);
	[tilespmem:s11], [sflag:$0x2] =	stream.strided.gather @!p0 [hbm4b:s4+s8], $0x1000, s7, s8, $0x38;
	[tilespmem:$0x10680] =	vst v63  }
0x23e: {  	_ =	swait.ge [sflag:s13], $0x1000  }
0x23f: {  	[sflag:s13] =	ssyncset.done $0x0  }
0x240: {  	[sflag:s13] =	ssyncadd.s32 $0xFFFFF000  }
0x241: {  	_ =	swait.ge [sflag:s0], $0x1000  }
0x242: {  	[sflag:s0] =	ssyncset.done $0x0  }
0x243: {  	[sflag:s0] =	ssyncadd.s32 $0xFFFFF000  }
0x244: {  	v14 =	vld @!p0 [tilespmem:s14+$0x210]  }
0x245: {  	v15 =	vld @!p0 [tilespmem:s14+$0x10];
	_ =	sdelay $0x3  }
0x246: {  	(v2sf) =	vpush @!p0 v14, $0x3  }
0x247: {  	(v2sf) =	vpush @!p0 v15, $0x3;
	_ =	sdelay $0x7  }
0x248: {  	s11 =	rddreg [dreg:$0x15]  }
0x249: {  	s17 =	rddreg [dreg:$0x18];
	s4 =	ssub.s32 s21, s11  }
0x24a: {  	s11 =	ssub.s32 s24, s17;
	v34 =	vadd.s32 s4, v0  }
0x24b: {  	v36 =	vadd.s32 s11, v0  }
0x24c: {  	v17 =	vadd.s32 s11, v1  }
0x24d: {  	v35 =	vadd.s32 s4, v1  }
0x24e: {  	s21 =	simm.s32 $0x3400;
	s4 =	spop @!p0 (v2sf)  }
0x24f: {  	s24 =	simm.s32 $0xB400;
	v14 =	vld.idx.msk [tilespmem:v34+s21+$0x0], $0xffff;
	s11 =	spop @!p0 (v2sf)  }
0x250: {  	v16 =	vld.idx.msk [tilespmem:v36+s24+$0x0], $0xffff;
	s17 =	sand.u32 @!p0 $0x7F, s11  }
0x251: {  	v17 =	vld.idx.msk [tilespmem:v17+s24+$0x0], $0xffff;
	p1 =	slt.s32 @!p0 s11, $0x1;
	p2 =	sne.s32 @!p0 s17, $0x0  }
0x252: {  	v15 =	vld.idx.msk [tilespmem:v35+s21+$0x0], $0xffff;
	s17 =	sshra.s32 @!p0 s11, $0x1F;
	p1 =	por @!p0 !p1, !p2  }
0x253: {  	s17 =	sshrl.u32 @!p0 s17, $0x19;
	p1 =	por @!p0 !p1, !p1  }
0x254: {  	s11 =	sadd.s32 @!p0 s17, s11;
	s17 =	simm.s32 @!p0 $0x1;
	p1 =	por !p1, p0  }
0x255: {  	s11 =	sshrl.u32 @!p0 s11, $0x7;
	s17 =	simm.s32 @p1 $0x0  }
0x256: {  	s11 =	ssub.s32 @!p0 s11, s17  }
0x257: {  	v14 =	vmul.f32 v16, v14;
	v15 =	vmul.f32 v17, v15;
	s11 =	sshll.u32 @!p0 s11, $0x7  }
0x258: {  	s11 =	sand.u32 @!p0 $0x1FFFFF80, s11  }
0x259: {  	v14 =	vadd.f32 v15, v14;
	s17 =	simm.s32 @!p0 $0x3400;
	s11 =	sadd.s32 @!p0 s26, s11  }
0x25a: {  	[tilespmem:s17], [sflag:$0x1] =	stream.strided.gather @!p0 [hbm4b:s11+s8], $0x1000, s7, s8, $0x38;
	[tilespmem:$0x10680] =	vst v63  }
0x25b: {  	(xrf2) =	vadd.scan.msk.f32 $0xffff, v14;
	s11 =	sand.u32 @!p0 $0x7F, s4  }
0x25c: {  	p1 =	slt.s32 @!p0 s4, $0x1;
	p2 =	sne.s32 @!p0 s11, $0x0  }
0x25d: {  	s11 =	sshra.s32 @!p0 s4, $0x1F;
	p1 =	por @!p0 !p1, !p2  }
0x25e: {  	s11 =	sshrl.u32 @!p0 s11, $0x19;
	p1 =	por @!p0 !p1, !p1  }
0x25f: {  	s4 =	sadd.s32 @!p0 s11, s4;
	s11 =	simm.s32 @!p0 $0x1;
	p1 =	por !p1, p0  }
0x260: {  	s4 =	sshrl.u32 @!p0 s4, $0x7;
	s11 =	simm.s32 @p1 $0x0  }
0x261: {  	s4 =	ssub.s32 @!p0 s4, s11  }
0x262: {  	s4 =	sshll.u32 @!p0 s4, $0x7  }
0x263: {  	s4 =	sand.u32 @!p0 $0x1FFFFF80, s4  }
0x264: {  	s11 =	simm.s32 @!p0 $0xB400;
	s4 =	sadd.s32 @!p0 s23, s4  }
0x265: {  	v14, _, _ =	vpop (xrf2);
	[tilespmem:s11], [sflag:$0x2] =	stream.strided.gather @!p0 [hbm4b:s4+s8], $0x1000, s7, s8, $0x38;
	[tilespmem:$0x10680] =	vst v63  }
0x266: {  	_ =	swait.ge [sflag:s13], $0x1000  }
0x267: {  	[sflag:s13] =	ssyncset.done $0x0  }
0x268: {  	[sflag:s13] =	ssyncadd.s32 $0xFFFFF000  }
0x269: {  	_ =	swait.ge [sflag:s0], $0x1000  }
0x26a: {  	[sflag:s0] =	ssyncset.done $0x0  }
0x26b: {  	[sflag:s0] =	ssyncadd.s32 $0xFFFFF000  }
0x26c: {  	v15 =	vld @!p0 [tilespmem:s14+$0x210]  }
0x26d: {  	v16 =	vld @!p0 [tilespmem:s14+$0x10];
	_ =	sdelay $0x3  }
0x26e: {  	(v2sf) =	vpush @!p0 v15, $0x4  }
0x26f: {  	(v2sf) =	vpush @!p0 v16, $0x4;
	_ =	sdelay $0x7  }
0x270: {  	s11 =	rddreg [dreg:$0x17]  }
0x271: {  	s17 =	rddreg [dreg:$0x1a];
	s4 =	ssub.s32 s25, s11  }
0x272: {  	s11 =	ssub.s32 s29, s17;
	v37 =	vadd.s32 s4, v0  }
0x273: {  	v39 =	vadd.s32 s11, v0  }
0x274: {  	v18 =	vadd.s32 s11, v1  }
0x275: {  	v38 =	vadd.s32 s4, v1  }
0x276: {  	s25 =	simm.s32 $0x4400;
	s4 =	spop @!p0 (v2sf)  }
0x277: {  	s29 =	simm.s32 $0xC400;
	v15 =	vld.idx.msk [tilespmem:v37+s25+$0x0], $0xffff;
	s11 =	spop @!p0 (v2sf)  }
0x278: {  	v17 =	vld.idx.msk [tilespmem:v39+s29+$0x0], $0xffff;
	s17 =	sand.u32 @!p0 $0x7F, s11  }
0x279: {  	v18 =	vld.idx.msk [tilespmem:v18+s29+$0x0], $0xffff;
	p1 =	slt.s32 @!p0 s11, $0x1;
	p2 =	sne.s32 @!p0 s17, $0x0  }
0x27a: {  	v16 =	vld.idx.msk [tilespmem:v38+s25+$0x0], $0xffff;
	s17 =	sshra.s32 @!p0 s11, $0x1F;
	p1 =	por @!p0 !p1, !p2  }
0x27b: {  	s17 =	sshrl.u32 @!p0 s17, $0x19;
	p1 =	por @!p0 !p1, !p1  }
0x27c: {  	s11 =	sadd.s32 @!p0 s17, s11;
	s17 =	simm.s32 @!p0 $0x1;
	p1 =	por !p1, p0  }
0x27d: {  	s11 =	sshrl.u32 @!p0 s11, $0x7;
	s17 =	simm.s32 @p1 $0x0  }
0x27e: {  	s11 =	ssub.s32 @!p0 s11, s17  }
0x27f: {  	v15 =	vmul.f32 v17, v15;
	v16 =	vmul.f32 v18, v16;
	s11 =	sshll.u32 @!p0 s11, $0x7  }
0x280: {  	s11 =	sand.u32 @!p0 $0x1FFFFF80, s11  }
0x281: {  	v15 =	vadd.f32 v16, v15;
	s17 =	simm.s32 @!p0 $0x4400;
	s11 =	sadd.s32 @!p0 s26, s11  }
0x282: {  	[tilespmem:s17], [sflag:$0x1] =	stream.strided.gather @!p0 [hbm4b:s11+s8], $0x1000, s7, s8, $0x38;
	[tilespmem:$0x10680] =	vst v63  }
0x283: {  	(xrf2) =	vadd.scan.msk.f32 $0xffff, v15;
	s11 =	sand.u32 @!p0 $0x7F, s4  }
0x284: {  	p1 =	slt.s32 @!p0 s4, $0x1;
	p2 =	sne.s32 @!p0 s11, $0x0  }
0x285: {  	s11 =	sshra.s32 @!p0 s4, $0x1F;
	p1 =	por @!p0 !p1, !p2  }
0x286: {  	s11 =	sshrl.u32 @!p0 s11, $0x19;
	p1 =	por @!p0 !p1, !p1  }
0x287: {  	s4 =	sadd.s32 @!p0 s11, s4;
	s11 =	simm.s32 @!p0 $0x1;
	p1 =	por !p1, p0  }
0x288: {  	s4 =	sshrl.u32 @!p0 s4, $0x7;
	s11 =	simm.s32 @p1 $0x0  }
0x289: {  	s4 =	ssub.s32 @!p0 s4, s11  }
0x28a: {  	s4 =	sshll.u32 @!p0 s4, $0x7  }
0x28b: {  	s4 =	sand.u32 @!p0 $0x1FFFFF80, s4  }
0x28c: {  	s11 =	simm.s32 @!p0 $0xC400;
	s4 =	sadd.s32 @!p0 s23, s4  }
0x28d: {  	v15, _, _ =	vpop (xrf2);
	[tilespmem:s11], [sflag:$0x2] =	stream.strided.gather @!p0 [hbm4b:s4+s8], $0x1000, s7, s8, $0x38;
	[tilespmem:$0x10680] =	vst v63  }
0x28e: {  	_ =	swait.ge [sflag:s13], $0x1000  }
0x28f: {  	[sflag:s13] =	ssyncset.done $0x0  }
0x290: {  	[sflag:s13] =	ssyncadd.s32 $0xFFFFF000  }
0x291: {  	_ =	swait.ge [sflag:s0], $0x1000  }
0x292: {  	[sflag:s0] =	ssyncset.done $0x0  }
0x293: {  	[sflag:s0] =	ssyncadd.s32 $0xFFFFF000  }
0x294: {  	v16 =	vld @!p0 [tilespmem:s14+$0x210]  }
0x295: {  	v17 =	vld @!p0 [tilespmem:s14+$0x10];
	_ =	sdelay $0x3  }
0x296: {  	(v2sf) =	vpush @!p0 v16, $0x5  }
0x297: {  	(v2sf) =	vpush @!p0 v17, $0x5;
	_ =	sdelay $0x8  }
0x298: {  	s3 =	ssub.s32 s3, s18  }
0x299: {  	v42 =	vadd.s32 s3, v0;
	s17 =	rddreg [dreg:$0x19]  }
0x29a: {  	v19 =	vadd.s32 s3, v1;
	s4 =	ssub.s32 s30, s17  }
0x29b: {  	v40 =	vadd.s32 s4, v0  }
0x29c: {  	v41 =	vadd.s32 s4, v1  }
0x29d: {  	s30 =	simm.s32 $0xD400;
	s3 =	spop @!p0 (v2sf)  }
0x29e: {  	v18 =	vld.idx.msk [tilespmem:v42+s30+$0x0], $0xffff;
	s4 =	spop @!p0 (v2sf)  }
0x29f: {  	s18 =	simm.s32 $0x5400;
	v19 =	vld.idx.msk [tilespmem:v19+s30+$0x0], $0xffff;
	s11 =	sand.u32 @!p0 $0x7F, s4  }
0x2a0: {  	v16 =	vld.idx.msk [tilespmem:v40+s18+$0x0], $0xffff;
	p1 =	slt.s32 @!p0 s4, $0x1;
	p2 =	sne.s32 @!p0 s11, $0x0  }
0x2a1: {  	v17 =	vld.idx.msk [tilespmem:v41+s18+$0x0], $0xffff;
	s11 =	sshra.s32 @!p0 s4, $0x1F;
	p1 =	por @!p0 !p1, !p2  }
0x2a2: {  	s11 =	sshrl.u32 @!p0 s11, $0x19;
	p1 =	por @!p0 !p1, !p1  }
0x2a3: {  	s4 =	sadd.s32 @!p0 s11, s4;
	s11 =	simm.s32 @!p0 $0x1;
	p1 =	por !p1, p0  }
0x2a4: {  	s4 =	sshrl.u32 @!p0 s4, $0x7;
	s11 =	simm.s32 @p1 $0x0  }
0x2a5: {  	s4 =	ssub.s32 @!p0 s4, s11  }
0x2a6: {  	v16 =	vmul.f32 v18, v16;
	v17 =	vmul.f32 v19, v17;
	s4 =	sshll.u32 @!p0 s4, $0x7  }
0x2a7: {  	s4 =	sand.u32 @!p0 $0x1FFFFF80, s4  }
0x2a8: {  	v16 =	vadd.f32 v17, v16;
	s11 =	simm.s32 @!p0 $0x5400;
	s4 =	sadd.s32 @!p0 s26, s4  }
0x2a9: {  	[tilespmem:s11], [sflag:$0x1] =	stream.strided.gather @!p0 [hbm4b:s4+s8], $0x1000, s7, s8, $0x38;
	[tilespmem:$0x10680] =	vst v63  }
0x2aa: {  	(xrf2) =	vadd.scan.msk.f32 $0xffff, v16;
	s4 =	sand.u32 @!p0 $0x7F, s3  }
0x2ab: {  	p1 =	slt.s32 @!p0 s3, $0x1;
	p2 =	sne.s32 @!p0 s4, $0x0  }
0x2ac: {  	s4 =	sshra.s32 @!p0 s3, $0x1F;
	p1 =	por @!p0 !p1, !p2  }
0x2ad: {  	s4 =	sshrl.u32 @!p0 s4, $0x19;
	p1 =	por @!p0 !p1, !p1  }
0x2ae: {  	s3 =	sadd.s32 @!p0 s4, s3;
	s4 =	simm.s32 @!p0 $0x1;
	p1 =	por !p1, p0  }
0x2af: {  	s3 =	sshrl.u32 @!p0 s3, $0x7;
	s4 =	simm.s32 @p1 $0x0  }
0x2b0: {  	s3 =	ssub.s32 @!p0 s3, s4  }
0x2b1: {  	s3 =	sshll.u32 @!p0 s3, $0x7  }
0x2b2: {  	s3 =	sand.u32 @!p0 $0x1FFFFF80, s3  }
0x2b3: {  	s4 =	simm.s32 @!p0 $0xD400;
	s3 =	sadd.s32 @!p0 s23, s3  }
0x2b4: {  	v16, _, _ =	vpop (xrf2);
	[tilespmem:s4], [sflag:$0x2] =	stream.strided.gather @!p0 [hbm4b:s3+s8], $0x1000, s7, s8, $0x38;
	[tilespmem:$0x10680] =	vst v63  }
0x2b5: {  	_ =	swait.ge [sflag:s13], $0x1000  }
0x2b6: {  	[sflag:s13] =	ssyncset.done $0x0  }
0x2b7: {  	[sflag:s13] =	ssyncadd.s32 $0xFFFFF000  }
0x2b8: {  	_ =	swait.ge [sflag:s0], $0x1000  }
0x2b9: {  	[sflag:s0] =	ssyncset.done $0x0  }
0x2ba: {  	[sflag:s0] =	ssyncadd.s32 $0xFFFFF000  }
0x2bb: {  	v17 =	vld @!p0 [tilespmem:s14+$0x210]  }
0x2bc: {  	v18 =	vld @!p0 [tilespmem:s14+$0x10];
	_ =	sdelay $0x3  }
0x2bd: {  	(v2sf) =	vpush @!p0 v17, $0x6  }
0x2be: {  	(v2sf) =	vpush @!p0 v18, $0x6;
	_ =	sdelay $0x8  }
0x2bf: {  	s1 =	ssub.s32 s1, s10  }
0x2c0: {  	v45 =	vadd.s32 s1, v0  }
0x2c1: {  	v20 =	vadd.s32 s1, v1;
	s11 =	ssub.s32 s9, s20  }
0x2c2: {  	v43 =	vadd.s32 s11, v0  }
0x2c3: {  	v44 =	vadd.s32 s11, v1  }
0x2c4: {  	s14 =	simm.s32 $0xE400;
	s1 =	spop @!p0 (v2sf)  }
0x2c5: {  	v19 =	vld.idx.msk [tilespmem:v45+s14+$0x0], $0xffff;
	s3 =	spop @!p0 (v2sf)  }
0x2c6: {  	s20 =	simm.s32 $0x6400;
	v20 =	vld.idx.msk [tilespmem:v20+s14+$0x0], $0xffff;
	s4 =	sand.u32 @!p0 $0x7F, s3  }
0x2c7: {  	v17 =	vld.idx.msk [tilespmem:v43+s20+$0x0], $0xffff;
	p1 =	slt.s32 @!p0 s3, $0x1;
	p2 =	sne.s32 @!p0 s4, $0x0  }
0x2c8: {  	v18 =	vld.idx.msk [tilespmem:v44+s20+$0x0], $0xffff;
	s4 =	sshra.s32 @!p0 s3, $0x1F;
	p1 =	por @!p0 !p1, !p2  }
0x2c9: {  	s4 =	sshrl.u32 @!p0 s4, $0x19;
	p1 =	por @!p0 !p1, !p1  }
0x2ca: {  	s3 =	sadd.s32 @!p0 s4, s3;
	s4 =	simm.s32 @!p0 $0x1;
	p1 =	por !p1, p0  }
0x2cb: {  	s3 =	sshrl.u32 @!p0 s3, $0x7;
	s4 =	simm.s32 @p1 $0x0  }
0x2cc: {  	s3 =	ssub.s32 @!p0 s3, s4  }
0x2cd: {  	v17 =	vmul.f32 v19, v17;
	v18 =	vmul.f32 v20, v18;
	s3 =	sshll.u32 @!p0 s3, $0x7  }
0x2ce: {  	s3 =	sand.u32 @!p0 $0x1FFFFF80, s3  }
0x2cf: {  	v17 =	vadd.f32 v18, v17;
	s4 =	simm.s32 @!p0 $0x6400;
	s3 =	sadd.s32 @!p0 s26, s3  }
0x2d0: {  	[tilespmem:s4], [sflag:$0x1] =	stream.strided.gather @!p0 [hbm4b:s3+s8], $0x1000, s7, s8, $0x38;
	[tilespmem:$0x10680] =	vst v63  }
0x2d1: {  	(xrf2) =	vadd.scan.msk.f32 $0xffff, v17;
	s3 =	sand.u32 @!p0 $0x7F, s1  }
0x2d2: {  	p1 =	slt.s32 @!p0 s1, $0x1;
	p2 =	sne.s32 @!p0 s3, $0x0  }
0x2d3: {  	s3 =	sshra.s32 @!p0 s1, $0x1F;
	p1 =	por @!p0 !p1, !p2  }
0x2d4: {  	s3 =	sshrl.u32 @!p0 s3, $0x19;
	p1 =	por @!p0 !p1, !p1  }
0x2d5: {  	s1 =	sadd.s32 @!p0 s3, s1;
	s3 =	simm.s32 @!p0 $0x1;
	p1 =	por !p1, p0  }
0x2d6: {  	s1 =	sshrl.u32 @!p0 s1, $0x7;
	s3 =	simm.s32 @p1 $0x0  }
0x2d7: {  	s1 =	ssub.s32 @!p0 s1, s3  }
0x2d8: {  	s1 =	sshll.u32 @!p0 s1, $0x7  }
0x2d9: {  	s1 =	sand.u32 @!p0 $0x1FFFFF80, s1  }
0x2da: {  	s3 =	simm.s32 @!p0 $0xE400;
	s1 =	sadd.s32 @!p0 s23, s1  }
0x2db: {  	v17, _, _ =	vpop (xrf2);
	[tilespmem:s3], [sflag:$0x2] =	stream.strided.gather @!p0 [hbm4b:s1+s8], $0x1000, s7, s8, $0x38;
	[tilespmem:$0x10680] =	vst v63  }
0x2dc: {  	s16 =	ssub.s32 s5, s16;
	_ =	swait.ge [sflag:s13], $0x1000  }
0x2dd: {  	v46 =	vadd.s32 s16, v0;
	s2 =	ssub.s32 s6, s2;
	[sflag:s13] =	ssyncset.done $0x0  }
0x2de: {  	v47 =	vadd.s32 s2, v0;
	[sflag:s13] =	ssyncadd.s32 $0xFFFFF000  }
0x2df: {  	v48 =	vadd.s32 s16, v1;
	_ =	swait.ge [sflag:s0], $0x1000  }
0x2e0: {  	v21 =	vadd.s32 s2, v1;
	[sflag:s0] =	ssyncset.done $0x0  }
0x2e1: {  	s9 =	simm.s32 $0x7400;
	[sflag:s0] =	ssyncadd.s32 $0xFFFFF000  }
0x2e2: {  	s10 =	simm.s32 $0xF400;
	v18 =	vld.idx.msk [tilespmem:v46+s9+$0x0], $0xffff  }
0x2e3: {  	v19 =	vld.idx.msk [tilespmem:v47+s10+$0x0], $0xffff  }
0x2e4: {  	v20 =	vld.idx.msk [tilespmem:v48+s9+$0x0], $0xffff  }
0x2e5: {  	v21 =	vld.idx.msk [tilespmem:v21+s10+$0x0], $0xffff;
	_ =	sdelay $0x2  }
0x2e6: {  	v3 =	vbroadcast v3, $0xF  }
0x2e7: {  	v4 =	vbroadcast v4, $0xF;
	v5 =	vbroadcast v5, $0xF  }
0x2e8: {  	v18 =	vmul.f32 v19, v18;
	v49 =	vmul.f32 v21, v20  }
0x2e9: {  	v3 =	vsel vm0, v3, v4;
	v50 =	vbroadcast v6, $0xF  }
0x2ea: {  	v3 =	vsel vm1, v3, v5;
	v52 =	vbroadcast v7, $0xF;
	v51 =	vadd.f32 v49, v18  }
0x2eb: {  	v3 =	vsel vm2, v3, v50;
	v53 =	vbroadcast v8, $0xF  }
0x2ec: {  	v3 =	vsel vm3, v3, v52;
	v54 =	vbroadcast v9, $0xF;
	(xrf2) =	vadd.scan.msk.f32 $0xffff, v51  }
0x2ed: {  	v3 =	vsel vm4, v3, v53;
	v55 =	vbroadcast v10, $0xF  }
0x2ee: {  	v3 =	vsel vm5, v3, v54;
	v56 =	vbroadcast v11, $0xF  }
0x2ef: {  	v3 =	vsel vm6, v3, v55;
	v57 =	vbroadcast v12, $0xF  }
0x2f0: {  	v3 =	vsel vm7, v3, v56;
	v58 =	vbroadcast v13, $0xF  }
0x2f1: {  	v3 =	vsel vm8, v57, v3;
	v59 =	vbroadcast v14, $0xF  }
0x2f2: {  	v3 =	vsel vm9, v58, v3;
	v60 =	vbroadcast v15, $0xF  }
0x2f3: {  	v3 =	vsel vm10, v59, v3;
	v61 =	vbroadcast v16, $0xF  }
0x2f4: {  	v3 =	vsel vm11, v60, v3;
	v62 =	vbroadcast v17, $0xF  }
0x2f5: {  	v3 =	vsel vm12, v61, v3  }
0x2f6: {  	v3 =	vsel vm13, v62, v3;
	v63, _, _ =	vpop (xrf2)  }
0x2f7: {  	v3 =	vsel vm14, v3, v63  }
0x2f8: {  	v3 =	vadd.f32 v3, v2;
	_ =	sdelay $0x1  }
0x2f9: {  	v3 =	vsub.f32 $0.0e+00, v3;
	_ =	sdelay $0x1  }
0x2fa: {  	v3 =	vmul.f32 $1.442695020e+00, v3;
	_ =	sdelay $0x1  }
0x2fb: {  	(erf) = vpow2.f32 v3;
	_ =	sdelay $0x8  }
0x2fc: {  	v3 =	vpop (erf)  }
0x2fd: {  	v3 =	vadd.f32 $1.000000000e+00, v3;
	_ =	sdelay $0x1  }
0x2fe: {  	(erf) = vrcp.f32 v3;
	_ =	sdelay $0x3  }
0x2ff: {  	s12 =	sadd.s32 $0x40, s12  }
0x300: {  	p0 =	sne.s32 s12, $0x800  }
.Ltmp0:
0x301: {  	_ = 	snop;
	(pc) =	sbr.rel @p0 .LBB2_2-.Ltmp0, $3  }
0x302: {  	_ =	sdelay $0x1  }
0x303: {  	s17 =	rddreg [dreg:$0xd];
	v3 =	vpop (erf)  }
0x304: {  	[tilespmem:s17+$0x10480] =	vst v3  }
0x305: {  	s8 =	simm.s32 $0x0;
	s1 =	rddreg [dreg:$0xa];
	s2 =	simm.s32 $0x10480  }
0x306: {  	[hbm4b:s1+s8] =	stream.linear.scatter [tilespmem:s2], [sflag:$0x3], $0x200, $0x38;
	[tilespmem:$0x10680] =	vst v63  }
0x307: {  	s2 =	simm.s32 $0x3  }
0x308: {  	_ =	swait.ge [sflag:s2], $0x200  }
0x309: {  	s3 =	rddreg [dreg:$0xc]  }
0x30a: {  	s17 =	rddreg [dreg:$0xb];
	s3 =	sadd.s32 $0x1, s3  }
0x30b: {  	p0 =	sne.s32 s3, s17  }
.Ltmp1:
0x30c: {  	_ = 	snop;
	(pc) =	sbr.rel @p0 .LBB2_1-.Ltmp1, $3  }
0x30d: {  	_ =	sdelay $0x1  }
0x30e: {  	s5 =	simm.s32 $0x8400;
	[sflag:s2] =	ssyncset.done $0x0  }
0x30f: {  	s6 =	simm.s32 $0x9400;
	s7 =	simm.s32 $0xE400;
	[sflag:s2] =	ssyncadd.s32 $0xFFFFFE00  }
0x310: {  	_ =	sfence.sel $0x180000  }
0x311: {  	[bflag:$0x0] =	sbarrier.arrive $0xFFFF  }
0x312: {  	_ =	strace $0x90000047  }
0x313: {  	s0 =	stileid.u32;
	[bflag:$0x2] =	sbarrier.arrive $0xFFFF  }
0x314: {  	p0 =	sne.s32 s0, $0x0;
	s0 =	rddreg [dreg:$0x6]  }
0x315: {  	s0 =	sadd.s32 @!p0 $0x100000, s0  }
0x316: {  	[sflag:s0] =	ssyncadd.tile.s32 @!p0 $0x1;
	_ =	shalt  }
.Lfunc_end2:
_tile_overlayer_lowered:
.L_overlay_start_2:
0x317: {  	(tag) =	ssettag $0x2  }
0x318: {  	s0 =	rddreg [dreg:$0x0];
	s2 =	stileid.u32  }
0x319: {  	s1 =	rddreg [dreg:$0x1];
	p0 =	sne.s32 s2, $0x0  }
0x31a: {  	s3 =	rddreg [dreg:$0x2];
	[bflag:$0x3] =	sbarrier.arrive $0xFFFF;
	s2 =	simm.s32 @!p0 $0x1C03  }
0x31b: {  	[timem:s3], [sflag:s2] =	dma.local @!p0 [hbm:s0], s1  }
0x31c: {  	s0 =	simm.s32 @!p0 $0x3  }
0x31d: {  	_ =	swait.ge @!p0 [sflag:s0], s1  }
0x31e: {  	s1 =	ssub.s32 @!p0 $0x0, s1;
	[sflag:s0] =	ssyncset.done @!p0 $0x0  }
0x31f: {  	[sflag:s0] =	ssyncadd.s32 @!p0 s1  }
0x320: {  	[bflag:$0x3] =	sbarrier.arrive $0xFFFF  }
0x321: {  	_ =	shalt  }

</sc_bundles>
